<compile_context>
chip_gen: v7x
topology: tpu7x:2x2x1
jax: 0.10.2.dev20260603
libtpu: 0.0.44.dev20260713+nightly
codegen_flags: <defaults>
</compile_context>

<pallas_src>
import functools

import jax
import jax.numpy as jnp
from jax import lax
from jax.experimental import pallas as pl
from jax.experimental.pallas import tpu as pltpu
from jax.experimental.pallas import tpu_sc as plsc

N = 10000
E = 320000
D_FEAT = 128
HEADS1 = 8
HIDDEN = 8
NUM_CLASSES = 40

NC = 2
NS = 16
L = 16
NW = NC * NS
EPW = E // NW
B = 40
NB = EPW // B
CH = 624
TAIL = N - NS * CH
R = 128
RW1 = 80
RW2 = 48
F32 = jnp.float32
I32 = jnp.int32


def _leaky_exp(e):
    return jnp.exp(jnp.where(e >= 0, e, 0.2 * e))


def _bcast(x):
    return jnp.zeros((L,), I32) + x



def _sc_mesh():
    return plsc.VectorSubcoreMesh(core_axis_name="c", subcore_axis_name="s")


def _sc_edge_pass(srct, adst, src, dst, edge_compute, rw):

    @functools.partial(
        pl.kernel,
        mesh=_sc_mesh(),
        out_type=jax.ShapeDtypeStruct((NC, N, rw), F32),
        scratch_types=(
            [pltpu.VMEM((B,), I32)] * 9
            + [pltpu.VMEM((B, R), F32)] * 6
            + [pltpu.VMEM((B, rw), F32)] * 3
            + [pltpu.VMEM_SHARED((N, rw), F32)]
            + [pltpu.SemaphoreType.DMA] * 9
        ),
    )
    def k(srct_hbm, adst_hbm, src_hbm, dst_hbm, out_hbm,
          srcb0, srcb1, srcb2, dstb0, dstb1, dstb2, dsts0, dsts1, dsts2,
          S0, S1, S2, D0, D1, D2, M0, M1, M2, acc_s,
          si0, si1, si2, sg0, sg1, sg2, ss0, ss1, ss2):
        cid = lax.axis_index("c")
        sid = lax.axis_index("s")
        wid = cid * NS + sid
        srcb, dstb = [srcb0, srcb1, srcb2], [dstb0, dstb1, dstb2]
        dsts = [dsts0, dsts1, dsts2]
        S, D, M = [S0, S1, S2], [D0, D1, D2], [M0, M1, M2]
        si, sg, ss = [si0, si1, si2], [sg0, sg1, sg2], [ss0, ss1, ss2]

        zrow = jnp.zeros((L,), F32)

        def zfill(r, c):
            for kk in range(rw // L):
                M0[r, pl.ds(kk * L, L)] = zrow
                M1[r, pl.ds(kk * L, L)] = zrow
                M2[r, pl.ds(kk * L, L)] = zrow
            return c

        lax.fori_loop(0, B, zfill, 0)
        for kk in range(CH // B):
            pltpu.sync_copy(M0, acc_s.at[pl.ds(sid * CH + kk * B, B)])
        rem = CH - (CH // B) * B
        if rem:
            pltpu.sync_copy(M0.at[pl.ds(0, rem)],
                            acc_s.at[pl.ds(sid * CH + (CH // B) * B, rem)])

        @pl.when(sid == NS - 1)
        def _ztail():
            pltpu.sync_copy(M0.at[pl.ds(0, TAIL)], acc_s.at[pl.ds(NS * CH, TAIL)])

        plsc.subcore_barrier()

        def idx_issue(bb, p):
            off = pl.multiple_of(wid * EPW + bb * B, 8)
            pltpu.async_copy(src_hbm.at[pl.ds(off, B)], srcb[p], si[p])
            pltpu.async_copy(dst_hbm.at[pl.ds(off, B)], dstb[p], si[p])

        def idx_wait(p):
            pltpu.make_async_copy(src_hbm.at[pl.ds(0, B)], srcb[p], si[p]).wait()
            pltpu.make_async_copy(dst_hbm.at[pl.ds(0, B)], dstb[p], si[p]).wait()

        def gat_issue(p):
            pltpu.async_copy(srct_hbm.at[srcb[p]], S[p], sg[p])
            pltpu.async_copy(adst_hbm.at[dstb[p]], D[p], sg[p])

        def gat_wait(p):
            pltpu.make_async_copy(srct_hbm.at[srcb[p]], S[p], sg[p]).wait()
            pltpu.make_async_copy(adst_hbm.at[dstb[p]], D[p], sg[p]).wait()

        def sct_wait(p):
            pltpu.make_async_copy(M[p], acc_s.at[dsts[p]], ss[p]).wait()

        def step(b, p, last):
            gat_wait(p)

            @pl.when(b >= 3)
            def _drain():
                sct_wait(p)

            dsts[p][pl.ds(0, L)] = dstb[p][pl.ds(0, L)]
            dsts[p][pl.ds(L, L)] = dstb[p][pl.ds(L, L)]
            dsts[p][pl.ds(B - L, L)] = dstb[p][pl.ds(B - L, L)]

            @pl.when(b + 3 < NB)
            def _pref_idx():
                idx_issue(b + 3, p)

            edge_compute(S[p], D[p], M[p])
            pltpu.async_copy(M[p], acc_s.at[dsts[p]], ss[p], add=True)
            if not last:
                pn = (p + 2) % 3

                @pl.when(b + 2 < NB)
                def _pref_gat():
                    idx_wait(pn)
                    gat_issue(pn)

        idx_issue(0, 0)
        idx_issue(1, 1)
        idx_issue(2, 2)
        idx_wait(0)
        gat_issue(0)
        idx_wait(1)
        gat_issue(1)

        def super_batch(g, c):
            for s in range(3):
                step(g * 3 + s, s, False)
            return c

        NBW = (NB // 3) * 3
        lax.fori_loop(0, NB // 3, super_batch, 0)
        for bt in range(NBW, NB):
            step(bt, bt % 3, bt == NB - 1)
        for p in range(3):
            sct_wait(p)
        plsc.subcore_barrier()
        pltpu.sync_copy(acc_s.at[pl.ds(sid * CH, CH)],
                        out_hbm.at[cid, pl.ds(sid * CH, CH)])

        @pl.when(sid == NS - 1)
        def _otail():
            pltpu.sync_copy(acc_s.at[pl.ds(NS * CH, TAIL)],
                            out_hbm.at[cid, pl.ds(NS * CH, TAIL)])

    return k(srct, adst, src, dst)


def _edge_compute1(S, D, M):
    lane = lax.iota(I32, L)

    def edge(i, c):
        t16 = _leaky_exp(S[i, pl.ds(64, L)] + D[i, pl.ds(0, L)])
        M[i, pl.ds(64, L)] = t16
        for v in range(4):
            idxv = jnp.where(lane >= 8, 2 * v + 1, 2 * v).astype(I32)
            tb = t16.at[idxv].get(mode="promise_in_bounds")
            M[i, pl.ds(v * L, L)] = S[i, pl.ds(v * L, L)] * tb
        return c

    lax.fori_loop(0, B, edge, 0)


def _edge_compute2(S, D, M):
    lane = lax.iota(I32, L)

    def edge(i, c):
        sv2 = S[i, pl.ds(2 * L, L)]
        e16 = sv2[8] + D[i, pl.ds(0, L)]
        t16 = _leaky_exp(e16)
        tb = t16.at[_bcast(0)].get(mode="promise_in_bounds")
        M[i, pl.ds(0, L)] = S[i, pl.ds(0, L)] * tb
        M[i, pl.ds(L, L)] = S[i, pl.ds(L, L)] * tb
        M[i, pl.ds(2 * L, L)] = jnp.where(lane == 8, tb, sv2 * tb)
        return c

    lax.fori_loop(0, B, edge, 0)



GRID = 10
BLK = N // GRID


def _tc_pack(x, Wp, Wd):
    Din, Rp = Wp.shape
    Rd = Wd.shape[1]

    def kfn(x_ref, wp_ref, wd_ref, s_ref, d_ref):
        xv = x_ref[...]
        s_ref[...] = jnp.dot(xv, wp_ref[...], preferred_element_type=F32)
        d_ref[...] = jnp.dot(xv, wd_ref[...], preferred_element_type=F32)

    return pl.pallas_call(
        kfn,
        grid=(GRID,),
        in_specs=[pl.BlockSpec((BLK, Din), lambda i: (i, 0)),
                  pl.BlockSpec((Din, Rp), lambda i: (0, 0)),
                  pl.BlockSpec((Din, Rd), lambda i: (0, 0))],
        out_specs=[pl.BlockSpec((BLK, Rp), lambda i: (i, 0)),
                   pl.BlockSpec((BLK, Rd), lambda i: (i, 0))],
        out_shape=[jax.ShapeDtypeStruct((N, Rp), F32),
                   jax.ShapeDtypeStruct((N, Rd), F32)],
    )(x, Wp, Wd)


def _tc_combine_pack(acc2d, Pm, Pd, brow, Wp, Wd):
    RW, Rm = Pm.shape
    Rp, Rd = Wp.shape[1], Wd.shape[1]

    def kfn(a0_ref, a1_ref, pm_ref, pd_ref, b_ref, wp_ref, wd_ref, s_ref, d_ref):
        s = a0_ref[...] + a1_ref[...]
        msg = jnp.dot(s, pm_ref[...], preferred_element_type=F32)
        den = jnp.dot(s, pd_ref[...], preferred_element_type=F32)
        z = jnp.maximum(msg / (den + 1e-16) + b_ref[...], 0.0)
        s_ref[...] = jnp.dot(z, wp_ref[...], preferred_element_type=F32)
        d_ref[...] = jnp.dot(z, wd_ref[...], preferred_element_type=F32)

    return pl.pallas_call(
        kfn,
        grid=(GRID,),
        in_specs=[pl.BlockSpec((BLK, RW), lambda i: (i, 0)),
                  pl.BlockSpec((BLK, RW), lambda i: (i + GRID, 0)),
                  pl.BlockSpec((RW, Rm), lambda i: (0, 0)),
                  pl.BlockSpec((RW, Rm), lambda i: (0, 0)),
                  pl.BlockSpec((1, Rm), lambda i: (0, 0)),
                  pl.BlockSpec((Rm, Rp), lambda i: (0, 0)),
                  pl.BlockSpec((Rm, Rd), lambda i: (0, 0))],
        out_specs=[pl.BlockSpec((BLK, Rp), lambda i: (i, 0)),
                   pl.BlockSpec((BLK, Rd), lambda i: (i, 0))],
        out_shape=[jax.ShapeDtypeStruct((N, Rp), F32),
                   jax.ShapeDtypeStruct((N, Rd), F32)],
    )(acc2d, acc2d, Pm, Pd, brow, Wp, Wd)


def _tc_final(acc2d, Pm, Pd, brow):
    RW, Rm = Pm.shape

    def kfn(a0_ref, a1_ref, pm_ref, pd_ref, b_ref, o_ref):
        s = a0_ref[...] + a1_ref[...]
        msg = jnp.dot(s, pm_ref[...], preferred_element_type=F32)
        den = jnp.dot(s, pd_ref[...], preferred_element_type=F32)
        o_ref[...] = msg / (den + 1e-16) + b_ref[...]

    return pl.pallas_call(
        kfn,
        grid=(GRID,),
        in_specs=[pl.BlockSpec((BLK, RW), lambda i: (i, 0)),
                  pl.BlockSpec((BLK, RW), lambda i: (i + GRID, 0)),
                  pl.BlockSpec((RW, Rm), lambda i: (0, 0)),
                  pl.BlockSpec((RW, Rm), lambda i: (0, 0)),
                  pl.BlockSpec((1, Rm), lambda i: (0, 0))],
        out_specs=pl.BlockSpec((BLK, Rm), lambda i: (i, 0)),
        out_shape=jax.ShapeDtypeStruct((N, Rm), F32),
    )(acc2d, acc2d, Pm, Pd, brow)



def _pack_weights(W1, att_src1, att_dst1, W2, att_src2, att_dst2):
    H, C = HEADS1, HIDDEN
    eye_h = jnp.eye(H, dtype=F32)
    A_src = (eye_h[:, None, :] * att_src1[:, :, None]).reshape(H * C, H)
    A_dst = (eye_h[:, None, :] * att_dst1[:, :, None]).reshape(H * C, H)
    Wp1 = jnp.concatenate([W1, W1 @ A_src, jnp.zeros((D_FEAT, R - 72), F32)],
                          axis=1)
    Wd1 = jnp.concatenate([W1 @ A_dst, jnp.zeros((D_FEAT, R - 8), F32)],
                          axis=1)

    Pm1 = jnp.concatenate([jnp.eye(64, dtype=F32),
                           jnp.zeros((RW1 - 64, 64), F32)], axis=0)
    Eh = jnp.repeat(eye_h, C, axis=1)
    Pd1 = jnp.concatenate([jnp.zeros((64, 64), F32), Eh,
                           jnp.zeros((RW1 - 72, 64), F32)], axis=0)

    Wp2 = jnp.concatenate([W2, W2 @ att_src2.T,
                           jnp.zeros((64, R - 41), F32)], axis=1)
    Wd2 = jnp.concatenate([jnp.tile(W2 @ att_dst2.T, (1, 8)),
                           jnp.zeros((64, R - 8), F32)], axis=1)

    Pm2 = jnp.concatenate([jnp.eye(NUM_CLASSES, dtype=F32),
                           jnp.zeros((RW2 - NUM_CLASSES, NUM_CLASSES), F32)], axis=0)
    Pd2 = jnp.concatenate([jnp.zeros((NUM_CLASSES, NUM_CLASSES), F32),
                           jnp.ones((1, NUM_CLASSES), F32),
                           jnp.zeros((RW2 - NUM_CLASSES - 1, NUM_CLASSES), F32)],
                          axis=0)
    return Wp1, Wd1, Pm1, Pd1, Wp2, Wd2, Pm2, Pd2


def kernel(x, edge_index, W1, att_src1, att_dst1, b1, W2, att_src2, att_dst2, b2):
    Wp1, Wd1, Pm1, Pd1, Wp2, Wd2, Pm2, Pd2 = _pack_weights(
        W1, att_src1, att_dst1, W2, att_src2, att_dst2)
    src = edge_index[0]
    dst = edge_index[1]

    srct1, adst1 = _tc_pack(x, Wp1, Wd1)
    acc1 = _sc_edge_pass(srct1, adst1, src, dst, _edge_compute1, RW1)
    srct2, adst2 = _tc_combine_pack(acc1.reshape(2 * N, RW1), Pm1, Pd1,
                                    b1.reshape(1, 64), Wp2, Wd2)
    acc2 = _sc_edge_pass(srct2, adst2, src, dst, _edge_compute2, RW2)
    out = _tc_final(acc2.reshape(2 * N, RW2), Pm2, Pd2, b2.reshape(1, NUM_CLASSES))
    return out

# --- scband reference (transcript-rebuilt; emitter-appended) ---
"""Pipeline reference for scband-gat-60936995995661 (READ-ONLY COPY).

The authoritative reference and input builder live on the scoring server;
editing this copy changes nothing except your own understanding.
"""

import jax, jax.numpy as jnp
import numpy as np

N_NODES = 10000
N_EDGES = 320000
D_FEAT = 128
HIDDEN = 8
HEADS1 = 8
NUM_CLASSES = 40


def _gat_conv(x, edge_index, W, att_src, att_dst, bias, heads, out_ch, concat):
    src = edge_index[0]
    dst = edge_index[1]
    N = x.shape[0]
    h = (x @ W).reshape(N, heads, out_ch)
    a_src = (h * att_src[None, :, :]).sum(-1)  # [N, H]
    a_dst = (h * att_dst[None, :, :]).sum(-1)  # [N, H]
    e = a_src[src] + a_dst[dst]                # [E, H]
    e = jax.nn.leaky_relu(e, negative_slope=0.2)
    e_max = jax.ops.segment_max(e, dst, num_segments=N)
    e_max = jnp.where(jnp.isfinite(e_max), e_max, 0.0)
    e_exp = jnp.exp(e - e_max[dst])
    denom = jax.ops.segment_sum(e_exp, dst, num_segments=N)
    alpha = e_exp / (denom[dst] + 1e-16)       # [E, H]
    msg = h[src] * alpha[:, :, None]           # [E, H, C]
    out = jax.ops.segment_sum(msg, dst, num_segments=N)  # [N, H, C]
    if concat:
        out = out.reshape(N, heads * out_ch)
    else:
        out = out.mean(axis=1)
    return out + bias


def setup_inputs(seed: int = 0) -> dict:
    key = jax.random.key(seed)
    k = jax.random.split(key, 10)
    x = jax.random.normal(k[0], (N_NODES, D_FEAT), dtype=jnp.float32)
    edge_index = jax.random.randint(k[1], (2, N_EDGES), 0, N_NODES, dtype=jnp.int32)
    s1 = 1.0 / np.sqrt(D_FEAT)
    s2 = 1.0 / np.sqrt(HIDDEN * HEADS1)
    W1 = jax.random.normal(k[2], (D_FEAT, HEADS1 * HIDDEN), dtype=jnp.float32) * s1
    att_src1 = jax.random.normal(k[3], (HEADS1, HIDDEN), dtype=jnp.float32) * s1
    att_dst1 = jax.random.normal(k[4], (HEADS1, HIDDEN), dtype=jnp.float32) * s1
    b1 = jnp.zeros((HEADS1 * HIDDEN,), dtype=jnp.float32)
    W2 = jax.random.normal(k[5], (HEADS1 * HIDDEN, NUM_CLASSES), dtype=jnp.float32) * s2
    att_src2 = jax.random.normal(k[6], (1, NUM_CLASSES), dtype=jnp.float32) * s2
    att_dst2 = jax.random.normal(k[7], (1, NUM_CLASSES), dtype=jnp.float32) * s2
    b2 = jnp.zeros((NUM_CLASSES,), dtype=jnp.float32)
    return {
        "x": x, "edge_index": edge_index,
        "W1": W1, "att_src1": att_src1, "att_dst1": att_dst1, "b1": b1,
        "W2": W2, "att_src2": att_src2, "att_dst2": att_dst2, "b2": b2,
    }


def reference(x, edge_index, W1, att_src1, att_dst1, b1, W2, att_src2, att_dst2, b2):
    # eval mode: dropout layers are identity
    h = _gat_conv(x, edge_index, W1, att_src1, att_dst1, b1, HEADS1, HIDDEN, True)
    h = jax.nn.relu(h)
    out = _gat_conv(h, edge_index, W2, att_src2, att_dst2, b2, 1, NUM_CLASSES, False)
    return out

if __name__ == "__main__":
    import jax
    _d = setup_inputs()
    print(jax.jit(kernel)(*tuple(_d.values())))

</pallas_src>

<mosaic_0001>
#map = affine_map<(d0, d1) -> (0, 0)>
#map1 = affine_map<(d0, d1) -> (0)>
#map2 = affine_map<(d0, d1) -> (0, 0, 0)>
module attributes {stable_mosaic.version = 14 : i64} {
  func.func @k(%arg0: i32, %arg1: i32, %arg2: memref<10000x128xf32, #tpu.memory_space<hbm>>, %arg3: memref<10000x128xf32, #tpu.memory_space<hbm>>, %arg4: memref<320000xi32, #tpu.memory_space<hbm>>, %arg5: memref<320000xi32, #tpu.memory_space<hbm>>, %arg6: memref<2x10000x80xf32, #tpu.memory_space<hbm>>, %arg7: memref<40xi32, #tpu.memory_space<vmem>>, %arg8: memref<40xi32, #tpu.memory_space<vmem>>, %arg9: memref<40xi32, #tpu.memory_space<vmem>>, %arg10: memref<40xi32, #tpu.memory_space<vmem>>, %arg11: memref<40xi32, #tpu.memory_space<vmem>>, %arg12: memref<40xi32, #tpu.memory_space<vmem>>, %arg13: memref<40xi32, #tpu.memory_space<vmem>>, %arg14: memref<40xi32, #tpu.memory_space<vmem>>, %arg15: memref<40xi32, #tpu.memory_space<vmem>>, %arg16: memref<40x128xf32, #tpu.memory_space<vmem>>, %arg17: memref<40x128xf32, #tpu.memory_space<vmem>>, %arg18: memref<40x128xf32, #tpu.memory_space<vmem>>, %arg19: memref<40x128xf32, #tpu.memory_space<vmem>>, %arg20: memref<40x128xf32, #tpu.memory_space<vmem>>, %arg21: memref<40x128xf32, #tpu.memory_space<vmem>>, %arg22: memref<40x80xf32, #tpu.memory_space<vmem>>, %arg23: memref<40x80xf32, #tpu.memory_space<vmem>>, %arg24: memref<40x80xf32, #tpu.memory_space<vmem>>, %arg25: memref<10000x80xf32, #tpu.memory_space<vmem_shared>>, %arg26: memref<!tpu.dma_semaphore, #tpu.memory_space<semaphore_mem>>, %arg27: memref<!tpu.dma_semaphore, #tpu.memory_space<semaphore_mem>>, %arg28: memref<!tpu.dma_semaphore, #tpu.memory_space<semaphore_mem>>, %arg29: memref<!tpu.dma_semaphore, #tpu.memory_space<semaphore_mem>>, %arg30: memref<!tpu.dma_semaphore, #tpu.memory_space<semaphore_mem>>, %arg31: memref<!tpu.dma_semaphore, #tpu.memory_space<semaphore_mem>>, %arg32: memref<!tpu.dma_semaphore, #tpu.memory_space<semaphore_mem>>, %arg33: memref<!tpu.dma_semaphore, #tpu.memory_space<semaphore_mem>>, %arg34: memref<!tpu.dma_semaphore, #tpu.memory_space<semaphore_mem>>) attributes {dimension_semantics = [#tpu.dimension_semantics<core_parallel>, #tpu.dimension_semantics<subcore_parallel>], iteration_bounds = array<i64: 2, 16>, scalar_prefetch = 0 : i64, scratch_operands = 28 : i64, tpu.core_type = #tpu.core_type<sc_vector_subcore>, window_params = [{transform_indices = #map}, {transform_indices = #map}, {transform_indices = #map1}, {transform_indices = #map1}, {transform_indices = #map2}]} {
    %mul3A = arith.constant 16 : i32
    %mul3A_0 = arith.muli %arg0, %mul3A : i32
    %add3A = arith.addi %mul3A_0, %arg1 : i32
    %broadcast_in_dim3A = arith.constant 0.000000e+00 : f32
    %broadcast_in_dim3A_1 = vector.broadcast %broadcast_in_dim3A : f32 to vector<16xf32>
    %scan3A = arith.constant 0 : i32
    %scan3A_2 = arith.constant 0 : i32
    %scan3A_3 = arith.constant 40 : i32
    %scan3A_4 = arith.addi %scan3A_2, %scan3A_3 : i32
    %scan3A_5 = arith.constant 1 : i32
    scf.for %scan3A_187 = %scan3A_2 to %scan3A_4 step %scan3A_5  : i32 {
      %swap3A_188 = arith.index_cast %scan3A_187 : i32 to index
      %swap3A_189 = arith.constant 0 : index
      %swap3A_190 = tpu.vector_load %arg22[%swap3A_188, %swap3A_189] {strides = array<i32>} : memref<40x80xf32, #tpu.memory_space<vmem>>, vector<1x16xf32>,
      %swap3A_191 = vector.shape_cast %swap3A_190 : vector<1x16xf32> to vector<16xf32>
      %swap3A_192 = vector.shape_cast %broadcast_in_dim3A_1 : vector<16xf32> to vector<1x16xf32>
      tpu.vector_store %arg22[%swap3A_188, %swap3A_189], %swap3A_192 {strides = array<i32>} : memref<40x80xf32, #tpu.memory_space<vmem>>, vector<1x16xf32>,
      %swap3A_193 = arith.index_cast %scan3A_187 : i32 to index
      %swap3A_194 = arith.constant 0 : index
      %swap3A_195 = tpu.vector_load %arg23[%swap3A_193, %swap3A_194] {strides = array<i32>} : memref<40x80xf32, #tpu.memory_space<vmem>>, vector<1x16xf32>,
      %swap3A_196 = vector.shape_cast %swap3A_195 : vector<1x16xf32> to vector<16xf32>
      %swap3A_197 = vector.shape_cast %broadcast_in_dim3A_1 : vector<16xf32> to vector<1x16xf32>
      tpu.vector_store %arg23[%swap3A_193, %swap3A_194], %swap3A_197 {strides = array<i32>} : memref<40x80xf32, #tpu.memory_space<vmem>>, vector<1x16xf32>,
      %swap3A_198 = arith.index_cast %scan3A_187 : i32 to index
      %swap3A_199 = arith.constant 0 : index
      %swap3A_200 = tpu.vector_load %arg24[%swap3A_198, %swap3A_199] {strides = array<i32>} : memref<40x80xf32, #tpu.memory_space<vmem>>, vector<1x16xf32>,
      %swap3A_201 = vector.shape_cast %swap3A_200 : vector<1x16xf32> to vector<16xf32>
      %swap3A_202 = vector.shape_cast %broadcast_in_dim3A_1 : vector<16xf32> to vector<1x16xf32>
      tpu.vector_store %arg24[%swap3A_198, %swap3A_199], %swap3A_202 {strides = array<i32>} : memref<40x80xf32, #tpu.memory_space<vmem>>, vector<1x16xf32>,
      %swap3A_203 = arith.index_cast %scan3A_187 : i32 to index
      %swap3A_204 = arith.constant 16 : index
      %swap3A_205 = tpu.vector_load %arg22[%swap3A_203, %swap3A_204] {strides = array<i32>} : memref<40x80xf32, #tpu.memory_space<vmem>>, vector<1x16xf32>,
      %swap3A_206 = vector.shape_cast %swap3A_205 : vector<1x16xf32> to vector<16xf32>
      %swap3A_207 = vector.shape_cast %broadcast_in_dim3A_1 : vector<16xf32> to vector<1x16xf32>
      tpu.vector_store %arg22[%swap3A_203, %swap3A_204], %swap3A_207 {strides = array<i32>} : memref<40x80xf32, #tpu.memory_space<vmem>>, vector<1x16xf32>,
      %swap3A_208 = arith.index_cast %scan3A_187 : i32 to index
      %swap3A_209 = arith.constant 16 : index
      %swap3A_210 = tpu.vector_load %arg23[%swap3A_208, %swap3A_209] {strides = array<i32>} : memref<40x80xf32, #tpu.memory_space<vmem>>, vector<1x16xf32>,
      %swap3A_211 = vector.shape_cast %swap3A_210 : vector<1x16xf32> to vector<16xf32>
      %swap3A_212 = vector.shape_cast %broadcast_in_dim3A_1 : vector<16xf32> to vector<1x16xf32>
      tpu.vector_store %arg23[%swap3A_208, %swap3A_209], %swap3A_212 {strides = array<i32>} : memref<40x80xf32, #tpu.memory_space<vmem>>, vector<1x16xf32>,
      %swap3A_213 = arith.index_cast %scan3A_187 : i32 to index
      %swap3A_214 = arith.constant 16 : index
      %swap3A_215 = tpu.vector_load %arg24[%swap3A_213, %swap3A_214] {strides = array<i32>} : memref<40x80xf32, #tpu.memory_space<vmem>>, vector<1x16xf32>,
      %swap3A_216 = vector.shape_cast %swap3A_215 : vector<1x16xf32> to vector<16xf32>
      %swap3A_217 = vector.shape_cast %broadcast_in_dim3A_1 : vector<16xf32> to vector<1x16xf32>
      tpu.vector_store %arg24[%swap3A_213, %swap3A_214], %swap3A_217 {strides = array<i32>} : memref<40x80xf32, #tpu.memory_space<vmem>>, vector<1x16xf32>,
      %swap3A_218 = arith.index_cast %scan3A_187 : i32 to index
      %swap3A_219 = arith.constant 32 : index
      %swap3A_220 = tpu.vector_load %arg22[%swap3A_218, %swap3A_219] {strides = array<i32>} : memref<40x80xf32, #tpu.memory_space<vmem>>, vector<1x16xf32>,
      %swap3A_221 = vector.shape_cast %swap3A_220 : vector<1x16xf32> to vector<16xf32>
      %swap3A_222 = vector.shape_cast %broadcast_in_dim3A_1 : vector<16xf32> to vector<1x16xf32>
      tpu.vector_store %arg22[%swap3A_218, %swap3A_219], %swap3A_222 {strides = array<i32>} : memref<40x80xf32, #tpu.memory_space<vmem>>, vector<1x16xf32>,
      %swap3A_223 = arith.index_cast %scan3A_187 : i32 to index
      %swap3A_224 = arith.constant 32 : index
      %swap3A_225 = tpu.vector_load %arg23[%swap3A_223, %swap3A_224] {strides = array<i32>} : memref<40x80xf32, #tpu.memory_space<vmem>>, vector<1x16xf32>,
      %swap3A_226 = vector.shape_cast %swap3A_225 : vector<1x16xf32> to vector<16xf32>
      %swap3A_227 = vector.shape_cast %broadcast_in_dim3A_1 : vector<16xf32> to vector<1x16xf32>
      tpu.vector_store %arg23[%swap3A_223, %swap3A_224], %swap3A_227 {strides = array<i32>} : memref<40x80xf32, #tpu.memory_space<vmem>>, vector<1x16xf32>,
      %swap3A_228 = arith.index_cast %scan3A_187 : i32 to index
      %swap3A_229 = arith.constant 32 : index
      %swap3A_230 = tpu.vector_load %arg24[%swap3A_228, %swap3A_229] {strides = array<i32>} : memref<40x80xf32, #tpu.memory_space<vmem>>, vector<1x16xf32>,
      %swap3A_231 = vector.shape_cast %swap3A_230 : vector<1x16xf32> to vector<16xf32>
      %swap3A_232 = vector.shape_cast %broadcast_in_dim3A_1 : vector<16xf32> to vector<1x16xf32>
      tpu.vector_store %arg24[%swap3A_228, %swap3A_229], %swap3A_232 {strides = array<i32>} : memref<40x80xf32, #tpu.memory_space<vmem>>, vector<1x16xf32>,
      %swap3A_233 = arith.index_cast %scan3A_187 : i32 to index
      %swap3A_234 = arith.constant 48 : index
      %swap3A_235 = tpu.vector_load %arg22[%swap3A_233, %swap3A_234] {strides = array<i32>} : memref<40x80xf32, #tpu.memory_space<vmem>>, vector<1x16xf32>,
      %swap3A_236 = vector.shape_cast %swap3A_235 : vector<1x16xf32> to vector<16xf32>
      %swap3A_237 = vector.shape_cast %broadcast_in_dim3A_1 : vector<16xf32> to vector<1x16xf32>
      tpu.vector_store %arg22[%swap3A_233, %swap3A_234], %swap3A_237 {strides = array<i32>} : memref<40x80xf32, #tpu.memory_space<vmem>>, vector<1x16xf32>,
      %swap3A_238 = arith.index_cast %scan3A_187 : i32 to index
      %swap3A_239 = arith.constant 48 : index
      %swap3A_240 = tpu.vector_load %arg23[%swap3A_238, %swap3A_239] {strides = array<i32>} : memref<40x80xf32, #tpu.memory_space<vmem>>, vector<1x16xf32>,
      %swap3A_241 = vector.shape_cast %swap3A_240 : vector<1x16xf32> to vector<16xf32>
      %swap3A_242 = vector.shape_cast %broadcast_in_dim3A_1 : vector<16xf32> to vector<1x16xf32>
      tpu.vector_store %arg23[%swap3A_238, %swap3A_239], %swap3A_242 {strides = array<i32>} : memref<40x80xf32, #tpu.memory_space<vmem>>, vector<1x16xf32>,
      %swap3A_243 = arith.index_cast %scan3A_187 : i32 to index
      %swap3A_244 = arith.constant 48 : index
      %swap3A_245 = tpu.vector_load %arg24[%swap3A_243, %swap3A_244] {strides = array<i32>} : memref<40x80xf32, #tpu.memory_space<vmem>>, vector<1x16xf32>,
      %swap3A_246 = vector.shape_cast %swap3A_245 : vector<1x16xf32> to vector<16xf32>
      %swap3A_247 = vector.shape_cast %broadcast_in_dim3A_1 : vector<16xf32> to vector<1x16xf32>
      tpu.vector_store %arg24[%swap3A_243, %swap3A_244], %swap3A_247 {strides = array<i32>} : memref<40x80xf32, #tpu.memory_space<vmem>>, vector<1x16xf32>,
      %swap3A_248 = arith.index_cast %scan3A_187 : i32 to index
      %swap3A_249 = arith.constant 64 : index
      %swap3A_250 = tpu.vector_load %arg22[%swap3A_248, %swap3A_249] {strides = array<i32>} : memref<40x80xf32, #tpu.memory_space<vmem>>, vector<1x16xf32>,
      %swap3A_251 = vector.shape_cast %swap3A_250 : vector<1x16xf32> to vector<16xf32>
      %swap3A_252 = vector.shape_cast %broadcast_in_dim3A_1 : vector<16xf32> to vector<1x16xf32>
      tpu.vector_store %arg22[%swap3A_248, %swap3A_249], %swap3A_252 {strides = array<i32>} : memref<40x80xf32, #tpu.memory_space<vmem>>, vector<1x16xf32>,
      %swap3A_253 = arith.index_cast %scan3A_187 : i32 to index
      %swap3A_254 = arith.constant 64 : index
      %swap3A_255 = tpu.vector_load %arg23[%swap3A_253, %swap3A_254] {strides = array<i32>} : memref<40x80xf32, #tpu.memory_space<vmem>>, vector<1x16xf32>,
      %swap3A_256 = vector.shape_cast %swap3A_255 : vector<1x16xf32> to vector<16xf32>
      %swap3A_257 = vector.shape_cast %broadcast_in_dim3A_1 : vector<16xf32> to vector<1x16xf32>
      tpu.vector_store %arg23[%swap3A_253, %swap3A_254], %swap3A_257 {strides = array<i32>} : memref<40x80xf32, #tpu.memory_space<vmem>>, vector<1x16xf32>,
      %swap3A_258 = arith.index_cast %scan3A_187 : i32 to index
      %swap3A_259 = arith.constant 64 : index
      %swap3A_260 = tpu.vector_load %arg24[%swap3A_258, %swap3A_259] {strides = array<i32>} : memref<40x80xf32, #tpu.memory_space<vmem>>, vector<1x16xf32>,
      %swap3A_261 = vector.shape_cast %swap3A_260 : vector<1x16xf32> to vector<16xf32>
      %swap3A_262 = vector.shape_cast %broadcast_in_dim3A_1 : vector<16xf32> to vector<1x16xf32>
      tpu.vector_store %arg24[%swap3A_258, %swap3A_259], %swap3A_262 {strides = array<i32>} : memref<40x80xf32, #tpu.memory_space<vmem>>, vector<1x16xf32>,
    }
    %scan3A_6 = arith.constant 40 : i32
    %mul3A_7 = arith.constant 624 : i32
    %mul3A_8 = arith.muli %arg1, %mul3A_7 : i32
    %add3A_9 = arith.constant 0 : i32
    %add3A_10 = arith.addi %mul3A_8, %add3A_9 : i32
    "tpu.region"() ({
      %run_scoped3A = tpu.sem_alloc : memref<!tpu.dma_semaphore, #tpu.memory_space<semaphore_mem>>
      %dma_start3A_187 = arith.constant 0 : i32
      %dma_start3A_188 = tpu.memref_slice %arg25[%add3A_10, %dma_start3A_187] : memref<10000x80xf32, #tpu.memory_space<vmem_shared>> -> memref<40x80xf32, #tpu.memory_space<vmem_shared>>
      %dma_start3A_189 = arith.constant 0 : i32
      %dma_start3A_190 = tpu.memref_slice %arg25[%add3A_10, %dma_start3A_189] : memref<10000x80xf32, #tpu.memory_space<vmem_shared>> -> memref<40x80xf32, #tpu.memory_space<vmem_shared>>
      tpu.enqueue_dma source(%arg22 : memref<40x80xf32, #tpu.memory_space<vmem>>) target(%dma_start3A_190 : memref<40x80xf32, #tpu.memory_space<vmem_shared>>) target_semaphore(%run_scoped3A : memref<!tpu.dma_semaphore, #tpu.memory_space<semaphore_mem>>)
      %dma_wait3A_191 = arith.constant 0 : i32
      %dma_wait3A_192 = tpu.memref_slice %arg25[%add3A_10, %dma_wait3A_191] : memref<10000x80xf32, #tpu.memory_space<vmem_shared>> -> memref<40x80xf32, #tpu.memory_space<vmem_shared>>
      %dma_wait3A_193 = arith.constant 0 : i32
      %dma_wait3A_194 = tpu.memref_slice %arg25[%add3A_10, %dma_wait3A_193] : memref<10000x80xf32, #tpu.memory_space<vmem_shared>> -> memref<40x80xf32, #tpu.memory_space<vmem_shared>>
      tpu.wait_dma2 semaphore(%run_scoped3A : memref<!tpu.dma_semaphore, #tpu.memory_space<semaphore_mem>>) src(%arg22 : memref<40x80xf32, #tpu.memory_space<vmem>>) dst(%dma_wait3A_194 : memref<40x80xf32, #tpu.memory_space<vmem_shared>>)
      tpu.yield
    }) : () -> ()
    %mul3A_11 = arith.constant 624 : i32
    %mul3A_12 = arith.muli %arg1, %mul3A_11 : i32
    %add3A_13 = arith.constant 40 : i32
    %add3A_14 = arith.addi %mul3A_12, %add3A_13 : i32
    "tpu.region"() ({
      %run_scoped3A = tpu.sem_alloc : memref<!tpu.dma_semaphore, #tpu.memory_space<semaphore_mem>>
      %dma_start3A_187 = arith.constant 0 : i32
      %dma_start3A_188 = tpu.memref_slice %arg25[%add3A_14, %dma_start3A_187] : memref<10000x80xf32, #tpu.memory_space<vmem_shared>> -> memref<40x80xf32, #tpu.memory_space<vmem_shared>>
      %dma_start3A_189 = arith.constant 0 : i32
      %dma_start3A_190 = tpu.memref_slice %arg25[%add3A_14, %dma_start3A_189] : memref<10000x80xf32, #tpu.memory_space<vmem_shared>> -> memref<40x80xf32, #tpu.memory_space<vmem_shared>>
      tpu.enqueue_dma source(%arg22 : memref<40x80xf32, #tpu.memory_space<vmem>>) target(%dma_start3A_190 : memref<40x80xf32, #tpu.memory_space<vmem_shared>>) target_semaphore(%run_scoped3A : memref<!tpu.dma_semaphore, #tpu.memory_space<semaphore_mem>>)
      %dma_wait3A_191 = arith.constant 0 : i32
      %dma_wait3A_192 = tpu.memref_slice %arg25[%add3A_14, %dma_wait3A_191] : memref<10000x80xf32, #tpu.memory_space<vmem_shared>> -> memref<40x80xf32, #tpu.memory_space<vmem_shared>>
      %dma_wait3A_193 = arith.constant 0 : i32
      %dma_wait3A_194 = tpu.memref_slice %arg25[%add3A_14, %dma_wait3A_193] : memref<10000x80xf32, #tpu.memory_space<vmem_shared>> -> memref<40x80xf32, #tpu.memory_space<vmem_shared>>
      tpu.wait_dma2 semaphore(%run_scoped3A : memref<!tpu.dma_semaphore, #tpu.memory_space<semaphore_mem>>) src(%arg22 : memref<40x80xf32, #tpu.memory_space<vmem>>) dst(%dma_wait3A_194 : memref<40x80xf32, #tpu.memory_space<vmem_shared>>)
      tpu.yield
    }) : () -> ()
    %mul3A_15 = arith.constant 624 : i32
    %mul3A_16 = arith.muli %arg1, %mul3A_15 : i32
    %add3A_17 = arith.constant 80 : i32
    %add3A_18 = arith.addi %mul3A_16, %add3A_17 : i32
    "tpu.region"() ({
      %run_scoped3A = tpu.sem_alloc : memref<!tpu.dma_semaphore, #tpu.memory_space<semaphore_mem>>
      %dma_start3A_187 = arith.constant 0 : i32
      %dma_start3A_188 = tpu.memref_slice %arg25[%add3A_18, %dma_start3A_187] : memref<10000x80xf32, #tpu.memory_space<vmem_shared>> -> memref<40x80xf32, #tpu.memory_space<vmem_shared>>
      %dma_start3A_189 = arith.constant 0 : i32
      %dma_start3A_190 = tpu.memref_slice %arg25[%add3A_18, %dma_start3A_189] : memref<10000x80xf32, #tpu.memory_space<vmem_shared>> -> memref<40x80xf32, #tpu.memory_space<vmem_shared>>
      tpu.enqueue_dma source(%arg22 : memref<40x80xf32, #tpu.memory_space<vmem>>) target(%dma_start3A_190 : memref<40x80xf32, #tpu.memory_space<vmem_shared>>) target_semaphore(%run_scoped3A : memref<!tpu.dma_semaphore, #tpu.memory_space<semaphore_mem>>)
      %dma_wait3A_191 = arith.constant 0 : i32
      %dma_wait3A_192 = tpu.memref_slice %arg25[%add3A_18, %dma_wait3A_191] : memref<10000x80xf32, #tpu.memory_space<vmem_shared>> -> memref<40x80xf32, #tpu.memory_space<vmem_shared>>
      %dma_wait3A_193 = arith.constant 0 : i32
      %dma_wait3A_194 = tpu.memref_slice %arg25[%add3A_18, %dma_wait3A_193] : memref<10000x80xf32, #tpu.memory_space<vmem_shared>> -> memref<40x80xf32, #tpu.memory_space<vmem_shared>>
      tpu.wait_dma2 semaphore(%run_scoped3A : memref<!tpu.dma_semaphore, #tpu.memory_space<semaphore_mem>>) src(%arg22 : memref<40x80xf32, #tpu.memory_space<vmem>>) dst(%dma_wait3A_194 : memref<40x80xf32, #tpu.memory_space<vmem_shared>>)
      tpu.yield
    }) : () -> ()
    %mul3A_19 = arith.constant 624 : i32
    %mul3A_20 = arith.muli %arg1, %mul3A_19 : i32
    %add3A_21 = arith.constant 120 : i32
    %add3A_22 = arith.addi %mul3A_20, %add3A_21 : i32
    "tpu.region"() ({
      %run_scoped3A = tpu.sem_alloc : memref<!tpu.dma_semaphore, #tpu.memory_space<semaphore_mem>>
      %dma_start3A_187 = arith.constant 0 : i32
      %dma_start3A_188 = tpu.memref_slice %arg25[%add3A_22, %dma_start3A_187] : memref<10000x80xf32, #tpu.memory_space<vmem_shared>> -> memref<40x80xf32, #tpu.memory_space<vmem_shared>>
      %dma_start3A_189 = arith.constant 0 : i32
      %dma_start3A_190 = tpu.memref_slice %arg25[%add3A_22, %dma_start3A_189] : memref<10000x80xf32, #tpu.memory_space<vmem_shared>> -> memref<40x80xf32, #tpu.memory_space<vmem_shared>>
      tpu.enqueue_dma source(%arg22 : memref<40x80xf32, #tpu.memory_space<vmem>>) target(%dma_start3A_190 : memref<40x80xf32, #tpu.memory_space<vmem_shared>>) target_semaphore(%run_scoped3A : memref<!tpu.dma_semaphore, #tpu.memory_space<semaphore_mem>>)
      %dma_wait3A_191 = arith.constant 0 : i32
      %dma_wait3A_192 = tpu.memref_slice %arg25[%add3A_22, %dma_wait3A_191] : memref<10000x80xf32, #tpu.memory_space<vmem_shared>> -> memref<40x80xf32, #tpu.memory_space<vmem_shared>>
      %dma_wait3A_193 = arith.constant 0 : i32
      %dma_wait3A_194 = tpu.memref_slice %arg25[%add3A_22, %dma_wait3A_193] : memref<10000x80xf32, #tpu.memory_space<vmem_shared>> -> memref<40x80xf32, #tpu.memory_space<vmem_shared>>
      tpu.wait_dma2 semaphore(%run_scoped3A : memref<!tpu.dma_semaphore, #tpu.memory_space<semaphore_mem>>) src(%arg22 : memref<40x80xf32, #tpu.memory_space<vmem>>) dst(%dma_wait3A_194 : memref<40x80xf32, #tpu.memory_space<vmem_shared>>)
      tpu.yield
    }) : () -> ()
    %mul3A_23 = arith.constant 624 : i32
    %mul3A_24 = arith.muli %arg1, %mul3A_23 : i32
    %add3A_25 = arith.constant 160 : i32
    %add3A_26 = arith.addi %mul3A_24, %add3A_25 : i32
    "tpu.region"() ({
      %run_scoped3A = tpu.sem_alloc : memref<!tpu.dma_semaphore, #tpu.memory_space<semaphore_mem>>
      %dma_start3A_187 = arith.constant 0 : i32
      %dma_start3A_188 = tpu.memref_slice %arg25[%add3A_26, %dma_start3A_187] : memref<10000x80xf32, #tpu.memory_space<vmem_shared>> -> memref<40x80xf32, #tpu.memory_space<vmem_shared>>
      %dma_start3A_189 = arith.constant 0 : i32
      %dma_start3A_190 = tpu.memref_slice %arg25[%add3A_26, %dma_start3A_189] : memref<10000x80xf32, #tpu.memory_space<vmem_shared>> -> memref<40x80xf32, #tpu.memory_space<vmem_shared>>
      tpu.enqueue_dma source(%arg22 : memref<40x80xf32, #tpu.memory_space<vmem>>) target(%dma_start3A_190 : memref<40x80xf32, #tpu.memory_space<vmem_shared>>) target_semaphore(%run_scoped3A : memref<!tpu.dma_semaphore, #tpu.memory_space<semaphore_mem>>)
      %dma_wait3A_191 = arith.constant 0 : i32
      %dma_wait3A_192 = tpu.memref_slice %arg25[%add3A_26, %dma_wait3A_191] : memref<10000x80xf32, #tpu.memory_space<vmem_shared>> -> memref<40x80xf32, #tpu.memory_space<vmem_shared>>
      %dma_wait3A_193 = arith.constant 0 : i32
      %dma_wait3A_194 = tpu.memref_slice %arg25[%add3A_26, %dma_wait3A_193] : memref<10000x80xf32, #tpu.memory_space<vmem_shared>> -> memref<40x80xf32, #tpu.memory_space<vmem_shared>>
      tpu.wait_dma2 semaphore(%run_scoped3A : memref<!tpu.dma_semaphore, #tpu.memory_space<semaphore_mem>>) src(%arg22 : memref<40x80xf32, #tpu.memory_space<vmem>>) dst(%dma_wait3A_194 : memref<40x80xf32, #tpu.memory_space<vmem_shared>>)
      tpu.yield
    }) : () -> ()
    %mul3A_27 = arith.constant 624 : i32
    %mul3A_28 = arith.muli %arg1, %mul3A_27 : i32
    %add3A_29 = arith.constant 200 : i32
    %add3A_30 = arith.addi %mul3A_28, %add3A_29 : i32
    "tpu.region"() ({
      %run_scoped3A = tpu.sem_alloc : memref<!tpu.dma_semaphore, #tpu.memory_space<semaphore_mem>>
      %dma_start3A_187 = arith.constant 0 : i32
      %dma_start3A_188 = tpu.memref_slice %arg25[%add3A_30, %dma_start3A_187] : memref<10000x80xf32, #tpu.memory_space<vmem_shared>> -> memref<40x80xf32, #tpu.memory_space<vmem_shared>>
      %dma_start3A_189 = arith.constant 0 : i32
      %dma_start3A_190 = tpu.memref_slice %arg25[%add3A_30, %dma_start3A_189] : memref<10000x80xf32, #tpu.memory_space<vmem_shared>> -> memref<40x80xf32, #tpu.memory_space<vmem_shared>>
      tpu.enqueue_dma source(%arg22 : memref<40x80xf32, #tpu.memory_space<vmem>>) target(%dma_start3A_190 : memref<40x80xf32, #tpu.memory_space<vmem_shared>>) target_semaphore(%run_scoped3A : memref<!tpu.dma_semaphore, #tpu.memory_space<semaphore_mem>>)
      %dma_wait3A_191 = arith.constant 0 : i32
      %dma_wait3A_192 = tpu.memref_slice %arg25[%add3A_30, %dma_wait3A_191] : memref<10000x80xf32, #tpu.memory_space<vmem_shared>> -> memref<40x80xf32, #tpu.memory_space<vmem_shared>>
      %dma_wait3A_193 = arith.constant 0 : i32
      %dma_wait3A_194 = tpu.memref_slice %arg25[%add3A_30, %dma_wait3A_193] : memref<10000x80xf32, #tpu.memory_space<vmem_shared>> -> memref<40x80xf32, #tpu.memory_space<vmem_shared>>
      tpu.wait_dma2 semaphore(%run_scoped3A : memref<!tpu.dma_semaphore, #tpu.memory_space<semaphore_mem>>) src(%arg22 : memref<40x80xf32, #tpu.memory_space<vmem>>) dst(%dma_wait3A_194 : memref<40x80xf32, #tpu.memory_space<vmem_shared>>)
      tpu.yield
    }) : () -> ()
    %mul3A_31 = arith.constant 624 : i32
    %mul3A_32 = arith.muli %arg1, %mul3A_31 : i32
    %add3A_33 = arith.constant 240 : i32
    %add3A_34 = arith.addi %mul3A_32, %add3A_33 : i32
    "tpu.region"() ({
      %run_scoped3A = tpu.sem_alloc : memref<!tpu.dma_semaphore, #tpu.memory_space<semaphore_mem>>
      %dma_start3A_187 = arith.constant 0 : i32
      %dma_start3A_188 = tpu.memref_slice %arg25[%add3A_34, %dma_start3A_187] : memref<10000x80xf32, #tpu.memory_space<vmem_shared>> -> memref<40x80xf32, #tpu.memory_space<vmem_shared>>
      %dma_start3A_189 = arith.constant 0 : i32
      %dma_start3A_190 = tpu.memref_slice %arg25[%add3A_34, %dma_start3A_189] : memref<10000x80xf32, #tpu.memory_space<vmem_shared>> -> memref<40x80xf32, #tpu.memory_space<vmem_shared>>
      tpu.enqueue_dma source(%arg22 : memref<40x80xf32, #tpu.memory_space<vmem>>) target(%dma_start3A_190 : memref<40x80xf32, #tpu.memory_space<vmem_shared>>) target_semaphore(%run_scoped3A : memref<!tpu.dma_semaphore, #tpu.memory_space<semaphore_mem>>)
      %dma_wait3A_191 = arith.constant 0 : i32
      %dma_wait3A_192 = tpu.memref_slice %arg25[%add3A_34, %dma_wait3A_191] : memref<10000x80xf32, #tpu.memory_space<vmem_shared>> -> memref<40x80xf32, #tpu.memory_space<vmem_shared>>
      %dma_wait3A_193 = arith.constant 0 : i32
      %dma_wait3A_194 = tpu.memref_slice %arg25[%add3A_34, %dma_wait3A_193] : memref<10000x80xf32, #tpu.memory_space<vmem_shared>> -> memref<40x80xf32, #tpu.memory_space<vmem_shared>>
      tpu.wait_dma2 semaphore(%run_scoped3A : memref<!tpu.dma_semaphore, #tpu.memory_space<semaphore_mem>>) src(%arg22 : memref<40x80xf32, #tpu.memory_space<vmem>>) dst(%dma_wait3A_194 : memref<40x80xf32, #tpu.memory_space<vmem_shared>>)
      tpu.yield
    }) : () -> ()
    %mul3A_35 = arith.constant 624 : i32
    %mul3A_36 = arith.muli %arg1, %mul3A_35 : i32
    %add3A_37 = arith.constant 280 : i32
    %add3A_38 = arith.addi %mul3A_36, %add3A_37 : i32
    "tpu.region"() ({
      %run_scoped3A = tpu.sem_alloc : memref<!tpu.dma_semaphore, #tpu.memory_space<semaphore_mem>>
      %dma_start3A_187 = arith.constant 0 : i32
      %dma_start3A_188 = tpu.memref_slice %arg25[%add3A_38, %dma_start3A_187] : memref<10000x80xf32, #tpu.memory_space<vmem_shared>> -> memref<40x80xf32, #tpu.memory_space<vmem_shared>>
      %dma_start3A_189 = arith.constant 0 : i32
      %dma_start3A_190 = tpu.memref_slice %arg25[%add3A_38, %dma_start3A_189] : memref<10000x80xf32, #tpu.memory_space<vmem_shared>> -> memref<40x80xf32, #tpu.memory_space<vmem_shared>>
      tpu.enqueue_dma source(%arg22 : memref<40x80xf32, #tpu.memory_space<vmem>>) target(%dma_start3A_190 : memref<40x80xf32, #tpu.memory_space<vmem_shared>>) target_semaphore(%run_scoped3A : memref<!tpu.dma_semaphore, #tpu.memory_space<semaphore_mem>>)
      %dma_wait3A_191 = arith.constant 0 : i32
      %dma_wait3A_192 = tpu.memref_slice %arg25[%add3A_38, %dma_wait3A_191] : memref<10000x80xf32, #tpu.memory_space<vmem_shared>> -> memref<40x80xf32, #tpu.memory_space<vmem_shared>>
      %dma_wait3A_193 = arith.constant 0 : i32
      %dma_wait3A_194 = tpu.memref_slice %arg25[%add3A_38, %dma_wait3A_193] : memref<10000x80xf32, #tpu.memory_space<vmem_shared>> -> memref<40x80xf32, #tpu.memory_space<vmem_shared>>
      tpu.wait_dma2 semaphore(%run_scoped3A : memref<!tpu.dma_semaphore, #tpu.memory_space<semaphore_mem>>) src(%arg22 : memref<40x80xf32, #tpu.memory_space<vmem>>) dst(%dma_wait3A_194 : memref<40x80xf32, #tpu.memory_space<vmem_shared>>)
      tpu.yield
    }) : () -> ()
    %mul3A_39 = arith.constant 624 : i32
    %mul3A_40 = arith.muli %arg1, %mul3A_39 : i32
    %add3A_41 = arith.constant 320 : i32
    %add3A_42 = arith.addi %mul3A_40, %add3A_41 : i32
    "tpu.region"() ({
      %run_scoped3A = tpu.sem_alloc : memref<!tpu.dma_semaphore, #tpu.memory_space<semaphore_mem>>
      %dma_start3A_187 = arith.constant 0 : i32
      %dma_start3A_188 = tpu.memref_slice %arg25[%add3A_42, %dma_start3A_187] : memref<10000x80xf32, #tpu.memory_space<vmem_shared>> -> memref<40x80xf32, #tpu.memory_space<vmem_shared>>
      %dma_start3A_189 = arith.constant 0 : i32
      %dma_start3A_190 = tpu.memref_slice %arg25[%add3A_42, %dma_start3A_189] : memref<10000x80xf32, #tpu.memory_space<vmem_shared>> -> memref<40x80xf32, #tpu.memory_space<vmem_shared>>
      tpu.enqueue_dma source(%arg22 : memref<40x80xf32, #tpu.memory_space<vmem>>) target(%dma_start3A_190 : memref<40x80xf32, #tpu.memory_space<vmem_shared>>) target_semaphore(%run_scoped3A : memref<!tpu.dma_semaphore, #tpu.memory_space<semaphore_mem>>)
      %dma_wait3A_191 = arith.constant 0 : i32
      %dma_wait3A_192 = tpu.memref_slice %arg25[%add3A_42, %dma_wait3A_191] : memref<10000x80xf32, #tpu.memory_space<vmem_shared>> -> memref<40x80xf32, #tpu.memory_space<vmem_shared>>
      %dma_wait3A_193 = arith.constant 0 : i32
      %dma_wait3A_194 = tpu.memref_slice %arg25[%add3A_42, %dma_wait3A_193] : memref<10000x80xf32, #tpu.memory_space<vmem_shared>> -> memref<40x80xf32, #tpu.memory_space<vmem_shared>>
      tpu.wait_dma2 semaphore(%run_scoped3A : memref<!tpu.dma_semaphore, #tpu.memory_space<semaphore_mem>>) src(%arg22 : memref<40x80xf32, #tpu.memory_space<vmem>>) dst(%dma_wait3A_194 : memref<40x80xf32, #tpu.memory_space<vmem_shared>>)
      tpu.yield
    }) : () -> ()
    %mul3A_43 = arith.constant 624 : i32
    %mul3A_44 = arith.muli %arg1, %mul3A_43 : i32
    %add3A_45 = arith.constant 360 : i32
    %add3A_46 = arith.addi %mul3A_44, %add3A_45 : i32
    "tpu.region"() ({
      %run_scoped3A = tpu.sem_alloc : memref<!tpu.dma_semaphore, #tpu.memory_space<semaphore_mem>>
      %dma_start3A_187 = arith.constant 0 : i32
      %dma_start3A_188 = tpu.memref_slice %arg25[%add3A_46, %dma_start3A_187] : memref<10000x80xf32, #tpu.memory_space<vmem_shared>> -> memref<40x80xf32, #tpu.memory_space<vmem_shared>>
      %dma_start3A_189 = arith.constant 0 : i32
      %dma_start3A_190 = tpu.memref_slice %arg25[%add3A_46, %dma_start3A_189] : memref<10000x80xf32, #tpu.memory_space<vmem_shared>> -> memref<40x80xf32, #tpu.memory_space<vmem_shared>>
      tpu.enqueue_dma source(%arg22 : memref<40x80xf32, #tpu.memory_space<vmem>>) target(%dma_start3A_190 : memref<40x80xf32, #tpu.memory_space<vmem_shared>>) target_semaphore(%run_scoped3A : memref<!tpu.dma_semaphore, #tpu.memory_space<semaphore_mem>>)
      %dma_wait3A_191 = arith.constant 0 : i32
      %dma_wait3A_192 = tpu.memref_slice %arg25[%add3A_46, %dma_wait3A_191] : memref<10000x80xf32, #tpu.memory_space<vmem_shared>> -> memref<40x80xf32, #tpu.memory_space<vmem_shared>>
      %dma_wait3A_193 = arith.constant 0 : i32
      %dma_wait3A_194 = tpu.memref_slice %arg25[%add3A_46, %dma_wait3A_193] : memref<10000x80xf32, #tpu.memory_space<vmem_shared>> -> memref<40x80xf32, #tpu.memory_space<vmem_shared>>
      tpu.wait_dma2 semaphore(%run_scoped3A : memref<!tpu.dma_semaphore, #tpu.memory_space<semaphore_mem>>) src(%arg22 : memref<40x80xf32, #tpu.memory_space<vmem>>) dst(%dma_wait3A_194 : memref<40x80xf32, #tpu.memory_space<vmem_shared>>)
      tpu.yield
    }) : () -> ()
    %mul3A_47 = arith.constant 624 : i32
    %mul3A_48 = arith.muli %arg1, %mul3A_47 : i32
    %add3A_49 = arith.constant 400 : i32
    %add3A_50 = arith.addi %mul3A_48, %add3A_49 : i32
    "tpu.region"() ({
      %run_scoped3A = tpu.sem_alloc : memref<!tpu.dma_semaphore, #tpu.memory_space<semaphore_mem>>
      %dma_start3A_187 = arith.constant 0 : i32
      %dma_start3A_188 = tpu.memref_slice %arg25[%add3A_50, %dma_start3A_187] : memref<10000x80xf32, #tpu.memory_space<vmem_shared>> -> memref<40x80xf32, #tpu.memory_space<vmem_shared>>
      %dma_start3A_189 = arith.constant 0 : i32
      %dma_start3A_190 = tpu.memref_slice %arg25[%add3A_50, %dma_start3A_189] : memref<10000x80xf32, #tpu.memory_space<vmem_shared>> -> memref<40x80xf32, #tpu.memory_space<vmem_shared>>
      tpu.enqueue_dma source(%arg22 : memref<40x80xf32, #tpu.memory_space<vmem>>) target(%dma_start3A_190 : memref<40x80xf32, #tpu.memory_space<vmem_shared>>) target_semaphore(%run_scoped3A : memref<!tpu.dma_semaphore, #tpu.memory_space<semaphore_mem>>)
      %dma_wait3A_191 = arith.constant 0 : i32
      %dma_wait3A_192 = tpu.memref_slice %arg25[%add3A_50, %dma_wait3A_191] : memref<10000x80xf32, #tpu.memory_space<vmem_shared>> -> memref<40x80xf32, #tpu.memory_space<vmem_shared>>
      %dma_wait3A_193 = arith.constant 0 : i32
      %dma_wait3A_194 = tpu.memref_slice %arg25[%add3A_50, %dma_wait3A_193] : memref<10000x80xf32, #tpu.memory_space<vmem_shared>> -> memref<40x80xf32, #tpu.memory_space<vmem_shared>>
      tpu.wait_dma2 semaphore(%run_scoped3A : memref<!tpu.dma_semaphore, #tpu.memory_space<semaphore_mem>>) src(%arg22 : memref<40x80xf32, #tpu.memory_space<vmem>>) dst(%dma_wait3A_194 : memref<40x80xf32, #tpu.memory_space<vmem_shared>>)
      tpu.yield
    }) : () -> ()
    %mul3A_51 = arith.constant 624 : i32
    %mul3A_52 = arith.muli %arg1, %mul3A_51 : i32
    %add3A_53 = arith.constant 440 : i32
    %add3A_54 = arith.addi %mul3A_52, %add3A_53 : i32
    "tpu.region"() ({
      %run_scoped3A = tpu.sem_alloc : memref<!tpu.dma_semaphore, #tpu.memory_space<semaphore_mem>>
      %dma_start3A_187 = arith.constant 0 : i32
      %dma_start3A_188 = tpu.memref_slice %arg25[%add3A_54, %dma_start3A_187] : memref<10000x80xf32, #tpu.memory_space<vmem_shared>> -> memref<40x80xf32, #tpu.memory_space<vmem_shared>>
      %dma_start3A_189 = arith.constant 0 : i32
      %dma_start3A_190 = tpu.memref_slice %arg25[%add3A_54, %dma_start3A_189] : memref<10000x80xf32, #tpu.memory_space<vmem_shared>> -> memref<40x80xf32, #tpu.memory_space<vmem_shared>>
      tpu.enqueue_dma source(%arg22 : memref<40x80xf32, #tpu.memory_space<vmem>>) target(%dma_start3A_190 : memref<40x80xf32, #tpu.memory_space<vmem_shared>>) target_semaphore(%run_scoped3A : memref<!tpu.dma_semaphore, #tpu.memory_space<semaphore_mem>>)
      %dma_wait3A_191 = arith.constant 0 : i32
      %dma_wait3A_192 = tpu.memref_slice %arg25[%add3A_54, %dma_wait3A_191] : memref<10000x80xf32, #tpu.memory_space<vmem_shared>> -> memref<40x80xf32, #tpu.memory_space<vmem_shared>>
      %dma_wait3A_193 = arith.constant 0 : i32
      %dma_wait3A_194 = tpu.memref_slice %arg25[%add3A_54, %dma_wait3A_193] : memref<10000x80xf32, #tpu.memory_space<vmem_shared>> -> memref<40x80xf32, #tpu.memory_space<vmem_shared>>
      tpu.wait_dma2 semaphore(%run_scoped3A : memref<!tpu.dma_semaphore, #tpu.memory_space<semaphore_mem>>) src(%arg22 : memref<40x80xf32, #tpu.memory_space<vmem>>) dst(%dma_wait3A_194 : memref<40x80xf32, #tpu.memory_space<vmem_shared>>)
      tpu.yield
    }) : () -> ()
    %mul3A_55 = arith.constant 624 : i32
    %mul3A_56 = arith.muli %arg1, %mul3A_55 : i32
    %add3A_57 = arith.constant 480 : i32
    %add3A_58 = arith.addi %mul3A_56, %add3A_57 : i32
    "tpu.region"() ({
      %run_scoped3A = tpu.sem_alloc : memref<!tpu.dma_semaphore, #tpu.memory_space<semaphore_mem>>
      %dma_start3A_187 = arith.constant 0 : i32
      %dma_start3A_188 = tpu.memref_slice %arg25[%add3A_58, %dma_start3A_187] : memref<10000x80xf32, #tpu.memory_space<vmem_shared>> -> memref<40x80xf32, #tpu.memory_space<vmem_shared>>
      %dma_start3A_189 = arith.constant 0 : i32
      %dma_start3A_190 = tpu.memref_slice %arg25[%add3A_58, %dma_start3A_189] : memref<10000x80xf32, #tpu.memory_space<vmem_shared>> -> memref<40x80xf32, #tpu.memory_space<vmem_shared>>
      tpu.enqueue_dma source(%arg22 : memref<40x80xf32, #tpu.memory_space<vmem>>) target(%dma_start3A_190 : memref<40x80xf32, #tpu.memory_space<vmem_shared>>) target_semaphore(%run_scoped3A : memref<!tpu.dma_semaphore, #tpu.memory_space<semaphore_mem>>)
      %dma_wait3A_191 = arith.constant 0 : i32
      %dma_wait3A_192 = tpu.memref_slice %arg25[%add3A_58, %dma_wait3A_191] : memref<10000x80xf32, #tpu.memory_space<vmem_shared>> -> memref<40x80xf32, #tpu.memory_space<vmem_shared>>
      %dma_wait3A_193 = arith.constant 0 : i32
      %dma_wait3A_194 = tpu.memref_slice %arg25[%add3A_58, %dma_wait3A_193] : memref<10000x80xf32, #tpu.memory_space<vmem_shared>> -> memref<40x80xf32, #tpu.memory_space<vmem_shared>>
      tpu.wait_dma2 semaphore(%run_scoped3A : memref<!tpu.dma_semaphore, #tpu.memory_space<semaphore_mem>>) src(%arg22 : memref<40x80xf32, #tpu.memory_space<vmem>>) dst(%dma_wait3A_194 : memref<40x80xf32, #tpu.memory_space<vmem_shared>>)
      tpu.yield
    }) : () -> ()
    %mul3A_59 = arith.constant 624 : i32
    %mul3A_60 = arith.muli %arg1, %mul3A_59 : i32
    %add3A_61 = arith.constant 520 : i32
    %add3A_62 = arith.addi %mul3A_60, %add3A_61 : i32
    "tpu.region"() ({
      %run_scoped3A = tpu.sem_alloc : memref<!tpu.dma_semaphore, #tpu.memory_space<semaphore_mem>>
      %dma_start3A_187 = arith.constant 0 : i32
      %dma_start3A_188 = tpu.memref_slice %arg25[%add3A_62, %dma_start3A_187] : memref<10000x80xf32, #tpu.memory_space<vmem_shared>> -> memref<40x80xf32, #tpu.memory_space<vmem_shared>>
      %dma_start3A_189 = arith.constant 0 : i32
      %dma_start3A_190 = tpu.memref_slice %arg25[%add3A_62, %dma_start3A_189] : memref<10000x80xf32, #tpu.memory_space<vmem_shared>> -> memref<40x80xf32, #tpu.memory_space<vmem_shared>>
      tpu.enqueue_dma source(%arg22 : memref<40x80xf32, #tpu.memory_space<vmem>>) target(%dma_start3A_190 : memref<40x80xf32, #tpu.memory_space<vmem_shared>>) target_semaphore(%run_scoped3A : memref<!tpu.dma_semaphore, #tpu.memory_space<semaphore_mem>>)
      %dma_wait3A_191 = arith.constant 0 : i32
      %dma_wait3A_192 = tpu.memref_slice %arg25[%add3A_62, %dma_wait3A_191] : memref<10000x80xf32, #tpu.memory_space<vmem_shared>> -> memref<40x80xf32, #tpu.memory_space<vmem_shared>>
      %dma_wait3A_193 = arith.constant 0 : i32
      %dma_wait3A_194 = tpu.memref_slice %arg25[%add3A_62, %dma_wait3A_193] : memref<10000x80xf32, #tpu.memory_space<vmem_shared>> -> memref<40x80xf32, #tpu.memory_space<vmem_shared>>
      tpu.wait_dma2 semaphore(%run_scoped3A : memref<!tpu.dma_semaphore, #tpu.memory_space<semaphore_mem>>) src(%arg22 : memref<40x80xf32, #tpu.memory_space<vmem>>) dst(%dma_wait3A_194 : memref<40x80xf32, #tpu.memory_space<vmem_shared>>)
      tpu.yield
    }) : () -> ()
    %mul3A_63 = arith.constant 624 : i32
    %mul3A_64 = arith.muli %arg1, %mul3A_63 : i32
    %add3A_65 = arith.constant 560 : i32
    %add3A_66 = arith.addi %mul3A_64, %add3A_65 : i32
    "tpu.region"() ({
      %run_scoped3A = tpu.sem_alloc : memref<!tpu.dma_semaphore, #tpu.memory_space<semaphore_mem>>
      %dma_start3A_187 = arith.constant 0 : i32
      %dma_start3A_188 = tpu.memref_slice %arg25[%add3A_66, %dma_start3A_187] : memref<10000x80xf32, #tpu.memory_space<vmem_shared>> -> memref<40x80xf32, #tpu.memory_space<vmem_shared>>
      %dma_start3A_189 = arith.constant 0 : i32
      %dma_start3A_190 = tpu.memref_slice %arg25[%add3A_66, %dma_start3A_189] : memref<10000x80xf32, #tpu.memory_space<vmem_shared>> -> memref<40x80xf32, #tpu.memory_space<vmem_shared>>
      tpu.enqueue_dma source(%arg22 : memref<40x80xf32, #tpu.memory_space<vmem>>) target(%dma_start3A_190 : memref<40x80xf32, #tpu.memory_space<vmem_shared>>) target_semaphore(%run_scoped3A : memref<!tpu.dma_semaphore, #tpu.memory_space<semaphore_mem>>)
      %dma_wait3A_191 = arith.constant 0 : i32
      %dma_wait3A_192 = tpu.memref_slice %arg25[%add3A_66, %dma_wait3A_191] : memref<10000x80xf32, #tpu.memory_space<vmem_shared>> -> memref<40x80xf32, #tpu.memory_space<vmem_shared>>
      %dma_wait3A_193 = arith.constant 0 : i32
      %dma_wait3A_194 = tpu.memref_slice %arg25[%add3A_66, %dma_wait3A_193] : memref<10000x80xf32, #tpu.memory_space<vmem_shared>> -> memref<40x80xf32, #tpu.memory_space<vmem_shared>>
      tpu.wait_dma2 semaphore(%run_scoped3A : memref<!tpu.dma_semaphore, #tpu.memory_space<semaphore_mem>>) src(%arg22 : memref<40x80xf32, #tpu.memory_space<vmem>>) dst(%dma_wait3A_194 : memref<40x80xf32, #tpu.memory_space<vmem_shared>>)
      tpu.yield
    }) : () -> ()
    %mul3A_67 = arith.constant 624 : i32
    %mul3A_68 = arith.muli %arg1, %mul3A_67 : i32
    %add3A_69 = arith.constant 600 : i32
    %add3A_70 = arith.addi %mul3A_68, %add3A_69 : i32
    "tpu.region"() ({
      %run_scoped3A = tpu.sem_alloc : memref<!tpu.dma_semaphore, #tpu.memory_space<semaphore_mem>>
      %dma_start3A_187 = arith.constant 0 : i32
      %dma_start3A_188 = arith.constant 0 : i32
      %dma_start3A_189 = tpu.memref_slice %arg22[%dma_start3A_187, %dma_start3A_188] : memref<40x80xf32, #tpu.memory_space<vmem>> -> memref<24x80xf32, #tpu.memory_space<vmem>>
      %dma_start3A_190 = arith.constant 0 : i32
      %dma_start3A_191 = tpu.memref_slice %arg25[%add3A_70, %dma_start3A_190] : memref<10000x80xf32, #tpu.memory_space<vmem_shared>> -> memref<24x80xf32, #tpu.memory_space<vmem_shared>>
      %dma_start3A_192 = arith.constant 0 : i32
      %dma_start3A_193 = tpu.memref_slice %arg25[%add3A_70, %dma_start3A_192] : memref<10000x80xf32, #tpu.memory_space<vmem_shared>> -> memref<24x80xf32, #tpu.memory_space<vmem_shared>>
      %dma_start3A_194 = arith.constant 0 : i32
      %dma_start3A_195 = arith.constant 0 : i32
      %dma_start3A_196 = tpu.memref_slice %arg22[%dma_start3A_194, %dma_start3A_195] : memref<40x80xf32, #tpu.memory_space<vmem>> -> memref<24x80xf32, #tpu.memory_space<vmem>>
      tpu.enqueue_dma source(%dma_start3A_196 : memref<24x80xf32, #tpu.memory_space<vmem>>) target(%dma_start3A_193 : memref<24x80xf32, #tpu.memory_space<vmem_shared>>) target_semaphore(%run_scoped3A : memref<!tpu.dma_semaphore, #tpu.memory_space<semaphore_mem>>)
      %dma_wait3A_197 = arith.constant 0 : i32
      %dma_wait3A_198 = arith.constant 0 : i32
      %dma_wait3A_199 = tpu.memref_slice %arg22[%dma_wait3A_197, %dma_wait3A_198] : memref<40x80xf32, #tpu.memory_space<vmem>> -> memref<24x80xf32, #tpu.memory_space<vmem>>
      %dma_wait3A_200 = arith.constant 0 : i32
      %dma_wait3A_201 = tpu.memref_slice %arg25[%add3A_70, %dma_wait3A_200] : memref<10000x80xf32, #tpu.memory_space<vmem_shared>> -> memref<24x80xf32, #tpu.memory_space<vmem_shared>>
      %dma_wait3A_202 = arith.constant 0 : i32
      %dma_wait3A_203 = tpu.memref_slice %arg25[%add3A_70, %dma_wait3A_202] : memref<10000x80xf32, #tpu.memory_space<vmem_shared>> -> memref<24x80xf32, #tpu.memory_space<vmem_shared>>
      %dma_wait3A_204 = arith.constant 0 : i32
      %dma_wait3A_205 = arith.constant 0 : i32
      %dma_wait3A_206 = tpu.memref_slice %arg22[%dma_wait3A_204, %dma_wait3A_205] : memref<40x80xf32, #tpu.memory_space<vmem>> -> memref<24x80xf32, #tpu.memory_space<vmem>>
      tpu.wait_dma2 semaphore(%run_scoped3A : memref<!tpu.dma_semaphore, #tpu.memory_space<semaphore_mem>>) src(%dma_wait3A_206 : memref<24x80xf32, #tpu.memory_space<vmem>>) dst(%dma_wait3A_203 : memref<24x80xf32, #tpu.memory_space<vmem_shared>>)
      tpu.yield
    }) : () -> ()
    %eq3A = arith.constant 15 : i32
    %eq3A_71 = arith.cmpi eq, %arg1, %eq3A : i32
    %convert_element_type3A = arith.extui %eq3A_71 : i1 to i32
    %cond3A = arith.constant 0 : i32
    %cond3A_72 = arith.cmpi ne, %convert_element_type3A, %cond3A : i32
    scf.if %cond3A_72 {
      "tpu.region"() ({
        %run_scoped3A = tpu.sem_alloc : memref<!tpu.dma_semaphore, #tpu.memory_space<semaphore_mem>>
        %dma_start3A_187 = arith.constant 0 : i32
        %dma_start3A_188 = arith.constant 0 : i32
        %dma_start3A_189 = tpu.memref_slice %arg22[%dma_start3A_187, %dma_start3A_188] : memref<40x80xf32, #tpu.memory_space<vmem>> -> memref<16x80xf32, #tpu.memory_space<vmem>>
        %dma_start3A_190 = arith.constant 9984 : i32
        %dma_start3A_191 = arith.constant 0 : i32
        %dma_start3A_192 = tpu.memref_slice %arg25[%dma_start3A_190, %dma_start3A_191] : memref<10000x80xf32, #tpu.memory_space<vmem_shared>> -> memref<16x80xf32, #tpu.memory_space<vmem_shared>>
        %dma_start3A_193 = arith.constant 9984 : i32
        %dma_start3A_194 = arith.constant 0 : i32
        %dma_start3A_195 = tpu.memref_slice %arg25[%dma_start3A_193, %dma_start3A_194] : memref<10000x80xf32, #tpu.memory_space<vmem_shared>> -> memref<16x80xf32, #tpu.memory_space<vmem_shared>>
        %dma_start3A_196 = arith.constant 0 : i32
        %dma_start3A_197 = arith.constant 0 : i32
        %dma_start3A_198 = tpu.memref_slice %arg22[%dma_start3A_196, %dma_start3A_197] : memref<40x80xf32, #tpu.memory_space<vmem>> -> memref<16x80xf32, #tpu.memory_space<vmem>>
        tpu.enqueue_dma source(%dma_start3A_198 : memref<16x80xf32, #tpu.memory_space<vmem>>) target(%dma_start3A_195 : memref<16x80xf32, #tpu.memory_space<vmem_shared>>) target_semaphore(%run_scoped3A : memref<!tpu.dma_semaphore, #tpu.memory_space<semaphore_mem>>)
        %dma_wait3A_199 = arith.constant 0 : i32
        %dma_wait3A_200 = arith.constant 0 : i32
        %dma_wait3A_201 = tpu.memref_slice %arg22[%dma_wait3A_199, %dma_wait3A_200] : memref<40x80xf32, #tpu.memory_space<vmem>> -> memref<16x80xf32, #tpu.memory_space<vmem>>
        %dma_wait3A_202 = arith.constant 9984 : i32
        %dma_wait3A_203 = arith.constant 0 : i32
        %dma_wait3A_204 = tpu.memref_slice %arg25[%dma_wait3A_202, %dma_wait3A_203] : memref<10000x80xf32, #tpu.memory_space<vmem_shared>> -> memref<16x80xf32, #tpu.memory_space<vmem_shared>>
        %dma_wait3A_205 = arith.constant 9984 : i32
        %dma_wait3A_206 = arith.constant 0 : i32
        %dma_wait3A_207 = tpu.memref_slice %arg25[%dma_wait3A_205, %dma_wait3A_206] : memref<10000x80xf32, #tpu.memory_space<vmem_shared>> -> memref<16x80xf32, #tpu.memory_space<vmem_shared>>
        %dma_wait3A_208 = arith.constant 0 : i32
        %dma_wait3A_209 = arith.constant 0 : i32
        %dma_wait3A_210 = tpu.memref_slice %arg22[%dma_wait3A_208, %dma_wait3A_209] : memref<40x80xf32, #tpu.memory_space<vmem>> -> memref<16x80xf32, #tpu.memory_space<vmem>>
        tpu.wait_dma2 semaphore(%run_scoped3A : memref<!tpu.dma_semaphore, #tpu.memory_space<semaphore_mem>>) src(%dma_wait3A_210 : memref<16x80xf32, #tpu.memory_space<vmem>>) dst(%dma_wait3A_207 : memref<16x80xf32, #tpu.memory_space<vmem_shared>>)
        tpu.yield
      }) : () -> ()
    } else {
    }
    %barrier3A = arith.constant 0 : index
    tpu.barrier barrier_id(%barrier3A)
    %mul3A_73 = arith.constant 10000 : i32
    %mul3A_74 = arith.muli %add3A, %mul3A_73 : i32
    %add3A_75 = arith.constant 0 : i32
    %add3A_76 = arith.addi %mul3A_74, %add3A_75 : i32
    %multiple_of3A = tpu.assume_multiple %add3A_76, 8 : i32
    %dma_start3A = tpu.memref_slice %arg4[%multiple_of3A] : memref<320000xi32, #tpu.memory_space<hbm>> -> memref<40xi32, #tpu.memory_space<hbm>>
    %dma_start3A_77 = tpu.memref_slice %arg4[%multiple_of3A] : memref<320000xi32, #tpu.memory_space<hbm>> -> memref<40xi32, #tpu.memory_space<hbm>>
    tpu.enqueue_dma source(%dma_start3A_77 : memref<40xi32, #tpu.memory_space<hbm>>) target(%arg7 : memref<40xi32, #tpu.memory_space<vmem>>) target_semaphore(%arg26 : memref<!tpu.dma_semaphore, #tpu.memory_space<semaphore_mem>>)
    %dma_start3A_78 = tpu.memref_slice %arg5[%multiple_of3A] : memref<320000xi32, #tpu.memory_space<hbm>> -> memref<40xi32, #tpu.memory_space<hbm>>
    %dma_start3A_79 = tpu.memref_slice %arg5[%multiple_of3A] : memref<320000xi32, #tpu.memory_space<hbm>> -> memref<40xi32, #tpu.memory_space<hbm>>
    tpu.enqueue_dma source(%dma_start3A_79 : memref<40xi32, #tpu.memory_space<hbm>>) target(%arg10 : memref<40xi32, #tpu.memory_space<vmem>>) target_semaphore(%arg26 : memref<!tpu.dma_semaphore, #tpu.memory_space<semaphore_mem>>)
    %mul3A_80 = arith.constant 10000 : i32
    %mul3A_81 = arith.muli %add3A, %mul3A_80 : i32
    %add3A_82 = arith.constant 40 : i32
    %add3A_83 = arith.addi %mul3A_81, %add3A_82 : i32
    %multiple_of3A_84 = tpu.assume_multiple %add3A_83, 8 : i32
    %dma_start3A_85 = tpu.memref_slice %arg4[%multiple_of3A_84] : memref<320000xi32, #tpu.memory_space<hbm>> -> memref<40xi32, #tpu.memory_space<hbm>>
    %dma_start3A_86 = tpu.memref_slice %arg4[%multiple_of3A_84] : memref<320000xi32, #tpu.memory_space<hbm>> -> memref<40xi32, #tpu.memory_space<hbm>>
    tpu.enqueue_dma source(%dma_start3A_86 : memref<40xi32, #tpu.memory_space<hbm>>) target(%arg8 : memref<40xi32, #tpu.memory_space<vmem>>) target_semaphore(%arg27 : memref<!tpu.dma_semaphore, #tpu.memory_space<semaphore_mem>>)
    %dma_start3A_87 = tpu.memref_slice %arg5[%multiple_of3A_84] : memref<320000xi32, #tpu.memory_space<hbm>> -> memref<40xi32, #tpu.memory_space<hbm>>
    %dma_start3A_88 = tpu.memref_slice %arg5[%multiple_of3A_84] : memref<320000xi32, #tpu.memory_space<hbm>> -> memref<40xi32, #tpu.memory_space<hbm>>
    tpu.enqueue_dma source(%dma_start3A_88 : memref<40xi32, #tpu.memory_space<hbm>>) target(%arg11 : memref<40xi32, #tpu.memory_space<vmem>>) target_semaphore(%arg27 : memref<!tpu.dma_semaphore, #tpu.memory_space<semaphore_mem>>)
    %mul3A_89 = arith.constant 10000 : i32
    %mul3A_90 = arith.muli %add3A, %mul3A_89 : i32
    %add3A_91 = arith.constant 80 : i32
    %add3A_92 = arith.addi %mul3A_90, %add3A_91 : i32
    %multiple_of3A_93 = tpu.assume_multiple %add3A_92, 8 : i32
    %dma_start3A_94 = tpu.memref_slice %arg4[%multiple_of3A_93] : memref<320000xi32, #tpu.memory_space<hbm>> -> memref<40xi32, #tpu.memory_space<hbm>>
    %dma_start3A_95 = tpu.memref_slice %arg4[%multiple_of3A_93] : memref<320000xi32, #tpu.memory_space<hbm>> -> memref<40xi32, #tpu.memory_space<hbm>>
    tpu.enqueue_dma source(%dma_start3A_95 : memref<40xi32, #tpu.memory_space<hbm>>) target(%arg9 : memref<40xi32, #tpu.memory_space<vmem>>) target_semaphore(%arg28 : memref<!tpu.dma_semaphore, #tpu.memory_space<semaphore_mem>>)
    %dma_start3A_96 = tpu.memref_slice %arg5[%multiple_of3A_93] : memref<320000xi32, #tpu.memory_space<hbm>> -> memref<40xi32, #tpu.memory_space<hbm>>
    %dma_start3A_97 = tpu.memref_slice %arg5[%multiple_of3A_93] : memref<320000xi32, #tpu.memory_space<hbm>> -> memref<40xi32, #tpu.memory_space<hbm>>
    tpu.enqueue_dma source(%dma_start3A_97 : memref<40xi32, #tpu.memory_space<hbm>>) target(%arg12 : memref<40xi32, #tpu.memory_space<vmem>>) target_semaphore(%arg28 : memref<!tpu.dma_semaphore, #tpu.memory_space<semaphore_mem>>)
    %dma_wait3A = arith.constant 0 : i32
    %dma_wait3A_98 = tpu.memref_slice %arg4[%dma_wait3A] : memref<320000xi32, #tpu.memory_space<hbm>> -> memref<40xi32, #tpu.memory_space<hbm>>
    %dma_wait3A_99 = arith.constant 0 : i32
    %dma_wait3A_100 = tpu.memref_slice %arg4[%dma_wait3A_99] : memref<320000xi32, #tpu.memory_space<hbm>> -> memref<40xi32, #tpu.memory_space<hbm>>
    tpu.wait_dma2 semaphore(%arg26 : memref<!tpu.dma_semaphore, #tpu.memory_space<semaphore_mem>>) src(%dma_wait3A_100 : memref<40xi32, #tpu.memory_space<hbm>>) dst(%arg7 : memref<40xi32, #tpu.memory_space<vmem>>)
    %dma_wait3A_101 = arith.constant 0 : i32
    %dma_wait3A_102 = tpu.memref_slice %arg5[%dma_wait3A_101] : memref<320000xi32, #tpu.memory_space<hbm>> -> memref<40xi32, #tpu.memory_space<hbm>>
    %dma_wait3A_103 = arith.constant 0 : i32
    %dma_wait3A_104 = tpu.memref_slice %arg5[%dma_wait3A_103] : memref<320000xi32, #tpu.memory_space<hbm>> -> memref<40xi32, #tpu.memory_space<hbm>>
    tpu.wait_dma2 semaphore(%arg26 : memref<!tpu.dma_semaphore, #tpu.memory_space<semaphore_mem>>) src(%dma_wait3A_104 : memref<40xi32, #tpu.memory_space<hbm>>) dst(%arg10 : memref<40xi32, #tpu.memory_space<vmem>>)
    %dma_start3A_105 = arith.constant 0 : i32
    %dma_start3A_106 = arith.constant 0 : i32
    %dma_start3A_107 = tpu.memref_slice %arg2[%dma_start3A_105, %dma_start3A_106] : memref<10000x128xf32, #tpu.memory_space<hbm>> -> memref<10000x128xf32, #tpu.memory_space<hbm>>
    tpu.enqueue_indirect_dma source(%dma_start3A_107 : memref<10000x128xf32, #tpu.memory_space<hbm>>) target(%arg16 : memref<40x128xf32, #tpu.memory_space<vmem>>) offsets(%arg7 : memref<40xi32, #tpu.memory_space<vmem>>) semaphore(%arg29 : memref<!tpu.dma_semaphore, #tpu.memory_space<semaphore_mem>>)
    %dma_start3A_108 = arith.constant 0 : i32
    %dma_start3A_109 = arith.constant 0 : i32
    %dma_start3A_110 = tpu.memref_slice %arg3[%dma_start3A_108, %dma_start3A_109] : memref<10000x128xf32, #tpu.memory_space<hbm>> -> memref<10000x128xf32, #tpu.memory_space<hbm>>
    tpu.enqueue_indirect_dma source(%dma_start3A_110 : memref<10000x128xf32, #tpu.memory_space<hbm>>) target(%arg19 : memref<40x128xf32, #tpu.memory_space<vmem>>) offsets(%arg10 : memref<40xi32, #tpu.memory_space<vmem>>) semaphore(%arg29 : memref<!tpu.dma_semaphore, #tpu.memory_space<semaphore_mem>>)
    %dma_wait3A_111 = arith.constant 0 : i32
    %dma_wait3A_112 = tpu.memref_slice %arg4[%dma_wait3A_111] : memref<320000xi32, #tpu.memory_space<hbm>> -> memref<40xi32, #tpu.memory_space<hbm>>
    %dma_wait3A_113 = arith.constant 0 : i32
    %dma_wait3A_114 = tpu.memref_slice %arg4[%dma_wait3A_113] : memref<320000xi32, #tpu.memory_space<hbm>> -> memref<40xi32, #tpu.memory_space<hbm>>
    tpu.wait_dma2 semaphore(%arg27 : memref<!tpu.dma_semaphore, #tpu.memory_space<semaphore_mem>>) src(%dma_wait3A_114 : memref<40xi32, #tpu.memory_space<hbm>>) dst(%arg8 : memref<40xi32, #tpu.memory_space<vmem>>)
    %dma_wait3A_115 = arith.constant 0 : i32
    %dma_wait3A_116 = tpu.memref_slice %arg5[%dma_wait3A_115] : memref<320000xi32, #tpu.memory_space<hbm>> -> memref<40xi32, #tpu.memory_space<hbm>>
    %dma_wait3A_117 = arith.constant 0 : i32
    %dma_wait3A_118 = tpu.memref_slice %arg5[%dma_wait3A_117] : memref<320000xi32, #tpu.memory_space<hbm>> -> memref<40xi32, #tpu.memory_space<hbm>>
    tpu.wait_dma2 semaphore(%arg27 : memref<!tpu.dma_semaphore, #tpu.memory_space<semaphore_mem>>) src(%dma_wait3A_118 : memref<40xi32, #tpu.memory_space<hbm>>) dst(%arg11 : memref<40xi32, #tpu.memory_space<vmem>>)
    %dma_start3A_119 = arith.constant 0 : i32
    %dma_start3A_120 = arith.constant 0 : i32
    %dma_start3A_121 = tpu.memref_slice %arg2[%dma_start3A_119, %dma_start3A_120] : memref<10000x128xf32, #tpu.memory_space<hbm>> -> memref<10000x128xf32, #tpu.memory_space<hbm>>
    tpu.enqueue_indirect_dma source(%dma_start3A_121 : memref<10000x128xf32, #tpu.memory_space<hbm>>) target(%arg17 : memref<40x128xf32, #tpu.memory_space<vmem>>) offsets(%arg8 : memref<40xi32, #tpu.memory_space<vmem>>) semaphore(%arg30 : memref<!tpu.dma_semaphore, #tpu.memory_space<semaphore_mem>>)
    %dma_start3A_122 = arith.constant 0 : i32
    %dma_start3A_123 = arith.constant 0 : i32
    %dma_start3A_124 = tpu.memref_slice %arg3[%dma_start3A_122, %dma_start3A_123] : memref<10000x128xf32, #tpu.memory_space<hbm>> -> memref<10000x128xf32, #tpu.memory_space<hbm>>
    tpu.enqueue_indirect_dma source(%dma_start3A_124 : memref<10000x128xf32, #tpu.memory_space<hbm>>) target(%arg20 : memref<40x128xf32, #tpu.memory_space<vmem>>) offsets(%arg11 : memref<40xi32, #tpu.memory_space<vmem>>) semaphore(%arg30 : memref<!tpu.dma_semaphore, #tpu.memory_space<semaphore_mem>>)
    %scan3A_125 = arith.constant 0 : i32
    %scan3A_126 = arith.constant 0 : i32
    %scan3A_127 = arith.constant 83 : i32
    %scan3A_128 = arith.addi %scan3A_126, %scan3A_127 : i32
    %scan3A_129 = arith.constant 1 : i32
    scf.for %scan3A_187 = %scan3A_126 to %scan3A_128 step %scan3A_129  : i32 {
      %mul3A_188 = arith.constant 3 : i32
      %mul3A_189 = arith.muli %scan3A_187, %mul3A_188 : i32
      %add3A_190 = arith.constant 0 : i32
      %add3A_191 = arith.addi %mul3A_189, %add3A_190 : i32
      %dma_wait3A_192 = arith.constant 0 : i32
      %dma_wait3A_193 = arith.constant 0 : i32
      %dma_wait3A_194 = tpu.memref_slice %arg2[%dma_wait3A_192, %dma_wait3A_193] : memref<10000x128xf32, #tpu.memory_space<hbm>> -> memref<10000x128xf32, #tpu.memory_space<hbm>>
      tpu.wait_indirect_dma semaphore(%arg29 : memref<!tpu.dma_semaphore, #tpu.memory_space<semaphore_mem>>) src(%dma_wait3A_194 : memref<10000x128xf32, #tpu.memory_space<hbm>>) dst(%arg16 : memref<40x128xf32, #tpu.memory_space<vmem>>)
      %dma_wait3A_195 = arith.constant 0 : i32
      %dma_wait3A_196 = arith.constant 0 : i32
      %dma_wait3A_197 = tpu.memref_slice %arg3[%dma_wait3A_195, %dma_wait3A_196] : memref<10000x128xf32, #tpu.memory_space<hbm>> -> memref<10000x128xf32, #tpu.memory_space<hbm>>
      tpu.wait_indirect_dma semaphore(%arg29 : memref<!tpu.dma_semaphore, #tpu.memory_space<semaphore_mem>>) src(%dma_wait3A_197 : memref<10000x128xf32, #tpu.memory_space<hbm>>) dst(%arg19 : memref<40x128xf32, #tpu.memory_space<vmem>>)
      %ge3A = arith.constant 3 : i32
      %ge3A_198 = arith.cmpi sge, %add3A_191, %ge3A : i32
      %convert_element_type3A_199 = arith.extui %ge3A_198 : i1 to i32
      %cond3A_200 = arith.constant 0 : i32
      %cond3A_201 = arith.cmpi ne, %convert_element_type3A_199, %cond3A_200 : i32
      scf.if %cond3A_201 {
        %dma_wait3A_366 = arith.constant 0 : i32
        %dma_wait3A_367 = arith.constant 0 : i32
        %dma_wait3A_368 = tpu.memref_slice %arg25[%dma_wait3A_366, %dma_wait3A_367] : memref<10000x80xf32, #tpu.memory_space<vmem_shared>> -> memref<10000x80xf32, #tpu.memory_space<vmem_shared>>
        tpu.wait_indirect_dma semaphore(%arg32 : memref<!tpu.dma_semaphore, #tpu.memory_space<semaphore_mem>>) src(%arg22 : memref<40x80xf32, #tpu.memory_space<vmem>>) dst(%dma_wait3A_368 : memref<10000x80xf32, #tpu.memory_space<vmem_shared>>)
      } else {
      }
      %get3A_202 = arith.constant 0 : index
      %get3A_203 = tpu.vector_load %arg10[%get3A_202] {strides = array<i32>} : memref<40xi32, #tpu.memory_space<vmem>>, vector<16xi32>,
      %get3A_204 = vector.shape_cast %get3A_203 : vector<16xi32> to vector<16xi32>
      %swap3A_205 = arith.constant 0 : index
      %swap3A_206 = tpu.vector_load %arg13[%swap3A_205] {strides = array<i32>} : memref<40xi32, #tpu.memory_space<vmem>>, vector<16xi32>,
      %swap3A_207 = vector.shape_cast %swap3A_206 : vector<16xi32> to vector<16xi32>
      %swap3A_208 = vector.shape_cast %get3A_204 : vector<16xi32> to vector<16xi32>
      tpu.vector_store %arg13[%swap3A_205], %swap3A_208 {strides = array<i32>} : memref<40xi32, #tpu.memory_space<vmem>>, vector<16xi32>,
      %get3A_209 = arith.constant 16 : index
      %get3A_210 = tpu.vector_load %arg10[%get3A_209] {strides = array<i32>} : memref<40xi32, #tpu.memory_space<vmem>>, vector<16xi32>,
      %get3A_211 = vector.shape_cast %get3A_210 : vector<16xi32> to vector<16xi32>
      %swap3A_212 = arith.constant 16 : index
      %swap3A_213 = tpu.vector_load %arg13[%swap3A_212] {strides = array<i32>} : memref<40xi32, #tpu.memory_space<vmem>>, vector<16xi32>,
      %swap3A_214 = vector.shape_cast %swap3A_213 : vector<16xi32> to vector<16xi32>
      %swap3A_215 = vector.shape_cast %get3A_211 : vector<16xi32> to vector<16xi32>
      tpu.vector_store %arg13[%swap3A_212], %swap3A_215 {strides = array<i32>} : memref<40xi32, #tpu.memory_space<vmem>>, vector<16xi32>,
      %get3A_216 = arith.constant 24 : index
      %get3A_217 = tpu.vector_load %arg10[%get3A_216] {strides = array<i32>} : memref<40xi32, #tpu.memory_space<vmem>>, vector<16xi32>,
      %get3A_218 = vector.shape_cast %get3A_217 : vector<16xi32> to vector<16xi32>
      %swap3A_219 = arith.constant 24 : index
      %swap3A_220 = tpu.vector_load %arg13[%swap3A_219] {strides = array<i32>} : memref<40xi32, #tpu.memory_space<vmem>>, vector<16xi32>,
      %swap3A_221 = vector.shape_cast %swap3A_220 : vector<16xi32> to vector<16xi32>
      %swap3A_222 = vector.shape_cast %get3A_218 : vector<16xi32> to vector<16xi32>
      tpu.vector_store %arg13[%swap3A_219], %swap3A_222 {strides = array<i32>} : memref<40xi32, #tpu.memory_space<vmem>>, vector<16xi32>,
      %add3A_223 = arith.constant 3 : i32
      %add3A_224 = arith.addi %add3A_191, %add3A_223 : i32
      %lt3A = arith.constant 250 : i32
      %lt3A_225 = arith.cmpi slt, %add3A_224, %lt3A : i32
      %convert_element_type3A_226 = arith.extui %lt3A_225 : i1 to i32
      %cond3A_227 = arith.constant 0 : i32
      %cond3A_228 = arith.cmpi ne, %convert_element_type3A_226, %cond3A_227 : i32
      scf.if %cond3A_228 {
        %add3A_366 = arith.constant 3 : i32
        %add3A_367 = arith.addi %add3A_191, %add3A_366 : i32
        %mul3A_368 = arith.constant 10000 : i32
        %mul3A_369 = arith.muli %add3A, %mul3A_368 : i32
        %mul3A_370 = arith.constant 40 : i32
        %mul3A_371 = arith.muli %add3A_367, %mul3A_370 : i32
        %add3A_372 = arith.addi %mul3A_369, %mul3A_371 : i32
        %multiple_of3A_373 = tpu.assume_multiple %add3A_372, 8 : i32
        %dma_start3A_374 = tpu.memref_slice %arg4[%multiple_of3A_373] : memref<320000xi32, #tpu.memory_space<hbm>> -> memref<40xi32, #tpu.memory_space<hbm>>
        %dma_start3A_375 = tpu.memref_slice %arg4[%multiple_of3A_373] : memref<320000xi32, #tpu.memory_space<hbm>> -> memref<40xi32, #tpu.memory_space<hbm>>
        tpu.enqueue_dma source(%dma_start3A_375 : memref<40xi32, #tpu.memory_space<hbm>>) target(%arg7 : memref<40xi32, #tpu.memory_space<vmem>>) target_semaphore(%arg26 : memref<!tpu.dma_semaphore, #tpu.memory_space<semaphore_mem>>)
        %dma_start3A_376 = tpu.memref_slice %arg5[%multiple_of3A_373] : memref<320000xi32, #tpu.memory_space<hbm>> -> memref<40xi32, #tpu.memory_space<hbm>>
        %dma_start3A_377 = tpu.memref_slice %arg5[%multiple_of3A_373] : memref<320000xi32, #tpu.memory_space<hbm>> -> memref<40xi32, #tpu.memory_space<hbm>>
        tpu.enqueue_dma source(%dma_start3A_377 : memref<40xi32, #tpu.memory_space<hbm>>) target(%arg10 : memref<40xi32, #tpu.memory_space<vmem>>) target_semaphore(%arg26 : memref<!tpu.dma_semaphore, #tpu.memory_space<semaphore_mem>>)
      } else {
      }
      %iota3A_229 = tpu.iota {dimensions = array<i32: 0>} : vector<16xi32>
      %scan3A_230 = arith.constant 0 : i32
      %scan3A_231 = arith.constant 0 : i32
      %scan3A_232 = arith.constant 40 : i32
      %scan3A_233 = arith.addi %scan3A_231, %scan3A_232 : i32
      %scan3A_234 = arith.constant 1 : i32
      scf.for %scan3A_366 = %scan3A_231 to %scan3A_233 step %scan3A_234  : i32 {
        %get3A_367 = arith.index_cast %scan3A_366 : i32 to index
        %get3A_368 = arith.constant 64 : index
        %get3A_369 = tpu.vector_load %arg16[%get3A_367, %get3A_368] {strides = array<i32>} : memref<40x128xf32, #tpu.memory_space<vmem>>, vector<1x16xf32>,
        %get3A_370 = vector.shape_cast %get3A_369 : vector<1x16xf32> to vector<16xf32>
        %get3A_371 = arith.index_cast %scan3A_366 : i32 to index
        %get3A_372 = arith.constant 0 : index
        %get3A_373 = tpu.vector_load %arg19[%get3A_371, %get3A_372] {strides = array<i32>} : memref<40x128xf32, #tpu.memory_space<vmem>>, vector<1x16xf32>,
        %get3A_374 = vector.shape_cast %get3A_373 : vector<1x16xf32> to vector<16xf32>
        %add3A_375 = arith.addf %get3A_370, %get3A_374 : vector<16xf32>
        %ge3A_376 = arith.constant 0.000000e+00 : f32
        %ge3A_377 = vector.broadcast %ge3A_376 : f32 to vector<16xf32>
        %ge3A_378 = arith.cmpf oge, %add3A_375, %ge3A_377 : vector<16xf32>
        %mul3A_379 = arith.constant 2.000000e-01 : f32
        %mul3A_380 = vector.broadcast %mul3A_379 : f32 to vector<16xf32>
        %mul3A_381 = arith.mulf %mul3A_380, %add3A_375 : vector<16xf32>
        %select_n3A = arith.select %ge3A_378, %add3A_375, %mul3A_381 : vector<16xi1>, vector<16xf32>
        %exp3A = math.exp %select_n3A : vector<16xf32>
        %swap3A_382 = arith.index_cast %scan3A_366 : i32 to index
        %swap3A_383 = arith.constant 64 : index
        %swap3A_384 = tpu.vector_load %arg22[%swap3A_382, %swap3A_383] {strides = array<i32>} : memref<40x80xf32, #tpu.memory_space<vmem>>, vector<1x16xf32>,
        %swap3A_385 = vector.shape_cast %swap3A_384 : vector<1x16xf32> to vector<16xf32>
        %swap3A_386 = vector.shape_cast %exp3A : vector<16xf32> to vector<1x16xf32>
        tpu.vector_store %arg22[%swap3A_382, %swap3A_383], %swap3A_386 {strides = array<i32>} : memref<40x80xf32, #tpu.memory_space<vmem>>, vector<1x16xf32>,
        %ge3A_387 = arith.constant 8 : i32
        %ge3A_388 = vector.broadcast %ge3A_387 : i32 to vector<16xi32>
        %ge3A_389 = arith.cmpi sge, %iota3A_229, %ge3A_388 : vector<16xi32>
        %jit3A = arith.constant 1 : i32
        %jit3A_390 = arith.constant 0 : i32
        %broadcast_in_dim3A_391 = vector.broadcast %jit3A : i32 to vector<16xi32>
        %broadcast_in_dim3A_392 = vector.broadcast %jit3A_390 : i32 to vector<16xi32>
        %select_n3A_393 = arith.select %ge3A_389, %broadcast_in_dim3A_391, %broadcast_in_dim3A_392 : vector<16xi1>, vector<16xi32>
        %lt3A_394 = arith.constant 0 : i32
        %lt3A_395 = vector.broadcast %lt3A_394 : i32 to vector<16xi32>
        %lt3A_396 = arith.cmpi slt, %select_n3A_393, %lt3A_395 : vector<16xi32>
        %add3A_397 = arith.constant 16 : i32
        %add3A_398 = vector.broadcast %add3A_397 : i32 to vector<16xi32>
        %add3A_399 = arith.addi %select_n3A_393, %add3A_398 : vector<16xi32>
        %select_n3A_400 = arith.select %lt3A_396, %add3A_399, %select_n3A_393 : vector<16xi1>, vector<16xi32>
        %broadcast_in_dim3A_401 = vector.shape_cast %select_n3A_400 : vector<16xi32> to vector<16x1xi32>
        %gather3A = vector.shape_cast %broadcast_in_dim3A_401 : vector<16x1xi32> to vector<16xi32>
        %gather3A_402 = tpu.dynamic_gather %exp3A[%gather3A] in [0] : vector<16xf32>, vector<16xi32> -> vector<16xf32>
        %get3A_403 = arith.index_cast %scan3A_366 : i32 to index
        %get3A_404 = arith.constant 0 : index
        %get3A_405 = tpu.vector_load %arg16[%get3A_403, %get3A_404] {strides = array<i32>} : memref<40x128xf32, #tpu.memory_space<vmem>>, vector<1x16xf32>,
        %get3A_406 = vector.shape_cast %get3A_405 : vector<1x16xf32> to vector<16xf32>
        %mul3A_407 = arith.mulf %get3A_406, %gather3A_402 : vector<16xf32>
        %swap3A_408 = arith.index_cast %scan3A_366 : i32 to index
        %swap3A_409 = arith.constant 0 : index
        %swap3A_410 = tpu.vector_load %arg22[%swap3A_408, %swap3A_409] {strides = array<i32>} : memref<40x80xf32, #tpu.memory_space<vmem>>, vector<1x16xf32>,
        %swap3A_411 = vector.shape_cast %swap3A_410 : vector<1x16xf32> to vector<16xf32>
        %swap3A_412 = vector.shape_cast %mul3A_407 : vector<16xf32> to vector<1x16xf32>
        tpu.vector_store %arg22[%swap3A_408, %swap3A_409], %swap3A_412 {strides = array<i32>} : memref<40x80xf32, #tpu.memory_space<vmem>>, vector<1x16xf32>,
        %ge3A_413 = arith.constant 8 : i32
        %ge3A_414 = vector.broadcast %ge3A_413 : i32 to vector<16xi32>
        %ge3A_415 = arith.cmpi sge, %iota3A_229, %ge3A_414 : vector<16xi32>
        %jit3A_416 = arith.constant 3 : i32
        %jit3A_417 = arith.constant 2 : i32
        %broadcast_in_dim3A_418 = vector.broadcast %jit3A_416 : i32 to vector<16xi32>
        %broadcast_in_dim3A_419 = vector.broadcast %jit3A_417 : i32 to vector<16xi32>
        %select_n3A_420 = arith.select %ge3A_415, %broadcast_in_dim3A_418, %broadcast_in_dim3A_419 : vector<16xi1>, vector<16xi32>
        %lt3A_421 = arith.constant 0 : i32
        %lt3A_422 = vector.broadcast %lt3A_421 : i32 to vector<16xi32>
        %lt3A_423 = arith.cmpi slt, %select_n3A_420, %lt3A_422 : vector<16xi32>
        %add3A_424 = arith.constant 16 : i32
        %add3A_425 = vector.broadcast %add3A_424 : i32 to vector<16xi32>
        %add3A_426 = arith.addi %select_n3A_420, %add3A_425 : vector<16xi32>
        %select_n3A_427 = arith.select %lt3A_423, %add3A_426, %select_n3A_420 : vector<16xi1>, vector<16xi32>
        %broadcast_in_dim3A_428 = vector.shape_cast %select_n3A_427 : vector<16xi32> to vector<16x1xi32>
        %gather3A_429 = vector.shape_cast %broadcast_in_dim3A_428 : vector<16x1xi32> to vector<16xi32>
        %gather3A_430 = tpu.dynamic_gather %exp3A[%gather3A_429] in [0] : vector<16xf32>, vector<16xi32> -> vector<16xf32>
        %get3A_431 = arith.index_cast %scan3A_366 : i32 to index
        %get3A_432 = arith.constant 16 : index
        %get3A_433 = tpu.vector_load %arg16[%get3A_431, %get3A_432] {strides = array<i32>} : memref<40x128xf32, #tpu.memory_space<vmem>>, vector<1x16xf32>,
        %get3A_434 = vector.shape_cast %get3A_433 : vector<1x16xf32> to vector<16xf32>
        %mul3A_435 = arith.mulf %get3A_434, %gather3A_430 : vector<16xf32>
        %swap3A_436 = arith.index_cast %scan3A_366 : i32 to index
        %swap3A_437 = arith.constant 16 : index
        %swap3A_438 = tpu.vector_load %arg22[%swap3A_436, %swap3A_437] {strides = array<i32>} : memref<40x80xf32, #tpu.memory_space<vmem>>, vector<1x16xf32>,
        %swap3A_439 = vector.shape_cast %swap3A_438 : vector<1x16xf32> to vector<16xf32>
        %swap3A_440 = vector.shape_cast %mul3A_435 : vector<16xf32> to vector<1x16xf32>
        tpu.vector_store %arg22[%swap3A_436, %swap3A_437], %swap3A_440 {strides = array<i32>} : memref<40x80xf32, #tpu.memory_space<vmem>>, vector<1x16xf32>,
        %ge3A_441 = arith.constant 8 : i32
        %ge3A_442 = vector.broadcast %ge3A_441 : i32 to vector<16xi32>
        %ge3A_443 = arith.cmpi sge, %iota3A_229, %ge3A_442 : vector<16xi32>
        %jit3A_444 = arith.constant 5 : i32
        %jit3A_445 = arith.constant 4 : i32
        %broadcast_in_dim3A_446 = vector.broadcast %jit3A_444 : i32 to vector<16xi32>
        %broadcast_in_dim3A_447 = vector.broadcast %jit3A_445 : i32 to vector<16xi32>
        %select_n3A_448 = arith.select %ge3A_443, %broadcast_in_dim3A_446, %broadcast_in_dim3A_447 : vector<16xi1>, vector<16xi32>
        %lt3A_449 = arith.constant 0 : i32
        %lt3A_450 = vector.broadcast %lt3A_449 : i32 to vector<16xi32>
        %lt3A_451 = arith.cmpi slt, %select_n3A_448, %lt3A_450 : vector<16xi32>
        %add3A_452 = arith.constant 16 : i32
        %add3A_453 = vector.broadcast %add3A_452 : i32 to vector<16xi32>
        %add3A_454 = arith.addi %select_n3A_448, %add3A_453 : vector<16xi32>
        %select_n3A_455 = arith.select %lt3A_451, %add3A_454, %select_n3A_448 : vector<16xi1>, vector<16xi32>
        %broadcast_in_dim3A_456 = vector.shape_cast %select_n3A_455 : vector<16xi32> to vector<16x1xi32>
        %gather3A_457 = vector.shape_cast %broadcast_in_dim3A_456 : vector<16x1xi32> to vector<16xi32>
        %gather3A_458 = tpu.dynamic_gather %exp3A[%gather3A_457] in [0] : vector<16xf32>, vector<16xi32> -> vector<16xf32>
        %get3A_459 = arith.index_cast %scan3A_366 : i32 to index
        %get3A_460 = arith.constant 32 : index
        %get3A_461 = tpu.vector_load %arg16[%get3A_459, %get3A_460] {strides = array<i32>} : memref<40x128xf32, #tpu.memory_space<vmem>>, vector<1x16xf32>,
        %get3A_462 = vector.shape_cast %get3A_461 : vector<1x16xf32> to vector<16xf32>
        %mul3A_463 = arith.mulf %get3A_462, %gather3A_458 : vector<16xf32>
        %swap3A_464 = arith.index_cast %scan3A_366 : i32 to index
        %swap3A_465 = arith.constant 32 : index
        %swap3A_466 = tpu.vector_load %arg22[%swap3A_464, %swap3A_465] {strides = array<i32>} : memref<40x80xf32, #tpu.memory_space<vmem>>, vector<1x16xf32>,
        %swap3A_467 = vector.shape_cast %swap3A_466 : vector<1x16xf32> to vector<16xf32>
        %swap3A_468 = vector.shape_cast %mul3A_463 : vector<16xf32> to vector<1x16xf32>
        tpu.vector_store %arg22[%swap3A_464, %swap3A_465], %swap3A_468 {strides = array<i32>} : memref<40x80xf32, #tpu.memory_space<vmem>>, vector<1x16xf32>,
        %ge3A_469 = arith.constant 8 : i32
        %ge3A_470 = vector.broadcast %ge3A_469 : i32 to vector<16xi32>
        %ge3A_471 = arith.cmpi sge, %iota3A_229, %ge3A_470 : vector<16xi32>
        %jit3A_472 = arith.constant 7 : i32
        %jit3A_473 = arith.constant 6 : i32
        %broadcast_in_dim3A_474 = vector.broadcast %jit3A_472 : i32 to vector<16xi32>
        %broadcast_in_dim3A_475 = vector.broadcast %jit3A_473 : i32 to vector<16xi32>
        %select_n3A_476 = arith.select %ge3A_471, %broadcast_in_dim3A_474, %broadcast_in_dim3A_475 : vector<16xi1>, vector<16xi32>
        %lt3A_477 = arith.constant 0 : i32
        %lt3A_478 = vector.broadcast %lt3A_477 : i32 to vector<16xi32>
        %lt3A_479 = arith.cmpi slt, %select_n3A_476, %lt3A_478 : vector<16xi32>
        %add3A_480 = arith.constant 16 : i32
        %add3A_481 = vector.broadcast %add3A_480 : i32 to vector<16xi32>
        %add3A_482 = arith.addi %select_n3A_476, %add3A_481 : vector<16xi32>
        %select_n3A_483 = arith.select %lt3A_479, %add3A_482, %select_n3A_476 : vector<16xi1>, vector<16xi32>
        %broadcast_in_dim3A_484 = vector.shape_cast %select_n3A_483 : vector<16xi32> to vector<16x1xi32>
        %gather3A_485 = vector.shape_cast %broadcast_in_dim3A_484 : vector<16x1xi32> to vector<16xi32>
        %gather3A_486 = tpu.dynamic_gather %exp3A[%gather3A_485] in [0] : vector<16xf32>, vector<16xi32> -> vector<16xf32>
        %get3A_487 = arith.index_cast %scan3A_366 : i32 to index
        %get3A_488 = arith.constant 48 : index
        %get3A_489 = tpu.vector_load %arg16[%get3A_487, %get3A_488] {strides = array<i32>} : memref<40x128xf32, #tpu.memory_space<vmem>>, vector<1x16xf32>,
        %get3A_490 = vector.shape_cast %get3A_489 : vector<1x16xf32> to vector<16xf32>
        %mul3A_491 = arith.mulf %get3A_490, %gather3A_486 : vector<16xf32>
        %swap3A_492 = arith.index_cast %scan3A_366 : i32 to index
        %swap3A_493 = arith.constant 48 : index
        %swap3A_494 = tpu.vector_load %arg22[%swap3A_492, %swap3A_493] {strides = array<i32>} : memref<40x80xf32, #tpu.memory_space<vmem>>, vector<1x16xf32>,
        %swap3A_495 = vector.shape_cast %swap3A_494 : vector<1x16xf32> to vector<16xf32>
        %swap3A_496 = vector.shape_cast %mul3A_491 : vector<16xf32> to vector<1x16xf32>
        tpu.vector_store %arg22[%swap3A_492, %swap3A_493], %swap3A_496 {strides = array<i32>} : memref<40x80xf32, #tpu.memory_space<vmem>>, vector<1x16xf32>,
      }
      %scan3A_235 = arith.constant 40 : i32
      %dma_start3A_236 = arith.constant 0 : i32
      %dma_start3A_237 = arith.constant 0 : i32
      %dma_start3A_238 = tpu.memref_slice %arg25[%dma_start3A_236, %dma_start3A_237] : memref<10000x80xf32, #tpu.memory_space<vmem_shared>> -> memref<10000x80xf32, #tpu.memory_space<vmem_shared>>
      tpu.enqueue_indirect_dma source(%arg22 : memref<40x80xf32, #tpu.memory_space<vmem>>) target(%dma_start3A_238 : memref<10000x80xf32, #tpu.memory_space<vmem_shared>>) offsets(%arg13 : memref<40xi32, #tpu.memory_space<vmem>>) semaphore(%arg32 : memref<!tpu.dma_semaphore, #tpu.memory_space<semaphore_mem>>) {add = true}
      %add3A_239 = arith.constant 2 : i32
      %add3A_240 = arith.addi %add3A_191, %add3A_239 : i32
      %lt3A_241 = arith.constant 250 : i32
      %lt3A_242 = arith.cmpi slt, %add3A_240, %lt3A_241 : i32
      %convert_element_type3A_243 = arith.extui %lt3A_242 : i1 to i32
      %cond3A_244 = arith.constant 0 : i32
      %cond3A_245 = arith.cmpi ne, %convert_element_type3A_243, %cond3A_244 : i32
      scf.if %cond3A_245 {
        %dma_wait3A_366 = arith.constant 0 : i32
        %dma_wait3A_367 = tpu.memref_slice %arg4[%dma_wait3A_366] : memref<320000xi32, #tpu.memory_space<hbm>> -> memref<40xi32, #tpu.memory_space<hbm>>
        %dma_wait3A_368 = arith.constant 0 : i32
        %dma_wait3A_369 = tpu.memref_slice %arg4[%dma_wait3A_368] : memref<320000xi32, #tpu.memory_space<hbm>> -> memref<40xi32, #tpu.memory_space<hbm>>
        tpu.wait_dma2 semaphore(%arg28 : memref<!tpu.dma_semaphore, #tpu.memory_space<semaphore_mem>>) src(%dma_wait3A_369 : memref<40xi32, #tpu.memory_space<hbm>>) dst(%arg9 : memref<40xi32, #tpu.memory_space<vmem>>)
        %dma_wait3A_370 = arith.constant 0 : i32
        %dma_wait3A_371 = tpu.memref_slice %arg5[%dma_wait3A_370] : memref<320000xi32, #tpu.memory_space<hbm>> -> memref<40xi32, #tpu.memory_space<hbm>>
        %dma_wait3A_372 = arith.constant 0 : i32
        %dma_wait3A_373 = tpu.memref_slice %arg5[%dma_wait3A_372] : memref<320000xi32, #tpu.memory_space<hbm>> -> memref<40xi32, #tpu.memory_space<hbm>>
        tpu.wait_dma2 semaphore(%arg28 : memref<!tpu.dma_semaphore, #tpu.memory_space<semaphore_mem>>) src(%dma_wait3A_373 : memref<40xi32, #tpu.memory_space<hbm>>) dst(%arg12 : memref<40xi32, #tpu.memory_space<vmem>>)
        %dma_start3A_374 = arith.constant 0 : i32
        %dma_start3A_375 = arith.constant 0 : i32
        %dma_start3A_376 = tpu.memref_slice %arg2[%dma_start3A_374, %dma_start3A_375] : memref<10000x128xf32, #tpu.memory_space<hbm>> -> memref<10000x128xf32, #tpu.memory_space<hbm>>
        tpu.enqueue_indirect_dma source(%dma_start3A_376 : memref<10000x128xf32, #tpu.memory_space<hbm>>) target(%arg18 : memref<40x128xf32, #tpu.memory_space<vmem>>) offsets(%arg9 : memref<40xi32, #tpu.memory_space<vmem>>) semaphore(%arg31 : memref<!tpu.dma_semaphore, #tpu.memory_space<semaphore_mem>>)
        %dma_start3A_377 = arith.constant 0 : i32
        %dma_start3A_378 = arith.constant 0 : i32
        %dma_start3A_379 = tpu.memref_slice %arg3[%dma_start3A_377, %dma_start3A_378] : memref<10000x128xf32, #tpu.memory_space<hbm>> -> memref<10000x128xf32, #tpu.memory_space<hbm>>
        tpu.enqueue_indirect_dma source(%dma_start3A_379 : memref<10000x128xf32, #tpu.memory_space<hbm>>) target(%arg21 : memref<40x128xf32, #tpu.memory_space<vmem>>) offsets(%arg12 : memref<40xi32, #tpu.memory_space<vmem>>) semaphore(%arg31 : memref<!tpu.dma_semaphore, #tpu.memory_space<semaphore_mem>>)
      } else {
      }
      %mul3A_246 = arith.constant 3 : i32
      %mul3A_247 = arith.muli %scan3A_187, %mul3A_246 : i32
      %add3A_248 = arith.constant 1 : i32
      %add3A_249 = arith.addi %mul3A_247, %add3A_248 : i32
      %dma_wait3A_250 = arith.constant 0 : i32
      %dma_wait3A_251 = arith.constant 0 : i32
      %dma_wait3A_252 = tpu.memref_slice %arg2[%dma_wait3A_250, %dma_wait3A_251] : memref<10000x128xf32, #tpu.memory_space<hbm>> -> memref<10000x128xf32, #tpu.memory_space<hbm>>
      tpu.wait_indirect_dma semaphore(%arg30 : memref<!tpu.dma_semaphore, #tpu.memory_space<semaphore_mem>>) src(%dma_wait3A_252 : memref<10000x128xf32, #tpu.memory_space<hbm>>) dst(%arg17 : memref<40x128xf32, #tpu.memory_space<vmem>>)
      %dma_wait3A_253 = arith.constant 0 : i32
      %dma_wait3A_254 = arith.constant 0 : i32
      %dma_wait3A_255 = tpu.memref_slice %arg3[%dma_wait3A_253, %dma_wait3A_254] : memref<10000x128xf32, #tpu.memory_space<hbm>> -> memref<10000x128xf32, #tpu.memory_space<hbm>>
      tpu.wait_indirect_dma semaphore(%arg30 : memref<!tpu.dma_semaphore, #tpu.memory_space<semaphore_mem>>) src(%dma_wait3A_255 : memref<10000x128xf32, #tpu.memory_space<hbm>>) dst(%arg20 : memref<40x128xf32, #tpu.memory_space<vmem>>)
      %ge3A_256 = arith.constant 3 : i32
      %ge3A_257 = arith.cmpi sge, %add3A_249, %ge3A_256 : i32
      %convert_element_type3A_258 = arith.extui %ge3A_257 : i1 to i32
      %cond3A_259 = arith.constant 0 : i32
      %cond3A_260 = arith.cmpi ne, %convert_element_type3A_258, %cond3A_259 : i32
      scf.if %cond3A_260 {
        %dma_wait3A_366 = arith.constant 0 : i32
        %dma_wait3A_367 = arith.constant 0 : i32
        %dma_wait3A_368 = tpu.memref_slice %arg25[%dma_wait3A_366, %dma_wait3A_367] : memref<10000x80xf32, #tpu.memory_space<vmem_shared>> -> memref<10000x80xf32, #tpu.memory_space<vmem_shared>>
        tpu.wait_indirect_dma semaphore(%arg33 : memref<!tpu.dma_semaphore, #tpu.memory_space<semaphore_mem>>) src(%arg23 : memref<40x80xf32, #tpu.memory_space<vmem>>) dst(%dma_wait3A_368 : memref<10000x80xf32, #tpu.memory_space<vmem_shared>>)
      } else {
      }
      %get3A_261 = arith.constant 0 : index
      %get3A_262 = tpu.vector_load %arg11[%get3A_261] {strides = array<i32>} : memref<40xi32, #tpu.memory_space<vmem>>, vector<16xi32>,
      %get3A_263 = vector.shape_cast %get3A_262 : vector<16xi32> to vector<16xi32>
      %swap3A_264 = arith.constant 0 : index
      %swap3A_265 = tpu.vector_load %arg14[%swap3A_264] {strides = array<i32>} : memref<40xi32, #tpu.memory_space<vmem>>, vector<16xi32>,
      %swap3A_266 = vector.shape_cast %swap3A_265 : vector<16xi32> to vector<16xi32>
      %swap3A_267 = vector.shape_cast %get3A_263 : vector<16xi32> to vector<16xi32>
      tpu.vector_store %arg14[%swap3A_264], %swap3A_267 {strides = array<i32>} : memref<40xi32, #tpu.memory_space<vmem>>, vector<16xi32>,
      %get3A_268 = arith.constant 16 : index
      %get3A_269 = tpu.vector_load %arg11[%get3A_268] {strides = array<i32>} : memref<40xi32, #tpu.memory_space<vmem>>, vector<16xi32>,
      %get3A_270 = vector.shape_cast %get3A_269 : vector<16xi32> to vector<16xi32>
      %swap3A_271 = arith.constant 16 : index
      %swap3A_272 = tpu.vector_load %arg14[%swap3A_271] {strides = array<i32>} : memref<40xi32, #tpu.memory_space<vmem>>, vector<16xi32>,
      %swap3A_273 = vector.shape_cast %swap3A_272 : vector<16xi32> to vector<16xi32>
      %swap3A_274 = vector.shape_cast %get3A_270 : vector<16xi32> to vector<16xi32>
      tpu.vector_store %arg14[%swap3A_271], %swap3A_274 {strides = array<i32>} : memref<40xi32, #tpu.memory_space<vmem>>, vector<16xi32>,
      %get3A_275 = arith.constant 24 : index
      %get3A_276 = tpu.vector_load %arg11[%get3A_275] {strides = array<i32>} : memref<40xi32, #tpu.memory_space<vmem>>, vector<16xi32>,
      %get3A_277 = vector.shape_cast %get3A_276 : vector<16xi32> to vector<16xi32>
      %swap3A_278 = arith.constant 24 : index
      %swap3A_279 = tpu.vector_load %arg14[%swap3A_278] {strides = array<i32>} : memref<40xi32, #tpu.memory_space<vmem>>, vector<16xi32>,
      %swap3A_280 = vector.shape_cast %swap3A_279 : vector<16xi32> to vector<16xi32>
      %swap3A_281 = vector.shape_cast %get3A_277 : vector<16xi32> to vector<16xi32>
      tpu.vector_store %arg14[%swap3A_278], %swap3A_281 {strides = array<i32>} : memref<40xi32, #tpu.memory_space<vmem>>, vector<16xi32>,
      %add3A_282 = arith.constant 3 : i32
      %add3A_283 = arith.addi %add3A_249, %add3A_282 : i32
      %lt3A_284 = arith.constant 250 : i32
      %lt3A_285 = arith.cmpi slt, %add3A_283, %lt3A_284 : i32
      %convert_element_type3A_286 = arith.extui %lt3A_285 : i1 to i32
      %cond3A_287 = arith.constant 0 : i32
      %cond3A_288 = arith.cmpi ne, %convert_element_type3A_286, %cond3A_287 : i32
      scf.if %cond3A_288 {
        %add3A_366 = arith.constant 3 : i32
        %add3A_367 = arith.addi %add3A_249, %add3A_366 : i32
        %mul3A_368 = arith.constant 10000 : i32
        %mul3A_369 = arith.muli %add3A, %mul3A_368 : i32
        %mul3A_370 = arith.constant 40 : i32
        %mul3A_371 = arith.muli %add3A_367, %mul3A_370 : i32
        %add3A_372 = arith.addi %mul3A_369, %mul3A_371 : i32
        %multiple_of3A_373 = tpu.assume_multiple %add3A_372, 8 : i32
        %dma_start3A_374 = tpu.memref_slice %arg4[%multiple_of3A_373] : memref<320000xi32, #tpu.memory_space<hbm>> -> memref<40xi32, #tpu.memory_space<hbm>>
        %dma_start3A_375 = tpu.memref_slice %arg4[%multiple_of3A_373] : memref<320000xi32, #tpu.memory_space<hbm>> -> memref<40xi32, #tpu.memory_space<hbm>>
        tpu.enqueue_dma source(%dma_start3A_375 : memref<40xi32, #tpu.memory_space<hbm>>) target(%arg8 : memref<40xi32, #tpu.memory_space<vmem>>) target_semaphore(%arg27 : memref<!tpu.dma_semaphore, #tpu.memory_space<semaphore_mem>>)
        %dma_start3A_376 = tpu.memref_slice %arg5[%multiple_of3A_373] : memref<320000xi32, #tpu.memory_space<hbm>> -> memref<40xi32, #tpu.memory_space<hbm>>
        %dma_start3A_377 = tpu.memref_slice %arg5[%multiple_of3A_373] : memref<320000xi32, #tpu.memory_space<hbm>> -> memref<40xi32, #tpu.memory_space<hbm>>
        tpu.enqueue_dma source(%dma_start3A_377 : memref<40xi32, #tpu.memory_space<hbm>>) target(%arg11 : memref<40xi32, #tpu.memory_space<vmem>>) target_semaphore(%arg27 : memref<!tpu.dma_semaphore, #tpu.memory_space<semaphore_mem>>)
      } else {
      }
      %iota3A_289 = tpu.iota {dimensions = array<i32: 0>} : vector<16xi32>
      %scan3A_290 = arith.constant 0 : i32
      %scan3A_291 = arith.constant 0 : i32
      %scan3A_292 = arith.constant 40 : i32
      %scan3A_293 = arith.addi %scan3A_291, %scan3A_292 : i32
      %scan3A_294 = arith.constant 1 : i32
      scf.for %scan3A_366 = %scan3A_291 to %scan3A_293 step %scan3A_294  : i32 {
        %get3A_367 = arith.index_cast %scan3A_366 : i32 to index
        %get3A_368 = arith.constant 64 : index
        %get3A_369 = tpu.vector_load %arg17[%get3A_367, %get3A_368] {strides = array<i32>} : memref<40x128xf32, #tpu.memory_space<vmem>>, vector<1x16xf32>,
        %get3A_370 = vector.shape_cast %get3A_369 : vector<1x16xf32> to vector<16xf32>
        %get3A_371 = arith.index_cast %scan3A_366 : i32 to index
        %get3A_372 = arith.constant 0 : index
        %get3A_373 = tpu.vector_load %arg20[%get3A_371, %get3A_372] {strides = array<i32>} : memref<40x128xf32, #tpu.memory_space<vmem>>, vector<1x16xf32>,
        %get3A_374 = vector.shape_cast %get3A_373 : vector<1x16xf32> to vector<16xf32>
        %add3A_375 = arith.addf %get3A_370, %get3A_374 : vector<16xf32>
        %ge3A_376 = arith.constant 0.000000e+00 : f32
        %ge3A_377 = vector.broadcast %ge3A_376 : f32 to vector<16xf32>
        %ge3A_378 = arith.cmpf oge, %add3A_375, %ge3A_377 : vector<16xf32>
        %mul3A_379 = arith.constant 2.000000e-01 : f32
        %mul3A_380 = vector.broadcast %mul3A_379 : f32 to vector<16xf32>
        %mul3A_381 = arith.mulf %mul3A_380, %add3A_375 : vector<16xf32>
        %select_n3A = arith.select %ge3A_378, %add3A_375, %mul3A_381 : vector<16xi1>, vector<16xf32>
        %exp3A = math.exp %select_n3A : vector<16xf32>
        %swap3A_382 = arith.index_cast %scan3A_366 : i32 to index
        %swap3A_383 = arith.constant 64 : index
        %swap3A_384 = tpu.vector_load %arg23[%swap3A_382, %swap3A_383] {strides = array<i32>} : memref<40x80xf32, #tpu.memory_space<vmem>>, vector<1x16xf32>,
        %swap3A_385 = vector.shape_cast %swap3A_384 : vector<1x16xf32> to vector<16xf32>
        %swap3A_386 = vector.shape_cast %exp3A : vector<16xf32> to vector<1x16xf32>
        tpu.vector_store %arg23[%swap3A_382, %swap3A_383], %swap3A_386 {strides = array<i32>} : memref<40x80xf32, #tpu.memory_space<vmem>>, vector<1x16xf32>,
        %ge3A_387 = arith.constant 8 : i32
        %ge3A_388 = vector.broadcast %ge3A_387 : i32 to vector<16xi32>
        %ge3A_389 = arith.cmpi sge, %iota3A_289, %ge3A_388 : vector<16xi32>
        %jit3A = arith.constant 1 : i32
        %jit3A_390 = arith.constant 0 : i32
        %broadcast_in_dim3A_391 = vector.broadcast %jit3A : i32 to vector<16xi32>
        %broadcast_in_dim3A_392 = vector.broadcast %jit3A_390 : i32 to vector<16xi32>
        %select_n3A_393 = arith.select %ge3A_389, %broadcast_in_dim3A_391, %broadcast_in_dim3A_392 : vector<16xi1>, vector<16xi32>
        %lt3A_394 = arith.constant 0 : i32
        %lt3A_395 = vector.broadcast %lt3A_394 : i32 to vector<16xi32>
        %lt3A_396 = arith.cmpi slt, %select_n3A_393, %lt3A_395 : vector<16xi32>
        %add3A_397 = arith.constant 16 : i32
        %add3A_398 = vector.broadcast %add3A_397 : i32 to vector<16xi32>
        %add3A_399 = arith.addi %select_n3A_393, %add3A_398 : vector<16xi32>
        %select_n3A_400 = arith.select %lt3A_396, %add3A_399, %select_n3A_393 : vector<16xi1>, vector<16xi32>
        %broadcast_in_dim3A_401 = vector.shape_cast %select_n3A_400 : vector<16xi32> to vector<16x1xi32>
        %gather3A = vector.shape_cast %broadcast_in_dim3A_401 : vector<16x1xi32> to vector<16xi32>
        %gather3A_402 = tpu.dynamic_gather %exp3A[%gather3A] in [0] : vector<16xf32>, vector<16xi32> -> vector<16xf32>
        %get3A_403 = arith.index_cast %scan3A_366 : i32 to index
        %get3A_404 = arith.constant 0 : index
        %get3A_405 = tpu.vector_load %arg17[%get3A_403, %get3A_404] {strides = array<i32>} : memref<40x128xf32, #tpu.memory_space<vmem>>, vector<1x16xf32>,
        %get3A_406 = vector.shape_cast %get3A_405 : vector<1x16xf32> to vector<16xf32>
        %mul3A_407 = arith.mulf %get3A_406, %gather3A_402 : vector<16xf32>
        %swap3A_408 = arith.index_cast %scan3A_366 : i32 to index
        %swap3A_409 = arith.constant 0 : index
        %swap3A_410 = tpu.vector_load %arg23[%swap3A_408, %swap3A_409] {strides = array<i32>} : memref<40x80xf32, #tpu.memory_space<vmem>>, vector<1x16xf32>,
        %swap3A_411 = vector.shape_cast %swap3A_410 : vector<1x16xf32> to vector<16xf32>
        %swap3A_412 = vector.shape_cast %mul3A_407 : vector<16xf32> to vector<1x16xf32>
        tpu.vector_store %arg23[%swap3A_408, %swap3A_409], %swap3A_412 {strides = array<i32>} : memref<40x80xf32, #tpu.memory_space<vmem>>, vector<1x16xf32>,
        %ge3A_413 = arith.constant 8 : i32
        %ge3A_414 = vector.broadcast %ge3A_413 : i32 to vector<16xi32>
        %ge3A_415 = arith.cmpi sge, %iota3A_289, %ge3A_414 : vector<16xi32>
        %jit3A_416 = arith.constant 3 : i32
        %jit3A_417 = arith.constant 2 : i32
        %broadcast_in_dim3A_418 = vector.broadcast %jit3A_416 : i32 to vector<16xi32>
        %broadcast_in_dim3A_419 = vector.broadcast %jit3A_417 : i32 to vector<16xi32>
        %select_n3A_420 = arith.select %ge3A_415, %broadcast_in_dim3A_418, %broadcast_in_dim3A_419 : vector<16xi1>, vector<16xi32>
        %lt3A_421 = arith.constant 0 : i32
        %lt3A_422 = vector.broadcast %lt3A_421 : i32 to vector<16xi32>
        %lt3A_423 = arith.cmpi slt, %select_n3A_420, %lt3A_422 : vector<16xi32>
        %add3A_424 = arith.constant 16 : i32
        %add3A_425 = vector.broadcast %add3A_424 : i32 to vector<16xi32>
        %add3A_426 = arith.addi %select_n3A_420, %add3A_425 : vector<16xi32>
        %select_n3A_427 = arith.select %lt3A_423, %add3A_426, %select_n3A_420 : vector<16xi1>, vector<16xi32>
        %broadcast_in_dim3A_428 = vector.shape_cast %select_n3A_427 : vector<16xi32> to vector<16x1xi32>
        %gather3A_429 = vector.shape_cast %broadcast_in_dim3A_428 : vector<16x1xi32> to vector<16xi32>
        %gather3A_430 = tpu.dynamic_gather %exp3A[%gather3A_429] in [0] : vector<16xf32>, vector<16xi32> -> vector<16xf32>
        %get3A_431 = arith.index_cast %scan3A_366 : i32 to index
        %get3A_432 = arith.constant 16 : index
        %get3A_433 = tpu.vector_load %arg17[%get3A_431, %get3A_432] {strides = array<i32>} : memref<40x128xf32, #tpu.memory_space<vmem>>, vector<1x16xf32>,
        %get3A_434 = vector.shape_cast %get3A_433 : vector<1x16xf32> to vector<16xf32>
        %mul3A_435 = arith.mulf %get3A_434, %gather3A_430 : vector<16xf32>
        %swap3A_436 = arith.index_cast %scan3A_366 : i32 to index
        %swap3A_437 = arith.constant 16 : index
        %swap3A_438 = tpu.vector_load %arg23[%swap3A_436, %swap3A_437] {strides = array<i32>} : memref<40x80xf32, #tpu.memory_space<vmem>>, vector<1x16xf32>,
        %swap3A_439 = vector.shape_cast %swap3A_438 : vector<1x16xf32> to vector<16xf32>
        %swap3A_440 = vector.shape_cast %mul3A_435 : vector<16xf32> to vector<1x16xf32>
        tpu.vector_store %arg23[%swap3A_436, %swap3A_437], %swap3A_440 {strides = array<i32>} : memref<40x80xf32, #tpu.memory_space<vmem>>, vector<1x16xf32>,
        %ge3A_441 = arith.constant 8 : i32
        %ge3A_442 = vector.broadcast %ge3A_441 : i32 to vector<16xi32>
        %ge3A_443 = arith.cmpi sge, %iota3A_289, %ge3A_442 : vector<16xi32>
        %jit3A_444 = arith.constant 5 : i32
        %jit3A_445 = arith.constant 4 : i32
        %broadcast_in_dim3A_446 = vector.broadcast %jit3A_444 : i32 to vector<16xi32>
        %broadcast_in_dim3A_447 = vector.broadcast %jit3A_445 : i32 to vector<16xi32>
        %select_n3A_448 = arith.select %ge3A_443, %broadcast_in_dim3A_446, %broadcast_in_dim3A_447 : vector<16xi1>, vector<16xi32>
        %lt3A_449 = arith.constant 0 : i32
        %lt3A_450 = vector.broadcast %lt3A_449 : i32 to vector<16xi32>
        %lt3A_451 = arith.cmpi slt, %select_n3A_448, %lt3A_450 : vector<16xi32>
        %add3A_452 = arith.constant 16 : i32
        %add3A_453 = vector.broadcast %add3A_452 : i32 to vector<16xi32>
        %add3A_454 = arith.addi %select_n3A_448, %add3A_453 : vector<16xi32>
        %select_n3A_455 = arith.select %lt3A_451, %add3A_454, %select_n3A_448 : vector<16xi1>, vector<16xi32>
        %broadcast_in_dim3A_456 = vector.shape_cast %select_n3A_455 : vector<16xi32> to vector<16x1xi32>
        %gather3A_457 = vector.shape_cast %broadcast_in_dim3A_456 : vector<16x1xi32> to vector<16xi32>
        %gather3A_458 = tpu.dynamic_gather %exp3A[%gather3A_457] in [0] : vector<16xf32>, vector<16xi32> -> vector<16xf32>
        %get3A_459 = arith.index_cast %scan3A_366 : i32 to index
        %get3A_460 = arith.constant 32 : index
        %get3A_461 = tpu.vector_load %arg17[%get3A_459, %get3A_460] {strides = array<i32>} : memref<40x128xf32, #tpu.memory_space<vmem>>, vector<1x16xf32>,
        %get3A_462 = vector.shape_cast %get3A_461 : vector<1x16xf32> to vector<16xf32>
        %mul3A_463 = arith.mulf %get3A_462, %gather3A_458 : vector<16xf32>
        %swap3A_464 = arith.index_cast %scan3A_366 : i32 to index
        %swap3A_465 = arith.constant 32 : index
        %swap3A_466 = tpu.vector_load %arg23[%swap3A_464, %swap3A_465] {strides = array<i32>} : memref<40x80xf32, #tpu.memory_space<vmem>>, vector<1x16xf32>,
        %swap3A_467 = vector.shape_cast %swap3A_466 : vector<1x16xf32> to vector<16xf32>
        %swap3A_468 = vector.shape_cast %mul3A_463 : vector<16xf32> to vector<1x16xf32>
        tpu.vector_store %arg23[%swap3A_464, %swap3A_465], %swap3A_468 {strides = array<i32>} : memref<40x80xf32, #tpu.memory_space<vmem>>, vector<1x16xf32>,
        %ge3A_469 = arith.constant 8 : i32
        %ge3A_470 = vector.broadcast %ge3A_469 : i32 to vector<16xi32>
        %ge3A_471 = arith.cmpi sge, %iota3A_289, %ge3A_470 : vector<16xi32>
        %jit3A_472 = arith.constant 7 : i32
        %jit3A_473 = arith.constant 6 : i32
        %broadcast_in_dim3A_474 = vector.broadcast %jit3A_472 : i32 to vector<16xi32>
        %broadcast_in_dim3A_475 = vector.broadcast %jit3A_473 : i32 to vector<16xi32>
        %select_n3A_476 = arith.select %ge3A_471, %broadcast_in_dim3A_474, %broadcast_in_dim3A_475 : vector<16xi1>, vector<16xi32>
        %lt3A_477 = arith.constant 0 : i32
        %lt3A_478 = vector.broadcast %lt3A_477 : i32 to vector<16xi32>
        %lt3A_479 = arith.cmpi slt, %select_n3A_476, %lt3A_478 : vector<16xi32>
        %add3A_480 = arith.constant 16 : i32
        %add3A_481 = vector.broadcast %add3A_480 : i32 to vector<16xi32>
        %add3A_482 = arith.addi %select_n3A_476, %add3A_481 : vector<16xi32>
        %select_n3A_483 = arith.select %lt3A_479, %add3A_482, %select_n3A_476 : vector<16xi1>, vector<16xi32>
        %broadcast_in_dim3A_484 = vector.shape_cast %select_n3A_483 : vector<16xi32> to vector<16x1xi32>
        %gather3A_485 = vector.shape_cast %broadcast_in_dim3A_484 : vector<16x1xi32> to vector<16xi32>
        %gather3A_486 = tpu.dynamic_gather %exp3A[%gather3A_485] in [0] : vector<16xf32>, vector<16xi32> -> vector<16xf32>
        %get3A_487 = arith.index_cast %scan3A_366 : i32 to index
        %get3A_488 = arith.constant 48 : index
        %get3A_489 = tpu.vector_load %arg17[%get3A_487, %get3A_488] {strides = array<i32>} : memref<40x128xf32, #tpu.memory_space<vmem>>, vector<1x16xf32>,
        %get3A_490 = vector.shape_cast %get3A_489 : vector<1x16xf32> to vector<16xf32>
        %mul3A_491 = arith.mulf %get3A_490, %gather3A_486 : vector<16xf32>
        %swap3A_492 = arith.index_cast %scan3A_366 : i32 to index
        %swap3A_493 = arith.constant 48 : index
        %swap3A_494 = tpu.vector_load %arg23[%swap3A_492, %swap3A_493] {strides = array<i32>} : memref<40x80xf32, #tpu.memory_space<vmem>>, vector<1x16xf32>,
        %swap3A_495 = vector.shape_cast %swap3A_494 : vector<1x16xf32> to vector<16xf32>
        %swap3A_496 = vector.shape_cast %mul3A_491 : vector<16xf32> to vector<1x16xf32>
        tpu.vector_store %arg23[%swap3A_492, %swap3A_493], %swap3A_496 {strides = array<i32>} : memref<40x80xf32, #tpu.memory_space<vmem>>, vector<1x16xf32>,
      }
      %scan3A_295 = arith.constant 40 : i32
      %dma_start3A_296 = arith.constant 0 : i32
      %dma_start3A_297 = arith.constant 0 : i32
      %dma_start3A_298 = tpu.memref_slice %arg25[%dma_start3A_296, %dma_start3A_297] : memref<10000x80xf32, #tpu.memory_space<vmem_shared>> -> memref<10000x80xf32, #tpu.memory_space<vmem_shared>>
      tpu.enqueue_indirect_dma source(%arg23 : memref<40x80xf32, #tpu.memory_space<vmem>>) target(%dma_start3A_298 : memref<10000x80xf32, #tpu.memory_space<vmem_shared>>) offsets(%arg14 : memref<40xi32, #tpu.memory_space<vmem>>) semaphore(%arg33 : memref<!tpu.dma_semaphore, #tpu.memory_space<semaphore_mem>>) {add = true}
      %add3A_299 = arith.constant 2 : i32
      %add3A_300 = arith.addi %add3A_249, %add3A_299 : i32
      %lt3A_301 = arith.constant 250 : i32
      %lt3A_302 = arith.cmpi slt, %add3A_300, %lt3A_301 : i32
      %convert_element_type3A_303 = arith.extui %lt3A_302 : i1 to i32
      %cond3A_304 = arith.constant 0 : i32
      %cond3A_305 = arith.cmpi ne, %convert_element_type3A_303, %cond3A_304 : i32
      scf.if %cond3A_305 {
        %dma_wait3A_366 = arith.constant 0 : i32
        %dma_wait3A_367 = tpu.memref_slice %arg4[%dma_wait3A_366] : memref<320000xi32, #tpu.memory_space<hbm>> -> memref<40xi32, #tpu.memory_space<hbm>>
        %dma_wait3A_368 = arith.constant 0 : i32
        %dma_wait3A_369 = tpu.memref_slice %arg4[%dma_wait3A_368] : memref<320000xi32, #tpu.memory_space<hbm>> -> memref<40xi32, #tpu.memory_space<hbm>>
        tpu.wait_dma2 semaphore(%arg26 : memref<!tpu.dma_semaphore, #tpu.memory_space<semaphore_mem>>) src(%dma_wait3A_369 : memref<40xi32, #tpu.memory_space<hbm>>) dst(%arg7 : memref<40xi32, #tpu.memory_space<vmem>>)
        %dma_wait3A_370 = arith.constant 0 : i32
        %dma_wait3A_371 = tpu.memref_slice %arg5[%dma_wait3A_370] : memref<320000xi32, #tpu.memory_space<hbm>> -> memref<40xi32, #tpu.memory_space<hbm>>
        %dma_wait3A_372 = arith.constant 0 : i32
        %dma_wait3A_373 = tpu.memref_slice %arg5[%dma_wait3A_372] : memref<320000xi32, #tpu.memory_space<hbm>> -> memref<40xi32, #tpu.memory_space<hbm>>
        tpu.wait_dma2 semaphore(%arg26 : memref<!tpu.dma_semaphore, #tpu.memory_space<semaphore_mem>>) src(%dma_wait3A_373 : memref<40xi32, #tpu.memory_space<hbm>>) dst(%arg10 : memref<40xi32, #tpu.memory_space<vmem>>)
        %dma_start3A_374 = arith.constant 0 : i32
        %dma_start3A_375 = arith.constant 0 : i32
        %dma_start3A_376 = tpu.memref_slice %arg2[%dma_start3A_374, %dma_start3A_375] : memref<10000x128xf32, #tpu.memory_space<hbm>> -> memref<10000x128xf32, #tpu.memory_space<hbm>>
        tpu.enqueue_indirect_dma source(%dma_start3A_376 : memref<10000x128xf32, #tpu.memory_space<hbm>>) target(%arg16 : memref<40x128xf32, #tpu.memory_space<vmem>>) offsets(%arg7 : memref<40xi32, #tpu.memory_space<vmem>>) semaphore(%arg29 : memref<!tpu.dma_semaphore, #tpu.memory_space<semaphore_mem>>)
        %dma_start3A_377 = arith.constant 0 : i32
        %dma_start3A_378 = arith.constant 0 : i32
        %dma_start3A_379 = tpu.memref_slice %arg3[%dma_start3A_377, %dma_start3A_378] : memref<10000x128xf32, #tpu.memory_space<hbm>> -> memref<10000x128xf32, #tpu.memory_space<hbm>>
        tpu.enqueue_indirect_dma source(%dma_start3A_379 : memref<10000x128xf32, #tpu.memory_space<hbm>>) target(%arg19 : memref<40x128xf32, #tpu.memory_space<vmem>>) offsets(%arg10 : memref<40xi32, #tpu.memory_space<vmem>>) semaphore(%arg29 : memref<!tpu.dma_semaphore, #tpu.memory_space<semaphore_mem>>)
      } else {
      }
      %mul3A_306 = arith.constant 3 : i32
      %mul3A_307 = arith.muli %scan3A_187, %mul3A_306 : i32
      %add3A_308 = arith.constant 2 : i32
      %add3A_309 = arith.addi %mul3A_307, %add3A_308 : i32
      %dma_wait3A_310 = arith.constant 0 : i32
      %dma_wait3A_311 = arith.constant 0 : i32
      %dma_wait3A_312 = tpu.memref_slice %arg2[%dma_wait3A_310, %dma_wait3A_311] : memref<10000x128xf32, #tpu.memory_space<hbm>> -> memref<10000x128xf32, #tpu.memory_space<hbm>>
      tpu.wait_indirect_dma semaphore(%arg31 : memref<!tpu.dma_semaphore, #tpu.memory_space<semaphore_mem>>) src(%dma_wait3A_312 : memref<10000x128xf32, #tpu.memory_space<hbm>>) dst(%arg18 : memref<40x128xf32, #tpu.memory_space<vmem>>)
      %dma_wait3A_313 = arith.constant 0 : i32
      %dma_wait3A_314 = arith.constant 0 : i32
      %dma_wait3A_315 = tpu.memref_slice %arg3[%dma_wait3A_313, %dma_wait3A_314] : memref<10000x128xf32, #tpu.memory_space<hbm>> -> memref<10000x128xf32, #tpu.memory_space<hbm>>
      tpu.wait_indirect_dma semaphore(%arg31 : memref<!tpu.dma_semaphore, #tpu.memory_space<semaphore_mem>>) src(%dma_wait3A_315 : memref<10000x128xf32, #tpu.memory_space<hbm>>) dst(%arg21 : memref<40x128xf32, #tpu.memory_space<vmem>>)
      %ge3A_316 = arith.constant 3 : i32
      %ge3A_317 = arith.cmpi sge, %add3A_309, %ge3A_316 : i32
      %convert_element_type3A_318 = arith.extui %ge3A_317 : i1 to i32
      %cond3A_319 = arith.constant 0 : i32
      %cond3A_320 = arith.cmpi ne, %convert_element_type3A_318, %cond3A_319 : i32
      scf.if %cond3A_320 {
        %dma_wait3A_366 = arith.constant 0 : i32
        %dma_wait3A_367 = arith.constant 0 : i32
        %dma_wait3A_368 = tpu.memref_slice %arg25[%dma_wait3A_366, %dma_wait3A_367] : memref<10000x80xf32, #tpu.memory_space<vmem_shared>> -> memref<10000x80xf32, #tpu.memory_space<vmem_shared>>
        tpu.wait_indirect_dma semaphore(%arg34 : memref<!tpu.dma_semaphore, #tpu.memory_space<semaphore_mem>>) src(%arg24 : memref<40x80xf32, #tpu.memory_space<vmem>>) dst(%dma_wait3A_368 : memref<10000x80xf32, #tpu.memory_space<vmem_shared>>)
      } else {
      }
      %get3A_321 = arith.constant 0 : index
      %get3A_322 = tpu.vector_load %arg12[%get3A_321] {strides = array<i32>} : memref<40xi32, #tpu.memory_space<vmem>>, vector<16xi32>,
      %get3A_323 = vector.shape_cast %get3A_322 : vector<16xi32> to vector<16xi32>
      %swap3A_324 = arith.constant 0 : index
      %swap3A_325 = tpu.vector_load %arg15[%swap3A_324] {strides = array<i32>} : memref<40xi32, #tpu.memory_space<vmem>>, vector<16xi32>,
      %swap3A_326 = vector.shape_cast %swap3A_325 : vector<16xi32> to vector<16xi32>
      %swap3A_327 = vector.shape_cast %get3A_323 : vector<16xi32> to vector<16xi32>
      tpu.vector_store %arg15[%swap3A_324], %swap3A_327 {strides = array<i32>} : memref<40xi32, #tpu.memory_space<vmem>>, vector<16xi32>,
      %get3A_328 = arith.constant 16 : index
      %get3A_329 = tpu.vector_load %arg12[%get3A_328] {strides = array<i32>} : memref<40xi32, #tpu.memory_space<vmem>>, vector<16xi32>,
      %get3A_330 = vector.shape_cast %get3A_329 : vector<16xi32> to vector<16xi32>
      %swap3A_331 = arith.constant 16 : index
      %swap3A_332 = tpu.vector_load %arg15[%swap3A_331] {strides = array<i32>} : memref<40xi32, #tpu.memory_space<vmem>>, vector<16xi32>,
      %swap3A_333 = vector.shape_cast %swap3A_332 : vector<16xi32> to vector<16xi32>
      %swap3A_334 = vector.shape_cast %get3A_330 : vector<16xi32> to vector<16xi32>
      tpu.vector_store %arg15[%swap3A_331], %swap3A_334 {strides = array<i32>} : memref<40xi32, #tpu.memory_space<vmem>>, vector<16xi32>,
      %get3A_335 = arith.constant 24 : index
      %get3A_336 = tpu.vector_load %arg12[%get3A_335] {strides = array<i32>} : memref<40xi32, #tpu.memory_space<vmem>>, vector<16xi32>,
      %get3A_337 = vector.shape_cast %get3A_336 : vector<16xi32> to vector<16xi32>
      %swap3A_338 = arith.constant 24 : index
      %swap3A_339 = tpu.vector_load %arg15[%swap3A_338] {strides = array<i32>} : memref<40xi32, #tpu.memory_space<vmem>>, vector<16xi32>,
      %swap3A_340 = vector.shape_cast %swap3A_339 : vector<16xi32> to vector<16xi32>
      %swap3A_341 = vector.shape_cast %get3A_337 : vector<16xi32> to vector<16xi32>
      tpu.vector_store %arg15[%swap3A_338], %swap3A_341 {strides = array<i32>} : memref<40xi32, #tpu.memory_space<vmem>>, vector<16xi32>,
      %add3A_342 = arith.constant 3 : i32
      %add3A_343 = arith.addi %add3A_309, %add3A_342 : i32
      %lt3A_344 = arith.constant 250 : i32
      %lt3A_345 = arith.cmpi slt, %add3A_343, %lt3A_344 : i32
      %convert_element_type3A_346 = arith.extui %lt3A_345 : i1 to i32
      %cond3A_347 = arith.constant 0 : i32
      %cond3A_348 = arith.cmpi ne, %convert_element_type3A_346, %cond3A_347 : i32
      scf.if %cond3A_348 {
        %add3A_366 = arith.constant 3 : i32
        %add3A_367 = arith.addi %add3A_309, %add3A_366 : i32
        %mul3A_368 = arith.constant 10000 : i32
        %mul3A_369 = arith.muli %add3A, %mul3A_368 : i32
        %mul3A_370 = arith.constant 40 : i32
        %mul3A_371 = arith.muli %add3A_367, %mul3A_370 : i32
        %add3A_372 = arith.addi %mul3A_369, %mul3A_371 : i32
        %multiple_of3A_373 = tpu.assume_multiple %add3A_372, 8 : i32
        %dma_start3A_374 = tpu.memref_slice %arg4[%multiple_of3A_373] : memref<320000xi32, #tpu.memory_space<hbm>> -> memref<40xi32, #tpu.memory_space<hbm>>
        %dma_start3A_375 = tpu.memref_slice %arg4[%multiple_of3A_373] : memref<320000xi32, #tpu.memory_space<hbm>> -> memref<40xi32, #tpu.memory_space<hbm>>
        tpu.enqueue_dma source(%dma_start3A_375 : memref<40xi32, #tpu.memory_space<hbm>>) target(%arg9 : memref<40xi32, #tpu.memory_space<vmem>>) target_semaphore(%arg28 : memref<!tpu.dma_semaphore, #tpu.memory_space<semaphore_mem>>)
        %dma_start3A_376 = tpu.memref_slice %arg5[%multiple_of3A_373] : memref<320000xi32, #tpu.memory_space<hbm>> -> memref<40xi32, #tpu.memory_space<hbm>>
        %dma_start3A_377 = tpu.memref_slice %arg5[%multiple_of3A_373] : memref<320000xi32, #tpu.memory_space<hbm>> -> memref<40xi32, #tpu.memory_space<hbm>>
        tpu.enqueue_dma source(%dma_start3A_377 : memref<40xi32, #tpu.memory_space<hbm>>) target(%arg12 : memref<40xi32, #tpu.memory_space<vmem>>) target_semaphore(%arg28 : memref<!tpu.dma_semaphore, #tpu.memory_space<semaphore_mem>>)
      } else {
      }
      %iota3A_349 = tpu.iota {dimensions = array<i32: 0>} : vector<16xi32>
      %scan3A_350 = arith.constant 0 : i32
      %scan3A_351 = arith.constant 0 : i32
      %scan3A_352 = arith.constant 40 : i32
      %scan3A_353 = arith.addi %scan3A_351, %scan3A_352 : i32
      %scan3A_354 = arith.constant 1 : i32
      scf.for %scan3A_366 = %scan3A_351 to %scan3A_353 step %scan3A_354  : i32 {
        %get3A_367 = arith.index_cast %scan3A_366 : i32 to index
        %get3A_368 = arith.constant 64 : index
        %get3A_369 = tpu.vector_load %arg18[%get3A_367, %get3A_368] {strides = array<i32>} : memref<40x128xf32, #tpu.memory_space<vmem>>, vector<1x16xf32>,
        %get3A_370 = vector.shape_cast %get3A_369 : vector<1x16xf32> to vector<16xf32>
        %get3A_371 = arith.index_cast %scan3A_366 : i32 to index
        %get3A_372 = arith.constant 0 : index
        %get3A_373 = tpu.vector_load %arg21[%get3A_371, %get3A_372] {strides = array<i32>} : memref<40x128xf32, #tpu.memory_space<vmem>>, vector<1x16xf32>,
        %get3A_374 = vector.shape_cast %get3A_373 : vector<1x16xf32> to vector<16xf32>
        %add3A_375 = arith.addf %get3A_370, %get3A_374 : vector<16xf32>
        %ge3A_376 = arith.constant 0.000000e+00 : f32
        %ge3A_377 = vector.broadcast %ge3A_376 : f32 to vector<16xf32>
        %ge3A_378 = arith.cmpf oge, %add3A_375, %ge3A_377 : vector<16xf32>
        %mul3A_379 = arith.constant 2.000000e-01 : f32
        %mul3A_380 = vector.broadcast %mul3A_379 : f32 to vector<16xf32>
        %mul3A_381 = arith.mulf %mul3A_380, %add3A_375 : vector<16xf32>
        %select_n3A = arith.select %ge3A_378, %add3A_375, %mul3A_381 : vector<16xi1>, vector<16xf32>
        %exp3A = math.exp %select_n3A : vector<16xf32>
        %swap3A_382 = arith.index_cast %scan3A_366 : i32 to index
        %swap3A_383 = arith.constant 64 : index
        %swap3A_384 = tpu.vector_load %arg24[%swap3A_382, %swap3A_383] {strides = array<i32>} : memref<40x80xf32, #tpu.memory_space<vmem>>, vector<1x16xf32>,
        %swap3A_385 = vector.shape_cast %swap3A_384 : vector<1x16xf32> to vector<16xf32>
        %swap3A_386 = vector.shape_cast %exp3A : vector<16xf32> to vector<1x16xf32>
        tpu.vector_store %arg24[%swap3A_382, %swap3A_383], %swap3A_386 {strides = array<i32>} : memref<40x80xf32, #tpu.memory_space<vmem>>, vector<1x16xf32>,
        %ge3A_387 = arith.constant 8 : i32
        %ge3A_388 = vector.broadcast %ge3A_387 : i32 to vector<16xi32>
        %ge3A_389 = arith.cmpi sge, %iota3A_349, %ge3A_388 : vector<16xi32>
        %jit3A = arith.constant 1 : i32
        %jit3A_390 = arith.constant 0 : i32
        %broadcast_in_dim3A_391 = vector.broadcast %jit3A : i32 to vector<16xi32>
        %broadcast_in_dim3A_392 = vector.broadcast %jit3A_390 : i32 to vector<16xi32>
        %select_n3A_393 = arith.select %ge3A_389, %broadcast_in_dim3A_391, %broadcast_in_dim3A_392 : vector<16xi1>, vector<16xi32>
        %lt3A_394 = arith.constant 0 : i32
        %lt3A_395 = vector.broadcast %lt3A_394 : i32 to vector<16xi32>
        %lt3A_396 = arith.cmpi slt, %select_n3A_393, %lt3A_395 : vector<16xi32>
        %add3A_397 = arith.constant 16 : i32
        %add3A_398 = vector.broadcast %add3A_397 : i32 to vector<16xi32>
        %add3A_399 = arith.addi %select_n3A_393, %add3A_398 : vector<16xi32>
        %select_n3A_400 = arith.select %lt3A_396, %add3A_399, %select_n3A_393 : vector<16xi1>, vector<16xi32>
        %broadcast_in_dim3A_401 = vector.shape_cast %select_n3A_400 : vector<16xi32> to vector<16x1xi32>
        %gather3A = vector.shape_cast %broadcast_in_dim3A_401 : vector<16x1xi32> to vector<16xi32>
        %gather3A_402 = tpu.dynamic_gather %exp3A[%gather3A] in [0] : vector<16xf32>, vector<16xi32> -> vector<16xf32>
        %get3A_403 = arith.index_cast %scan3A_366 : i32 to index
        %get3A_404 = arith.constant 0 : index
        %get3A_405 = tpu.vector_load %arg18[%get3A_403, %get3A_404] {strides = array<i32>} : memref<40x128xf32, #tpu.memory_space<vmem>>, vector<1x16xf32>,
        %get3A_406 = vector.shape_cast %get3A_405 : vector<1x16xf32> to vector<16xf32>
        %mul3A_407 = arith.mulf %get3A_406, %gather3A_402 : vector<16xf32>
        %swap3A_408 = arith.index_cast %scan3A_366 : i32 to index
        %swap3A_409 = arith.constant 0 : index
        %swap3A_410 = tpu.vector_load %arg24[%swap3A_408, %swap3A_409] {strides = array<i32>} : memref<40x80xf32, #tpu.memory_space<vmem>>, vector<1x16xf32>,
        %swap3A_411 = vector.shape_cast %swap3A_410 : vector<1x16xf32> to vector<16xf32>
        %swap3A_412 = vector.shape_cast %mul3A_407 : vector<16xf32> to vector<1x16xf32>
        tpu.vector_store %arg24[%swap3A_408, %swap3A_409], %swap3A_412 {strides = array<i32>} : memref<40x80xf32, #tpu.memory_space<vmem>>, vector<1x16xf32>,
        %ge3A_413 = arith.constant 8 : i32
        %ge3A_414 = vector.broadcast %ge3A_413 : i32 to vector<16xi32>
        %ge3A_415 = arith.cmpi sge, %iota3A_349, %ge3A_414 : vector<16xi32>
        %jit3A_416 = arith.constant 3 : i32
        %jit3A_417 = arith.constant 2 : i32
        %broadcast_in_dim3A_418 = vector.broadcast %jit3A_416 : i32 to vector<16xi32>
        %broadcast_in_dim3A_419 = vector.broadcast %jit3A_417 : i32 to vector<16xi32>
        %select_n3A_420 = arith.select %ge3A_415, %broadcast_in_dim3A_418, %broadcast_in_dim3A_419 : vector<16xi1>, vector<16xi32>
        %lt3A_421 = arith.constant 0 : i32
        %lt3A_422 = vector.broadcast %lt3A_421 : i32 to vector<16xi32>
        %lt3A_423 = arith.cmpi slt, %select_n3A_420, %lt3A_422 : vector<16xi32>
        %add3A_424 = arith.constant 16 : i32
        %add3A_425 = vector.broadcast %add3A_424 : i32 to vector<16xi32>
        %add3A_426 = arith.addi %select_n3A_420, %add3A_425 : vector<16xi32>
        %select_n3A_427 = arith.select %lt3A_423, %add3A_426, %select_n3A_420 : vector<16xi1>, vector<16xi32>
        %broadcast_in_dim3A_428 = vector.shape_cast %select_n3A_427 : vector<16xi32> to vector<16x1xi32>
        %gather3A_429 = vector.shape_cast %broadcast_in_dim3A_428 : vector<16x1xi32> to vector<16xi32>
        %gather3A_430 = tpu.dynamic_gather %exp3A[%gather3A_429] in [0] : vector<16xf32>, vector<16xi32> -> vector<16xf32>
        %get3A_431 = arith.index_cast %scan3A_366 : i32 to index
        %get3A_432 = arith.constant 16 : index
        %get3A_433 = tpu.vector_load %arg18[%get3A_431, %get3A_432] {strides = array<i32>} : memref<40x128xf32, #tpu.memory_space<vmem>>, vector<1x16xf32>,
        %get3A_434 = vector.shape_cast %get3A_433 : vector<1x16xf32> to vector<16xf32>
        %mul3A_435 = arith.mulf %get3A_434, %gather3A_430 : vector<16xf32>
        %swap3A_436 = arith.index_cast %scan3A_366 : i32 to index
        %swap3A_437 = arith.constant 16 : index
        %swap3A_438 = tpu.vector_load %arg24[%swap3A_436, %swap3A_437] {strides = array<i32>} : memref<40x80xf32, #tpu.memory_space<vmem>>, vector<1x16xf32>,
        %swap3A_439 = vector.shape_cast %swap3A_438 : vector<1x16xf32> to vector<16xf32>
        %swap3A_440 = vector.shape_cast %mul3A_435 : vector<16xf32> to vector<1x16xf32>
        tpu.vector_store %arg24[%swap3A_436, %swap3A_437], %swap3A_440 {strides = array<i32>} : memref<40x80xf32, #tpu.memory_space<vmem>>, vector<1x16xf32>,
        %ge3A_441 = arith.constant 8 : i32
        %ge3A_442 = vector.broadcast %ge3A_441 : i32 to vector<16xi32>
        %ge3A_443 = arith.cmpi sge, %iota3A_349, %ge3A_442 : vector<16xi32>
        %jit3A_444 = arith.constant 5 : i32
        %jit3A_445 = arith.constant 4 : i32
        %broadcast_in_dim3A_446 = vector.broadcast %jit3A_444 : i32 to vector<16xi32>
        %broadcast_in_dim3A_447 = vector.broadcast %jit3A_445 : i32 to vector<16xi32>
        %select_n3A_448 = arith.select %ge3A_443, %broadcast_in_dim3A_446, %broadcast_in_dim3A_447 : vector<16xi1>, vector<16xi32>
        %lt3A_449 = arith.constant 0 : i32
        %lt3A_450 = vector.broadcast %lt3A_449 : i32 to vector<16xi32>
        %lt3A_451 = arith.cmpi slt, %select_n3A_448, %lt3A_450 : vector<16xi32>
        %add3A_452 = arith.constant 16 : i32
        %add3A_453 = vector.broadcast %add3A_452 : i32 to vector<16xi32>
        %add3A_454 = arith.addi %select_n3A_448, %add3A_453 : vector<16xi32>
        %select_n3A_455 = arith.select %lt3A_451, %add3A_454, %select_n3A_448 : vector<16xi1>, vector<16xi32>
        %broadcast_in_dim3A_456 = vector.shape_cast %select_n3A_455 : vector<16xi32> to vector<16x1xi32>
        %gather3A_457 = vector.shape_cast %broadcast_in_dim3A_456 : vector<16x1xi32> to vector<16xi32>
        %gather3A_458 = tpu.dynamic_gather %exp3A[%gather3A_457] in [0] : vector<16xf32>, vector<16xi32> -> vector<16xf32>
        %get3A_459 = arith.index_cast %scan3A_366 : i32 to index
        %get3A_460 = arith.constant 32 : index
        %get3A_461 = tpu.vector_load %arg18[%get3A_459, %get3A_460] {strides = array<i32>} : memref<40x128xf32, #tpu.memory_space<vmem>>, vector<1x16xf32>,
        %get3A_462 = vector.shape_cast %get3A_461 : vector<1x16xf32> to vector<16xf32>
        %mul3A_463 = arith.mulf %get3A_462, %gather3A_458 : vector<16xf32>
        %swap3A_464 = arith.index_cast %scan3A_366 : i32 to index
        %swap3A_465 = arith.constant 32 : index
        %swap3A_466 = tpu.vector_load %arg24[%swap3A_464, %swap3A_465] {strides = array<i32>} : memref<40x80xf32, #tpu.memory_space<vmem>>, vector<1x16xf32>,
        %swap3A_467 = vector.shape_cast %swap3A_466 : vector<1x16xf32> to vector<16xf32>
        %swap3A_468 = vector.shape_cast %mul3A_463 : vector<16xf32> to vector<1x16xf32>
        tpu.vector_store %arg24[%swap3A_464, %swap3A_465], %swap3A_468 {strides = array<i32>} : memref<40x80xf32, #tpu.memory_space<vmem>>, vector<1x16xf32>,
        %ge3A_469 = arith.constant 8 : i32
        %ge3A_470 = vector.broadcast %ge3A_469 : i32 to vector<16xi32>
        %ge3A_471 = arith.cmpi sge, %iota3A_349, %ge3A_470 : vector<16xi32>
        %jit3A_472 = arith.constant 7 : i32
        %jit3A_473 = arith.constant 6 : i32
        %broadcast_in_dim3A_474 = vector.broadcast %jit3A_472 : i32 to vector<16xi32>
        %broadcast_in_dim3A_475 = vector.broadcast %jit3A_473 : i32 to vector<16xi32>
        %select_n3A_476 = arith.select %ge3A_471, %broadcast_in_dim3A_474, %broadcast_in_dim3A_475 : vector<16xi1>, vector<16xi32>
        %lt3A_477 = arith.constant 0 : i32
        %lt3A_478 = vector.broadcast %lt3A_477 : i32 to vector<16xi32>
        %lt3A_479 = arith.cmpi slt, %select_n3A_476, %lt3A_478 : vector<16xi32>
        %add3A_480 = arith.constant 16 : i32
        %add3A_481 = vector.broadcast %add3A_480 : i32 to vector<16xi32>
        %add3A_482 = arith.addi %select_n3A_476, %add3A_481 : vector<16xi32>
        %select_n3A_483 = arith.select %lt3A_479, %add3A_482, %select_n3A_476 : vector<16xi1>, vector<16xi32>
        %broadcast_in_dim3A_484 = vector.shape_cast %select_n3A_483 : vector<16xi32> to vector<16x1xi32>
        %gather3A_485 = vector.shape_cast %broadcast_in_dim3A_484 : vector<16x1xi32> to vector<16xi32>
        %gather3A_486 = tpu.dynamic_gather %exp3A[%gather3A_485] in [0] : vector<16xf32>, vector<16xi32> -> vector<16xf32>
        %get3A_487 = arith.index_cast %scan3A_366 : i32 to index
        %get3A_488 = arith.constant 48 : index
        %get3A_489 = tpu.vector_load %arg18[%get3A_487, %get3A_488] {strides = array<i32>} : memref<40x128xf32, #tpu.memory_space<vmem>>, vector<1x16xf32>,
        %get3A_490 = vector.shape_cast %get3A_489 : vector<1x16xf32> to vector<16xf32>
        %mul3A_491 = arith.mulf %get3A_490, %gather3A_486 : vector<16xf32>
        %swap3A_492 = arith.index_cast %scan3A_366 : i32 to index
        %swap3A_493 = arith.constant 48 : index
        %swap3A_494 = tpu.vector_load %arg24[%swap3A_492, %swap3A_493] {strides = array<i32>} : memref<40x80xf32, #tpu.memory_space<vmem>>, vector<1x16xf32>,
        %swap3A_495 = vector.shape_cast %swap3A_494 : vector<1x16xf32> to vector<16xf32>
        %swap3A_496 = vector.shape_cast %mul3A_491 : vector<16xf32> to vector<1x16xf32>
        tpu.vector_store %arg24[%swap3A_492, %swap3A_493], %swap3A_496 {strides = array<i32>} : memref<40x80xf32, #tpu.memory_space<vmem>>, vector<1x16xf32>,
      }
      %scan3A_355 = arith.constant 40 : i32
      %dma_start3A_356 = arith.constant 0 : i32
      %dma_start3A_357 = arith.constant 0 : i32
      %dma_start3A_358 = tpu.memref_slice %arg25[%dma_start3A_356, %dma_start3A_357] : memref<10000x80xf32, #tpu.memory_space<vmem_shared>> -> memref<10000x80xf32, #tpu.memory_space<vmem_shared>>
      tpu.enqueue_indirect_dma source(%arg24 : memref<40x80xf32, #tpu.memory_space<vmem>>) target(%dma_start3A_358 : memref<10000x80xf32, #tpu.memory_space<vmem_shared>>) offsets(%arg15 : memref<40xi32, #tpu.memory_space<vmem>>) semaphore(%arg34 : memref<!tpu.dma_semaphore, #tpu.memory_space<semaphore_mem>>) {add = true}
      %add3A_359 = arith.constant 2 : i32
      %add3A_360 = arith.addi %add3A_309, %add3A_359 : i32
      %lt3A_361 = arith.constant 250 : i32
      %lt3A_362 = arith.cmpi slt, %add3A_360, %lt3A_361 : i32
      %convert_element_type3A_363 = arith.extui %lt3A_362 : i1 to i32
      %cond3A_364 = arith.constant 0 : i32
      %cond3A_365 = arith.cmpi ne, %convert_element_type3A_363, %cond3A_364 : i32
      scf.if %cond3A_365 {
        %dma_wait3A_366 = arith.constant 0 : i32
        %dma_wait3A_367 = tpu.memref_slice %arg4[%dma_wait3A_366] : memref<320000xi32, #tpu.memory_space<hbm>> -> memref<40xi32, #tpu.memory_space<hbm>>
        %dma_wait3A_368 = arith.constant 0 : i32
        %dma_wait3A_369 = tpu.memref_slice %arg4[%dma_wait3A_368] : memref<320000xi32, #tpu.memory_space<hbm>> -> memref<40xi32, #tpu.memory_space<hbm>>
        tpu.wait_dma2 semaphore(%arg27 : memref<!tpu.dma_semaphore, #tpu.memory_space<semaphore_mem>>) src(%dma_wait3A_369 : memref<40xi32, #tpu.memory_space<hbm>>) dst(%arg8 : memref<40xi32, #tpu.memory_space<vmem>>)
        %dma_wait3A_370 = arith.constant 0 : i32
        %dma_wait3A_371 = tpu.memref_slice %arg5[%dma_wait3A_370] : memref<320000xi32, #tpu.memory_space<hbm>> -> memref<40xi32, #tpu.memory_space<hbm>>
        %dma_wait3A_372 = arith.constant 0 : i32
        %dma_wait3A_373 = tpu.memref_slice %arg5[%dma_wait3A_372] : memref<320000xi32, #tpu.memory_space<hbm>> -> memref<40xi32, #tpu.memory_space<hbm>>
        tpu.wait_dma2 semaphore(%arg27 : memref<!tpu.dma_semaphore, #tpu.memory_space<semaphore_mem>>) src(%dma_wait3A_373 : memref<40xi32, #tpu.memory_space<hbm>>) dst(%arg11 : memref<40xi32, #tpu.memory_space<vmem>>)
        %dma_start3A_374 = arith.constant 0 : i32
        %dma_start3A_375 = arith.constant 0 : i32
        %dma_start3A_376 = tpu.memref_slice %arg2[%dma_start3A_374, %dma_start3A_375] : memref<10000x128xf32, #tpu.memory_space<hbm>> -> memref<10000x128xf32, #tpu.memory_space<hbm>>
        tpu.enqueue_indirect_dma source(%dma_start3A_376 : memref<10000x128xf32, #tpu.memory_space<hbm>>) target(%arg17 : memref<40x128xf32, #tpu.memory_space<vmem>>) offsets(%arg8 : memref<40xi32, #tpu.memory_space<vmem>>) semaphore(%arg30 : memref<!tpu.dma_semaphore, #tpu.memory_space<semaphore_mem>>)
        %dma_start3A_377 = arith.constant 0 : i32
        %dma_start3A_378 = arith.constant 0 : i32
        %dma_start3A_379 = tpu.memref_slice %arg3[%dma_start3A_377, %dma_start3A_378] : memref<10000x128xf32, #tpu.memory_space<hbm>> -> memref<10000x128xf32, #tpu.memory_space<hbm>>
        tpu.enqueue_indirect_dma source(%dma_start3A_379 : memref<10000x128xf32, #tpu.memory_space<hbm>>) target(%arg20 : memref<40x128xf32, #tpu.memory_space<vmem>>) offsets(%arg11 : memref<40xi32, #tpu.memory_space<vmem>>) semaphore(%arg30 : memref<!tpu.dma_semaphore, #tpu.memory_space<semaphore_mem>>)
      } else {
      }
    }
    %scan3A_130 = arith.constant 83 : i32
    %dma_wait3A_131 = arith.constant 0 : i32
    %dma_wait3A_132 = arith.constant 0 : i32
    %dma_wait3A_133 = tpu.memref_slice %arg2[%dma_wait3A_131, %dma_wait3A_132] : memref<10000x128xf32, #tpu.memory_space<hbm>> -> memref<10000x128xf32, #tpu.memory_space<hbm>>
    tpu.wait_indirect_dma semaphore(%arg29 : memref<!tpu.dma_semaphore, #tpu.memory_space<semaphore_mem>>) src(%dma_wait3A_133 : memref<10000x128xf32, #tpu.memory_space<hbm>>) dst(%arg16 : memref<40x128xf32, #tpu.memory_space<vmem>>)
    %dma_wait3A_134 = arith.constant 0 : i32
    %dma_wait3A_135 = arith.constant 0 : i32
    %dma_wait3A_136 = tpu.memref_slice %arg3[%dma_wait3A_134, %dma_wait3A_135] : memref<10000x128xf32, #tpu.memory_space<hbm>> -> memref<10000x128xf32, #tpu.memory_space<hbm>>
    tpu.wait_indirect_dma semaphore(%arg29 : memref<!tpu.dma_semaphore, #tpu.memory_space<semaphore_mem>>) src(%dma_wait3A_136 : memref<10000x128xf32, #tpu.memory_space<hbm>>) dst(%arg19 : memref<40x128xf32, #tpu.memory_space<vmem>>)
    %dma_wait3A_137 = arith.constant 0 : i32
    %dma_wait3A_138 = arith.constant 0 : i32
    %dma_wait3A_139 = tpu.memref_slice %arg25[%dma_wait3A_137, %dma_wait3A_138] : memref<10000x80xf32, #tpu.memory_space<vmem_shared>> -> memref<10000x80xf32, #tpu.memory_space<vmem_shared>>
    tpu.wait_indirect_dma semaphore(%arg32 : memref<!tpu.dma_semaphore, #tpu.memory_space<semaphore_mem>>) src(%arg22 : memref<40x80xf32, #tpu.memory_space<vmem>>) dst(%dma_wait3A_139 : memref<10000x80xf32, #tpu.memory_space<vmem_shared>>)
    %get3A = arith.constant 0 : index
    %get3A_140 = tpu.vector_load %arg10[%get3A] {strides = array<i32>} : memref<40xi32, #tpu.memory_space<vmem>>, vector<16xi32>,
    %get3A_141 = vector.shape_cast %get3A_140 : vector<16xi32> to vector<16xi32>
    %swap3A = arith.constant 0 : index
    %swap3A_142 = tpu.vector_load %arg13[%swap3A] {strides = array<i32>} : memref<40xi32, #tpu.memory_space<vmem>>, vector<16xi32>,
    %swap3A_143 = vector.shape_cast %swap3A_142 : vector<16xi32> to vector<16xi32>
    %swap3A_144 = vector.shape_cast %get3A_141 : vector<16xi32> to vector<16xi32>
    tpu.vector_store %arg13[%swap3A], %swap3A_144 {strides = array<i32>} : memref<40xi32, #tpu.memory_space<vmem>>, vector<16xi32>,
    %get3A_145 = arith.constant 16 : index
    %get3A_146 = tpu.vector_load %arg10[%get3A_145] {strides = array<i32>} : memref<40xi32, #tpu.memory_space<vmem>>, vector<16xi32>,
    %get3A_147 = vector.shape_cast %get3A_146 : vector<16xi32> to vector<16xi32>
    %swap3A_148 = arith.constant 16 : index
    %swap3A_149 = tpu.vector_load %arg13[%swap3A_148] {strides = array<i32>} : memref<40xi32, #tpu.memory_space<vmem>>, vector<16xi32>,
    %swap3A_150 = vector.shape_cast %swap3A_149 : vector<16xi32> to vector<16xi32>
    %swap3A_151 = vector.shape_cast %get3A_147 : vector<16xi32> to vector<16xi32>
    tpu.vector_store %arg13[%swap3A_148], %swap3A_151 {strides = array<i32>} : memref<40xi32, #tpu.memory_space<vmem>>, vector<16xi32>,
    %get3A_152 = arith.constant 24 : index
    %get3A_153 = tpu.vector_load %arg10[%get3A_152] {strides = array<i32>} : memref<40xi32, #tpu.memory_space<vmem>>, vector<16xi32>,
    %get3A_154 = vector.shape_cast %get3A_153 : vector<16xi32> to vector<16xi32>
    %swap3A_155 = arith.constant 24 : index
    %swap3A_156 = tpu.vector_load %arg13[%swap3A_155] {strides = array<i32>} : memref<40xi32, #tpu.memory_space<vmem>>, vector<16xi32>,
    %swap3A_157 = vector.shape_cast %swap3A_156 : vector<16xi32> to vector<16xi32>
    %swap3A_158 = vector.shape_cast %get3A_154 : vector<16xi32> to vector<16xi32>
    tpu.vector_store %arg13[%swap3A_155], %swap3A_158 {strides = array<i32>} : memref<40xi32, #tpu.memory_space<vmem>>, vector<16xi32>,
    %iota3A = tpu.iota {dimensions = array<i32: 0>} : vector<16xi32>
    %scan3A_159 = arith.constant 0 : i32
    %scan3A_160 = arith.constant 0 : i32
    %scan3A_161 = arith.constant 40 : i32
    %scan3A_162 = arith.addi %scan3A_160, %scan3A_161 : i32
    %scan3A_163 = arith.constant 1 : i32
    scf.for %scan3A_187 = %scan3A_160 to %scan3A_162 step %scan3A_163  : i32 {
      %get3A_188 = arith.index_cast %scan3A_187 : i32 to index
      %get3A_189 = arith.constant 64 : index
      %get3A_190 = tpu.vector_load %arg16[%get3A_188, %get3A_189] {strides = array<i32>} : memref<40x128xf32, #tpu.memory_space<vmem>>, vector<1x16xf32>,
      %get3A_191 = vector.shape_cast %get3A_190 : vector<1x16xf32> to vector<16xf32>
      %get3A_192 = arith.index_cast %scan3A_187 : i32 to index
      %get3A_193 = arith.constant 0 : index
      %get3A_194 = tpu.vector_load %arg19[%get3A_192, %get3A_193] {strides = array<i32>} : memref<40x128xf32, #tpu.memory_space<vmem>>, vector<1x16xf32>,
      %get3A_195 = vector.shape_cast %get3A_194 : vector<1x16xf32> to vector<16xf32>
      %add3A_196 = arith.addf %get3A_191, %get3A_195 : vector<16xf32>
      %ge3A = arith.constant 0.000000e+00 : f32
      %ge3A_197 = vector.broadcast %ge3A : f32 to vector<16xf32>
      %ge3A_198 = arith.cmpf oge, %add3A_196, %ge3A_197 : vector<16xf32>
      %mul3A_199 = arith.constant 2.000000e-01 : f32
      %mul3A_200 = vector.broadcast %mul3A_199 : f32 to vector<16xf32>
      %mul3A_201 = arith.mulf %mul3A_200, %add3A_196 : vector<16xf32>
      %select_n3A = arith.select %ge3A_198, %add3A_196, %mul3A_201 : vector<16xi1>, vector<16xf32>
      %exp3A = math.exp %select_n3A : vector<16xf32>
      %swap3A_202 = arith.index_cast %scan3A_187 : i32 to index
      %swap3A_203 = arith.constant 64 : index
      %swap3A_204 = tpu.vector_load %arg22[%swap3A_202, %swap3A_203] {strides = array<i32>} : memref<40x80xf32, #tpu.memory_space<vmem>>, vector<1x16xf32>,
      %swap3A_205 = vector.shape_cast %swap3A_204 : vector<1x16xf32> to vector<16xf32>
      %swap3A_206 = vector.shape_cast %exp3A : vector<16xf32> to vector<1x16xf32>
      tpu.vector_store %arg22[%swap3A_202, %swap3A_203], %swap3A_206 {strides = array<i32>} : memref<40x80xf32, #tpu.memory_space<vmem>>, vector<1x16xf32>,
      %ge3A_207 = arith.constant 8 : i32
      %ge3A_208 = vector.broadcast %ge3A_207 : i32 to vector<16xi32>
      %ge3A_209 = arith.cmpi sge, %iota3A, %ge3A_208 : vector<16xi32>
      %jit3A = arith.constant 1 : i32
      %jit3A_210 = arith.constant 0 : i32
      %broadcast_in_dim3A_211 = vector.broadcast %jit3A : i32 to vector<16xi32>
      %broadcast_in_dim3A_212 = vector.broadcast %jit3A_210 : i32 to vector<16xi32>
      %select_n3A_213 = arith.select %ge3A_209, %broadcast_in_dim3A_211, %broadcast_in_dim3A_212 : vector<16xi1>, vector<16xi32>
      %lt3A = arith.constant 0 : i32
      %lt3A_214 = vector.broadcast %lt3A : i32 to vector<16xi32>
      %lt3A_215 = arith.cmpi slt, %select_n3A_213, %lt3A_214 : vector<16xi32>
      %add3A_216 = arith.constant 16 : i32
      %add3A_217 = vector.broadcast %add3A_216 : i32 to vector<16xi32>
      %add3A_218 = arith.addi %select_n3A_213, %add3A_217 : vector<16xi32>
      %select_n3A_219 = arith.select %lt3A_215, %add3A_218, %select_n3A_213 : vector<16xi1>, vector<16xi32>
      %broadcast_in_dim3A_220 = vector.shape_cast %select_n3A_219 : vector<16xi32> to vector<16x1xi32>
      %gather3A = vector.shape_cast %broadcast_in_dim3A_220 : vector<16x1xi32> to vector<16xi32>
      %gather3A_221 = tpu.dynamic_gather %exp3A[%gather3A] in [0] : vector<16xf32>, vector<16xi32> -> vector<16xf32>
      %get3A_222 = arith.index_cast %scan3A_187 : i32 to index
      %get3A_223 = arith.constant 0 : index
      %get3A_224 = tpu.vector_load %arg16[%get3A_222, %get3A_223] {strides = array<i32>} : memref<40x128xf32, #tpu.memory_space<vmem>>, vector<1x16xf32>,
      %get3A_225 = vector.shape_cast %get3A_224 : vector<1x16xf32> to vector<16xf32>
      %mul3A_226 = arith.mulf %get3A_225, %gather3A_221 : vector<16xf32>
      %swap3A_227 = arith.index_cast %scan3A_187 : i32 to index
      %swap3A_228 = arith.constant 0 : index
      %swap3A_229 = tpu.vector_load %arg22[%swap3A_227, %swap3A_228] {strides = array<i32>} : memref<40x80xf32, #tpu.memory_space<vmem>>, vector<1x16xf32>,
      %swap3A_230 = vector.shape_cast %swap3A_229 : vector<1x16xf32> to vector<16xf32>
      %swap3A_231 = vector.shape_cast %mul3A_226 : vector<16xf32> to vector<1x16xf32>
      tpu.vector_store %arg22[%swap3A_227, %swap3A_228], %swap3A_231 {strides = array<i32>} : memref<40x80xf32, #tpu.memory_space<vmem>>, vector<1x16xf32>,
      %ge3A_232 = arith.constant 8 : i32
      %ge3A_233 = vector.broadcast %ge3A_232 : i32 to vector<16xi32>
      %ge3A_234 = arith.cmpi sge, %iota3A, %ge3A_233 : vector<16xi32>
      %jit3A_235 = arith.constant 3 : i32
      %jit3A_236 = arith.constant 2 : i32
      %broadcast_in_dim3A_237 = vector.broadcast %jit3A_235 : i32 to vector<16xi32>
      %broadcast_in_dim3A_238 = vector.broadcast %jit3A_236 : i32 to vector<16xi32>
      %select_n3A_239 = arith.select %ge3A_234, %broadcast_in_dim3A_237, %broadcast_in_dim3A_238 : vector<16xi1>, vector<16xi32>
      %lt3A_240 = arith.constant 0 : i32
      %lt3A_241 = vector.broadcast %lt3A_240 : i32 to vector<16xi32>
      %lt3A_242 = arith.cmpi slt, %select_n3A_239, %lt3A_241 : vector<16xi32>
      %add3A_243 = arith.constant 16 : i32
      %add3A_244 = vector.broadcast %add3A_243 : i32 to vector<16xi32>
      %add3A_245 = arith.addi %select_n3A_239, %add3A_244 : vector<16xi32>
      %select_n3A_246 = arith.select %lt3A_242, %add3A_245, %select_n3A_239 : vector<16xi1>, vector<16xi32>
      %broadcast_in_dim3A_247 = vector.shape_cast %select_n3A_246 : vector<16xi32> to vector<16x1xi32>
      %gather3A_248 = vector.shape_cast %broadcast_in_dim3A_247 : vector<16x1xi32> to vector<16xi32>
      %gather3A_249 = tpu.dynamic_gather %exp3A[%gather3A_248] in [0] : vector<16xf32>, vector<16xi32> -> vector<16xf32>
      %get3A_250 = arith.index_cast %scan3A_187 : i32 to index
      %get3A_251 = arith.constant 16 : index
      %get3A_252 = tpu.vector_load %arg16[%get3A_250, %get3A_251] {strides = array<i32>} : memref<40x128xf32, #tpu.memory_space<vmem>>, vector<1x16xf32>,
      %get3A_253 = vector.shape_cast %get3A_252 : vector<1x16xf32> to vector<16xf32>
      %mul3A_254 = arith.mulf %get3A_253, %gather3A_249 : vector<16xf32>
      %swap3A_255 = arith.index_cast %scan3A_187 : i32 to index
      %swap3A_256 = arith.constant 16 : index
      %swap3A_257 = tpu.vector_load %arg22[%swap3A_255, %swap3A_256] {strides = array<i32>} : memref<40x80xf32, #tpu.memory_space<vmem>>, vector<1x16xf32>,
      %swap3A_258 = vector.shape_cast %swap3A_257 : vector<1x16xf32> to vector<16xf32>
      %swap3A_259 = vector.shape_cast %mul3A_254 : vector<16xf32> to vector<1x16xf32>
      tpu.vector_store %arg22[%swap3A_255, %swap3A_256], %swap3A_259 {strides = array<i32>} : memref<40x80xf32, #tpu.memory_space<vmem>>, vector<1x16xf32>,
      %ge3A_260 = arith.constant 8 : i32
      %ge3A_261 = vector.broadcast %ge3A_260 : i32 to vector<16xi32>
      %ge3A_262 = arith.cmpi sge, %iota3A, %ge3A_261 : vector<16xi32>
      %jit3A_263 = arith.constant 5 : i32
      %jit3A_264 = arith.constant 4 : i32
      %broadcast_in_dim3A_265 = vector.broadcast %jit3A_263 : i32 to vector<16xi32>
      %broadcast_in_dim3A_266 = vector.broadcast %jit3A_264 : i32 to vector<16xi32>
      %select_n3A_267 = arith.select %ge3A_262, %broadcast_in_dim3A_265, %broadcast_in_dim3A_266 : vector<16xi1>, vector<16xi32>
      %lt3A_268 = arith.constant 0 : i32
      %lt3A_269 = vector.broadcast %lt3A_268 : i32 to vector<16xi32>
      %lt3A_270 = arith.cmpi slt, %select_n3A_267, %lt3A_269 : vector<16xi32>
      %add3A_271 = arith.constant 16 : i32
      %add3A_272 = vector.broadcast %add3A_271 : i32 to vector<16xi32>
      %add3A_273 = arith.addi %select_n3A_267, %add3A_272 : vector<16xi32>
      %select_n3A_274 = arith.select %lt3A_270, %add3A_273, %select_n3A_267 : vector<16xi1>, vector<16xi32>
      %broadcast_in_dim3A_275 = vector.shape_cast %select_n3A_274 : vector<16xi32> to vector<16x1xi32>
      %gather3A_276 = vector.shape_cast %broadcast_in_dim3A_275 : vector<16x1xi32> to vector<16xi32>
      %gather3A_277 = tpu.dynamic_gather %exp3A[%gather3A_276] in [0] : vector<16xf32>, vector<16xi32> -> vector<16xf32>
      %get3A_278 = arith.index_cast %scan3A_187 : i32 to index
      %get3A_279 = arith.constant 32 : index
      %get3A_280 = tpu.vector_load %arg16[%get3A_278, %get3A_279] {strides = array<i32>} : memref<40x128xf32, #tpu.memory_space<vmem>>, vector<1x16xf32>,
      %get3A_281 = vector.shape_cast %get3A_280 : vector<1x16xf32> to vector<16xf32>
      %mul3A_282 = arith.mulf %get3A_281, %gather3A_277 : vector<16xf32>
      %swap3A_283 = arith.index_cast %scan3A_187 : i32 to index
      %swap3A_284 = arith.constant 32 : index
      %swap3A_285 = tpu.vector_load %arg22[%swap3A_283, %swap3A_284] {strides = array<i32>} : memref<40x80xf32, #tpu.memory_space<vmem>>, vector<1x16xf32>,
      %swap3A_286 = vector.shape_cast %swap3A_285 : vector<1x16xf32> to vector<16xf32>
      %swap3A_287 = vector.shape_cast %mul3A_282 : vector<16xf32> to vector<1x16xf32>
      tpu.vector_store %arg22[%swap3A_283, %swap3A_284], %swap3A_287 {strides = array<i32>} : memref<40x80xf32, #tpu.memory_space<vmem>>, vector<1x16xf32>,
      %ge3A_288 = arith.constant 8 : i32
      %ge3A_289 = vector.broadcast %ge3A_288 : i32 to vector<16xi32>
      %ge3A_290 = arith.cmpi sge, %iota3A, %ge3A_289 : vector<16xi32>
      %jit3A_291 = arith.constant 7 : i32
      %jit3A_292 = arith.constant 6 : i32
      %broadcast_in_dim3A_293 = vector.broadcast %jit3A_291 : i32 to vector<16xi32>
      %broadcast_in_dim3A_294 = vector.broadcast %jit3A_292 : i32 to vector<16xi32>
      %select_n3A_295 = arith.select %ge3A_290, %broadcast_in_dim3A_293, %broadcast_in_dim3A_294 : vector<16xi1>, vector<16xi32>
      %lt3A_296 = arith.constant 0 : i32
      %lt3A_297 = vector.broadcast %lt3A_296 : i32 to vector<16xi32>
      %lt3A_298 = arith.cmpi slt, %select_n3A_295, %lt3A_297 : vector<16xi32>
      %add3A_299 = arith.constant 16 : i32
      %add3A_300 = vector.broadcast %add3A_299 : i32 to vector<16xi32>
      %add3A_301 = arith.addi %select_n3A_295, %add3A_300 : vector<16xi32>
      %select_n3A_302 = arith.select %lt3A_298, %add3A_301, %select_n3A_295 : vector<16xi1>, vector<16xi32>
      %broadcast_in_dim3A_303 = vector.shape_cast %select_n3A_302 : vector<16xi32> to vector<16x1xi32>
      %gather3A_304 = vector.shape_cast %broadcast_in_dim3A_303 : vector<16x1xi32> to vector<16xi32>
      %gather3A_305 = tpu.dynamic_gather %exp3A[%gather3A_304] in [0] : vector<16xf32>, vector<16xi32> -> vector<16xf32>
      %get3A_306 = arith.index_cast %scan3A_187 : i32 to index
      %get3A_307 = arith.constant 48 : index
      %get3A_308 = tpu.vector_load %arg16[%get3A_306, %get3A_307] {strides = array<i32>} : memref<40x128xf32, #tpu.memory_space<vmem>>, vector<1x16xf32>,
      %get3A_309 = vector.shape_cast %get3A_308 : vector<1x16xf32> to vector<16xf32>
      %mul3A_310 = arith.mulf %get3A_309, %gather3A_305 : vector<16xf32>
      %swap3A_311 = arith.index_cast %scan3A_187 : i32 to index
      %swap3A_312 = arith.constant 48 : index
      %swap3A_313 = tpu.vector_load %arg22[%swap3A_311, %swap3A_312] {strides = array<i32>} : memref<40x80xf32, #tpu.memory_space<vmem>>, vector<1x16xf32>,
      %swap3A_314 = vector.shape_cast %swap3A_313 : vector<1x16xf32> to vector<16xf32>
      %swap3A_315 = vector.shape_cast %mul3A_310 : vector<16xf32> to vector<1x16xf32>
      tpu.vector_store %arg22[%swap3A_311, %swap3A_312], %swap3A_315 {strides = array<i32>} : memref<40x80xf32, #tpu.memory_space<vmem>>, vector<1x16xf32>,
    }
    %scan3A_164 = arith.constant 40 : i32
    %dma_start3A_165 = arith.constant 0 : i32
    %dma_start3A_166 = arith.constant 0 : i32
    %dma_start3A_167 = tpu.memref_slice %arg25[%dma_start3A_165, %dma_start3A_166] : memref<10000x80xf32, #tpu.memory_space<vmem_shared>> -> memref<10000x80xf32, #tpu.memory_space<vmem_shared>>
    tpu.enqueue_indirect_dma source(%arg22 : memref<40x80xf32, #tpu.memory_space<vmem>>) target(%dma_start3A_167 : memref<10000x80xf32, #tpu.memory_space<vmem_shared>>) offsets(%arg13 : memref<40xi32, #tpu.memory_space<vmem>>) semaphore(%arg32 : memref<!tpu.dma_semaphore, #tpu.memory_space<semaphore_mem>>) {add = true}
    %dma_wait3A_168 = arith.constant 0 : i32
    %dma_wait3A_169 = arith.constant 0 : i32
    %dma_wait3A_170 = tpu.memref_slice %arg25[%dma_wait3A_168, %dma_wait3A_169] : memref<10000x80xf32, #tpu.memory_space<vmem_shared>> -> memref<10000x80xf32, #tpu.memory_space<vmem_shared>>
    tpu.wait_indirect_dma semaphore(%arg32 : memref<!tpu.dma_semaphore, #tpu.memory_space<semaphore_mem>>) src(%arg22 : memref<40x80xf32, #tpu.memory_space<vmem>>) dst(%dma_wait3A_170 : memref<10000x80xf32, #tpu.memory_space<vmem_shared>>)
    %dma_wait3A_171 = arith.constant 0 : i32
    %dma_wait3A_172 = arith.constant 0 : i32
    %dma_wait3A_173 = tpu.memref_slice %arg25[%dma_wait3A_171, %dma_wait3A_172] : memref<10000x80xf32, #tpu.memory_space<vmem_shared>> -> memref<10000x80xf32, #tpu.memory_space<vmem_shared>>
    tpu.wait_indirect_dma semaphore(%arg33 : memref<!tpu.dma_semaphore, #tpu.memory_space<semaphore_mem>>) src(%arg23 : memref<40x80xf32, #tpu.memory_space<vmem>>) dst(%dma_wait3A_173 : memref<10000x80xf32, #tpu.memory_space<vmem_shared>>)
    %dma_wait3A_174 = arith.constant 0 : i32
    %dma_wait3A_175 = arith.constant 0 : i32
    %dma_wait3A_176 = tpu.memref_slice %arg25[%dma_wait3A_174, %dma_wait3A_175] : memref<10000x80xf32, #tpu.memory_space<vmem_shared>> -> memref<10000x80xf32, #tpu.memory_space<vmem_shared>>
    tpu.wait_indirect_dma semaphore(%arg34 : memref<!tpu.dma_semaphore, #tpu.memory_space<semaphore_mem>>) src(%arg24 : memref<40x80xf32, #tpu.memory_space<vmem>>) dst(%dma_wait3A_176 : memref<10000x80xf32, #tpu.memory_space<vmem_shared>>)
    %barrier3A_177 = arith.constant 0 : index
    tpu.barrier barrier_id(%barrier3A_177)
    %mul3A_178 = arith.constant 624 : i32
    %mul3A_179 = arith.muli %arg1, %mul3A_178 : i32
    %mul3A_180 = arith.constant 624 : i32
    %mul3A_181 = arith.muli %arg1, %mul3A_180 : i32
    "tpu.region"() ({
      %run_scoped3A = tpu.sem_alloc : memref<!tpu.dma_semaphore, #tpu.memory_space<semaphore_mem>>
      %dma_start3A_187 = arith.constant 0 : i32
      %dma_start3A_188 = tpu.memref_slice %arg6[%arg0, %mul3A_181, %dma_start3A_187] : memref<2x10000x80xf32, #tpu.memory_space<hbm>> -> memref<1x624x80xf32, #tpu.memory_space<hbm>>
      %dma_start3A_189 = tpu.memref_squeeze %dma_start3A_188 : memref<1x624x80xf32, #tpu.memory_space<hbm>> -> memref<624x80xf32, #tpu.memory_space<hbm>>
      %dma_start3A_190 = arith.constant 0 : i32
      %dma_start3A_191 = tpu.memref_slice %arg25[%mul3A_179, %dma_start3A_190] : memref<10000x80xf32, #tpu.memory_space<vmem_shared>> -> memref<624x80xf32, #tpu.memory_space<vmem_shared>>
      tpu.enqueue_dma source(%dma_start3A_191 : memref<624x80xf32, #tpu.memory_space<vmem_shared>>) target(%dma_start3A_189 : memref<624x80xf32, #tpu.memory_space<hbm>>) target_semaphore(%run_scoped3A : memref<!tpu.dma_semaphore, #tpu.memory_space<semaphore_mem>>)
      %dma_wait3A_192 = arith.constant 0 : i32
      %dma_wait3A_193 = tpu.memref_slice %arg6[%arg0, %mul3A_181, %dma_wait3A_192] : memref<2x10000x80xf32, #tpu.memory_space<hbm>> -> memref<1x624x80xf32, #tpu.memory_space<hbm>>
      %dma_wait3A_194 = tpu.memref_squeeze %dma_wait3A_193 : memref<1x624x80xf32, #tpu.memory_space<hbm>> -> memref<624x80xf32, #tpu.memory_space<hbm>>
      %dma_wait3A_195 = arith.constant 0 : i32
      %dma_wait3A_196 = tpu.memref_slice %arg25[%mul3A_179, %dma_wait3A_195] : memref<10000x80xf32, #tpu.memory_space<vmem_shared>> -> memref<624x80xf32, #tpu.memory_space<vmem_shared>>
      tpu.wait_dma2 semaphore(%run_scoped3A : memref<!tpu.dma_semaphore, #tpu.memory_space<semaphore_mem>>) src(%dma_wait3A_196 : memref<624x80xf32, #tpu.memory_space<vmem_shared>>) dst(%dma_wait3A_194 : memref<624x80xf32, #tpu.memory_space<hbm>>)
      tpu.yield
    }) : () -> ()
    %eq3A_182 = arith.constant 15 : i32
    %eq3A_183 = arith.cmpi eq, %arg1, %eq3A_182 : i32
    %convert_element_type3A_184 = arith.extui %eq3A_183 : i1 to i32
    %cond3A_185 = arith.constant 0 : i32
    %cond3A_186 = arith.cmpi ne, %convert_element_type3A_184, %cond3A_185 : i32
    scf.if %cond3A_186 {
      "tpu.region"() ({
        %run_scoped3A = tpu.sem_alloc : memref<!tpu.dma_semaphore, #tpu.memory_space<semaphore_mem>>
        %dma_start3A_187 = arith.constant 9984 : i32
        %dma_start3A_188 = arith.constant 0 : i32
        %dma_start3A_189 = tpu.memref_slice %arg6[%arg0, %dma_start3A_187, %dma_start3A_188] : memref<2x10000x80xf32, #tpu.memory_space<hbm>> -> memref<1x16x80xf32, #tpu.memory_space<hbm>>
        %dma_start3A_190 = tpu.memref_squeeze %dma_start3A_189 : memref<1x16x80xf32, #tpu.memory_space<hbm>> -> memref<16x80xf32, #tpu.memory_space<hbm>>
        %dma_start3A_191 = arith.constant 9984 : i32
        %dma_start3A_192 = arith.constant 0 : i32
        %dma_start3A_193 = tpu.memref_slice %arg25[%dma_start3A_191, %dma_start3A_192] : memref<10000x80xf32, #tpu.memory_space<vmem_shared>> -> memref<16x80xf32, #tpu.memory_space<vmem_shared>>
        tpu.enqueue_dma source(%dma_start3A_193 : memref<16x80xf32, #tpu.memory_space<vmem_shared>>) target(%dma_start3A_190 : memref<16x80xf32, #tpu.memory_space<hbm>>) target_semaphore(%run_scoped3A : memref<!tpu.dma_semaphore, #tpu.memory_space<semaphore_mem>>)
        %dma_wait3A_194 = arith.constant 9984 : i32
        %dma_wait3A_195 = arith.constant 0 : i32
        %dma_wait3A_196 = tpu.memref_slice %arg6[%arg0, %dma_wait3A_194, %dma_wait3A_195] : memref<2x10000x80xf32, #tpu.memory_space<hbm>> -> memref<1x16x80xf32, #tpu.memory_space<hbm>>
        %dma_wait3A_197 = tpu.memref_squeeze %dma_wait3A_196 : memref<1x16x80xf32, #tpu.memory_space<hbm>> -> memref<16x80xf32, #tpu.memory_space<hbm>>
        %dma_wait3A_198 = arith.constant 9984 : i32
        %dma_wait3A_199 = arith.constant 0 : i32
        %dma_wait3A_200 = tpu.memref_slice %arg25[%dma_wait3A_198, %dma_wait3A_199] : memref<10000x80xf32, #tpu.memory_space<vmem_shared>> -> memref<16x80xf32, #tpu.memory_space<vmem_shared>>
        tpu.wait_dma2 semaphore(%run_scoped3A : memref<!tpu.dma_semaphore, #tpu.memory_space<semaphore_mem>>) src(%dma_wait3A_200 : memref<16x80xf32, #tpu.memory_space<vmem_shared>>) dst(%dma_wait3A_197 : memref<16x80xf32, #tpu.memory_space<hbm>>)
        tpu.yield
      }) : () -> ()
    } else {
    }
    return
  }
}

#map = affine_map<(d0, d1) -> (0, 0)>
#map1 = affine_map<(d0, d1) -> (0)>
#map2 = affine_map<(d0, d1) -> (0, 0, 0)>
module attributes {stable_mosaic.version = 14 : i64} {
  func.func @k(%arg0: i32, %arg1: i32, %arg2: memref<10000x128xf32, #tpu.memory_space<hbm>>, %arg3: memref<10000x128xf32, #tpu.memory_space<hbm>>, %arg4: memref<320000xi32, #tpu.memory_space<hbm>>, %arg5: memref<320000xi32, #tpu.memory_space<hbm>>, %arg6: memref<2x10000x48xf32, #tpu.memory_space<hbm>>, %arg7: memref<40xi32, #tpu.memory_space<vmem>>, %arg8: memref<40xi32, #tpu.memory_space<vmem>>, %arg9: memref<40xi32, #tpu.memory_space<vmem>>, %arg10: memref<40xi32, #tpu.memory_space<vmem>>, %arg11: memref<40xi32, #tpu.memory_space<vmem>>, %arg12: memref<40xi32, #tpu.memory_space<vmem>>, %arg13: memref<40xi32, #tpu.memory_space<vmem>>, %arg14: memref<40xi32, #tpu.memory_space<vmem>>, %arg15: memref<40xi32, #tpu.memory_space<vmem>>, %arg16: memref<40x128xf32, #tpu.memory_space<vmem>>, %arg17: memref<40x128xf32, #tpu.memory_space<vmem>>, %arg18: memref<40x128xf32, #tpu.memory_space<vmem>>, %arg19: memref<40x128xf32, #tpu.memory_space<vmem>>, %arg20: memref<40x128xf32, #tpu.memory_space<vmem>>, %arg21: memref<40x128xf32, #tpu.memory_space<vmem>>, %arg22: memref<40x48xf32, #tpu.memory_space<vmem>>, %arg23: memref<40x48xf32, #tpu.memory_space<vmem>>, %arg24: memref<40x48xf32, #tpu.memory_space<vmem>>, %arg25: memref<10000x48xf32, #tpu.memory_space<vmem_shared>>, %arg26: memref<!tpu.dma_semaphore, #tpu.memory_space<semaphore_mem>>, %arg27: memref<!tpu.dma_semaphore, #tpu.memory_space<semaphore_mem>>, %arg28: memref<!tpu.dma_semaphore, #tpu.memory_space<semaphore_mem>>, %arg29: memref<!tpu.dma_semaphore, #tpu.memory_space<semaphore_mem>>, %arg30: memref<!tpu.dma_semaphore, #tpu.memory_space<semaphore_mem>>, %arg31: memref<!tpu.dma_semaphore, #tpu.memory_space<semaphore_mem>>, %arg32: memref<!tpu.dma_semaphore, #tpu.memory_space<semaphore_mem>>, %arg33: memref<!tpu.dma_semaphore, #tpu.memory_space<semaphore_mem>>, %arg34: memref<!tpu.dma_semaphore, #tpu.memory_space<semaphore_mem>>) attributes {dimension_semantics = [#tpu.dimension_semantics<core_parallel>, #tpu.dimension_semantics<subcore_parallel>], iteration_bounds = array<i64: 2, 16>, scalar_prefetch = 0 : i64, scratch_operands = 28 : i64, tpu.core_type = #tpu.core_type<sc_vector_subcore>, window_params = [{transform_indices = #map}, {transform_indices = #map}, {transform_indices = #map1}, {transform_indices = #map1}, {transform_indices = #map2}]} {
    %mul3A = arith.constant 16 : i32
    %mul3A_0 = arith.muli %arg0, %mul3A : i32
    %add3A = arith.addi %mul3A_0, %arg1 : i32
    %broadcast_in_dim3A = arith.constant 0.000000e+00 : f32
    %broadcast_in_dim3A_1 = vector.broadcast %broadcast_in_dim3A : f32 to vector<16xf32>
    %scan3A = arith.constant 0 : i32
    %scan3A_2 = arith.constant 0 : i32
    %scan3A_3 = arith.constant 40 : i32
    %scan3A_4 = arith.addi %scan3A_2, %scan3A_3 : i32
    %scan3A_5 = arith.constant 1 : i32
    scf.for %scan3A_187 = %scan3A_2 to %scan3A_4 step %scan3A_5  : i32 {
      %swap3A_188 = arith.index_cast %scan3A_187 : i32 to index
      %swap3A_189 = arith.constant 0 : index
      %swap3A_190 = tpu.vector_load %arg22[%swap3A_188, %swap3A_189] {strides = array<i32>} : memref<40x48xf32, #tpu.memory_space<vmem>>, vector<1x16xf32>,
      %swap3A_191 = vector.shape_cast %swap3A_190 : vector<1x16xf32> to vector<16xf32>
      %swap3A_192 = vector.shape_cast %broadcast_in_dim3A_1 : vector<16xf32> to vector<1x16xf32>
      tpu.vector_store %arg22[%swap3A_188, %swap3A_189], %swap3A_192 {strides = array<i32>} : memref<40x48xf32, #tpu.memory_space<vmem>>, vector<1x16xf32>,
      %swap3A_193 = arith.index_cast %scan3A_187 : i32 to index
      %swap3A_194 = arith.constant 0 : index
      %swap3A_195 = tpu.vector_load %arg23[%swap3A_193, %swap3A_194] {strides = array<i32>} : memref<40x48xf32, #tpu.memory_space<vmem>>, vector<1x16xf32>,
      %swap3A_196 = vector.shape_cast %swap3A_195 : vector<1x16xf32> to vector<16xf32>
      %swap3A_197 = vector.shape_cast %broadcast_in_dim3A_1 : vector<16xf32> to vector<1x16xf32>
      tpu.vector_store %arg23[%swap3A_193, %swap3A_194], %swap3A_197 {strides = array<i32>} : memref<40x48xf32, #tpu.memory_space<vmem>>, vector<1x16xf32>,
      %swap3A_198 = arith.index_cast %scan3A_187 : i32 to index
      %swap3A_199 = arith.constant 0 : index
      %swap3A_200 = tpu.vector_load %arg24[%swap3A_198, %swap3A_199] {strides = array<i32>} : memref<40x48xf32, #tpu.memory_space<vmem>>, vector<1x16xf32>,
      %swap3A_201 = vector.shape_cast %swap3A_200 : vector<1x16xf32> to vector<16xf32>
      %swap3A_202 = vector.shape_cast %broadcast_in_dim3A_1 : vector<16xf32> to vector<1x16xf32>
      tpu.vector_store %arg24[%swap3A_198, %swap3A_199], %swap3A_202 {strides = array<i32>} : memref<40x48xf32, #tpu.memory_space<vmem>>, vector<1x16xf32>,
      %swap3A_203 = arith.index_cast %scan3A_187 : i32 to index
      %swap3A_204 = arith.constant 16 : index
      %swap3A_205 = tpu.vector_load %arg22[%swap3A_203, %swap3A_204] {strides = array<i32>} : memref<40x48xf32, #tpu.memory_space<vmem>>, vector<1x16xf32>,
      %swap3A_206 = vector.shape_cast %swap3A_205 : vector<1x16xf32> to vector<16xf32>
      %swap3A_207 = vector.shape_cast %broadcast_in_dim3A_1 : vector<16xf32> to vector<1x16xf32>
      tpu.vector_store %arg22[%swap3A_203, %swap3A_204], %swap3A_207 {strides = array<i32>} : memref<40x48xf32, #tpu.memory_space<vmem>>, vector<1x16xf32>,
      %swap3A_208 = arith.index_cast %scan3A_187 : i32 to index
      %swap3A_209 = arith.constant 16 : index
      %swap3A_210 = tpu.vector_load %arg23[%swap3A_208, %swap3A_209] {strides = array<i32>} : memref<40x48xf32, #tpu.memory_space<vmem>>, vector<1x16xf32>,
      %swap3A_211 = vector.shape_cast %swap3A_210 : vector<1x16xf32> to vector<16xf32>
      %swap3A_212 = vector.shape_cast %broadcast_in_dim3A_1 : vector<16xf32> to vector<1x16xf32>
      tpu.vector_store %arg23[%swap3A_208, %swap3A_209], %swap3A_212 {strides = array<i32>} : memref<40x48xf32, #tpu.memory_space<vmem>>, vector<1x16xf32>,
      %swap3A_213 = arith.index_cast %scan3A_187 : i32 to index
      %swap3A_214 = arith.constant 16 : index
      %swap3A_215 = tpu.vector_load %arg24[%swap3A_213, %swap3A_214] {strides = array<i32>} : memref<40x48xf32, #tpu.memory_space<vmem>>, vector<1x16xf32>,
      %swap3A_216 = vector.shape_cast %swap3A_215 : vector<1x16xf32> to vector<16xf32>
      %swap3A_217 = vector.shape_cast %broadcast_in_dim3A_1 : vector<16xf32> to vector<1x16xf32>
      tpu.vector_store %arg24[%swap3A_213, %swap3A_214], %swap3A_217 {strides = array<i32>} : memref<40x48xf32, #tpu.memory_space<vmem>>, vector<1x16xf32>,
      %swap3A_218 = arith.index_cast %scan3A_187 : i32 to index
      %swap3A_219 = arith.constant 32 : index
      %swap3A_220 = tpu.vector_load %arg22[%swap3A_218, %swap3A_219] {strides = array<i32>} : memref<40x48xf32, #tpu.memory_space<vmem>>, vector<1x16xf32>,
      %swap3A_221 = vector.shape_cast %swap3A_220 : vector<1x16xf32> to vector<16xf32>
      %swap3A_222 = vector.shape_cast %broadcast_in_dim3A_1 : vector<16xf32> to vector<1x16xf32>
      tpu.vector_store %arg22[%swap3A_218, %swap3A_219], %swap3A_222 {strides = array<i32>} : memref<40x48xf32, #tpu.memory_space<vmem>>, vector<1x16xf32>,
      %swap3A_223 = arith.index_cast %scan3A_187 : i32 to index
      %swap3A_224 = arith.constant 32 : index
      %swap3A_225 = tpu.vector_load %arg23[%swap3A_223, %swap3A_224] {strides = array<i32>} : memref<40x48xf32, #tpu.memory_space<vmem>>, vector<1x16xf32>,
      %swap3A_226 = vector.shape_cast %swap3A_225 : vector<1x16xf32> to vector<16xf32>
      %swap3A_227 = vector.shape_cast %broadcast_in_dim3A_1 : vector<16xf32> to vector<1x16xf32>
      tpu.vector_store %arg23[%swap3A_223, %swap3A_224], %swap3A_227 {strides = array<i32>} : memref<40x48xf32, #tpu.memory_space<vmem>>, vector<1x16xf32>,
      %swap3A_228 = arith.index_cast %scan3A_187 : i32 to index
      %swap3A_229 = arith.constant 32 : index
      %swap3A_230 = tpu.vector_load %arg24[%swap3A_228, %swap3A_229] {strides = array<i32>} : memref<40x48xf32, #tpu.memory_space<vmem>>, vector<1x16xf32>,
      %swap3A_231 = vector.shape_cast %swap3A_230 : vector<1x16xf32> to vector<16xf32>
      %swap3A_232 = vector.shape_cast %broadcast_in_dim3A_1 : vector<16xf32> to vector<1x16xf32>
      tpu.vector_store %arg24[%swap3A_228, %swap3A_229], %swap3A_232 {strides = array<i32>} : memref<40x48xf32, #tpu.memory_space<vmem>>, vector<1x16xf32>,
    }
    %scan3A_6 = arith.constant 40 : i32
    %mul3A_7 = arith.constant 624 : i32
    %mul3A_8 = arith.muli %arg1, %mul3A_7 : i32
    %add3A_9 = arith.constant 0 : i32
    %add3A_10 = arith.addi %mul3A_8, %add3A_9 : i32
    "tpu.region"() ({
      %run_scoped3A = tpu.sem_alloc : memref<!tpu.dma_semaphore, #tpu.memory_space<semaphore_mem>>
      %dma_start3A_187 = arith.constant 0 : i32
      %dma_start3A_188 = tpu.memref_slice %arg25[%add3A_10, %dma_start3A_187] : memref<10000x48xf32, #tpu.memory_space<vmem_shared>> -> memref<40x48xf32, #tpu.memory_space<vmem_shared>>
      %dma_start3A_189 = arith.constant 0 : i32
      %dma_start3A_190 = tpu.memref_slice %arg25[%add3A_10, %dma_start3A_189] : memref<10000x48xf32, #tpu.memory_space<vmem_shared>> -> memref<40x48xf32, #tpu.memory_space<vmem_shared>>
      tpu.enqueue_dma source(%arg22 : memref<40x48xf32, #tpu.memory_space<vmem>>) target(%dma_start3A_190 : memref<40x48xf32, #tpu.memory_space<vmem_shared>>) target_semaphore(%run_scoped3A : memref<!tpu.dma_semaphore, #tpu.memory_space<semaphore_mem>>)
      %dma_wait3A_191 = arith.constant 0 : i32
      %dma_wait3A_192 = tpu.memref_slice %arg25[%add3A_10, %dma_wait3A_191] : memref<10000x48xf32, #tpu.memory_space<vmem_shared>> -> memref<40x48xf32, #tpu.memory_space<vmem_shared>>
      %dma_wait3A_193 = arith.constant 0 : i32
      %dma_wait3A_194 = tpu.memref_slice %arg25[%add3A_10, %dma_wait3A_193] : memref<10000x48xf32, #tpu.memory_space<vmem_shared>> -> memref<40x48xf32, #tpu.memory_space<vmem_shared>>
      tpu.wait_dma2 semaphore(%run_scoped3A : memref<!tpu.dma_semaphore, #tpu.memory_space<semaphore_mem>>) src(%arg22 : memref<40x48xf32, #tpu.memory_space<vmem>>) dst(%dma_wait3A_194 : memref<40x48xf32, #tpu.memory_space<vmem_shared>>)
      tpu.yield
    }) : () -> ()
    %mul3A_11 = arith.constant 624 : i32
    %mul3A_12 = arith.muli %arg1, %mul3A_11 : i32
    %add3A_13 = arith.constant 40 : i32
    %add3A_14 = arith.addi %mul3A_12, %add3A_13 : i32
    "tpu.region"() ({
      %run_scoped3A = tpu.sem_alloc : memref<!tpu.dma_semaphore, #tpu.memory_space<semaphore_mem>>
      %dma_start3A_187 = arith.constant 0 : i32
      %dma_start3A_188 = tpu.memref_slice %arg25[%add3A_14, %dma_start3A_187] : memref<10000x48xf32, #tpu.memory_space<vmem_shared>> -> memref<40x48xf32, #tpu.memory_space<vmem_shared>>
      %dma_start3A_189 = arith.constant 0 : i32
      %dma_start3A_190 = tpu.memref_slice %arg25[%add3A_14, %dma_start3A_189] : memref<10000x48xf32, #tpu.memory_space<vmem_shared>> -> memref<40x48xf32, #tpu.memory_space<vmem_shared>>
      tpu.enqueue_dma source(%arg22 : memref<40x48xf32, #tpu.memory_space<vmem>>) target(%dma_start3A_190 : memref<40x48xf32, #tpu.memory_space<vmem_shared>>) target_semaphore(%run_scoped3A : memref<!tpu.dma_semaphore, #tpu.memory_space<semaphore_mem>>)
      %dma_wait3A_191 = arith.constant 0 : i32
      %dma_wait3A_192 = tpu.memref_slice %arg25[%add3A_14, %dma_wait3A_191] : memref<10000x48xf32, #tpu.memory_space<vmem_shared>> -> memref<40x48xf32, #tpu.memory_space<vmem_shared>>
      %dma_wait3A_193 = arith.constant 0 : i32
      %dma_wait3A_194 = tpu.memref_slice %arg25[%add3A_14, %dma_wait3A_193] : memref<10000x48xf32, #tpu.memory_space<vmem_shared>> -> memref<40x48xf32, #tpu.memory_space<vmem_shared>>
      tpu.wait_dma2 semaphore(%run_scoped3A : memref<!tpu.dma_semaphore, #tpu.memory_space<semaphore_mem>>) src(%arg22 : memref<40x48xf32, #tpu.memory_space<vmem>>) dst(%dma_wait3A_194 : memref<40x48xf32, #tpu.memory_space<vmem_shared>>)
      tpu.yield
    }) : () -> ()
    %mul3A_15 = arith.constant 624 : i32
    %mul3A_16 = arith.muli %arg1, %mul3A_15 : i32
    %add3A_17 = arith.constant 80 : i32
    %add3A_18 = arith.addi %mul3A_16, %add3A_17 : i32
    "tpu.region"() ({
      %run_scoped3A = tpu.sem_alloc : memref<!tpu.dma_semaphore, #tpu.memory_space<semaphore_mem>>
      %dma_start3A_187 = arith.constant 0 : i32
      %dma_start3A_188 = tpu.memref_slice %arg25[%add3A_18, %dma_start3A_187] : memref<10000x48xf32, #tpu.memory_space<vmem_shared>> -> memref<40x48xf32, #tpu.memory_space<vmem_shared>>
      %dma_start3A_189 = arith.constant 0 : i32
      %dma_start3A_190 = tpu.memref_slice %arg25[%add3A_18, %dma_start3A_189] : memref<10000x48xf32, #tpu.memory_space<vmem_shared>> -> memref<40x48xf32, #tpu.memory_space<vmem_shared>>
      tpu.enqueue_dma source(%arg22 : memref<40x48xf32, #tpu.memory_space<vmem>>) target(%dma_start3A_190 : memref<40x48xf32, #tpu.memory_space<vmem_shared>>) target_semaphore(%run_scoped3A : memref<!tpu.dma_semaphore, #tpu.memory_space<semaphore_mem>>)
      %dma_wait3A_191 = arith.constant 0 : i32
      %dma_wait3A_192 = tpu.memref_slice %arg25[%add3A_18, %dma_wait3A_191] : memref<10000x48xf32, #tpu.memory_space<vmem_shared>> -> memref<40x48xf32, #tpu.memory_space<vmem_shared>>
      %dma_wait3A_193 = arith.constant 0 : i32
      %dma_wait3A_194 = tpu.memref_slice %arg25[%add3A_18, %dma_wait3A_193] : memref<10000x48xf32, #tpu.memory_space<vmem_shared>> -> memref<40x48xf32, #tpu.memory_space<vmem_shared>>
      tpu.wait_dma2 semaphore(%run_scoped3A : memref<!tpu.dma_semaphore, #tpu.memory_space<semaphore_mem>>) src(%arg22 : memref<40x48xf32, #tpu.memory_space<vmem>>) dst(%dma_wait3A_194 : memref<40x48xf32, #tpu.memory_space<vmem_shared>>)
      tpu.yield
    }) : () -> ()
    %mul3A_19 = arith.constant 624 : i32
    %mul3A_20 = arith.muli %arg1, %mul3A_19 : i32
    %add3A_21 = arith.constant 120 : i32
    %add3A_22 = arith.addi %mul3A_20, %add3A_21 : i32
    "tpu.region"() ({
      %run_scoped3A = tpu.sem_alloc : memref<!tpu.dma_semaphore, #tpu.memory_space<semaphore_mem>>
      %dma_start3A_187 = arith.constant 0 : i32
      %dma_start3A_188 = tpu.memref_slice %arg25[%add3A_22, %dma_start3A_187] : memref<10000x48xf32, #tpu.memory_space<vmem_shared>> -> memref<40x48xf32, #tpu.memory_space<vmem_shared>>
      %dma_start3A_189 = arith.constant 0 : i32
      %dma_start3A_190 = tpu.memref_slice %arg25[%add3A_22, %dma_start3A_189] : memref<10000x48xf32, #tpu.memory_space<vmem_shared>> -> memref<40x48xf32, #tpu.memory_space<vmem_shared>>
      tpu.enqueue_dma source(%arg22 : memref<40x48xf32, #tpu.memory_space<vmem>>) target(%dma_start3A_190 : memref<40x48xf32, #tpu.memory_space<vmem_shared>>) target_semaphore(%run_scoped3A : memref<!tpu.dma_semaphore, #tpu.memory_space<semaphore_mem>>)
      %dma_wait3A_191 = arith.constant 0 : i32
      %dma_wait3A_192 = tpu.memref_slice %arg25[%add3A_22, %dma_wait3A_191] : memref<10000x48xf32, #tpu.memory_space<vmem_shared>> -> memref<40x48xf32, #tpu.memory_space<vmem_shared>>
      %dma_wait3A_193 = arith.constant 0 : i32
      %dma_wait3A_194 = tpu.memref_slice %arg25[%add3A_22, %dma_wait3A_193] : memref<10000x48xf32, #tpu.memory_space<vmem_shared>> -> memref<40x48xf32, #tpu.memory_space<vmem_shared>>
      tpu.wait_dma2 semaphore(%run_scoped3A : memref<!tpu.dma_semaphore, #tpu.memory_space<semaphore_mem>>) src(%arg22 : memref<40x48xf32, #tpu.memory_space<vmem>>) dst(%dma_wait3A_194 : memref<40x48xf32, #tpu.memory_space<vmem_shared>>)
      tpu.yield
    }) : () -> ()
    %mul3A_23 = arith.constant 624 : i32
    %mul3A_24 = arith.muli %arg1, %mul3A_23 : i32
    %add3A_25 = arith.constant 160 : i32
    %add3A_26 = arith.addi %mul3A_24, %add3A_25 : i32
    "tpu.region"() ({
      %run_scoped3A = tpu.sem_alloc : memref<!tpu.dma_semaphore, #tpu.memory_space<semaphore_mem>>
      %dma_start3A_187 = arith.constant 0 : i32
      %dma_start3A_188 = tpu.memref_slice %arg25[%add3A_26, %dma_start3A_187] : memref<10000x48xf32, #tpu.memory_space<vmem_shared>> -> memref<40x48xf32, #tpu.memory_space<vmem_shared>>
      %dma_start3A_189 = arith.constant 0 : i32
      %dma_start3A_190 = tpu.memref_slice %arg25[%add3A_26, %dma_start3A_189] : memref<10000x48xf32, #tpu.memory_space<vmem_shared>> -> memref<40x48xf32, #tpu.memory_space<vmem_shared>>
      tpu.enqueue_dma source(%arg22 : memref<40x48xf32, #tpu.memory_space<vmem>>) target(%dma_start3A_190 : memref<40x48xf32, #tpu.memory_space<vmem_shared>>) target_semaphore(%run_scoped3A : memref<!tpu.dma_semaphore, #tpu.memory_space<semaphore_mem>>)
      %dma_wait3A_191 = arith.constant 0 : i32
      %dma_wait3A_192 = tpu.memref_slice %arg25[%add3A_26, %dma_wait3A_191] : memref<10000x48xf32, #tpu.memory_space<vmem_shared>> -> memref<40x48xf32, #tpu.memory_space<vmem_shared>>
      %dma_wait3A_193 = arith.constant 0 : i32
      %dma_wait3A_194 = tpu.memref_slice %arg25[%add3A_26, %dma_wait3A_193] : memref<10000x48xf32, #tpu.memory_space<vmem_shared>> -> memref<40x48xf32, #tpu.memory_space<vmem_shared>>
      tpu.wait_dma2 semaphore(%run_scoped3A : memref<!tpu.dma_semaphore, #tpu.memory_space<semaphore_mem>>) src(%arg22 : memref<40x48xf32, #tpu.memory_space<vmem>>) dst(%dma_wait3A_194 : memref<40x48xf32, #tpu.memory_space<vmem_shared>>)
      tpu.yield
    }) : () -> ()
    %mul3A_27 = arith.constant 624 : i32
    %mul3A_28 = arith.muli %arg1, %mul3A_27 : i32
    %add3A_29 = arith.constant 200 : i32
    %add3A_30 = arith.addi %mul3A_28, %add3A_29 : i32
    "tpu.region"() ({
      %run_scoped3A = tpu.sem_alloc : memref<!tpu.dma_semaphore, #tpu.memory_space<semaphore_mem>>
      %dma_start3A_187 = arith.constant 0 : i32
      %dma_start3A_188 = tpu.memref_slice %arg25[%add3A_30, %dma_start3A_187] : memref<10000x48xf32, #tpu.memory_space<vmem_shared>> -> memref<40x48xf32, #tpu.memory_space<vmem_shared>>
      %dma_start3A_189 = arith.constant 0 : i32
      %dma_start3A_190 = tpu.memref_slice %arg25[%add3A_30, %dma_start3A_189] : memref<10000x48xf32, #tpu.memory_space<vmem_shared>> -> memref<40x48xf32, #tpu.memory_space<vmem_shared>>
      tpu.enqueue_dma source(%arg22 : memref<40x48xf32, #tpu.memory_space<vmem>>) target(%dma_start3A_190 : memref<40x48xf32, #tpu.memory_space<vmem_shared>>) target_semaphore(%run_scoped3A : memref<!tpu.dma_semaphore, #tpu.memory_space<semaphore_mem>>)
      %dma_wait3A_191 = arith.constant 0 : i32
      %dma_wait3A_192 = tpu.memref_slice %arg25[%add3A_30, %dma_wait3A_191] : memref<10000x48xf32, #tpu.memory_space<vmem_shared>> -> memref<40x48xf32, #tpu.memory_space<vmem_shared>>
      %dma_wait3A_193 = arith.constant 0 : i32
      %dma_wait3A_194 = tpu.memref_slice %arg25[%add3A_30, %dma_wait3A_193] : memref<10000x48xf32, #tpu.memory_space<vmem_shared>> -> memref<40x48xf32, #tpu.memory_space<vmem_shared>>
      tpu.wait_dma2 semaphore(%run_scoped3A : memref<!tpu.dma_semaphore, #tpu.memory_space<semaphore_mem>>) src(%arg22 : memref<40x48xf32, #tpu.memory_space<vmem>>) dst(%dma_wait3A_194 : memref<40x48xf32, #tpu.memory_space<vmem_shared>>)
      tpu.yield
    }) : () -> ()
    %mul3A_31 = arith.constant 624 : i32
    %mul3A_32 = arith.muli %arg1, %mul3A_31 : i32
    %add3A_33 = arith.constant 240 : i32
    %add3A_34 = arith.addi %mul3A_32, %add3A_33 : i32
    "tpu.region"() ({
      %run_scoped3A = tpu.sem_alloc : memref<!tpu.dma_semaphore, #tpu.memory_space<semaphore_mem>>
      %dma_start3A_187 = arith.constant 0 : i32
      %dma_start3A_188 = tpu.memref_slice %arg25[%add3A_34, %dma_start3A_187] : memref<10000x48xf32, #tpu.memory_space<vmem_shared>> -> memref<40x48xf32, #tpu.memory_space<vmem_shared>>
      %dma_start3A_189 = arith.constant 0 : i32
      %dma_start3A_190 = tpu.memref_slice %arg25[%add3A_34, %dma_start3A_189] : memref<10000x48xf32, #tpu.memory_space<vmem_shared>> -> memref<40x48xf32, #tpu.memory_space<vmem_shared>>
      tpu.enqueue_dma source(%arg22 : memref<40x48xf32, #tpu.memory_space<vmem>>) target(%dma_start3A_190 : memref<40x48xf32, #tpu.memory_space<vmem_shared>>) target_semaphore(%run_scoped3A : memref<!tpu.dma_semaphore, #tpu.memory_space<semaphore_mem>>)
      %dma_wait3A_191 = arith.constant 0 : i32
      %dma_wait3A_192 = tpu.memref_slice %arg25[%add3A_34, %dma_wait3A_191] : memref<10000x48xf32, #tpu.memory_space<vmem_shared>> -> memref<40x48xf32, #tpu.memory_space<vmem_shared>>
      %dma_wait3A_193 = arith.constant 0 : i32
      %dma_wait3A_194 = tpu.memref_slice %arg25[%add3A_34, %dma_wait3A_193] : memref<10000x48xf32, #tpu.memory_space<vmem_shared>> -> memref<40x48xf32, #tpu.memory_space<vmem_shared>>
      tpu.wait_dma2 semaphore(%run_scoped3A : memref<!tpu.dma_semaphore, #tpu.memory_space<semaphore_mem>>) src(%arg22 : memref<40x48xf32, #tpu.memory_space<vmem>>) dst(%dma_wait3A_194 : memref<40x48xf32, #tpu.memory_space<vmem_shared>>)
      tpu.yield
    }) : () -> ()
    %mul3A_35 = arith.constant 624 : i32
    %mul3A_36 = arith.muli %arg1, %mul3A_35 : i32
    %add3A_37 = arith.constant 280 : i32
    %add3A_38 = arith.addi %mul3A_36, %add3A_37 : i32
    "tpu.region"() ({
      %run_scoped3A = tpu.sem_alloc : memref<!tpu.dma_semaphore, #tpu.memory_space<semaphore_mem>>
      %dma_start3A_187 = arith.constant 0 : i32
      %dma_start3A_188 = tpu.memref_slice %arg25[%add3A_38, %dma_start3A_187] : memref<10000x48xf32, #tpu.memory_space<vmem_shared>> -> memref<40x48xf32, #tpu.memory_space<vmem_shared>>
      %dma_start3A_189 = arith.constant 0 : i32
      %dma_start3A_190 = tpu.memref_slice %arg25[%add3A_38, %dma_start3A_189] : memref<10000x48xf32, #tpu.memory_space<vmem_shared>> -> memref<40x48xf32, #tpu.memory_space<vmem_shared>>
      tpu.enqueue_dma source(%arg22 : memref<40x48xf32, #tpu.memory_space<vmem>>) target(%dma_start3A_190 : memref<40x48xf32, #tpu.memory_space<vmem_shared>>) target_semaphore(%run_scoped3A : memref<!tpu.dma_semaphore, #tpu.memory_space<semaphore_mem>>)
      %dma_wait3A_191 = arith.constant 0 : i32
      %dma_wait3A_192 = tpu.memref_slice %arg25[%add3A_38, %dma_wait3A_191] : memref<10000x48xf32, #tpu.memory_space<vmem_shared>> -> memref<40x48xf32, #tpu.memory_space<vmem_shared>>
      %dma_wait3A_193 = arith.constant 0 : i32
      %dma_wait3A_194 = tpu.memref_slice %arg25[%add3A_38, %dma_wait3A_193] : memref<10000x48xf32, #tpu.memory_space<vmem_shared>> -> memref<40x48xf32, #tpu.memory_space<vmem_shared>>
      tpu.wait_dma2 semaphore(%run_scoped3A : memref<!tpu.dma_semaphore, #tpu.memory_space<semaphore_mem>>) src(%arg22 : memref<40x48xf32, #tpu.memory_space<vmem>>) dst(%dma_wait3A_194 : memref<40x48xf32, #tpu.memory_space<vmem_shared>>)
      tpu.yield
    }) : () -> ()
    %mul3A_39 = arith.constant 624 : i32
    %mul3A_40 = arith.muli %arg1, %mul3A_39 : i32
    %add3A_41 = arith.constant 320 : i32
    %add3A_42 = arith.addi %mul3A_40, %add3A_41 : i32
    "tpu.region"() ({
      %run_scoped3A = tpu.sem_alloc : memref<!tpu.dma_semaphore, #tpu.memory_space<semaphore_mem>>
      %dma_start3A_187 = arith.constant 0 : i32
      %dma_start3A_188 = tpu.memref_slice %arg25[%add3A_42, %dma_start3A_187] : memref<10000x48xf32, #tpu.memory_space<vmem_shared>> -> memref<40x48xf32, #tpu.memory_space<vmem_shared>>
      %dma_start3A_189 = arith.constant 0 : i32
      %dma_start3A_190 = tpu.memref_slice %arg25[%add3A_42, %dma_start3A_189] : memref<10000x48xf32, #tpu.memory_space<vmem_shared>> -> memref<40x48xf32, #tpu.memory_space<vmem_shared>>
      tpu.enqueue_dma source(%arg22 : memref<40x48xf32, #tpu.memory_space<vmem>>) target(%dma_start3A_190 : memref<40x48xf32, #tpu.memory_space<vmem_shared>>) target_semaphore(%run_scoped3A : memref<!tpu.dma_semaphore, #tpu.memory_space<semaphore_mem>>)
      %dma_wait3A_191 = arith.constant 0 : i32
      %dma_wait3A_192 = tpu.memref_slice %arg25[%add3A_42, %dma_wait3A_191] : memref<10000x48xf32, #tpu.memory_space<vmem_shared>> -> memref<40x48xf32, #tpu.memory_space<vmem_shared>>
      %dma_wait3A_193 = arith.constant 0 : i32
      %dma_wait3A_194 = tpu.memref_slice %arg25[%add3A_42, %dma_wait3A_193] : memref<10000x48xf32, #tpu.memory_space<vmem_shared>> -> memref<40x48xf32, #tpu.memory_space<vmem_shared>>
      tpu.wait_dma2 semaphore(%run_scoped3A : memref<!tpu.dma_semaphore, #tpu.memory_space<semaphore_mem>>) src(%arg22 : memref<40x48xf32, #tpu.memory_space<vmem>>) dst(%dma_wait3A_194 : memref<40x48xf32, #tpu.memory_space<vmem_shared>>)
      tpu.yield
    }) : () -> ()
    %mul3A_43 = arith.constant 624 : i32
    %mul3A_44 = arith.muli %arg1, %mul3A_43 : i32
    %add3A_45 = arith.constant 360 : i32
    %add3A_46 = arith.addi %mul3A_44, %add3A_45 : i32
    "tpu.region"() ({
      %run_scoped3A = tpu.sem_alloc : memref<!tpu.dma_semaphore, #tpu.memory_space<semaphore_mem>>
      %dma_start3A_187 = arith.constant 0 : i32
      %dma_start3A_188 = tpu.memref_slice %arg25[%add3A_46, %dma_start3A_187] : memref<10000x48xf32, #tpu.memory_space<vmem_shared>> -> memref<40x48xf32, #tpu.memory_space<vmem_shared>>
      %dma_start3A_189 = arith.constant 0 : i32
      %dma_start3A_190 = tpu.memref_slice %arg25[%add3A_46, %dma_start3A_189] : memref<10000x48xf32, #tpu.memory_space<vmem_shared>> -> memref<40x48xf32, #tpu.memory_space<vmem_shared>>
      tpu.enqueue_dma source(%arg22 : memref<40x48xf32, #tpu.memory_space<vmem>>) target(%dma_start3A_190 : memref<40x48xf32, #tpu.memory_space<vmem_shared>>) target_semaphore(%run_scoped3A : memref<!tpu.dma_semaphore, #tpu.memory_space<semaphore_mem>>)
      %dma_wait3A_191 = arith.constant 0 : i32
      %dma_wait3A_192 = tpu.memref_slice %arg25[%add3A_46, %dma_wait3A_191] : memref<10000x48xf32, #tpu.memory_space<vmem_shared>> -> memref<40x48xf32, #tpu.memory_space<vmem_shared>>
      %dma_wait3A_193 = arith.constant 0 : i32
      %dma_wait3A_194 = tpu.memref_slice %arg25[%add3A_46, %dma_wait3A_193] : memref<10000x48xf32, #tpu.memory_space<vmem_shared>> -> memref<40x48xf32, #tpu.memory_space<vmem_shared>>
      tpu.wait_dma2 semaphore(%run_scoped3A : memref<!tpu.dma_semaphore, #tpu.memory_space<semaphore_mem>>) src(%arg22 : memref<40x48xf32, #tpu.memory_space<vmem>>) dst(%dma_wait3A_194 : memref<40x48xf32, #tpu.memory_space<vmem_shared>>)
      tpu.yield
    }) : () -> ()
    %mul3A_47 = arith.constant 624 : i32
    %mul3A_48 = arith.muli %arg1, %mul3A_47 : i32
    %add3A_49 = arith.constant 400 : i32
    %add3A_50 = arith.addi %mul3A_48, %add3A_49 : i32
    "tpu.region"() ({
      %run_scoped3A = tpu.sem_alloc : memref<!tpu.dma_semaphore, #tpu.memory_space<semaphore_mem>>
      %dma_start3A_187 = arith.constant 0 : i32
      %dma_start3A_188 = tpu.memref_slice %arg25[%add3A_50, %dma_start3A_187] : memref<10000x48xf32, #tpu.memory_space<vmem_shared>> -> memref<40x48xf32, #tpu.memory_space<vmem_shared>>
      %dma_start3A_189 = arith.constant 0 : i32
      %dma_start3A_190 = tpu.memref_slice %arg25[%add3A_50, %dma_start3A_189] : memref<10000x48xf32, #tpu.memory_space<vmem_shared>> -> memref<40x48xf32, #tpu.memory_space<vmem_shared>>
      tpu.enqueue_dma source(%arg22 : memref<40x48xf32, #tpu.memory_space<vmem>>) target(%dma_start3A_190 : memref<40x48xf32, #tpu.memory_space<vmem_shared>>) target_semaphore(%run_scoped3A : memref<!tpu.dma_semaphore, #tpu.memory_space<semaphore_mem>>)
      %dma_wait3A_191 = arith.constant 0 : i32
      %dma_wait3A_192 = tpu.memref_slice %arg25[%add3A_50, %dma_wait3A_191] : memref<10000x48xf32, #tpu.memory_space<vmem_shared>> -> memref<40x48xf32, #tpu.memory_space<vmem_shared>>
      %dma_wait3A_193 = arith.constant 0 : i32
      %dma_wait3A_194 = tpu.memref_slice %arg25[%add3A_50, %dma_wait3A_193] : memref<10000x48xf32, #tpu.memory_space<vmem_shared>> -> memref<40x48xf32, #tpu.memory_space<vmem_shared>>
      tpu.wait_dma2 semaphore(%run_scoped3A : memref<!tpu.dma_semaphore, #tpu.memory_space<semaphore_mem>>) src(%arg22 : memref<40x48xf32, #tpu.memory_space<vmem>>) dst(%dma_wait3A_194 : memref<40x48xf32, #tpu.memory_space<vmem_shared>>)
      tpu.yield
    }) : () -> ()
    %mul3A_51 = arith.constant 624 : i32
    %mul3A_52 = arith.muli %arg1, %mul3A_51 : i32
    %add3A_53 = arith.constant 440 : i32
    %add3A_54 = arith.addi %mul3A_52, %add3A_53 : i32
    "tpu.region"() ({
      %run_scoped3A = tpu.sem_alloc : memref<!tpu.dma_semaphore, #tpu.memory_space<semaphore_mem>>
      %dma_start3A_187 = arith.constant 0 : i32
      %dma_start3A_188 = tpu.memref_slice %arg25[%add3A_54, %dma_start3A_187] : memref<10000x48xf32, #tpu.memory_space<vmem_shared>> -> memref<40x48xf32, #tpu.memory_space<vmem_shared>>
      %dma_start3A_189 = arith.constant 0 : i32
      %dma_start3A_190 = tpu.memref_slice %arg25[%add3A_54, %dma_start3A_189] : memref<10000x48xf32, #tpu.memory_space<vmem_shared>> -> memref<40x48xf32, #tpu.memory_space<vmem_shared>>
      tpu.enqueue_dma source(%arg22 : memref<40x48xf32, #tpu.memory_space<vmem>>) target(%dma_start3A_190 : memref<40x48xf32, #tpu.memory_space<vmem_shared>>) target_semaphore(%run_scoped3A : memref<!tpu.dma_semaphore, #tpu.memory_space<semaphore_mem>>)
      %dma_wait3A_191 = arith.constant 0 : i32
      %dma_wait3A_192 = tpu.memref_slice %arg25[%add3A_54, %dma_wait3A_191] : memref<10000x48xf32, #tpu.memory_space<vmem_shared>> -> memref<40x48xf32, #tpu.memory_space<vmem_shared>>
      %dma_wait3A_193 = arith.constant 0 : i32
      %dma_wait3A_194 = tpu.memref_slice %arg25[%add3A_54, %dma_wait3A_193] : memref<10000x48xf32, #tpu.memory_space<vmem_shared>> -> memref<40x48xf32, #tpu.memory_space<vmem_shared>>
      tpu.wait_dma2 semaphore(%run_scoped3A : memref<!tpu.dma_semaphore, #tpu.memory_space<semaphore_mem>>) src(%arg22 : memref<40x48xf32, #tpu.memory_space<vmem>>) dst(%dma_wait3A_194 : memref<40x48xf32, #tpu.memory_space<vmem_shared>>)
      tpu.yield
    }) : () -> ()
    %mul3A_55 = arith.constant 624 : i32
    %mul3A_56 = arith.muli %arg1, %mul3A_55 : i32
    %add3A_57 = arith.constant 480 : i32
    %add3A_58 = arith.addi %mul3A_56, %add3A_57 : i32
    "tpu.region"() ({
      %run_scoped3A = tpu.sem_alloc : memref<!tpu.dma_semaphore, #tpu.memory_space<semaphore_mem>>
      %dma_start3A_187 = arith.constant 0 : i32
      %dma_start3A_188 = tpu.memref_slice %arg25[%add3A_58, %dma_start3A_187] : memref<10000x48xf32, #tpu.memory_space<vmem_shared>> -> memref<40x48xf32, #tpu.memory_space<vmem_shared>>
      %dma_start3A_189 = arith.constant 0 : i32
      %dma_start3A_190 = tpu.memref_slice %arg25[%add3A_58, %dma_start3A_189] : memref<10000x48xf32, #tpu.memory_space<vmem_shared>> -> memref<40x48xf32, #tpu.memory_space<vmem_shared>>
      tpu.enqueue_dma source(%arg22 : memref<40x48xf32, #tpu.memory_space<vmem>>) target(%dma_start3A_190 : memref<40x48xf32, #tpu.memory_space<vmem_shared>>) target_semaphore(%run_scoped3A : memref<!tpu.dma_semaphore, #tpu.memory_space<semaphore_mem>>)
      %dma_wait3A_191 = arith.constant 0 : i32
      %dma_wait3A_192 = tpu.memref_slice %arg25[%add3A_58, %dma_wait3A_191] : memref<10000x48xf32, #tpu.memory_space<vmem_shared>> -> memref<40x48xf32, #tpu.memory_space<vmem_shared>>
      %dma_wait3A_193 = arith.constant 0 : i32
      %dma_wait3A_194 = tpu.memref_slice %arg25[%add3A_58, %dma_wait3A_193] : memref<10000x48xf32, #tpu.memory_space<vmem_shared>> -> memref<40x48xf32, #tpu.memory_space<vmem_shared>>
      tpu.wait_dma2 semaphore(%run_scoped3A : memref<!tpu.dma_semaphore, #tpu.memory_space<semaphore_mem>>) src(%arg22 : memref<40x48xf32, #tpu.memory_space<vmem>>) dst(%dma_wait3A_194 : memref<40x48xf32, #tpu.memory_space<vmem_shared>>)
      tpu.yield
    }) : () -> ()
    %mul3A_59 = arith.constant 624 : i32
    %mul3A_60 = arith.muli %arg1, %mul3A_59 : i32
    %add3A_61 = arith.constant 520 : i32
    %add3A_62 = arith.addi %mul3A_60, %add3A_61 : i32
    "tpu.region"() ({
      %run_scoped3A = tpu.sem_alloc : memref<!tpu.dma_semaphore, #tpu.memory_space<semaphore_mem>>
      %dma_start3A_187 = arith.constant 0 : i32
      %dma_start3A_188 = tpu.memref_slice %arg25[%add3A_62, %dma_start3A_187] : memref<10000x48xf32, #tpu.memory_space<vmem_shared>> -> memref<40x48xf32, #tpu.memory_space<vmem_shared>>
      %dma_start3A_189 = arith.constant 0 : i32
      %dma_start3A_190 = tpu.memref_slice %arg25[%add3A_62, %dma_start3A_189] : memref<10000x48xf32, #tpu.memory_space<vmem_shared>> -> memref<40x48xf32, #tpu.memory_space<vmem_shared>>
      tpu.enqueue_dma source(%arg22 : memref<40x48xf32, #tpu.memory_space<vmem>>) target(%dma_start3A_190 : memref<40x48xf32, #tpu.memory_space<vmem_shared>>) target_semaphore(%run_scoped3A : memref<!tpu.dma_semaphore, #tpu.memory_space<semaphore_mem>>)
      %dma_wait3A_191 = arith.constant 0 : i32
      %dma_wait3A_192 = tpu.memref_slice %arg25[%add3A_62, %dma_wait3A_191] : memref<10000x48xf32, #tpu.memory_space<vmem_shared>> -> memref<40x48xf32, #tpu.memory_space<vmem_shared>>
      %dma_wait3A_193 = arith.constant 0 : i32
      %dma_wait3A_194 = tpu.memref_slice %arg25[%add3A_62, %dma_wait3A_193] : memref<10000x48xf32, #tpu.memory_space<vmem_shared>> -> memref<40x48xf32, #tpu.memory_space<vmem_shared>>
      tpu.wait_dma2 semaphore(%run_scoped3A : memref<!tpu.dma_semaphore, #tpu.memory_space<semaphore_mem>>) src(%arg22 : memref<40x48xf32, #tpu.memory_space<vmem>>) dst(%dma_wait3A_194 : memref<40x48xf32, #tpu.memory_space<vmem_shared>>)
      tpu.yield
    }) : () -> ()
    %mul3A_63 = arith.constant 624 : i32
    %mul3A_64 = arith.muli %arg1, %mul3A_63 : i32
    %add3A_65 = arith.constant 560 : i32
    %add3A_66 = arith.addi %mul3A_64, %add3A_65 : i32
    "tpu.region"() ({
      %run_scoped3A = tpu.sem_alloc : memref<!tpu.dma_semaphore, #tpu.memory_space<semaphore_mem>>
      %dma_start3A_187 = arith.constant 0 : i32
      %dma_start3A_188 = tpu.memref_slice %arg25[%add3A_66, %dma_start3A_187] : memref<10000x48xf32, #tpu.memory_space<vmem_shared>> -> memref<40x48xf32, #tpu.memory_space<vmem_shared>>
      %dma_start3A_189 = arith.constant 0 : i32
      %dma_start3A_190 = tpu.memref_slice %arg25[%add3A_66, %dma_start3A_189] : memref<10000x48xf32, #tpu.memory_space<vmem_shared>> -> memref<40x48xf32, #tpu.memory_space<vmem_shared>>
      tpu.enqueue_dma source(%arg22 : memref<40x48xf32, #tpu.memory_space<vmem>>) target(%dma_start3A_190 : memref<40x48xf32, #tpu.memory_space<vmem_shared>>) target_semaphore(%run_scoped3A : memref<!tpu.dma_semaphore, #tpu.memory_space<semaphore_mem>>)
      %dma_wait3A_191 = arith.constant 0 : i32
      %dma_wait3A_192 = tpu.memref_slice %arg25[%add3A_66, %dma_wait3A_191] : memref<10000x48xf32, #tpu.memory_space<vmem_shared>> -> memref<40x48xf32, #tpu.memory_space<vmem_shared>>
      %dma_wait3A_193 = arith.constant 0 : i32
      %dma_wait3A_194 = tpu.memref_slice %arg25[%add3A_66, %dma_wait3A_193] : memref<10000x48xf32, #tpu.memory_space<vmem_shared>> -> memref<40x48xf32, #tpu.memory_space<vmem_shared>>
      tpu.wait_dma2 semaphore(%run_scoped3A : memref<!tpu.dma_semaphore, #tpu.memory_space<semaphore_mem>>) src(%arg22 : memref<40x48xf32, #tpu.memory_space<vmem>>) dst(%dma_wait3A_194 : memref<40x48xf32, #tpu.memory_space<vmem_shared>>)
      tpu.yield
    }) : () -> ()
    %mul3A_67 = arith.constant 624 : i32
    %mul3A_68 = arith.muli %arg1, %mul3A_67 : i32
    %add3A_69 = arith.constant 600 : i32
    %add3A_70 = arith.addi %mul3A_68, %add3A_69 : i32
    "tpu.region"() ({
      %run_scoped3A = tpu.sem_alloc : memref<!tpu.dma_semaphore, #tpu.memory_space<semaphore_mem>>
      %dma_start3A_187 = arith.constant 0 : i32
      %dma_start3A_188 = arith.constant 0 : i32
      %dma_start3A_189 = tpu.memref_slice %arg22[%dma_start3A_187, %dma_start3A_188] : memref<40x48xf32, #tpu.memory_space<vmem>> -> memref<24x48xf32, #tpu.memory_space<vmem>>
      %dma_start3A_190 = arith.constant 0 : i32
      %dma_start3A_191 = tpu.memref_slice %arg25[%add3A_70, %dma_start3A_190] : memref<10000x48xf32, #tpu.memory_space<vmem_shared>> -> memref<24x48xf32, #tpu.memory_space<vmem_shared>>
      %dma_start3A_192 = arith.constant 0 : i32
      %dma_start3A_193 = tpu.memref_slice %arg25[%add3A_70, %dma_start3A_192] : memref<10000x48xf32, #tpu.memory_space<vmem_shared>> -> memref<24x48xf32, #tpu.memory_space<vmem_shared>>
      %dma_start3A_194 = arith.constant 0 : i32
      %dma_start3A_195 = arith.constant 0 : i32
      %dma_start3A_196 = tpu.memref_slice %arg22[%dma_start3A_194, %dma_start3A_195] : memref<40x48xf32, #tpu.memory_space<vmem>> -> memref<24x48xf32, #tpu.memory_space<vmem>>
      tpu.enqueue_dma source(%dma_start3A_196 : memref<24x48xf32, #tpu.memory_space<vmem>>) target(%dma_start3A_193 : memref<24x48xf32, #tpu.memory_space<vmem_shared>>) target_semaphore(%run_scoped3A : memref<!tpu.dma_semaphore, #tpu.memory_space<semaphore_mem>>)
      %dma_wait3A_197 = arith.constant 0 : i32
      %dma_wait3A_198 = arith.constant 0 : i32
      %dma_wait3A_199 = tpu.memref_slice %arg22[%dma_wait3A_197, %dma_wait3A_198] : memref<40x48xf32, #tpu.memory_space<vmem>> -> memref<24x48xf32, #tpu.memory_space<vmem>>
      %dma_wait3A_200 = arith.constant 0 : i32
      %dma_wait3A_201 = tpu.memref_slice %arg25[%add3A_70, %dma_wait3A_200] : memref<10000x48xf32, #tpu.memory_space<vmem_shared>> -> memref<24x48xf32, #tpu.memory_space<vmem_shared>>
      %dma_wait3A_202 = arith.constant 0 : i32
      %dma_wait3A_203 = tpu.memref_slice %arg25[%add3A_70, %dma_wait3A_202] : memref<10000x48xf32, #tpu.memory_space<vmem_shared>> -> memref<24x48xf32, #tpu.memory_space<vmem_shared>>
      %dma_wait3A_204 = arith.constant 0 : i32
      %dma_wait3A_205 = arith.constant 0 : i32
      %dma_wait3A_206 = tpu.memref_slice %arg22[%dma_wait3A_204, %dma_wait3A_205] : memref<40x48xf32, #tpu.memory_space<vmem>> -> memref<24x48xf32, #tpu.memory_space<vmem>>
      tpu.wait_dma2 semaphore(%run_scoped3A : memref<!tpu.dma_semaphore, #tpu.memory_space<semaphore_mem>>) src(%dma_wait3A_206 : memref<24x48xf32, #tpu.memory_space<vmem>>) dst(%dma_wait3A_203 : memref<24x48xf32, #tpu.memory_space<vmem_shared>>)
      tpu.yield
    }) : () -> ()
    %eq3A = arith.constant 15 : i32
    %eq3A_71 = arith.cmpi eq, %arg1, %eq3A : i32
    %convert_element_type3A = arith.extui %eq3A_71 : i1 to i32
    %cond3A = arith.constant 0 : i32
    %cond3A_72 = arith.cmpi ne, %convert_element_type3A, %cond3A : i32
    scf.if %cond3A_72 {
      "tpu.region"() ({
        %run_scoped3A = tpu.sem_alloc : memref<!tpu.dma_semaphore, #tpu.memory_space<semaphore_mem>>
        %dma_start3A_187 = arith.constant 0 : i32
        %dma_start3A_188 = arith.constant 0 : i32
        %dma_start3A_189 = tpu.memref_slice %arg22[%dma_start3A_187, %dma_start3A_188] : memref<40x48xf32, #tpu.memory_space<vmem>> -> memref<16x48xf32, #tpu.memory_space<vmem>>
        %dma_start3A_190 = arith.constant 9984 : i32
        %dma_start3A_191 = arith.constant 0 : i32
        %dma_start3A_192 = tpu.memref_slice %arg25[%dma_start3A_190, %dma_start3A_191] : memref<10000x48xf32, #tpu.memory_space<vmem_shared>> -> memref<16x48xf32, #tpu.memory_space<vmem_shared>>
        %dma_start3A_193 = arith.constant 9984 : i32
        %dma_start3A_194 = arith.constant 0 : i32
        %dma_start3A_195 = tpu.memref_slice %arg25[%dma_start3A_193, %dma_start3A_194] : memref<10000x48xf32, #tpu.memory_space<vmem_shared>> -> memref<16x48xf32, #tpu.memory_space<vmem_shared>>
        %dma_start3A_196 = arith.constant 0 : i32
        %dma_start3A_197 = arith.constant 0 : i32
        %dma_start3A_198 = tpu.memref_slice %arg22[%dma_start3A_196, %dma_start3A_197] : memref<40x48xf32, #tpu.memory_space<vmem>> -> memref<16x48xf32, #tpu.memory_space<vmem>>
        tpu.enqueue_dma source(%dma_start3A_198 : memref<16x48xf32, #tpu.memory_space<vmem>>) target(%dma_start3A_195 : memref<16x48xf32, #tpu.memory_space<vmem_shared>>) target_semaphore(%run_scoped3A : memref<!tpu.dma_semaphore, #tpu.memory_space<semaphore_mem>>)
        %dma_wait3A_199 = arith.constant 0 : i32
        %dma_wait3A_200 = arith.constant 0 : i32
        %dma_wait3A_201 = tpu.memref_slice %arg22[%dma_wait3A_199, %dma_wait3A_200] : memref<40x48xf32, #tpu.memory_space<vmem>> -> memref<16x48xf32, #tpu.memory_space<vmem>>
        %dma_wait3A_202 = arith.constant 9984 : i32
        %dma_wait3A_203 = arith.constant 0 : i32
        %dma_wait3A_204 = tpu.memref_slice %arg25[%dma_wait3A_202, %dma_wait3A_203] : memref<10000x48xf32, #tpu.memory_space<vmem_shared>> -> memref<16x48xf32, #tpu.memory_space<vmem_shared>>
        %dma_wait3A_205 = arith.constant 9984 : i32
        %dma_wait3A_206 = arith.constant 0 : i32
        %dma_wait3A_207 = tpu.memref_slice %arg25[%dma_wait3A_205, %dma_wait3A_206] : memref<10000x48xf32, #tpu.memory_space<vmem_shared>> -> memref<16x48xf32, #tpu.memory_space<vmem_shared>>
        %dma_wait3A_208 = arith.constant 0 : i32
        %dma_wait3A_209 = arith.constant 0 : i32
        %dma_wait3A_210 = tpu.memref_slice %arg22[%dma_wait3A_208, %dma_wait3A_209] : memref<40x48xf32, #tpu.memory_space<vmem>> -> memref<16x48xf32, #tpu.memory_space<vmem>>
        tpu.wait_dma2 semaphore(%run_scoped3A : memref<!tpu.dma_semaphore, #tpu.memory_space<semaphore_mem>>) src(%dma_wait3A_210 : memref<16x48xf32, #tpu.memory_space<vmem>>) dst(%dma_wait3A_207 : memref<16x48xf32, #tpu.memory_space<vmem_shared>>)
        tpu.yield
      }) : () -> ()
    } else {
    }
    %barrier3A = arith.constant 0 : index
    tpu.barrier barrier_id(%barrier3A)
    %mul3A_73 = arith.constant 10000 : i32
    %mul3A_74 = arith.muli %add3A, %mul3A_73 : i32
    %add3A_75 = arith.constant 0 : i32
    %add3A_76 = arith.addi %mul3A_74, %add3A_75 : i32
    %multiple_of3A = tpu.assume_multiple %add3A_76, 8 : i32
    %dma_start3A = tpu.memref_slice %arg4[%multiple_of3A] : memref<320000xi32, #tpu.memory_space<hbm>> -> memref<40xi32, #tpu.memory_space<hbm>>
    %dma_start3A_77 = tpu.memref_slice %arg4[%multiple_of3A] : memref<320000xi32, #tpu.memory_space<hbm>> -> memref<40xi32, #tpu.memory_space<hbm>>
    tpu.enqueue_dma source(%dma_start3A_77 : memref<40xi32, #tpu.memory_space<hbm>>) target(%arg7 : memref<40xi32, #tpu.memory_space<vmem>>) target_semaphore(%arg26 : memref<!tpu.dma_semaphore, #tpu.memory_space<semaphore_mem>>)
    %dma_start3A_78 = tpu.memref_slice %arg5[%multiple_of3A] : memref<320000xi32, #tpu.memory_space<hbm>> -> memref<40xi32, #tpu.memory_space<hbm>>
    %dma_start3A_79 = tpu.memref_slice %arg5[%multiple_of3A] : memref<320000xi32, #tpu.memory_space<hbm>> -> memref<40xi32, #tpu.memory_space<hbm>>
    tpu.enqueue_dma source(%dma_start3A_79 : memref<40xi32, #tpu.memory_space<hbm>>) target(%arg10 : memref<40xi32, #tpu.memory_space<vmem>>) target_semaphore(%arg26 : memref<!tpu.dma_semaphore, #tpu.memory_space<semaphore_mem>>)
    %mul3A_80 = arith.constant 10000 : i32
    %mul3A_81 = arith.muli %add3A, %mul3A_80 : i32
    %add3A_82 = arith.constant 40 : i32
    %add3A_83 = arith.addi %mul3A_81, %add3A_82 : i32
    %multiple_of3A_84 = tpu.assume_multiple %add3A_83, 8 : i32
    %dma_start3A_85 = tpu.memref_slice %arg4[%multiple_of3A_84] : memref<320000xi32, #tpu.memory_space<hbm>> -> memref<40xi32, #tpu.memory_space<hbm>>
    %dma_start3A_86 = tpu.memref_slice %arg4[%multiple_of3A_84] : memref<320000xi32, #tpu.memory_space<hbm>> -> memref<40xi32, #tpu.memory_space<hbm>>
    tpu.enqueue_dma source(%dma_start3A_86 : memref<40xi32, #tpu.memory_space<hbm>>) target(%arg8 : memref<40xi32, #tpu.memory_space<vmem>>) target_semaphore(%arg27 : memref<!tpu.dma_semaphore, #tpu.memory_space<semaphore_mem>>)
    %dma_start3A_87 = tpu.memref_slice %arg5[%multiple_of3A_84] : memref<320000xi32, #tpu.memory_space<hbm>> -> memref<40xi32, #tpu.memory_space<hbm>>
    %dma_start3A_88 = tpu.memref_slice %arg5[%multiple_of3A_84] : memref<320000xi32, #tpu.memory_space<hbm>> -> memref<40xi32, #tpu.memory_space<hbm>>
    tpu.enqueue_dma source(%dma_start3A_88 : memref<40xi32, #tpu.memory_space<hbm>>) target(%arg11 : memref<40xi32, #tpu.memory_space<vmem>>) target_semaphore(%arg27 : memref<!tpu.dma_semaphore, #tpu.memory_space<semaphore_mem>>)
    %mul3A_89 = arith.constant 10000 : i32
    %mul3A_90 = arith.muli %add3A, %mul3A_89 : i32
    %add3A_91 = arith.constant 80 : i32
    %add3A_92 = arith.addi %mul3A_90, %add3A_91 : i32
    %multiple_of3A_93 = tpu.assume_multiple %add3A_92, 8 : i32
    %dma_start3A_94 = tpu.memref_slice %arg4[%multiple_of3A_93] : memref<320000xi32, #tpu.memory_space<hbm>> -> memref<40xi32, #tpu.memory_space<hbm>>
    %dma_start3A_95 = tpu.memref_slice %arg4[%multiple_of3A_93] : memref<320000xi32, #tpu.memory_space<hbm>> -> memref<40xi32, #tpu.memory_space<hbm>>
    tpu.enqueue_dma source(%dma_start3A_95 : memref<40xi32, #tpu.memory_space<hbm>>) target(%arg9 : memref<40xi32, #tpu.memory_space<vmem>>) target_semaphore(%arg28 : memref<!tpu.dma_semaphore, #tpu.memory_space<semaphore_mem>>)
    %dma_start3A_96 = tpu.memref_slice %arg5[%multiple_of3A_93] : memref<320000xi32, #tpu.memory_space<hbm>> -> memref<40xi32, #tpu.memory_space<hbm>>
    %dma_start3A_97 = tpu.memref_slice %arg5[%multiple_of3A_93] : memref<320000xi32, #tpu.memory_space<hbm>> -> memref<40xi32, #tpu.memory_space<hbm>>
    tpu.enqueue_dma source(%dma_start3A_97 : memref<40xi32, #tpu.memory_space<hbm>>) target(%arg12 : memref<40xi32, #tpu.memory_space<vmem>>) target_semaphore(%arg28 : memref<!tpu.dma_semaphore, #tpu.memory_space<semaphore_mem>>)
    %dma_wait3A = arith.constant 0 : i32
    %dma_wait3A_98 = tpu.memref_slice %arg4[%dma_wait3A] : memref<320000xi32, #tpu.memory_space<hbm>> -> memref<40xi32, #tpu.memory_space<hbm>>
    %dma_wait3A_99 = arith.constant 0 : i32
    %dma_wait3A_100 = tpu.memref_slice %arg4[%dma_wait3A_99] : memref<320000xi32, #tpu.memory_space<hbm>> -> memref<40xi32, #tpu.memory_space<hbm>>
    tpu.wait_dma2 semaphore(%arg26 : memref<!tpu.dma_semaphore, #tpu.memory_space<semaphore_mem>>) src(%dma_wait3A_100 : memref<40xi32, #tpu.memory_space<hbm>>) dst(%arg7 : memref<40xi32, #tpu.memory_space<vmem>>)
    %dma_wait3A_101 = arith.constant 0 : i32
    %dma_wait3A_102 = tpu.memref_slice %arg5[%dma_wait3A_101] : memref<320000xi32, #tpu.memory_space<hbm>> -> memref<40xi32, #tpu.memory_space<hbm>>
    %dma_wait3A_103 = arith.constant 0 : i32
    %dma_wait3A_104 = tpu.memref_slice %arg5[%dma_wait3A_103] : memref<320000xi32, #tpu.memory_space<hbm>> -> memref<40xi32, #tpu.memory_space<hbm>>
    tpu.wait_dma2 semaphore(%arg26 : memref<!tpu.dma_semaphore, #tpu.memory_space<semaphore_mem>>) src(%dma_wait3A_104 : memref<40xi32, #tpu.memory_space<hbm>>) dst(%arg10 : memref<40xi32, #tpu.memory_space<vmem>>)
    %dma_start3A_105 = arith.constant 0 : i32
    %dma_start3A_106 = arith.constant 0 : i32
    %dma_start3A_107 = tpu.memref_slice %arg2[%dma_start3A_105, %dma_start3A_106] : memref<10000x128xf32, #tpu.memory_space<hbm>> -> memref<10000x128xf32, #tpu.memory_space<hbm>>
    tpu.enqueue_indirect_dma source(%dma_start3A_107 : memref<10000x128xf32, #tpu.memory_space<hbm>>) target(%arg16 : memref<40x128xf32, #tpu.memory_space<vmem>>) offsets(%arg7 : memref<40xi32, #tpu.memory_space<vmem>>) semaphore(%arg29 : memref<!tpu.dma_semaphore, #tpu.memory_space<semaphore_mem>>)
    %dma_start3A_108 = arith.constant 0 : i32
    %dma_start3A_109 = arith.constant 0 : i32
    %dma_start3A_110 = tpu.memref_slice %arg3[%dma_start3A_108, %dma_start3A_109] : memref<10000x128xf32, #tpu.memory_space<hbm>> -> memref<10000x128xf32, #tpu.memory_space<hbm>>
    tpu.enqueue_indirect_dma source(%dma_start3A_110 : memref<10000x128xf32, #tpu.memory_space<hbm>>) target(%arg19 : memref<40x128xf32, #tpu.memory_space<vmem>>) offsets(%arg10 : memref<40xi32, #tpu.memory_space<vmem>>) semaphore(%arg29 : memref<!tpu.dma_semaphore, #tpu.memory_space<semaphore_mem>>)
    %dma_wait3A_111 = arith.constant 0 : i32
    %dma_wait3A_112 = tpu.memref_slice %arg4[%dma_wait3A_111] : memref<320000xi32, #tpu.memory_space<hbm>> -> memref<40xi32, #tpu.memory_space<hbm>>
    %dma_wait3A_113 = arith.constant 0 : i32
    %dma_wait3A_114 = tpu.memref_slice %arg4[%dma_wait3A_113] : memref<320000xi32, #tpu.memory_space<hbm>> -> memref<40xi32, #tpu.memory_space<hbm>>
    tpu.wait_dma2 semaphore(%arg27 : memref<!tpu.dma_semaphore, #tpu.memory_space<semaphore_mem>>) src(%dma_wait3A_114 : memref<40xi32, #tpu.memory_space<hbm>>) dst(%arg8 : memref<40xi32, #tpu.memory_space<vmem>>)
    %dma_wait3A_115 = arith.constant 0 : i32
    %dma_wait3A_116 = tpu.memref_slice %arg5[%dma_wait3A_115] : memref<320000xi32, #tpu.memory_space<hbm>> -> memref<40xi32, #tpu.memory_space<hbm>>
    %dma_wait3A_117 = arith.constant 0 : i32
    %dma_wait3A_118 = tpu.memref_slice %arg5[%dma_wait3A_117] : memref<320000xi32, #tpu.memory_space<hbm>> -> memref<40xi32, #tpu.memory_space<hbm>>
    tpu.wait_dma2 semaphore(%arg27 : memref<!tpu.dma_semaphore, #tpu.memory_space<semaphore_mem>>) src(%dma_wait3A_118 : memref<40xi32, #tpu.memory_space<hbm>>) dst(%arg11 : memref<40xi32, #tpu.memory_space<vmem>>)
    %dma_start3A_119 = arith.constant 0 : i32
    %dma_start3A_120 = arith.constant 0 : i32
    %dma_start3A_121 = tpu.memref_slice %arg2[%dma_start3A_119, %dma_start3A_120] : memref<10000x128xf32, #tpu.memory_space<hbm>> -> memref<10000x128xf32, #tpu.memory_space<hbm>>
    tpu.enqueue_indirect_dma source(%dma_start3A_121 : memref<10000x128xf32, #tpu.memory_space<hbm>>) target(%arg17 : memref<40x128xf32, #tpu.memory_space<vmem>>) offsets(%arg8 : memref<40xi32, #tpu.memory_space<vmem>>) semaphore(%arg30 : memref<!tpu.dma_semaphore, #tpu.memory_space<semaphore_mem>>)
    %dma_start3A_122 = arith.constant 0 : i32
    %dma_start3A_123 = arith.constant 0 : i32
    %dma_start3A_124 = tpu.memref_slice %arg3[%dma_start3A_122, %dma_start3A_123] : memref<10000x128xf32, #tpu.memory_space<hbm>> -> memref<10000x128xf32, #tpu.memory_space<hbm>>
    tpu.enqueue_indirect_dma source(%dma_start3A_124 : memref<10000x128xf32, #tpu.memory_space<hbm>>) target(%arg20 : memref<40x128xf32, #tpu.memory_space<vmem>>) offsets(%arg11 : memref<40xi32, #tpu.memory_space<vmem>>) semaphore(%arg30 : memref<!tpu.dma_semaphore, #tpu.memory_space<semaphore_mem>>)
    %scan3A_125 = arith.constant 0 : i32
    %scan3A_126 = arith.constant 0 : i32
    %scan3A_127 = arith.constant 83 : i32
    %scan3A_128 = arith.addi %scan3A_126, %scan3A_127 : i32
    %scan3A_129 = arith.constant 1 : i32
    scf.for %scan3A_187 = %scan3A_126 to %scan3A_128 step %scan3A_129  : i32 {
      %mul3A_188 = arith.constant 3 : i32
      %mul3A_189 = arith.muli %scan3A_187, %mul3A_188 : i32
      %add3A_190 = arith.constant 0 : i32
      %add3A_191 = arith.addi %mul3A_189, %add3A_190 : i32
      %dma_wait3A_192 = arith.constant 0 : i32
      %dma_wait3A_193 = arith.constant 0 : i32
      %dma_wait3A_194 = tpu.memref_slice %arg2[%dma_wait3A_192, %dma_wait3A_193] : memref<10000x128xf32, #tpu.memory_space<hbm>> -> memref<10000x128xf32, #tpu.memory_space<hbm>>
      tpu.wait_indirect_dma semaphore(%arg29 : memref<!tpu.dma_semaphore, #tpu.memory_space<semaphore_mem>>) src(%dma_wait3A_194 : memref<10000x128xf32, #tpu.memory_space<hbm>>) dst(%arg16 : memref<40x128xf32, #tpu.memory_space<vmem>>)
      %dma_wait3A_195 = arith.constant 0 : i32
      %dma_wait3A_196 = arith.constant 0 : i32
      %dma_wait3A_197 = tpu.memref_slice %arg3[%dma_wait3A_195, %dma_wait3A_196] : memref<10000x128xf32, #tpu.memory_space<hbm>> -> memref<10000x128xf32, #tpu.memory_space<hbm>>
      tpu.wait_indirect_dma semaphore(%arg29 : memref<!tpu.dma_semaphore, #tpu.memory_space<semaphore_mem>>) src(%dma_wait3A_197 : memref<10000x128xf32, #tpu.memory_space<hbm>>) dst(%arg19 : memref<40x128xf32, #tpu.memory_space<vmem>>)
      %ge3A = arith.constant 3 : i32
      %ge3A_198 = arith.cmpi sge, %add3A_191, %ge3A : i32
      %convert_element_type3A_199 = arith.extui %ge3A_198 : i1 to i32
      %cond3A_200 = arith.constant 0 : i32
      %cond3A_201 = arith.cmpi ne, %convert_element_type3A_199, %cond3A_200 : i32
      scf.if %cond3A_201 {
        %dma_wait3A_366 = arith.constant 0 : i32
        %dma_wait3A_367 = arith.constant 0 : i32
        %dma_wait3A_368 = tpu.memref_slice %arg25[%dma_wait3A_366, %dma_wait3A_367] : memref<10000x48xf32, #tpu.memory_space<vmem_shared>> -> memref<10000x48xf32, #tpu.memory_space<vmem_shared>>
        tpu.wait_indirect_dma semaphore(%arg32 : memref<!tpu.dma_semaphore, #tpu.memory_space<semaphore_mem>>) src(%arg22 : memref<40x48xf32, #tpu.memory_space<vmem>>) dst(%dma_wait3A_368 : memref<10000x48xf32, #tpu.memory_space<vmem_shared>>)
      } else {
      }
      %get3A_202 = arith.constant 0 : index
      %get3A_203 = tpu.vector_load %arg10[%get3A_202] {strides = array<i32>} : memref<40xi32, #tpu.memory_space<vmem>>, vector<16xi32>,
      %get3A_204 = vector.shape_cast %get3A_203 : vector<16xi32> to vector<16xi32>
      %swap3A_205 = arith.constant 0 : index
      %swap3A_206 = tpu.vector_load %arg13[%swap3A_205] {strides = array<i32>} : memref<40xi32, #tpu.memory_space<vmem>>, vector<16xi32>,
      %swap3A_207 = vector.shape_cast %swap3A_206 : vector<16xi32> to vector<16xi32>
      %swap3A_208 = vector.shape_cast %get3A_204 : vector<16xi32> to vector<16xi32>
      tpu.vector_store %arg13[%swap3A_205], %swap3A_208 {strides = array<i32>} : memref<40xi32, #tpu.memory_space<vmem>>, vector<16xi32>,
      %get3A_209 = arith.constant 16 : index
      %get3A_210 = tpu.vector_load %arg10[%get3A_209] {strides = array<i32>} : memref<40xi32, #tpu.memory_space<vmem>>, vector<16xi32>,
      %get3A_211 = vector.shape_cast %get3A_210 : vector<16xi32> to vector<16xi32>
      %swap3A_212 = arith.constant 16 : index
      %swap3A_213 = tpu.vector_load %arg13[%swap3A_212] {strides = array<i32>} : memref<40xi32, #tpu.memory_space<vmem>>, vector<16xi32>,
      %swap3A_214 = vector.shape_cast %swap3A_213 : vector<16xi32> to vector<16xi32>
      %swap3A_215 = vector.shape_cast %get3A_211 : vector<16xi32> to vector<16xi32>
      tpu.vector_store %arg13[%swap3A_212], %swap3A_215 {strides = array<i32>} : memref<40xi32, #tpu.memory_space<vmem>>, vector<16xi32>,
      %get3A_216 = arith.constant 24 : index
      %get3A_217 = tpu.vector_load %arg10[%get3A_216] {strides = array<i32>} : memref<40xi32, #tpu.memory_space<vmem>>, vector<16xi32>,
      %get3A_218 = vector.shape_cast %get3A_217 : vector<16xi32> to vector<16xi32>
      %swap3A_219 = arith.constant 24 : index
      %swap3A_220 = tpu.vector_load %arg13[%swap3A_219] {strides = array<i32>} : memref<40xi32, #tpu.memory_space<vmem>>, vector<16xi32>,
      %swap3A_221 = vector.shape_cast %swap3A_220 : vector<16xi32> to vector<16xi32>
      %swap3A_222 = vector.shape_cast %get3A_218 : vector<16xi32> to vector<16xi32>
      tpu.vector_store %arg13[%swap3A_219], %swap3A_222 {strides = array<i32>} : memref<40xi32, #tpu.memory_space<vmem>>, vector<16xi32>,
      %add3A_223 = arith.constant 3 : i32
      %add3A_224 = arith.addi %add3A_191, %add3A_223 : i32
      %lt3A = arith.constant 250 : i32
      %lt3A_225 = arith.cmpi slt, %add3A_224, %lt3A : i32
      %convert_element_type3A_226 = arith.extui %lt3A_225 : i1 to i32
      %cond3A_227 = arith.constant 0 : i32
      %cond3A_228 = arith.cmpi ne, %convert_element_type3A_226, %cond3A_227 : i32
      scf.if %cond3A_228 {
        %add3A_366 = arith.constant 3 : i32
        %add3A_367 = arith.addi %add3A_191, %add3A_366 : i32
        %mul3A_368 = arith.constant 10000 : i32
        %mul3A_369 = arith.muli %add3A, %mul3A_368 : i32
        %mul3A_370 = arith.constant 40 : i32
        %mul3A_371 = arith.muli %add3A_367, %mul3A_370 : i32
        %add3A_372 = arith.addi %mul3A_369, %mul3A_371 : i32
        %multiple_of3A_373 = tpu.assume_multiple %add3A_372, 8 : i32
        %dma_start3A_374 = tpu.memref_slice %arg4[%multiple_of3A_373] : memref<320000xi32, #tpu.memory_space<hbm>> -> memref<40xi32, #tpu.memory_space<hbm>>
        %dma_start3A_375 = tpu.memref_slice %arg4[%multiple_of3A_373] : memref<320000xi32, #tpu.memory_space<hbm>> -> memref<40xi32, #tpu.memory_space<hbm>>
        tpu.enqueue_dma source(%dma_start3A_375 : memref<40xi32, #tpu.memory_space<hbm>>) target(%arg7 : memref<40xi32, #tpu.memory_space<vmem>>) target_semaphore(%arg26 : memref<!tpu.dma_semaphore, #tpu.memory_space<semaphore_mem>>)
        %dma_start3A_376 = tpu.memref_slice %arg5[%multiple_of3A_373] : memref<320000xi32, #tpu.memory_space<hbm>> -> memref<40xi32, #tpu.memory_space<hbm>>
        %dma_start3A_377 = tpu.memref_slice %arg5[%multiple_of3A_373] : memref<320000xi32, #tpu.memory_space<hbm>> -> memref<40xi32, #tpu.memory_space<hbm>>
        tpu.enqueue_dma source(%dma_start3A_377 : memref<40xi32, #tpu.memory_space<hbm>>) target(%arg10 : memref<40xi32, #tpu.memory_space<vmem>>) target_semaphore(%arg26 : memref<!tpu.dma_semaphore, #tpu.memory_space<semaphore_mem>>)
      } else {
      }
      %iota3A_229 = tpu.iota {dimensions = array<i32: 0>} : vector<16xi32>
      %scan3A_230 = arith.constant 0 : i32
      %scan3A_231 = arith.constant 0 : i32
      %scan3A_232 = arith.constant 40 : i32
      %scan3A_233 = arith.addi %scan3A_231, %scan3A_232 : i32
      %scan3A_234 = arith.constant 1 : i32
      scf.for %scan3A_366 = %scan3A_231 to %scan3A_233 step %scan3A_234  : i32 {
        %get3A_367 = arith.index_cast %scan3A_366 : i32 to index
        %get3A_368 = arith.constant 32 : index
        %get3A_369 = tpu.vector_load %arg16[%get3A_367, %get3A_368] {strides = array<i32>} : memref<40x128xf32, #tpu.memory_space<vmem>>, vector<1x16xf32>,
        %get3A_370 = vector.shape_cast %get3A_369 : vector<1x16xf32> to vector<16xf32>
        %slice3A = vector.extract_strided_slice %get3A_370 {offsets = [8], sizes = [1], strides = [1]} : vector<16xf32> to vector<1xf32>
        %squeeze3A = vector.extract %slice3A[0] : f32 from vector<1xf32>
        %get3A_371 = arith.index_cast %scan3A_366 : i32 to index
        %get3A_372 = arith.constant 0 : index
        %get3A_373 = tpu.vector_load %arg19[%get3A_371, %get3A_372] {strides = array<i32>} : memref<40x128xf32, #tpu.memory_space<vmem>>, vector<1x16xf32>,
        %get3A_374 = vector.shape_cast %get3A_373 : vector<1x16xf32> to vector<16xf32>
        %add3A_375 = vector.broadcast %squeeze3A : f32 to vector<16xf32>
        %add3A_376 = arith.addf %add3A_375, %get3A_374 : vector<16xf32>
        %ge3A_377 = arith.constant 0.000000e+00 : f32
        %ge3A_378 = vector.broadcast %ge3A_377 : f32 to vector<16xf32>
        %ge3A_379 = arith.cmpf oge, %add3A_376, %ge3A_378 : vector<16xf32>
        %mul3A_380 = arith.constant 2.000000e-01 : f32
        %mul3A_381 = vector.broadcast %mul3A_380 : f32 to vector<16xf32>
        %mul3A_382 = arith.mulf %mul3A_381, %add3A_376 : vector<16xf32>
        %select_n3A = arith.select %ge3A_379, %add3A_376, %mul3A_382 : vector<16xi1>, vector<16xf32>
        %exp3A = math.exp %select_n3A : vector<16xf32>
        %broadcast_in_dim3A_383 = arith.constant 0 : i32
        %broadcast_in_dim3A_384 = vector.broadcast %broadcast_in_dim3A_383 : i32 to vector<16xi32>
        %add3A_385 = arith.constant 0 : i32
        %add3A_386 = vector.broadcast %add3A_385 : i32 to vector<16xi32>
        %add3A_387 = arith.addi %broadcast_in_dim3A_384, %add3A_386 : vector<16xi32>
        %lt3A_388 = arith.constant 0 : i32
        %lt3A_389 = vector.broadcast %lt3A_388 : i32 to vector<16xi32>
        %lt3A_390 = arith.cmpi slt, %add3A_387, %lt3A_389 : vector<16xi32>
        %add3A_391 = arith.constant 16 : i32
        %add3A_392 = vector.broadcast %add3A_391 : i32 to vector<16xi32>
        %add3A_393 = arith.addi %add3A_387, %add3A_392 : vector<16xi32>
        %select_n3A_394 = arith.select %lt3A_390, %add3A_393, %add3A_387 : vector<16xi1>, vector<16xi32>
        %broadcast_in_dim3A_395 = vector.shape_cast %select_n3A_394 : vector<16xi32> to vector<16x1xi32>
        %gather3A = vector.shape_cast %broadcast_in_dim3A_395 : vector<16x1xi32> to vector<16xi32>
        %gather3A_396 = tpu.dynamic_gather %exp3A[%gather3A] in [0] : vector<16xf32>, vector<16xi32> -> vector<16xf32>
        %get3A_397 = arith.index_cast %scan3A_366 : i32 to index
        %get3A_398 = arith.constant 0 : index
        %get3A_399 = tpu.vector_load %arg16[%get3A_397, %get3A_398] {strides = array<i32>} : memref<40x128xf32, #tpu.memory_space<vmem>>, vector<1x16xf32>,
        %get3A_400 = vector.shape_cast %get3A_399 : vector<1x16xf32> to vector<16xf32>
        %mul3A_401 = arith.mulf %get3A_400, %gather3A_396 : vector<16xf32>
        %swap3A_402 = arith.index_cast %scan3A_366 : i32 to index
        %swap3A_403 = arith.constant 0 : index
        %swap3A_404 = tpu.vector_load %arg22[%swap3A_402, %swap3A_403] {strides = array<i32>} : memref<40x48xf32, #tpu.memory_space<vmem>>, vector<1x16xf32>,
        %swap3A_405 = vector.shape_cast %swap3A_404 : vector<1x16xf32> to vector<16xf32>
        %swap3A_406 = vector.shape_cast %mul3A_401 : vector<16xf32> to vector<1x16xf32>
        tpu.vector_store %arg22[%swap3A_402, %swap3A_403], %swap3A_406 {strides = array<i32>} : memref<40x48xf32, #tpu.memory_space<vmem>>, vector<1x16xf32>,
        %get3A_407 = arith.index_cast %scan3A_366 : i32 to index
        %get3A_408 = arith.constant 16 : index
        %get3A_409 = tpu.vector_load %arg16[%get3A_407, %get3A_408] {strides = array<i32>} : memref<40x128xf32, #tpu.memory_space<vmem>>, vector<1x16xf32>,
        %get3A_410 = vector.shape_cast %get3A_409 : vector<1x16xf32> to vector<16xf32>
        %mul3A_411 = arith.mulf %get3A_410, %gather3A_396 : vector<16xf32>
        %swap3A_412 = arith.index_cast %scan3A_366 : i32 to index
        %swap3A_413 = arith.constant 16 : index
        %swap3A_414 = tpu.vector_load %arg22[%swap3A_412, %swap3A_413] {strides = array<i32>} : memref<40x48xf32, #tpu.memory_space<vmem>>, vector<1x16xf32>,
        %swap3A_415 = vector.shape_cast %swap3A_414 : vector<1x16xf32> to vector<16xf32>
        %swap3A_416 = vector.shape_cast %mul3A_411 : vector<16xf32> to vector<1x16xf32>
        tpu.vector_store %arg22[%swap3A_412, %swap3A_413], %swap3A_416 {strides = array<i32>} : memref<40x48xf32, #tpu.memory_space<vmem>>, vector<1x16xf32>,
        %eq3A_417 = arith.constant 8 : i32
        %eq3A_418 = vector.broadcast %eq3A_417 : i32 to vector<16xi32>
        %eq3A_419 = arith.cmpi eq, %iota3A_229, %eq3A_418 : vector<16xi32>
        %mul3A_420 = arith.mulf %get3A_370, %gather3A_396 : vector<16xf32>
        %select_n3A_421 = arith.select %eq3A_419, %gather3A_396, %mul3A_420 : vector<16xi1>, vector<16xf32>
        %swap3A_422 = arith.index_cast %scan3A_366 : i32 to index
        %swap3A_423 = arith.constant 32 : index
        %swap3A_424 = tpu.vector_load %arg22[%swap3A_422, %swap3A_423] {strides = array<i32>} : memref<40x48xf32, #tpu.memory_space<vmem>>, vector<1x16xf32>,
        %swap3A_425 = vector.shape_cast %swap3A_424 : vector<1x16xf32> to vector<16xf32>
        %swap3A_426 = vector.shape_cast %select_n3A_421 : vector<16xf32> to vector<1x16xf32>
        tpu.vector_store %arg22[%swap3A_422, %swap3A_423], %swap3A_426 {strides = array<i32>} : memref<40x48xf32, #tpu.memory_space<vmem>>, vector<1x16xf32>,
      }
      %scan3A_235 = arith.constant 40 : i32
      %dma_start3A_236 = arith.constant 0 : i32
      %dma_start3A_237 = arith.constant 0 : i32
      %dma_start3A_238 = tpu.memref_slice %arg25[%dma_start3A_236, %dma_start3A_237] : memref<10000x48xf32, #tpu.memory_space<vmem_shared>> -> memref<10000x48xf32, #tpu.memory_space<vmem_shared>>
      tpu.enqueue_indirect_dma source(%arg22 : memref<40x48xf32, #tpu.memory_space<vmem>>) target(%dma_start3A_238 : memref<10000x48xf32, #tpu.memory_space<vmem_shared>>) offsets(%arg13 : memref<40xi32, #tpu.memory_space<vmem>>) semaphore(%arg32 : memref<!tpu.dma_semaphore, #tpu.memory_space<semaphore_mem>>) {add = true}
      %add3A_239 = arith.constant 2 : i32
      %add3A_240 = arith.addi %add3A_191, %add3A_239 : i32
      %lt3A_241 = arith.constant 250 : i32
      %lt3A_242 = arith.cmpi slt, %add3A_240, %lt3A_241 : i32
      %convert_element_type3A_243 = arith.extui %lt3A_242 : i1 to i32
      %cond3A_244 = arith.constant 0 : i32
      %cond3A_245 = arith.cmpi ne, %convert_element_type3A_243, %cond3A_244 : i32
      scf.if %cond3A_245 {
        %dma_wait3A_366 = arith.constant 0 : i32
        %dma_wait3A_367 = tpu.memref_slice %arg4[%dma_wait3A_366] : memref<320000xi32, #tpu.memory_space<hbm>> -> memref<40xi32, #tpu.memory_space<hbm>>
        %dma_wait3A_368 = arith.constant 0 : i32
        %dma_wait3A_369 = tpu.memref_slice %arg4[%dma_wait3A_368] : memref<320000xi32, #tpu.memory_space<hbm>> -> memref<40xi32, #tpu.memory_space<hbm>>
        tpu.wait_dma2 semaphore(%arg28 : memref<!tpu.dma_semaphore, #tpu.memory_space<semaphore_mem>>) src(%dma_wait3A_369 : memref<40xi32, #tpu.memory_space<hbm>>) dst(%arg9 : memref<40xi32, #tpu.memory_space<vmem>>)
        %dma_wait3A_370 = arith.constant 0 : i32
        %dma_wait3A_371 = tpu.memref_slice %arg5[%dma_wait3A_370] : memref<320000xi32, #tpu.memory_space<hbm>> -> memref<40xi32, #tpu.memory_space<hbm>>
        %dma_wait3A_372 = arith.constant 0 : i32
        %dma_wait3A_373 = tpu.memref_slice %arg5[%dma_wait3A_372] : memref<320000xi32, #tpu.memory_space<hbm>> -> memref<40xi32, #tpu.memory_space<hbm>>
        tpu.wait_dma2 semaphore(%arg28 : memref<!tpu.dma_semaphore, #tpu.memory_space<semaphore_mem>>) src(%dma_wait3A_373 : memref<40xi32, #tpu.memory_space<hbm>>) dst(%arg12 : memref<40xi32, #tpu.memory_space<vmem>>)
        %dma_start3A_374 = arith.constant 0 : i32
        %dma_start3A_375 = arith.constant 0 : i32
        %dma_start3A_376 = tpu.memref_slice %arg2[%dma_start3A_374, %dma_start3A_375] : memref<10000x128xf32, #tpu.memory_space<hbm>> -> memref<10000x128xf32, #tpu.memory_space<hbm>>
        tpu.enqueue_indirect_dma source(%dma_start3A_376 : memref<10000x128xf32, #tpu.memory_space<hbm>>) target(%arg18 : memref<40x128xf32, #tpu.memory_space<vmem>>) offsets(%arg9 : memref<40xi32, #tpu.memory_space<vmem>>) semaphore(%arg31 : memref<!tpu.dma_semaphore, #tpu.memory_space<semaphore_mem>>)
        %dma_start3A_377 = arith.constant 0 : i32
        %dma_start3A_378 = arith.constant 0 : i32
        %dma_start3A_379 = tpu.memref_slice %arg3[%dma_start3A_377, %dma_start3A_378] : memref<10000x128xf32, #tpu.memory_space<hbm>> -> memref<10000x128xf32, #tpu.memory_space<hbm>>
        tpu.enqueue_indirect_dma source(%dma_start3A_379 : memref<10000x128xf32, #tpu.memory_space<hbm>>) target(%arg21 : memref<40x128xf32, #tpu.memory_space<vmem>>) offsets(%arg12 : memref<40xi32, #tpu.memory_space<vmem>>) semaphore(%arg31 : memref<!tpu.dma_semaphore, #tpu.memory_space<semaphore_mem>>)
      } else {
      }
      %mul3A_246 = arith.constant 3 : i32
      %mul3A_247 = arith.muli %scan3A_187, %mul3A_246 : i32
      %add3A_248 = arith.constant 1 : i32
      %add3A_249 = arith.addi %mul3A_247, %add3A_248 : i32
      %dma_wait3A_250 = arith.constant 0 : i32
      %dma_wait3A_251 = arith.constant 0 : i32
      %dma_wait3A_252 = tpu.memref_slice %arg2[%dma_wait3A_250, %dma_wait3A_251] : memref<10000x128xf32, #tpu.memory_space<hbm>> -> memref<10000x128xf32, #tpu.memory_space<hbm>>
      tpu.wait_indirect_dma semaphore(%arg30 : memref<!tpu.dma_semaphore, #tpu.memory_space<semaphore_mem>>) src(%dma_wait3A_252 : memref<10000x128xf32, #tpu.memory_space<hbm>>) dst(%arg17 : memref<40x128xf32, #tpu.memory_space<vmem>>)
      %dma_wait3A_253 = arith.constant 0 : i32
      %dma_wait3A_254 = arith.constant 0 : i32
      %dma_wait3A_255 = tpu.memref_slice %arg3[%dma_wait3A_253, %dma_wait3A_254] : memref<10000x128xf32, #tpu.memory_space<hbm>> -> memref<10000x128xf32, #tpu.memory_space<hbm>>
      tpu.wait_indirect_dma semaphore(%arg30 : memref<!tpu.dma_semaphore, #tpu.memory_space<semaphore_mem>>) src(%dma_wait3A_255 : memref<10000x128xf32, #tpu.memory_space<hbm>>) dst(%arg20 : memref<40x128xf32, #tpu.memory_space<vmem>>)
      %ge3A_256 = arith.constant 3 : i32
      %ge3A_257 = arith.cmpi sge, %add3A_249, %ge3A_256 : i32
      %convert_element_type3A_258 = arith.extui %ge3A_257 : i1 to i32
      %cond3A_259 = arith.constant 0 : i32
      %cond3A_260 = arith.cmpi ne, %convert_element_type3A_258, %cond3A_259 : i32
      scf.if %cond3A_260 {
        %dma_wait3A_366 = arith.constant 0 : i32
        %dma_wait3A_367 = arith.constant 0 : i32
        %dma_wait3A_368 = tpu.memref_slice %arg25[%dma_wait3A_366, %dma_wait3A_367] : memref<10000x48xf32, #tpu.memory_space<vmem_shared>> -> memref<10000x48xf32, #tpu.memory_space<vmem_shared>>
        tpu.wait_indirect_dma semaphore(%arg33 : memref<!tpu.dma_semaphore, #tpu.memory_space<semaphore_mem>>) src(%arg23 : memref<40x48xf32, #tpu.memory_space<vmem>>) dst(%dma_wait3A_368 : memref<10000x48xf32, #tpu.memory_space<vmem_shared>>)
      } else {
      }
      %get3A_261 = arith.constant 0 : index
      %get3A_262 = tpu.vector_load %arg11[%get3A_261] {strides = array<i32>} : memref<40xi32, #tpu.memory_space<vmem>>, vector<16xi32>,
      %get3A_263 = vector.shape_cast %get3A_262 : vector<16xi32> to vector<16xi32>
      %swap3A_264 = arith.constant 0 : index
      %swap3A_265 = tpu.vector_load %arg14[%swap3A_264] {strides = array<i32>} : memref<40xi32, #tpu.memory_space<vmem>>, vector<16xi32>,
      %swap3A_266 = vector.shape_cast %swap3A_265 : vector<16xi32> to vector<16xi32>
      %swap3A_267 = vector.shape_cast %get3A_263 : vector<16xi32> to vector<16xi32>
      tpu.vector_store %arg14[%swap3A_264], %swap3A_267 {strides = array<i32>} : memref<40xi32, #tpu.memory_space<vmem>>, vector<16xi32>,
      %get3A_268 = arith.constant 16 : index
      %get3A_269 = tpu.vector_load %arg11[%get3A_268] {strides = array<i32>} : memref<40xi32, #tpu.memory_space<vmem>>, vector<16xi32>,
      %get3A_270 = vector.shape_cast %get3A_269 : vector<16xi32> to vector<16xi32>
      %swap3A_271 = arith.constant 16 : index
      %swap3A_272 = tpu.vector_load %arg14[%swap3A_271] {strides = array<i32>} : memref<40xi32, #tpu.memory_space<vmem>>, vector<16xi32>,
      %swap3A_273 = vector.shape_cast %swap3A_272 : vector<16xi32> to vector<16xi32>
      %swap3A_274 = vector.shape_cast %get3A_270 : vector<16xi32> to vector<16xi32>
      tpu.vector_store %arg14[%swap3A_271], %swap3A_274 {strides = array<i32>} : memref<40xi32, #tpu.memory_space<vmem>>, vector<16xi32>,
      %get3A_275 = arith.constant 24 : index
      %get3A_276 = tpu.vector_load %arg11[%get3A_275] {strides = array<i32>} : memref<40xi32, #tpu.memory_space<vmem>>, vector<16xi32>,
      %get3A_277 = vector.shape_cast %get3A_276 : vector<16xi32> to vector<16xi32>
      %swap3A_278 = arith.constant 24 : index
      %swap3A_279 = tpu.vector_load %arg14[%swap3A_278] {strides = array<i32>} : memref<40xi32, #tpu.memory_space<vmem>>, vector<16xi32>,
      %swap3A_280 = vector.shape_cast %swap3A_279 : vector<16xi32> to vector<16xi32>
      %swap3A_281 = vector.shape_cast %get3A_277 : vector<16xi32> to vector<16xi32>
      tpu.vector_store %arg14[%swap3A_278], %swap3A_281 {strides = array<i32>} : memref<40xi32, #tpu.memory_space<vmem>>, vector<16xi32>,
      %add3A_282 = arith.constant 3 : i32
      %add3A_283 = arith.addi %add3A_249, %add3A_282 : i32
      %lt3A_284 = arith.constant 250 : i32
      %lt3A_285 = arith.cmpi slt, %add3A_283, %lt3A_284 : i32
      %convert_element_type3A_286 = arith.extui %lt3A_285 : i1 to i32
      %cond3A_287 = arith.constant 0 : i32
      %cond3A_288 = arith.cmpi ne, %convert_element_type3A_286, %cond3A_287 : i32
      scf.if %cond3A_288 {
        %add3A_366 = arith.constant 3 : i32
        %add3A_367 = arith.addi %add3A_249, %add3A_366 : i32
        %mul3A_368 = arith.constant 10000 : i32
        %mul3A_369 = arith.muli %add3A, %mul3A_368 : i32
        %mul3A_370 = arith.constant 40 : i32
        %mul3A_371 = arith.muli %add3A_367, %mul3A_370 : i32
        %add3A_372 = arith.addi %mul3A_369, %mul3A_371 : i32
        %multiple_of3A_373 = tpu.assume_multiple %add3A_372, 8 : i32
        %dma_start3A_374 = tpu.memref_slice %arg4[%multiple_of3A_373] : memref<320000xi32, #tpu.memory_space<hbm>> -> memref<40xi32, #tpu.memory_space<hbm>>
        %dma_start3A_375 = tpu.memref_slice %arg4[%multiple_of3A_373] : memref<320000xi32, #tpu.memory_space<hbm>> -> memref<40xi32, #tpu.memory_space<hbm>>
        tpu.enqueue_dma source(%dma_start3A_375 : memref<40xi32, #tpu.memory_space<hbm>>) target(%arg8 : memref<40xi32, #tpu.memory_space<vmem>>) target_semaphore(%arg27 : memref<!tpu.dma_semaphore, #tpu.memory_space<semaphore_mem>>)
        %dma_start3A_376 = tpu.memref_slice %arg5[%multiple_of3A_373] : memref<320000xi32, #tpu.memory_space<hbm>> -> memref<40xi32, #tpu.memory_space<hbm>>
        %dma_start3A_377 = tpu.memref_slice %arg5[%multiple_of3A_373] : memref<320000xi32, #tpu.memory_space<hbm>> -> memref<40xi32, #tpu.memory_space<hbm>>
        tpu.enqueue_dma source(%dma_start3A_377 : memref<40xi32, #tpu.memory_space<hbm>>) target(%arg11 : memref<40xi32, #tpu.memory_space<vmem>>) target_semaphore(%arg27 : memref<!tpu.dma_semaphore, #tpu.memory_space<semaphore_mem>>)
      } else {
      }
      %iota3A_289 = tpu.iota {dimensions = array<i32: 0>} : vector<16xi32>
      %scan3A_290 = arith.constant 0 : i32
      %scan3A_291 = arith.constant 0 : i32
      %scan3A_292 = arith.constant 40 : i32
      %scan3A_293 = arith.addi %scan3A_291, %scan3A_292 : i32
      %scan3A_294 = arith.constant 1 : i32
      scf.for %scan3A_366 = %scan3A_291 to %scan3A_293 step %scan3A_294  : i32 {
        %get3A_367 = arith.index_cast %scan3A_366 : i32 to index
        %get3A_368 = arith.constant 32 : index
        %get3A_369 = tpu.vector_load %arg17[%get3A_367, %get3A_368] {strides = array<i32>} : memref<40x128xf32, #tpu.memory_space<vmem>>, vector<1x16xf32>,
        %get3A_370 = vector.shape_cast %get3A_369 : vector<1x16xf32> to vector<16xf32>
        %slice3A = vector.extract_strided_slice %get3A_370 {offsets = [8], sizes = [1], strides = [1]} : vector<16xf32> to vector<1xf32>
        %squeeze3A = vector.extract %slice3A[0] : f32 from vector<1xf32>
        %get3A_371 = arith.index_cast %scan3A_366 : i32 to index
        %get3A_372 = arith.constant 0 : index
        %get3A_373 = tpu.vector_load %arg20[%get3A_371, %get3A_372] {strides = array<i32>} : memref<40x128xf32, #tpu.memory_space<vmem>>, vector<1x16xf32>,
        %get3A_374 = vector.shape_cast %get3A_373 : vector<1x16xf32> to vector<16xf32>
        %add3A_375 = vector.broadcast %squeeze3A : f32 to vector<16xf32>
        %add3A_376 = arith.addf %add3A_375, %get3A_374 : vector<16xf32>
        %ge3A_377 = arith.constant 0.000000e+00 : f32
        %ge3A_378 = vector.broadcast %ge3A_377 : f32 to vector<16xf32>
        %ge3A_379 = arith.cmpf oge, %add3A_376, %ge3A_378 : vector<16xf32>
        %mul3A_380 = arith.constant 2.000000e-01 : f32
        %mul3A_381 = vector.broadcast %mul3A_380 : f32 to vector<16xf32>
        %mul3A_382 = arith.mulf %mul3A_381, %add3A_376 : vector<16xf32>
        %select_n3A = arith.select %ge3A_379, %add3A_376, %mul3A_382 : vector<16xi1>, vector<16xf32>
        %exp3A = math.exp %select_n3A : vector<16xf32>
        %broadcast_in_dim3A_383 = arith.constant 0 : i32
        %broadcast_in_dim3A_384 = vector.broadcast %broadcast_in_dim3A_383 : i32 to vector<16xi32>
        %add3A_385 = arith.constant 0 : i32
        %add3A_386 = vector.broadcast %add3A_385 : i32 to vector<16xi32>
        %add3A_387 = arith.addi %broadcast_in_dim3A_384, %add3A_386 : vector<16xi32>
        %lt3A_388 = arith.constant 0 : i32
        %lt3A_389 = vector.broadcast %lt3A_388 : i32 to vector<16xi32>
        %lt3A_390 = arith.cmpi slt, %add3A_387, %lt3A_389 : vector<16xi32>
        %add3A_391 = arith.constant 16 : i32
        %add3A_392 = vector.broadcast %add3A_391 : i32 to vector<16xi32>
        %add3A_393 = arith.addi %add3A_387, %add3A_392 : vector<16xi32>
        %select_n3A_394 = arith.select %lt3A_390, %add3A_393, %add3A_387 : vector<16xi1>, vector<16xi32>
        %broadcast_in_dim3A_395 = vector.shape_cast %select_n3A_394 : vector<16xi32> to vector<16x1xi32>
        %gather3A = vector.shape_cast %broadcast_in_dim3A_395 : vector<16x1xi32> to vector<16xi32>
        %gather3A_396 = tpu.dynamic_gather %exp3A[%gather3A] in [0] : vector<16xf32>, vector<16xi32> -> vector<16xf32>
        %get3A_397 = arith.index_cast %scan3A_366 : i32 to index
        %get3A_398 = arith.constant 0 : index
        %get3A_399 = tpu.vector_load %arg17[%get3A_397, %get3A_398] {strides = array<i32>} : memref<40x128xf32, #tpu.memory_space<vmem>>, vector<1x16xf32>,
        %get3A_400 = vector.shape_cast %get3A_399 : vector<1x16xf32> to vector<16xf32>
        %mul3A_401 = arith.mulf %get3A_400, %gather3A_396 : vector<16xf32>
        %swap3A_402 = arith.index_cast %scan3A_366 : i32 to index
        %swap3A_403 = arith.constant 0 : index
        %swap3A_404 = tpu.vector_load %arg23[%swap3A_402, %swap3A_403] {strides = array<i32>} : memref<40x48xf32, #tpu.memory_space<vmem>>, vector<1x16xf32>,
        %swap3A_405 = vector.shape_cast %swap3A_404 : vector<1x16xf32> to vector<16xf32>
        %swap3A_406 = vector.shape_cast %mul3A_401 : vector<16xf32> to vector<1x16xf32>
        tpu.vector_store %arg23[%swap3A_402, %swap3A_403], %swap3A_406 {strides = array<i32>} : memref<40x48xf32, #tpu.memory_space<vmem>>, vector<1x16xf32>,
        %get3A_407 = arith.index_cast %scan3A_366 : i32 to index
        %get3A_408 = arith.constant 16 : index
        %get3A_409 = tpu.vector_load %arg17[%get3A_407, %get3A_408] {strides = array<i32>} : memref<40x128xf32, #tpu.memory_space<vmem>>, vector<1x16xf32>,
        %get3A_410 = vector.shape_cast %get3A_409 : vector<1x16xf32> to vector<16xf32>
        %mul3A_411 = arith.mulf %get3A_410, %gather3A_396 : vector<16xf32>
        %swap3A_412 = arith.index_cast %scan3A_366 : i32 to index
        %swap3A_413 = arith.constant 16 : index
        %swap3A_414 = tpu.vector_load %arg23[%swap3A_412, %swap3A_413] {strides = array<i32>} : memref<40x48xf32, #tpu.memory_space<vmem>>, vector<1x16xf32>,
        %swap3A_415 = vector.shape_cast %swap3A_414 : vector<1x16xf32> to vector<16xf32>
        %swap3A_416 = vector.shape_cast %mul3A_411 : vector<16xf32> to vector<1x16xf32>
        tpu.vector_store %arg23[%swap3A_412, %swap3A_413], %swap3A_416 {strides = array<i32>} : memref<40x48xf32, #tpu.memory_space<vmem>>, vector<1x16xf32>,
        %eq3A_417 = arith.constant 8 : i32
        %eq3A_418 = vector.broadcast %eq3A_417 : i32 to vector<16xi32>
        %eq3A_419 = arith.cmpi eq, %iota3A_289, %eq3A_418 : vector<16xi32>
        %mul3A_420 = arith.mulf %get3A_370, %gather3A_396 : vector<16xf32>
        %select_n3A_421 = arith.select %eq3A_419, %gather3A_396, %mul3A_420 : vector<16xi1>, vector<16xf32>
        %swap3A_422 = arith.index_cast %scan3A_366 : i32 to index
        %swap3A_423 = arith.constant 32 : index
        %swap3A_424 = tpu.vector_load %arg23[%swap3A_422, %swap3A_423] {strides = array<i32>} : memref<40x48xf32, #tpu.memory_space<vmem>>, vector<1x16xf32>,
        %swap3A_425 = vector.shape_cast %swap3A_424 : vector<1x16xf32> to vector<16xf32>
        %swap3A_426 = vector.shape_cast %select_n3A_421 : vector<16xf32> to vector<1x16xf32>
        tpu.vector_store %arg23[%swap3A_422, %swap3A_423], %swap3A_426 {strides = array<i32>} : memref<40x48xf32, #tpu.memory_space<vmem>>, vector<1x16xf32>,
      }
      %scan3A_295 = arith.constant 40 : i32
      %dma_start3A_296 = arith.constant 0 : i32
      %dma_start3A_297 = arith.constant 0 : i32
      %dma_start3A_298 = tpu.memref_slice %arg25[%dma_start3A_296, %dma_start3A_297] : memref<10000x48xf32, #tpu.memory_space<vmem_shared>> -> memref<10000x48xf32, #tpu.memory_space<vmem_shared>>
      tpu.enqueue_indirect_dma source(%arg23 : memref<40x48xf32, #tpu.memory_space<vmem>>) target(%dma_start3A_298 : memref<10000x48xf32, #tpu.memory_space<vmem_shared>>) offsets(%arg14 : memref<40xi32, #tpu.memory_space<vmem>>) semaphore(%arg33 : memref<!tpu.dma_semaphore, #tpu.memory_space<semaphore_mem>>) {add = true}
      %add3A_299 = arith.constant 2 : i32
      %add3A_300 = arith.addi %add3A_249, %add3A_299 : i32
      %lt3A_301 = arith.constant 250 : i32
      %lt3A_302 = arith.cmpi slt, %add3A_300, %lt3A_301 : i32
      %convert_element_type3A_303 = arith.extui %lt3A_302 : i1 to i32
      %cond3A_304 = arith.constant 0 : i32
      %cond3A_305 = arith.cmpi ne, %convert_element_type3A_303, %cond3A_304 : i32
      scf.if %cond3A_305 {
        %dma_wait3A_366 = arith.constant 0 : i32
        %dma_wait3A_367 = tpu.memref_slice %arg4[%dma_wait3A_366] : memref<320000xi32, #tpu.memory_space<hbm>> -> memref<40xi32, #tpu.memory_space<hbm>>
        %dma_wait3A_368 = arith.constant 0 : i32
        %dma_wait3A_369 = tpu.memref_slice %arg4[%dma_wait3A_368] : memref<320000xi32, #tpu.memory_space<hbm>> -> memref<40xi32, #tpu.memory_space<hbm>>
        tpu.wait_dma2 semaphore(%arg26 : memref<!tpu.dma_semaphore, #tpu.memory_space<semaphore_mem>>) src(%dma_wait3A_369 : memref<40xi32, #tpu.memory_space<hbm>>) dst(%arg7 : memref<40xi32, #tpu.memory_space<vmem>>)
        %dma_wait3A_370 = arith.constant 0 : i32
        %dma_wait3A_371 = tpu.memref_slice %arg5[%dma_wait3A_370] : memref<320000xi32, #tpu.memory_space<hbm>> -> memref<40xi32, #tpu.memory_space<hbm>>
        %dma_wait3A_372 = arith.constant 0 : i32
        %dma_wait3A_373 = tpu.memref_slice %arg5[%dma_wait3A_372] : memref<320000xi32, #tpu.memory_space<hbm>> -> memref<40xi32, #tpu.memory_space<hbm>>
        tpu.wait_dma2 semaphore(%arg26 : memref<!tpu.dma_semaphore, #tpu.memory_space<semaphore_mem>>) src(%dma_wait3A_373 : memref<40xi32, #tpu.memory_space<hbm>>) dst(%arg10 : memref<40xi32, #tpu.memory_space<vmem>>)
        %dma_start3A_374 = arith.constant 0 : i32
        %dma_start3A_375 = arith.constant 0 : i32
        %dma_start3A_376 = tpu.memref_slice %arg2[%dma_start3A_374, %dma_start3A_375] : memref<10000x128xf32, #tpu.memory_space<hbm>> -> memref<10000x128xf32, #tpu.memory_space<hbm>>
        tpu.enqueue_indirect_dma source(%dma_start3A_376 : memref<10000x128xf32, #tpu.memory_space<hbm>>) target(%arg16 : memref<40x128xf32, #tpu.memory_space<vmem>>) offsets(%arg7 : memref<40xi32, #tpu.memory_space<vmem>>) semaphore(%arg29 : memref<!tpu.dma_semaphore, #tpu.memory_space<semaphore_mem>>)
        %dma_start3A_377 = arith.constant 0 : i32
        %dma_start3A_378 = arith.constant 0 : i32
        %dma_start3A_379 = tpu.memref_slice %arg3[%dma_start3A_377, %dma_start3A_378] : memref<10000x128xf32, #tpu.memory_space<hbm>> -> memref<10000x128xf32, #tpu.memory_space<hbm>>
        tpu.enqueue_indirect_dma source(%dma_start3A_379 : memref<10000x128xf32, #tpu.memory_space<hbm>>) target(%arg19 : memref<40x128xf32, #tpu.memory_space<vmem>>) offsets(%arg10 : memref<40xi32, #tpu.memory_space<vmem>>) semaphore(%arg29 : memref<!tpu.dma_semaphore, #tpu.memory_space<semaphore_mem>>)
      } else {
      }
      %mul3A_306 = arith.constant 3 : i32
      %mul3A_307 = arith.muli %scan3A_187, %mul3A_306 : i32
      %add3A_308 = arith.constant 2 : i32
      %add3A_309 = arith.addi %mul3A_307, %add3A_308 : i32
      %dma_wait3A_310 = arith.constant 0 : i32
      %dma_wait3A_311 = arith.constant 0 : i32
      %dma_wait3A_312 = tpu.memref_slice %arg2[%dma_wait3A_310, %dma_wait3A_311] : memref<10000x128xf32, #tpu.memory_space<hbm>> -> memref<10000x128xf32, #tpu.memory_space<hbm>>
      tpu.wait_indirect_dma semaphore(%arg31 : memref<!tpu.dma_semaphore, #tpu.memory_space<semaphore_mem>>) src(%dma_wait3A_312 : memref<10000x128xf32, #tpu.memory_space<hbm>>) dst(%arg18 : memref<40x128xf32, #tpu.memory_space<vmem>>)
      %dma_wait3A_313 = arith.constant 0 : i32
      %dma_wait3A_314 = arith.constant 0 : i32
      %dma_wait3A_315 = tpu.memref_slice %arg3[%dma_wait3A_313, %dma_wait3A_314] : memref<10000x128xf32, #tpu.memory_space<hbm>> -> memref<10000x128xf32, #tpu.memory_space<hbm>>
      tpu.wait_indirect_dma semaphore(%arg31 : memref<!tpu.dma_semaphore, #tpu.memory_space<semaphore_mem>>) src(%dma_wait3A_315 : memref<10000x128xf32, #tpu.memory_space<hbm>>) dst(%arg21 : memref<40x128xf32, #tpu.memory_space<vmem>>)
      %ge3A_316 = arith.constant 3 : i32
      %ge3A_317 = arith.cmpi sge, %add3A_309, %ge3A_316 : i32
      %convert_element_type3A_318 = arith.extui %ge3A_317 : i1 to i32
      %cond3A_319 = arith.constant 0 : i32
      %cond3A_320 = arith.cmpi ne, %convert_element_type3A_318, %cond3A_319 : i32
      scf.if %cond3A_320 {
        %dma_wait3A_366 = arith.constant 0 : i32
        %dma_wait3A_367 = arith.constant 0 : i32
        %dma_wait3A_368 = tpu.memref_slice %arg25[%dma_wait3A_366, %dma_wait3A_367] : memref<10000x48xf32, #tpu.memory_space<vmem_shared>> -> memref<10000x48xf32, #tpu.memory_space<vmem_shared>>
        tpu.wait_indirect_dma semaphore(%arg34 : memref<!tpu.dma_semaphore, #tpu.memory_space<semaphore_mem>>) src(%arg24 : memref<40x48xf32, #tpu.memory_space<vmem>>) dst(%dma_wait3A_368 : memref<10000x48xf32, #tpu.memory_space<vmem_shared>>)
      } else {
      }
      %get3A_321 = arith.constant 0 : index
      %get3A_322 = tpu.vector_load %arg12[%get3A_321] {strides = array<i32>} : memref<40xi32, #tpu.memory_space<vmem>>, vector<16xi32>,
      %get3A_323 = vector.shape_cast %get3A_322 : vector<16xi32> to vector<16xi32>
      %swap3A_324 = arith.constant 0 : index
      %swap3A_325 = tpu.vector_load %arg15[%swap3A_324] {strides = array<i32>} : memref<40xi32, #tpu.memory_space<vmem>>, vector<16xi32>,
      %swap3A_326 = vector.shape_cast %swap3A_325 : vector<16xi32> to vector<16xi32>
      %swap3A_327 = vector.shape_cast %get3A_323 : vector<16xi32> to vector<16xi32>
      tpu.vector_store %arg15[%swap3A_324], %swap3A_327 {strides = array<i32>} : memref<40xi32, #tpu.memory_space<vmem>>, vector<16xi32>,
      %get3A_328 = arith.constant 16 : index
      %get3A_329 = tpu.vector_load %arg12[%get3A_328] {strides = array<i32>} : memref<40xi32, #tpu.memory_space<vmem>>, vector<16xi32>,
      %get3A_330 = vector.shape_cast %get3A_329 : vector<16xi32> to vector<16xi32>
      %swap3A_331 = arith.constant 16 : index
      %swap3A_332 = tpu.vector_load %arg15[%swap3A_331] {strides = array<i32>} : memref<40xi32, #tpu.memory_space<vmem>>, vector<16xi32>,
      %swap3A_333 = vector.shape_cast %swap3A_332 : vector<16xi32> to vector<16xi32>
      %swap3A_334 = vector.shape_cast %get3A_330 : vector<16xi32> to vector<16xi32>
      tpu.vector_store %arg15[%swap3A_331], %swap3A_334 {strides = array<i32>} : memref<40xi32, #tpu.memory_space<vmem>>, vector<16xi32>,
      %get3A_335 = arith.constant 24 : index
      %get3A_336 = tpu.vector_load %arg12[%get3A_335] {strides = array<i32>} : memref<40xi32, #tpu.memory_space<vmem>>, vector<16xi32>,
      %get3A_337 = vector.shape_cast %get3A_336 : vector<16xi32> to vector<16xi32>
      %swap3A_338 = arith.constant 24 : index
      %swap3A_339 = tpu.vector_load %arg15[%swap3A_338] {strides = array<i32>} : memref<40xi32, #tpu.memory_space<vmem>>, vector<16xi32>,
      %swap3A_340 = vector.shape_cast %swap3A_339 : vector<16xi32> to vector<16xi32>
      %swap3A_341 = vector.shape_cast %get3A_337 : vector<16xi32> to vector<16xi32>
      tpu.vector_store %arg15[%swap3A_338], %swap3A_341 {strides = array<i32>} : memref<40xi32, #tpu.memory_space<vmem>>, vector<16xi32>,
      %add3A_342 = arith.constant 3 : i32
      %add3A_343 = arith.addi %add3A_309, %add3A_342 : i32
      %lt3A_344 = arith.constant 250 : i32
      %lt3A_345 = arith.cmpi slt, %add3A_343, %lt3A_344 : i32
      %convert_element_type3A_346 = arith.extui %lt3A_345 : i1 to i32
      %cond3A_347 = arith.constant 0 : i32
      %cond3A_348 = arith.cmpi ne, %convert_element_type3A_346, %cond3A_347 : i32
      scf.if %cond3A_348 {
        %add3A_366 = arith.constant 3 : i32
        %add3A_367 = arith.addi %add3A_309, %add3A_366 : i32
        %mul3A_368 = arith.constant 10000 : i32
        %mul3A_369 = arith.muli %add3A, %mul3A_368 : i32
        %mul3A_370 = arith.constant 40 : i32
        %mul3A_371 = arith.muli %add3A_367, %mul3A_370 : i32
        %add3A_372 = arith.addi %mul3A_369, %mul3A_371 : i32
        %multiple_of3A_373 = tpu.assume_multiple %add3A_372, 8 : i32
        %dma_start3A_374 = tpu.memref_slice %arg4[%multiple_of3A_373] : memref<320000xi32, #tpu.memory_space<hbm>> -> memref<40xi32, #tpu.memory_space<hbm>>
        %dma_start3A_375 = tpu.memref_slice %arg4[%multiple_of3A_373] : memref<320000xi32, #tpu.memory_space<hbm>> -> memref<40xi32, #tpu.memory_space<hbm>>
        tpu.enqueue_dma source(%dma_start3A_375 : memref<40xi32, #tpu.memory_space<hbm>>) target(%arg9 : memref<40xi32, #tpu.memory_space<vmem>>) target_semaphore(%arg28 : memref<!tpu.dma_semaphore, #tpu.memory_space<semaphore_mem>>)
        %dma_start3A_376 = tpu.memref_slice %arg5[%multiple_of3A_373] : memref<320000xi32, #tpu.memory_space<hbm>> -> memref<40xi32, #tpu.memory_space<hbm>>
        %dma_start3A_377 = tpu.memref_slice %arg5[%multiple_of3A_373] : memref<320000xi32, #tpu.memory_space<hbm>> -> memref<40xi32, #tpu.memory_space<hbm>>
        tpu.enqueue_dma source(%dma_start3A_377 : memref<40xi32, #tpu.memory_space<hbm>>) target(%arg12 : memref<40xi32, #tpu.memory_space<vmem>>) target_semaphore(%arg28 : memref<!tpu.dma_semaphore, #tpu.memory_space<semaphore_mem>>)
      } else {
      }
      %iota3A_349 = tpu.iota {dimensions = array<i32: 0>} : vector<16xi32>
      %scan3A_350 = arith.constant 0 : i32
      %scan3A_351 = arith.constant 0 : i32
      %scan3A_352 = arith.constant 40 : i32
      %scan3A_353 = arith.addi %scan3A_351, %scan3A_352 : i32
      %scan3A_354 = arith.constant 1 : i32
      scf.for %scan3A_366 = %scan3A_351 to %scan3A_353 step %scan3A_354  : i32 {
        %get3A_367 = arith.index_cast %scan3A_366 : i32 to index
        %get3A_368 = arith.constant 32 : index
        %get3A_369 = tpu.vector_load %arg18[%get3A_367, %get3A_368] {strides = array<i32>} : memref<40x128xf32, #tpu.memory_space<vmem>>, vector<1x16xf32>,
        %get3A_370 = vector.shape_cast %get3A_369 : vector<1x16xf32> to vector<16xf32>
        %slice3A = vector.extract_strided_slice %get3A_370 {offsets = [8], sizes = [1], strides = [1]} : vector<16xf32> to vector<1xf32>
        %squeeze3A = vector.extract %slice3A[0] : f32 from vector<1xf32>
        %get3A_371 = arith.index_cast %scan3A_366 : i32 to index
        %get3A_372 = arith.constant 0 : index
        %get3A_373 = tpu.vector_load %arg21[%get3A_371, %get3A_372] {strides = array<i32>} : memref<40x128xf32, #tpu.memory_space<vmem>>, vector<1x16xf32>,
        %get3A_374 = vector.shape_cast %get3A_373 : vector<1x16xf32> to vector<16xf32>
        %add3A_375 = vector.broadcast %squeeze3A : f32 to vector<16xf32>
        %add3A_376 = arith.addf %add3A_375, %get3A_374 : vector<16xf32>
        %ge3A_377 = arith.constant 0.000000e+00 : f32
        %ge3A_378 = vector.broadcast %ge3A_377 : f32 to vector<16xf32>
        %ge3A_379 = arith.cmpf oge, %add3A_376, %ge3A_378 : vector<16xf32>
        %mul3A_380 = arith.constant 2.000000e-01 : f32
        %mul3A_381 = vector.broadcast %mul3A_380 : f32 to vector<16xf32>
        %mul3A_382 = arith.mulf %mul3A_381, %add3A_376 : vector<16xf32>
        %select_n3A = arith.select %ge3A_379, %add3A_376, %mul3A_382 : vector<16xi1>, vector<16xf32>
        %exp3A = math.exp %select_n3A : vector<16xf32>
        %broadcast_in_dim3A_383 = arith.constant 0 : i32
        %broadcast_in_dim3A_384 = vector.broadcast %broadcast_in_dim3A_383 : i32 to vector<16xi32>
        %add3A_385 = arith.constant 0 : i32
        %add3A_386 = vector.broadcast %add3A_385 : i32 to vector<16xi32>
        %add3A_387 = arith.addi %broadcast_in_dim3A_384, %add3A_386 : vector<16xi32>
        %lt3A_388 = arith.constant 0 : i32
        %lt3A_389 = vector.broadcast %lt3A_388 : i32 to vector<16xi32>
        %lt3A_390 = arith.cmpi slt, %add3A_387, %lt3A_389 : vector<16xi32>
        %add3A_391 = arith.constant 16 : i32
        %add3A_392 = vector.broadcast %add3A_391 : i32 to vector<16xi32>
        %add3A_393 = arith.addi %add3A_387, %add3A_392 : vector<16xi32>
        %select_n3A_394 = arith.select %lt3A_390, %add3A_393, %add3A_387 : vector<16xi1>, vector<16xi32>
        %broadcast_in_dim3A_395 = vector.shape_cast %select_n3A_394 : vector<16xi32> to vector<16x1xi32>
        %gather3A = vector.shape_cast %broadcast_in_dim3A_395 : vector<16x1xi32> to vector<16xi32>
        %gather3A_396 = tpu.dynamic_gather %exp3A[%gather3A] in [0] : vector<16xf32>, vector<16xi32> -> vector<16xf32>
        %get3A_397 = arith.index_cast %scan3A_366 : i32 to index
        %get3A_398 = arith.constant 0 : index
        %get3A_399 = tpu.vector_load %arg18[%get3A_397, %get3A_398] {strides = array<i32>} : memref<40x128xf32, #tpu.memory_space<vmem>>, vector<1x16xf32>,
        %get3A_400 = vector.shape_cast %get3A_399 : vector<1x16xf32> to vector<16xf32>
        %mul3A_401 = arith.mulf %get3A_400, %gather3A_396 : vector<16xf32>
        %swap3A_402 = arith.index_cast %scan3A_366 : i32 to index
        %swap3A_403 = arith.constant 0 : index
        %swap3A_404 = tpu.vector_load %arg24[%swap3A_402, %swap3A_403] {strides = array<i32>} : memref<40x48xf32, #tpu.memory_space<vmem>>, vector<1x16xf32>,
        %swap3A_405 = vector.shape_cast %swap3A_404 : vector<1x16xf32> to vector<16xf32>
        %swap3A_406 = vector.shape_cast %mul3A_401 : vector<16xf32> to vector<1x16xf32>
        tpu.vector_store %arg24[%swap3A_402, %swap3A_403], %swap3A_406 {strides = array<i32>} : memref<40x48xf32, #tpu.memory_space<vmem>>, vector<1x16xf32>,
        %get3A_407 = arith.index_cast %scan3A_366 : i32 to index
        %get3A_408 = arith.constant 16 : index
        %get3A_409 = tpu.vector_load %arg18[%get3A_407, %get3A_408] {strides = array<i32>} : memref<40x128xf32, #tpu.memory_space<vmem>>, vector<1x16xf32>,
        %get3A_410 = vector.shape_cast %get3A_409 : vector<1x16xf32> to vector<16xf32>
        %mul3A_411 = arith.mulf %get3A_410, %gather3A_396 : vector<16xf32>
        %swap3A_412 = arith.index_cast %scan3A_366 : i32 to index
        %swap3A_413 = arith.constant 16 : index
        %swap3A_414 = tpu.vector_load %arg24[%swap3A_412, %swap3A_413] {strides = array<i32>} : memref<40x48xf32, #tpu.memory_space<vmem>>, vector<1x16xf32>,
        %swap3A_415 = vector.shape_cast %swap3A_414 : vector<1x16xf32> to vector<16xf32>
        %swap3A_416 = vector.shape_cast %mul3A_411 : vector<16xf32> to vector<1x16xf32>
        tpu.vector_store %arg24[%swap3A_412, %swap3A_413], %swap3A_416 {strides = array<i32>} : memref<40x48xf32, #tpu.memory_space<vmem>>, vector<1x16xf32>,
        %eq3A_417 = arith.constant 8 : i32
        %eq3A_418 = vector.broadcast %eq3A_417 : i32 to vector<16xi32>
        %eq3A_419 = arith.cmpi eq, %iota3A_349, %eq3A_418 : vector<16xi32>
        %mul3A_420 = arith.mulf %get3A_370, %gather3A_396 : vector<16xf32>
        %select_n3A_421 = arith.select %eq3A_419, %gather3A_396, %mul3A_420 : vector<16xi1>, vector<16xf32>
        %swap3A_422 = arith.index_cast %scan3A_366 : i32 to index
        %swap3A_423 = arith.constant 32 : index
        %swap3A_424 = tpu.vector_load %arg24[%swap3A_422, %swap3A_423] {strides = array<i32>} : memref<40x48xf32, #tpu.memory_space<vmem>>, vector<1x16xf32>,
        %swap3A_425 = vector.shape_cast %swap3A_424 : vector<1x16xf32> to vector<16xf32>
        %swap3A_426 = vector.shape_cast %select_n3A_421 : vector<16xf32> to vector<1x16xf32>
        tpu.vector_store %arg24[%swap3A_422, %swap3A_423], %swap3A_426 {strides = array<i32>} : memref<40x48xf32, #tpu.memory_space<vmem>>, vector<1x16xf32>,
      }
      %scan3A_355 = arith.constant 40 : i32
      %dma_start3A_356 = arith.constant 0 : i32
      %dma_start3A_357 = arith.constant 0 : i32
      %dma_start3A_358 = tpu.memref_slice %arg25[%dma_start3A_356, %dma_start3A_357] : memref<10000x48xf32, #tpu.memory_space<vmem_shared>> -> memref<10000x48xf32, #tpu.memory_space<vmem_shared>>
      tpu.enqueue_indirect_dma source(%arg24 : memref<40x48xf32, #tpu.memory_space<vmem>>) target(%dma_start3A_358 : memref<10000x48xf32, #tpu.memory_space<vmem_shared>>) offsets(%arg15 : memref<40xi32, #tpu.memory_space<vmem>>) semaphore(%arg34 : memref<!tpu.dma_semaphore, #tpu.memory_space<semaphore_mem>>) {add = true}
      %add3A_359 = arith.constant 2 : i32
      %add3A_360 = arith.addi %add3A_309, %add3A_359 : i32
      %lt3A_361 = arith.constant 250 : i32
      %lt3A_362 = arith.cmpi slt, %add3A_360, %lt3A_361 : i32
      %convert_element_type3A_363 = arith.extui %lt3A_362 : i1 to i32
      %cond3A_364 = arith.constant 0 : i32
      %cond3A_365 = arith.cmpi ne, %convert_element_type3A_363, %cond3A_364 : i32
      scf.if %cond3A_365 {
        %dma_wait3A_366 = arith.constant 0 : i32
        %dma_wait3A_367 = tpu.memref_slice %arg4[%dma_wait3A_366] : memref<320000xi32, #tpu.memory_space<hbm>> -> memref<40xi32, #tpu.memory_space<hbm>>
        %dma_wait3A_368 = arith.constant 0 : i32
        %dma_wait3A_369 = tpu.memref_slice %arg4[%dma_wait3A_368] : memref<320000xi32, #tpu.memory_space<hbm>> -> memref<40xi32, #tpu.memory_space<hbm>>
        tpu.wait_dma2 semaphore(%arg27 : memref<!tpu.dma_semaphore, #tpu.memory_space<semaphore_mem>>) src(%dma_wait3A_369 : memref<40xi32, #tpu.memory_space<hbm>>) dst(%arg8 : memref<40xi32, #tpu.memory_space<vmem>>)
        %dma_wait3A_370 = arith.constant 0 : i32
        %dma_wait3A_371 = tpu.memref_slice %arg5[%dma_wait3A_370] : memref<320000xi32, #tpu.memory_space<hbm>> -> memref<40xi32, #tpu.memory_space<hbm>>
        %dma_wait3A_372 = arith.constant 0 : i32
        %dma_wait3A_373 = tpu.memref_slice %arg5[%dma_wait3A_372] : memref<320000xi32, #tpu.memory_space<hbm>> -> memref<40xi32, #tpu.memory_space<hbm>>
        tpu.wait_dma2 semaphore(%arg27 : memref<!tpu.dma_semaphore, #tpu.memory_space<semaphore_mem>>) src(%dma_wait3A_373 : memref<40xi32, #tpu.memory_space<hbm>>) dst(%arg11 : memref<40xi32, #tpu.memory_space<vmem>>)
        %dma_start3A_374 = arith.constant 0 : i32
        %dma_start3A_375 = arith.constant 0 : i32
        %dma_start3A_376 = tpu.memref_slice %arg2[%dma_start3A_374, %dma_start3A_375] : memref<10000x128xf32, #tpu.memory_space<hbm>> -> memref<10000x128xf32, #tpu.memory_space<hbm>>
        tpu.enqueue_indirect_dma source(%dma_start3A_376 : memref<10000x128xf32, #tpu.memory_space<hbm>>) target(%arg17 : memref<40x128xf32, #tpu.memory_space<vmem>>) offsets(%arg8 : memref<40xi32, #tpu.memory_space<vmem>>) semaphore(%arg30 : memref<!tpu.dma_semaphore, #tpu.memory_space<semaphore_mem>>)
        %dma_start3A_377 = arith.constant 0 : i32
        %dma_start3A_378 = arith.constant 0 : i32
        %dma_start3A_379 = tpu.memref_slice %arg3[%dma_start3A_377, %dma_start3A_378] : memref<10000x128xf32, #tpu.memory_space<hbm>> -> memref<10000x128xf32, #tpu.memory_space<hbm>>
        tpu.enqueue_indirect_dma source(%dma_start3A_379 : memref<10000x128xf32, #tpu.memory_space<hbm>>) target(%arg20 : memref<40x128xf32, #tpu.memory_space<vmem>>) offsets(%arg11 : memref<40xi32, #tpu.memory_space<vmem>>) semaphore(%arg30 : memref<!tpu.dma_semaphore, #tpu.memory_space<semaphore_mem>>)
      } else {
      }
    }
    %scan3A_130 = arith.constant 83 : i32
    %dma_wait3A_131 = arith.constant 0 : i32
    %dma_wait3A_132 = arith.constant 0 : i32
    %dma_wait3A_133 = tpu.memref_slice %arg2[%dma_wait3A_131, %dma_wait3A_132] : memref<10000x128xf32, #tpu.memory_space<hbm>> -> memref<10000x128xf32, #tpu.memory_space<hbm>>
    tpu.wait_indirect_dma semaphore(%arg29 : memref<!tpu.dma_semaphore, #tpu.memory_space<semaphore_mem>>) src(%dma_wait3A_133 : memref<10000x128xf32, #tpu.memory_space<hbm>>) dst(%arg16 : memref<40x128xf32, #tpu.memory_space<vmem>>)
    %dma_wait3A_134 = arith.constant 0 : i32
    %dma_wait3A_135 = arith.constant 0 : i32
    %dma_wait3A_136 = tpu.memref_slice %arg3[%dma_wait3A_134, %dma_wait3A_135] : memref<10000x128xf32, #tpu.memory_space<hbm>> -> memref<10000x128xf32, #tpu.memory_space<hbm>>
    tpu.wait_indirect_dma semaphore(%arg29 : memref<!tpu.dma_semaphore, #tpu.memory_space<semaphore_mem>>) src(%dma_wait3A_136 : memref<10000x128xf32, #tpu.memory_space<hbm>>) dst(%arg19 : memref<40x128xf32, #tpu.memory_space<vmem>>)
    %dma_wait3A_137 = arith.constant 0 : i32
    %dma_wait3A_138 = arith.constant 0 : i32
    %dma_wait3A_139 = tpu.memref_slice %arg25[%dma_wait3A_137, %dma_wait3A_138] : memref<10000x48xf32, #tpu.memory_space<vmem_shared>> -> memref<10000x48xf32, #tpu.memory_space<vmem_shared>>
    tpu.wait_indirect_dma semaphore(%arg32 : memref<!tpu.dma_semaphore, #tpu.memory_space<semaphore_mem>>) src(%arg22 : memref<40x48xf32, #tpu.memory_space<vmem>>) dst(%dma_wait3A_139 : memref<10000x48xf32, #tpu.memory_space<vmem_shared>>)
    %get3A = arith.constant 0 : index
    %get3A_140 = tpu.vector_load %arg10[%get3A] {strides = array<i32>} : memref<40xi32, #tpu.memory_space<vmem>>, vector<16xi32>,
    %get3A_141 = vector.shape_cast %get3A_140 : vector<16xi32> to vector<16xi32>
    %swap3A = arith.constant 0 : index
    %swap3A_142 = tpu.vector_load %arg13[%swap3A] {strides = array<i32>} : memref<40xi32, #tpu.memory_space<vmem>>, vector<16xi32>,
    %swap3A_143 = vector.shape_cast %swap3A_142 : vector<16xi32> to vector<16xi32>
    %swap3A_144 = vector.shape_cast %get3A_141 : vector<16xi32> to vector<16xi32>
    tpu.vector_store %arg13[%swap3A], %swap3A_144 {strides = array<i32>} : memref<40xi32, #tpu.memory_space<vmem>>, vector<16xi32>,
    %get3A_145 = arith.constant 16 : index
    %get3A_146 = tpu.vector_load %arg10[%get3A_145] {strides = array<i32>} : memref<40xi32, #tpu.memory_space<vmem>>, vector<16xi32>,
    %get3A_147 = vector.shape_cast %get3A_146 : vector<16xi32> to vector<16xi32>
    %swap3A_148 = arith.constant 16 : index
    %swap3A_149 = tpu.vector_load %arg13[%swap3A_148] {strides = array<i32>} : memref<40xi32, #tpu.memory_space<vmem>>, vector<16xi32>,
    %swap3A_150 = vector.shape_cast %swap3A_149 : vector<16xi32> to vector<16xi32>
    %swap3A_151 = vector.shape_cast %get3A_147 : vector<16xi32> to vector<16xi32>
    tpu.vector_store %arg13[%swap3A_148], %swap3A_151 {strides = array<i32>} : memref<40xi32, #tpu.memory_space<vmem>>, vector<16xi32>,
    %get3A_152 = arith.constant 24 : index
    %get3A_153 = tpu.vector_load %arg10[%get3A_152] {strides = array<i32>} : memref<40xi32, #tpu.memory_space<vmem>>, vector<16xi32>,
    %get3A_154 = vector.shape_cast %get3A_153 : vector<16xi32> to vector<16xi32>
    %swap3A_155 = arith.constant 24 : index
    %swap3A_156 = tpu.vector_load %arg13[%swap3A_155] {strides = array<i32>} : memref<40xi32, #tpu.memory_space<vmem>>, vector<16xi32>,
    %swap3A_157 = vector.shape_cast %swap3A_156 : vector<16xi32> to vector<16xi32>
    %swap3A_158 = vector.shape_cast %get3A_154 : vector<16xi32> to vector<16xi32>
    tpu.vector_store %arg13[%swap3A_155], %swap3A_158 {strides = array<i32>} : memref<40xi32, #tpu.memory_space<vmem>>, vector<16xi32>,
    %iota3A = tpu.iota {dimensions = array<i32: 0>} : vector<16xi32>
    %scan3A_159 = arith.constant 0 : i32
    %scan3A_160 = arith.constant 0 : i32
    %scan3A_161 = arith.constant 40 : i32
    %scan3A_162 = arith.addi %scan3A_160, %scan3A_161 : i32
    %scan3A_163 = arith.constant 1 : i32
    scf.for %scan3A_187 = %scan3A_160 to %scan3A_162 step %scan3A_163  : i32 {
      %get3A_188 = arith.index_cast %scan3A_187 : i32 to index
      %get3A_189 = arith.constant 32 : index
      %get3A_190 = tpu.vector_load %arg16[%get3A_188, %get3A_189] {strides = array<i32>} : memref<40x128xf32, #tpu.memory_space<vmem>>, vector<1x16xf32>,
      %get3A_191 = vector.shape_cast %get3A_190 : vector<1x16xf32> to vector<16xf32>
      %slice3A = vector.extract_strided_slice %get3A_191 {offsets = [8], sizes = [1], strides = [1]} : vector<16xf32> to vector<1xf32>
      %squeeze3A = vector.extract %slice3A[0] : f32 from vector<1xf32>
      %get3A_192 = arith.index_cast %scan3A_187 : i32 to index
      %get3A_193 = arith.constant 0 : index
      %get3A_194 = tpu.vector_load %arg19[%get3A_192, %get3A_193] {strides = array<i32>} : memref<40x128xf32, #tpu.memory_space<vmem>>, vector<1x16xf32>,
      %get3A_195 = vector.shape_cast %get3A_194 : vector<1x16xf32> to vector<16xf32>
      %add3A_196 = vector.broadcast %squeeze3A : f32 to vector<16xf32>
      %add3A_197 = arith.addf %add3A_196, %get3A_195 : vector<16xf32>
      %ge3A = arith.constant 0.000000e+00 : f32
      %ge3A_198 = vector.broadcast %ge3A : f32 to vector<16xf32>
      %ge3A_199 = arith.cmpf oge, %add3A_197, %ge3A_198 : vector<16xf32>
      %mul3A_200 = arith.constant 2.000000e-01 : f32
      %mul3A_201 = vector.broadcast %mul3A_200 : f32 to vector<16xf32>
      %mul3A_202 = arith.mulf %mul3A_201, %add3A_197 : vector<16xf32>
      %select_n3A = arith.select %ge3A_199, %add3A_197, %mul3A_202 : vector<16xi1>, vector<16xf32>
      %exp3A = math.exp %select_n3A : vector<16xf32>
      %broadcast_in_dim3A_203 = arith.constant 0 : i32
      %broadcast_in_dim3A_204 = vector.broadcast %broadcast_in_dim3A_203 : i32 to vector<16xi32>
      %add3A_205 = arith.constant 0 : i32
      %add3A_206 = vector.broadcast %add3A_205 : i32 to vector<16xi32>
      %add3A_207 = arith.addi %broadcast_in_dim3A_204, %add3A_206 : vector<16xi32>
      %lt3A = arith.constant 0 : i32
      %lt3A_208 = vector.broadcast %lt3A : i32 to vector<16xi32>
      %lt3A_209 = arith.cmpi slt, %add3A_207, %lt3A_208 : vector<16xi32>
      %add3A_210 = arith.constant 16 : i32
      %add3A_211 = vector.broadcast %add3A_210 : i32 to vector<16xi32>
      %add3A_212 = arith.addi %add3A_207, %add3A_211 : vector<16xi32>
      %select_n3A_213 = arith.select %lt3A_209, %add3A_212, %add3A_207 : vector<16xi1>, vector<16xi32>
      %broadcast_in_dim3A_214 = vector.shape_cast %select_n3A_213 : vector<16xi32> to vector<16x1xi32>
      %gather3A = vector.shape_cast %broadcast_in_dim3A_214 : vector<16x1xi32> to vector<16xi32>
      %gather3A_215 = tpu.dynamic_gather %exp3A[%gather3A] in [0] : vector<16xf32>, vector<16xi32> -> vector<16xf32>
      %get3A_216 = arith.index_cast %scan3A_187 : i32 to index
      %get3A_217 = arith.constant 0 : index
      %get3A_218 = tpu.vector_load %arg16[%get3A_216, %get3A_217] {strides = array<i32>} : memref<40x128xf32, #tpu.memory_space<vmem>>, vector<1x16xf32>,
      %get3A_219 = vector.shape_cast %get3A_218 : vector<1x16xf32> to vector<16xf32>
      %mul3A_220 = arith.mulf %get3A_219, %gather3A_215 : vector<16xf32>
      %swap3A_221 = arith.index_cast %scan3A_187 : i32 to index
      %swap3A_222 = arith.constant 0 : index
      %swap3A_223 = tpu.vector_load %arg22[%swap3A_221, %swap3A_222] {strides = array<i32>} : memref<40x48xf32, #tpu.memory_space<vmem>>, vector<1x16xf32>,
      %swap3A_224 = vector.shape_cast %swap3A_223 : vector<1x16xf32> to vector<16xf32>
      %swap3A_225 = vector.shape_cast %mul3A_220 : vector<16xf32> to vector<1x16xf32>
      tpu.vector_store %arg22[%swap3A_221, %swap3A_222], %swap3A_225 {strides = array<i32>} : memref<40x48xf32, #tpu.memory_space<vmem>>, vector<1x16xf32>,
      %get3A_226 = arith.index_cast %scan3A_187 : i32 to index
      %get3A_227 = arith.constant 16 : index
      %get3A_228 = tpu.vector_load %arg16[%get3A_226, %get3A_227] {strides = array<i32>} : memref<40x128xf32, #tpu.memory_space<vmem>>, vector<1x16xf32>,
      %get3A_229 = vector.shape_cast %get3A_228 : vector<1x16xf32> to vector<16xf32>
      %mul3A_230 = arith.mulf %get3A_229, %gather3A_215 : vector<16xf32>
      %swap3A_231 = arith.index_cast %scan3A_187 : i32 to index
      %swap3A_232 = arith.constant 16 : index
      %swap3A_233 = tpu.vector_load %arg22[%swap3A_231, %swap3A_232] {strides = array<i32>} : memref<40x48xf32, #tpu.memory_space<vmem>>, vector<1x16xf32>,
      %swap3A_234 = vector.shape_cast %swap3A_233 : vector<1x16xf32> to vector<16xf32>
      %swap3A_235 = vector.shape_cast %mul3A_230 : vector<16xf32> to vector<1x16xf32>
      tpu.vector_store %arg22[%swap3A_231, %swap3A_232], %swap3A_235 {strides = array<i32>} : memref<40x48xf32, #tpu.memory_space<vmem>>, vector<1x16xf32>,
      %eq3A_236 = arith.constant 8 : i32
      %eq3A_237 = vector.broadcast %eq3A_236 : i32 to vector<16xi32>
      %eq3A_238 = arith.cmpi eq, %iota3A, %eq3A_237 : vector<16xi32>
      %mul3A_239 = arith.mulf %get3A_191, %gather3A_215 : vector<16xf32>
      %select_n3A_240 = arith.select %eq3A_238, %gather3A_215, %mul3A_239 : vector<16xi1>, vector<16xf32>
      %swap3A_241 = arith.index_cast %scan3A_187 : i32 to index
      %swap3A_242 = arith.constant 32 : index
      %swap3A_243 = tpu.vector_load %arg22[%swap3A_241, %swap3A_242] {strides = array<i32>} : memref<40x48xf32, #tpu.memory_space<vmem>>, vector<1x16xf32>,
      %swap3A_244 = vector.shape_cast %swap3A_243 : vector<1x16xf32> to vector<16xf32>
      %swap3A_245 = vector.shape_cast %select_n3A_240 : vector<16xf32> to vector<1x16xf32>
      tpu.vector_store %arg22[%swap3A_241, %swap3A_242], %swap3A_245 {strides = array<i32>} : memref<40x48xf32, #tpu.memory_space<vmem>>, vector<1x16xf32>,
    }
    %scan3A_164 = arith.constant 40 : i32
    %dma_start3A_165 = arith.constant 0 : i32
    %dma_start3A_166 = arith.constant 0 : i32
    %dma_start3A_167 = tpu.memref_slice %arg25[%dma_start3A_165, %dma_start3A_166] : memref<10000x48xf32, #tpu.memory_space<vmem_shared>> -> memref<10000x48xf32, #tpu.memory_space<vmem_shared>>
    tpu.enqueue_indirect_dma source(%arg22 : memref<40x48xf32, #tpu.memory_space<vmem>>) target(%dma_start3A_167 : memref<10000x48xf32, #tpu.memory_space<vmem_shared>>) offsets(%arg13 : memref<40xi32, #tpu.memory_space<vmem>>) semaphore(%arg32 : memref<!tpu.dma_semaphore, #tpu.memory_space<semaphore_mem>>) {add = true}
    %dma_wait3A_168 = arith.constant 0 : i32
    %dma_wait3A_169 = arith.constant 0 : i32
    %dma_wait3A_170 = tpu.memref_slice %arg25[%dma_wait3A_168, %dma_wait3A_169] : memref<10000x48xf32, #tpu.memory_space<vmem_shared>> -> memref<10000x48xf32, #tpu.memory_space<vmem_shared>>
    tpu.wait_indirect_dma semaphore(%arg32 : memref<!tpu.dma_semaphore, #tpu.memory_space<semaphore_mem>>) src(%arg22 : memref<40x48xf32, #tpu.memory_space<vmem>>) dst(%dma_wait3A_170 : memref<10000x48xf32, #tpu.memory_space<vmem_shared>>)
    %dma_wait3A_171 = arith.constant 0 : i32
    %dma_wait3A_172 = arith.constant 0 : i32
    %dma_wait3A_173 = tpu.memref_slice %arg25[%dma_wait3A_171, %dma_wait3A_172] : memref<10000x48xf32, #tpu.memory_space<vmem_shared>> -> memref<10000x48xf32, #tpu.memory_space<vmem_shared>>
    tpu.wait_indirect_dma semaphore(%arg33 : memref<!tpu.dma_semaphore, #tpu.memory_space<semaphore_mem>>) src(%arg23 : memref<40x48xf32, #tpu.memory_space<vmem>>) dst(%dma_wait3A_173 : memref<10000x48xf32, #tpu.memory_space<vmem_shared>>)
    %dma_wait3A_174 = arith.constant 0 : i32
    %dma_wait3A_175 = arith.constant 0 : i32
    %dma_wait3A_176 = tpu.memref_slice %arg25[%dma_wait3A_174, %dma_wait3A_175] : memref<10000x48xf32, #tpu.memory_space<vmem_shared>> -> memref<10000x48xf32, #tpu.memory_space<vmem_shared>>
    tpu.wait_indirect_dma semaphore(%arg34 : memref<!tpu.dma_semaphore, #tpu.memory_space<semaphore_mem>>) src(%arg24 : memref<40x48xf32, #tpu.memory_space<vmem>>) dst(%dma_wait3A_176 : memref<10000x48xf32, #tpu.memory_space<vmem_shared>>)
    %barrier3A_177 = arith.constant 0 : index
    tpu.barrier barrier_id(%barrier3A_177)
    %mul3A_178 = arith.constant 624 : i32
    %mul3A_179 = arith.muli %arg1, %mul3A_178 : i32
    %mul3A_180 = arith.constant 624 : i32
    %mul3A_181 = arith.muli %arg1, %mul3A_180 : i32
    "tpu.region"() ({
      %run_scoped3A = tpu.sem_alloc : memref<!tpu.dma_semaphore, #tpu.memory_space<semaphore_mem>>
      %dma_start3A_187 = arith.constant 0 : i32
      %dma_start3A_188 = tpu.memref_slice %arg6[%arg0, %mul3A_181, %dma_start3A_187] : memref<2x10000x48xf32, #tpu.memory_space<hbm>> -> memref<1x624x48xf32, #tpu.memory_space<hbm>>
      %dma_start3A_189 = tpu.memref_squeeze %dma_start3A_188 : memref<1x624x48xf32, #tpu.memory_space<hbm>> -> memref<624x48xf32, #tpu.memory_space<hbm>>
      %dma_start3A_190 = arith.constant 0 : i32
      %dma_start3A_191 = tpu.memref_slice %arg25[%mul3A_179, %dma_start3A_190] : memref<10000x48xf32, #tpu.memory_space<vmem_shared>> -> memref<624x48xf32, #tpu.memory_space<vmem_shared>>
      tpu.enqueue_dma source(%dma_start3A_191 : memref<624x48xf32, #tpu.memory_space<vmem_shared>>) target(%dma_start3A_189 : memref<624x48xf32, #tpu.memory_space<hbm>>) target_semaphore(%run_scoped3A : memref<!tpu.dma_semaphore, #tpu.memory_space<semaphore_mem>>)
      %dma_wait3A_192 = arith.constant 0 : i32
      %dma_wait3A_193 = tpu.memref_slice %arg6[%arg0, %mul3A_181, %dma_wait3A_192] : memref<2x10000x48xf32, #tpu.memory_space<hbm>> -> memref<1x624x48xf32, #tpu.memory_space<hbm>>
      %dma_wait3A_194 = tpu.memref_squeeze %dma_wait3A_193 : memref<1x624x48xf32, #tpu.memory_space<hbm>> -> memref<624x48xf32, #tpu.memory_space<hbm>>
      %dma_wait3A_195 = arith.constant 0 : i32
      %dma_wait3A_196 = tpu.memref_slice %arg25[%mul3A_179, %dma_wait3A_195] : memref<10000x48xf32, #tpu.memory_space<vmem_shared>> -> memref<624x48xf32, #tpu.memory_space<vmem_shared>>
      tpu.wait_dma2 semaphore(%run_scoped3A : memref<!tpu.dma_semaphore, #tpu.memory_space<semaphore_mem>>) src(%dma_wait3A_196 : memref<624x48xf32, #tpu.memory_space<vmem_shared>>) dst(%dma_wait3A_194 : memref<624x48xf32, #tpu.memory_space<hbm>>)
      tpu.yield
    }) : () -> ()
    %eq3A_182 = arith.constant 15 : i32
    %eq3A_183 = arith.cmpi eq, %arg1, %eq3A_182 : i32
    %convert_element_type3A_184 = arith.extui %eq3A_183 : i1 to i32
    %cond3A_185 = arith.constant 0 : i32
    %cond3A_186 = arith.cmpi ne, %convert_element_type3A_184, %cond3A_185 : i32
    scf.if %cond3A_186 {
      "tpu.region"() ({
        %run_scoped3A = tpu.sem_alloc : memref<!tpu.dma_semaphore, #tpu.memory_space<semaphore_mem>>
        %dma_start3A_187 = arith.constant 9984 : i32
        %dma_start3A_188 = arith.constant 0 : i32
        %dma_start3A_189 = tpu.memref_slice %arg6[%arg0, %dma_start3A_187, %dma_start3A_188] : memref<2x10000x48xf32, #tpu.memory_space<hbm>> -> memref<1x16x48xf32, #tpu.memory_space<hbm>>
        %dma_start3A_190 = tpu.memref_squeeze %dma_start3A_189 : memref<1x16x48xf32, #tpu.memory_space<hbm>> -> memref<16x48xf32, #tpu.memory_space<hbm>>
        %dma_start3A_191 = arith.constant 9984 : i32
        %dma_start3A_192 = arith.constant 0 : i32
        %dma_start3A_193 = tpu.memref_slice %arg25[%dma_start3A_191, %dma_start3A_192] : memref<10000x48xf32, #tpu.memory_space<vmem_shared>> -> memref<16x48xf32, #tpu.memory_space<vmem_shared>>
        tpu.enqueue_dma source(%dma_start3A_193 : memref<16x48xf32, #tpu.memory_space<vmem_shared>>) target(%dma_start3A_190 : memref<16x48xf32, #tpu.memory_space<hbm>>) target_semaphore(%run_scoped3A : memref<!tpu.dma_semaphore, #tpu.memory_space<semaphore_mem>>)
        %dma_wait3A_194 = arith.constant 9984 : i32
        %dma_wait3A_195 = arith.constant 0 : i32
        %dma_wait3A_196 = tpu.memref_slice %arg6[%arg0, %dma_wait3A_194, %dma_wait3A_195] : memref<2x10000x48xf32, #tpu.memory_space<hbm>> -> memref<1x16x48xf32, #tpu.memory_space<hbm>>
        %dma_wait3A_197 = tpu.memref_squeeze %dma_wait3A_196 : memref<1x16x48xf32, #tpu.memory_space<hbm>> -> memref<16x48xf32, #tpu.memory_space<hbm>>
        %dma_wait3A_198 = arith.constant 9984 : i32
        %dma_wait3A_199 = arith.constant 0 : i32
        %dma_wait3A_200 = tpu.memref_slice %arg25[%dma_wait3A_198, %dma_wait3A_199] : memref<10000x48xf32, #tpu.memory_space<vmem_shared>> -> memref<16x48xf32, #tpu.memory_space<vmem_shared>>
        tpu.wait_dma2 semaphore(%run_scoped3A : memref<!tpu.dma_semaphore, #tpu.memory_space<semaphore_mem>>) src(%dma_wait3A_200 : memref<16x48xf32, #tpu.memory_space<vmem_shared>>) dst(%dma_wait3A_197 : memref<16x48xf32, #tpu.memory_space<hbm>>)
        tpu.yield
      }) : () -> ()
    } else {
    }
    return
  }
}

module attributes {stable_mosaic.version = 14 : i64} {
  func.func @kfn(%arg0: i32, %arg1: memref<1000x128xf32, #tpu.memory_space<vmem>>, %arg2: memref<128x128xf32, #tpu.memory_space<vmem>>, %arg3: memref<128x128xf32, #tpu.memory_space<vmem>>, %arg4: memref<1000x128xf32, #tpu.memory_space<vmem>>, %arg5: memref<1000x128xf32, #tpu.memory_space<vmem>>) attributes {dimension_semantics = [#tpu.dimension_semantics<arbitrary>], iteration_bounds = array<i64: 10>, scalar_prefetch = 0 : i64, scratch_operands = 0 : i64, tpu.core_type = #tpu.core_type<tc>, window_params = [{transform_indices = @transform_0, window_bounds = array<i64: 1000, 128>}, {pipeline_mode = #tpu.pipeline_mode<synchronous>, transform_indices = @transform_1, window_bounds = array<i64: 128, 128>}, {pipeline_mode = #tpu.pipeline_mode<synchronous>, transform_indices = @transform_2, window_bounds = array<i64: 128, 128>}, {transform_indices = @transform_3, window_bounds = array<i64: 1000, 128>}, {transform_indices = @transform_4, window_bounds = array<i64: 1000, 128>}]} {
    %get3A = arith.constant 0 : index
    %get3A_0 = arith.constant 0 : index
    %get3A_1 = vector.load %arg1[%get3A, %get3A_0] : memref<1000x128xf32, #tpu.memory_space<vmem>>, vector<1000x128xf32>
    %get3A_2 = arith.constant 0 : index
    %get3A_3 = arith.constant 0 : index
    %get3A_4 = vector.load %arg2[%get3A_2, %get3A_3] : memref<128x128xf32, #tpu.memory_space<vmem>>, vector<128x128xf32>
    %dot_general3A = arith.constant dense<0.000000e+00> : vector<1000x128xf32>
    %dot_general3A_5 = tpu.matmul %get3A_1, %get3A_4, %dot_general3A {dimension_numbers = #tpu.dot_dimension_numbers<[1], [0], [0], [1], [0, 0, 1, 1], [], []>, transpose_lhs_hint = false} : vector<1000x128xf32>, vector<128x128xf32>, vector<1000x128xf32> -> vector<1000x128xf32>
    %swap3A = arith.constant 0 : index
    %swap3A_6 = arith.constant 0 : index
    %swap3A_7 = vector.load %arg4[%swap3A, %swap3A_6] : memref<1000x128xf32, #tpu.memory_space<vmem>>, vector<1000x128xf32>
    tpu.vector_store %arg4[%swap3A, %swap3A_6], %dot_general3A_5 {strides = array<i32>} : memref<1000x128xf32, #tpu.memory_space<vmem>>, vector<1000x128xf32>,
    %get3A_8 = arith.constant 0 : index
    %get3A_9 = arith.constant 0 : index
    %get3A_10 = vector.load %arg3[%get3A_8, %get3A_9] : memref<128x128xf32, #tpu.memory_space<vmem>>, vector<128x128xf32>
    %dot_general3A_11 = arith.constant dense<0.000000e+00> : vector<1000x128xf32>
    %dot_general3A_12 = tpu.matmul %get3A_1, %get3A_10, %dot_general3A_11 {dimension_numbers = #tpu.dot_dimension_numbers<[1], [0], [0], [1], [0, 0, 1, 1], [], []>, transpose_lhs_hint = false} : vector<1000x128xf32>, vector<128x128xf32>, vector<1000x128xf32> -> vector<1000x128xf32>
    %swap3A_13 = arith.constant 0 : index
    %swap3A_14 = arith.constant 0 : index
    %swap3A_15 = vector.load %arg5[%swap3A_13, %swap3A_14] : memref<1000x128xf32, #tpu.memory_space<vmem>>, vector<1000x128xf32>
    tpu.vector_store %arg5[%swap3A_13, %swap3A_14], %dot_general3A_12 {strides = array<i32>} : memref<1000x128xf32, #tpu.memory_space<vmem>>, vector<1000x128xf32>,
    return
  }
  func.func @transform_0(%arg0: i32) -> (i32, i32) {
    %c0_i32 = arith.constant 0 : i32
    %c0_i32_0 = arith.constant 0 : i32
    return %arg0, %c0_i32 : i32, i32
  }
  func.func @transform_1(%arg0: i32) -> (i32, i32) {
    %c0_i32 = arith.constant 0 : i32
    %c0_i32_0 = arith.constant 0 : i32
    %c0_i32_1 = arith.constant 0 : i32
    return %c0_i32, %c0_i32_0 : i32, i32
  }
  func.func @transform_2(%arg0: i32) -> (i32, i32) {
    %c0_i32 = arith.constant 0 : i32
    %c0_i32_0 = arith.constant 0 : i32
    %c0_i32_1 = arith.constant 0 : i32
    return %c0_i32, %c0_i32_0 : i32, i32
  }
  func.func @transform_3(%arg0: i32) -> (i32, i32) {
    %c0_i32 = arith.constant 0 : i32
    %c0_i32_0 = arith.constant 0 : i32
    return %arg0, %c0_i32 : i32, i32
  }
  func.func @transform_4(%arg0: i32) -> (i32, i32) {
    %c0_i32 = arith.constant 0 : i32
    %c0_i32_0 = arith.constant 0 : i32
    return %arg0, %c0_i32 : i32, i32
  }
}

module attributes {stable_mosaic.version = 14 : i64} {
  func.func @kfn(%arg0: i32, %arg1: memref<1000x80xf32, #tpu.memory_space<vmem>>, %arg2: memref<1000x80xf32, #tpu.memory_space<vmem>>, %arg3: memref<80x64xf32, #tpu.memory_space<vmem>>, %arg4: memref<80x64xf32, #tpu.memory_space<vmem>>, %arg5: memref<1x64xf32, #tpu.memory_space<vmem>>, %arg6: memref<64x128xf32, #tpu.memory_space<vmem>>, %arg7: memref<64x128xf32, #tpu.memory_space<vmem>>, %arg8: memref<1000x128xf32, #tpu.memory_space<vmem>>, %arg9: memref<1000x128xf32, #tpu.memory_space<vmem>>) attributes {dimension_semantics = [#tpu.dimension_semantics<arbitrary>], iteration_bounds = array<i64: 10>, scalar_prefetch = 0 : i64, scratch_operands = 0 : i64, tpu.core_type = #tpu.core_type<tc>, window_params = [{transform_indices = @transform_0, window_bounds = array<i64: 1000, 80>}, {transform_indices = @transform_1, window_bounds = array<i64: 1000, 80>}, {pipeline_mode = #tpu.pipeline_mode<synchronous>, transform_indices = @transform_2, window_bounds = array<i64: 80, 64>}, {pipeline_mode = #tpu.pipeline_mode<synchronous>, transform_indices = @transform_3, window_bounds = array<i64: 80, 64>}, {pipeline_mode = #tpu.pipeline_mode<synchronous>, transform_indices = @transform_4, window_bounds = array<i64: 1, 64>}, {pipeline_mode = #tpu.pipeline_mode<synchronous>, transform_indices = @transform_5, window_bounds = array<i64: 64, 128>}, {pipeline_mode = #tpu.pipeline_mode<synchronous>, transform_indices = @transform_6, window_bounds = array<i64: 64, 128>}, {transform_indices = @transform_7, window_bounds = array<i64: 1000, 128>}, {transform_indices = @transform_8, window_bounds = array<i64: 1000, 128>}]} {
    %get3A = arith.constant 0 : index
    %get3A_0 = arith.constant 0 : index
    %get3A_1 = vector.load %arg1[%get3A, %get3A_0] : memref<1000x80xf32, #tpu.memory_space<vmem>>, vector<1000x80xf32>
    %get3A_2 = arith.constant 0 : index
    %get3A_3 = arith.constant 0 : index
    %get3A_4 = vector.load %arg2[%get3A_2, %get3A_3] : memref<1000x80xf32, #tpu.memory_space<vmem>>, vector<1000x80xf32>
    %add3A = arith.addf %get3A_1, %get3A_4 : vector<1000x80xf32>
    %get3A_5 = arith.constant 0 : index
    %get3A_6 = arith.constant 0 : index
    %get3A_7 = vector.load %arg3[%get3A_5, %get3A_6] : memref<80x64xf32, #tpu.memory_space<vmem>>, vector<80x64xf32>
    %dot_general3A = arith.constant dense<0.000000e+00> : vector<1000x64xf32>
    %dot_general3A_8 = tpu.matmul %add3A, %get3A_7, %dot_general3A {dimension_numbers = #tpu.dot_dimension_numbers<[1], [0], [0], [1], [0, 0, 1, 1], [], []>, transpose_lhs_hint = false} : vector<1000x80xf32>, vector<80x64xf32>, vector<1000x64xf32> -> vector<1000x64xf32>
    %get3A_9 = arith.constant 0 : index
    %get3A_10 = arith.constant 0 : index
    %get3A_11 = vector.load %arg4[%get3A_9, %get3A_10] : memref<80x64xf32, #tpu.memory_space<vmem>>, vector<80x64xf32>
    %dot_general3A_12 = arith.constant dense<0.000000e+00> : vector<1000x64xf32>
    %dot_general3A_13 = tpu.matmul %add3A, %get3A_11, %dot_general3A_12 {dimension_numbers = #tpu.dot_dimension_numbers<[1], [0], [0], [1], [0, 0, 1, 1], [], []>, transpose_lhs_hint = false} : vector<1000x80xf32>, vector<80x64xf32>, vector<1000x64xf32> -> vector<1000x64xf32>
    %add3A_14 = arith.constant 1.000000e-16 : f32
    %add3A_15 = vector.broadcast %add3A_14 : f32 to vector<1000x64xf32>
    %add3A_16 = arith.addf %dot_general3A_13, %add3A_15 : vector<1000x64xf32>
    %div3A = arith.divf %dot_general3A_8, %add3A_16 : vector<1000x64xf32>
    %get3A_17 = arith.constant 0 : index
    %get3A_18 = arith.constant 0 : index
    %get3A_19 = vector.load %arg5[%get3A_17, %get3A_18] : memref<1x64xf32, #tpu.memory_space<vmem>>, vector<1x64xf32>
    %add3A_20 = vector.broadcast %get3A_19 : vector<1x64xf32> to vector<1000x64xf32>
    %add3A_21 = arith.addf %div3A, %add3A_20 : vector<1000x64xf32>
    %max3A = arith.constant 0.000000e+00 : f32
    %max3A_22 = vector.broadcast %max3A : f32 to vector<1000x64xf32>
    %max3A_23 = arith.maximumf %add3A_21, %max3A_22 : vector<1000x64xf32>
    %get3A_24 = arith.constant 0 : index
    %get3A_25 = arith.constant 0 : index
    %get3A_26 = vector.load %arg6[%get3A_24, %get3A_25] : memref<64x128xf32, #tpu.memory_space<vmem>>, vector<64x128xf32>
    %dot_general3A_27 = arith.constant dense<0.000000e+00> : vector<1000x128xf32>
    %dot_general3A_28 = tpu.matmul %max3A_23, %get3A_26, %dot_general3A_27 {dimension_numbers = #tpu.dot_dimension_numbers<[1], [0], [0], [1], [0, 0, 1, 1], [], []>, transpose_lhs_hint = false} : vector<1000x64xf32>, vector<64x128xf32>, vector<1000x128xf32> -> vector<1000x128xf32>
    %swap3A = arith.constant 0 : index
    %swap3A_29 = arith.constant 0 : index
    %swap3A_30 = vector.load %arg8[%swap3A, %swap3A_29] : memref<1000x128xf32, #tpu.memory_space<vmem>>, vector<1000x128xf32>
    tpu.vector_store %arg8[%swap3A, %swap3A_29], %dot_general3A_28 {strides = array<i32>} : memref<1000x128xf32, #tpu.memory_space<vmem>>, vector<1000x128xf32>,
    %get3A_31 = arith.constant 0 : index
    %get3A_32 = arith.constant 0 : index
    %get3A_33 = vector.load %arg7[%get3A_31, %get3A_32] : memref<64x128xf32, #tpu.memory_space<vmem>>, vector<64x128xf32>
    %dot_general3A_34 = arith.constant dense<0.000000e+00> : vector<1000x128xf32>
    %dot_general3A_35 = tpu.matmul %max3A_23, %get3A_33, %dot_general3A_34 {dimension_numbers = #tpu.dot_dimension_numbers<[1], [0], [0], [1], [0, 0, 1, 1], [], []>, transpose_lhs_hint = false} : vector<1000x64xf32>, vector<64x128xf32>, vector<1000x128xf32> -> vector<1000x128xf32>
    %swap3A_36 = arith.constant 0 : index
    %swap3A_37 = arith.constant 0 : index
    %swap3A_38 = vector.load %arg9[%swap3A_36, %swap3A_37] : memref<1000x128xf32, #tpu.memory_space<vmem>>, vector<1000x128xf32>
    tpu.vector_store %arg9[%swap3A_36, %swap3A_37], %dot_general3A_35 {strides = array<i32>} : memref<1000x128xf32, #tpu.memory_space<vmem>>, vector<1000x128xf32>,
    return
  }
  func.func @transform_0(%arg0: i32) -> (i32, i32) {
    %c0_i32 = arith.constant 0 : i32
    %c0_i32_0 = arith.constant 0 : i32
    return %arg0, %c0_i32 : i32, i32
  }
  func.func @transform_1(%arg0: i32) -> (i32, i32) {
    %add3A = arith.constant 10 : i32
    %add3A_0 = arith.addi %arg0, %add3A : i32
    %c0_i32 = arith.constant 0 : i32
    %c0_i32_1 = arith.constant 0 : i32
    return %add3A_0, %c0_i32 : i32, i32
  }
  func.func @transform_2(%arg0: i32) -> (i32, i32) {
    %c0_i32 = arith.constant 0 : i32
    %c0_i32_0 = arith.constant 0 : i32
    %c0_i32_1 = arith.constant 0 : i32
    return %c0_i32, %c0_i32_0 : i32, i32
  }
  func.func @transform_3(%arg0: i32) -> (i32, i32) {
    %c0_i32 = arith.constant 0 : i32
    %c0_i32_0 = arith.constant 0 : i32
    %c0_i32_1 = arith.constant 0 : i32
    return %c0_i32, %c0_i32_0 : i32, i32
  }
  func.func @transform_4(%arg0: i32) -> (i32, i32) {
    %c0_i32 = arith.constant 0 : i32
    %c0_i32_0 = arith.constant 0 : i32
    %c0_i32_1 = arith.constant 0 : i32
    return %c0_i32, %c0_i32_0 : i32, i32
  }
  func.func @transform_5(%arg0: i32) -> (i32, i32) {
    %c0_i32 = arith.constant 0 : i32
    %c0_i32_0 = arith.constant 0 : i32
    %c0_i32_1 = arith.constant 0 : i32
    return %c0_i32, %c0_i32_0 : i32, i32
  }
  func.func @transform_6(%arg0: i32) -> (i32, i32) {
    %c0_i32 = arith.constant 0 : i32
    %c0_i32_0 = arith.constant 0 : i32
    %c0_i32_1 = arith.constant 0 : i32
    return %c0_i32, %c0_i32_0 : i32, i32
  }
  func.func @transform_7(%arg0: i32) -> (i32, i32) {
    %c0_i32 = arith.constant 0 : i32
    %c0_i32_0 = arith.constant 0 : i32
    return %arg0, %c0_i32 : i32, i32
  }
  func.func @transform_8(%arg0: i32) -> (i32, i32) {
    %c0_i32 = arith.constant 0 : i32
    %c0_i32_0 = arith.constant 0 : i32
    return %arg0, %c0_i32 : i32, i32
  }
}

module attributes {stable_mosaic.version = 14 : i64} {
  func.func @kfn(%arg0: i32, %arg1: memref<1000x48xf32, #tpu.memory_space<vmem>>, %arg2: memref<1000x48xf32, #tpu.memory_space<vmem>>, %arg3: memref<48x40xf32, #tpu.memory_space<vmem>>, %arg4: memref<48x40xf32, #tpu.memory_space<vmem>>, %arg5: memref<1x40xf32, #tpu.memory_space<vmem>>, %arg6: memref<1000x40xf32, #tpu.memory_space<vmem>>) attributes {dimension_semantics = [#tpu.dimension_semantics<arbitrary>], iteration_bounds = array<i64: 10>, scalar_prefetch = 0 : i64, scratch_operands = 0 : i64, tpu.core_type = #tpu.core_type<tc>, window_params = [{transform_indices = @transform_0, window_bounds = array<i64: 1000, 48>}, {transform_indices = @transform_1, window_bounds = array<i64: 1000, 48>}, {pipeline_mode = #tpu.pipeline_mode<synchronous>, transform_indices = @transform_2, window_bounds = array<i64: 48, 40>}, {pipeline_mode = #tpu.pipeline_mode<synchronous>, transform_indices = @transform_3, window_bounds = array<i64: 48, 40>}, {pipeline_mode = #tpu.pipeline_mode<synchronous>, transform_indices = @transform_4, window_bounds = array<i64: 1, 40>}, {transform_indices = @transform_5, window_bounds = array<i64: 1000, 40>}]} {
    %get3A = arith.constant 0 : index
    %get3A_0 = arith.constant 0 : index
    %get3A_1 = vector.load %arg1[%get3A, %get3A_0] : memref<1000x48xf32, #tpu.memory_space<vmem>>, vector<1000x48xf32>
    %get3A_2 = arith.constant 0 : index
    %get3A_3 = arith.constant 0 : index
    %get3A_4 = vector.load %arg2[%get3A_2, %get3A_3] : memref<1000x48xf32, #tpu.memory_space<vmem>>, vector<1000x48xf32>
    %add3A = arith.addf %get3A_1, %get3A_4 : vector<1000x48xf32>
    %get3A_5 = arith.constant 0 : index
    %get3A_6 = arith.constant 0 : index
    %get3A_7 = vector.load %arg3[%get3A_5, %get3A_6] : memref<48x40xf32, #tpu.memory_space<vmem>>, vector<48x40xf32>
    %dot_general3A = arith.constant dense<0.000000e+00> : vector<1000x40xf32>
    %dot_general3A_8 = tpu.matmul %add3A, %get3A_7, %dot_general3A {dimension_numbers = #tpu.dot_dimension_numbers<[1], [0], [0], [1], [0, 0, 1, 1], [], []>, transpose_lhs_hint = false} : vector<1000x48xf32>, vector<48x40xf32>, vector<1000x40xf32> -> vector<1000x40xf32>
    %get3A_9 = arith.constant 0 : index
    %get3A_10 = arith.constant 0 : index
    %get3A_11 = vector.load %arg4[%get3A_9, %get3A_10] : memref<48x40xf32, #tpu.memory_space<vmem>>, vector<48x40xf32>
    %dot_general3A_12 = arith.constant dense<0.000000e+00> : vector<1000x40xf32>
    %dot_general3A_13 = tpu.matmul %add3A, %get3A_11, %dot_general3A_12 {dimension_numbers = #tpu.dot_dimension_numbers<[1], [0], [0], [1], [0, 0, 1, 1], [], []>, transpose_lhs_hint = false} : vector<1000x48xf32>, vector<48x40xf32>, vector<1000x40xf32> -> vector<1000x40xf32>
    %add3A_14 = arith.constant 1.000000e-16 : f32
    %add3A_15 = vector.broadcast %add3A_14 : f32 to vector<1000x40xf32>
    %add3A_16 = arith.addf %dot_general3A_13, %add3A_15 : vector<1000x40xf32>
    %div3A = arith.divf %dot_general3A_8, %add3A_16 : vector<1000x40xf32>
    %get3A_17 = arith.constant 0 : index
    %get3A_18 = arith.constant 0 : index
    %get3A_19 = vector.load %arg5[%get3A_17, %get3A_18] : memref<1x40xf32, #tpu.memory_space<vmem>>, vector<1x40xf32>
    %add3A_20 = vector.broadcast %get3A_19 : vector<1x40xf32> to vector<1000x40xf32>
    %add3A_21 = arith.addf %div3A, %add3A_20 : vector<1000x40xf32>
    %swap3A = arith.constant 0 : index
    %swap3A_22 = arith.constant 0 : index
    %swap3A_23 = vector.load %arg6[%swap3A, %swap3A_22] : memref<1000x40xf32, #tpu.memory_space<vmem>>, vector<1000x40xf32>
    tpu.vector_store %arg6[%swap3A, %swap3A_22], %add3A_21 {strides = array<i32>} : memref<1000x40xf32, #tpu.memory_space<vmem>>, vector<1000x40xf32>,
    return
  }
  func.func @transform_0(%arg0: i32) -> (i32, i32) {
    %c0_i32 = arith.constant 0 : i32
    %c0_i32_0 = arith.constant 0 : i32
    return %arg0, %c0_i32 : i32, i32
  }
  func.func @transform_1(%arg0: i32) -> (i32, i32) {
    %add3A = arith.constant 10 : i32
    %add3A_0 = arith.addi %arg0, %add3A : i32
    %c0_i32 = arith.constant 0 : i32
    %c0_i32_1 = arith.constant 0 : i32
    return %add3A_0, %c0_i32 : i32, i32
  }
  func.func @transform_2(%arg0: i32) -> (i32, i32) {
    %c0_i32 = arith.constant 0 : i32
    %c0_i32_0 = arith.constant 0 : i32
    %c0_i32_1 = arith.constant 0 : i32
    return %c0_i32, %c0_i32_0 : i32, i32
  }
  func.func @transform_3(%arg0: i32) -> (i32, i32) {
    %c0_i32 = arith.constant 0 : i32
    %c0_i32_0 = arith.constant 0 : i32
    %c0_i32_1 = arith.constant 0 : i32
    return %c0_i32, %c0_i32_0 : i32, i32
  }
  func.func @transform_4(%arg0: i32) -> (i32, i32) {
    %c0_i32 = arith.constant 0 : i32
    %c0_i32_0 = arith.constant 0 : i32
    %c0_i32_1 = arith.constant 0 : i32
    return %c0_i32, %c0_i32_0 : i32, i32
  }
  func.func @transform_5(%arg0: i32) -> (i32, i32) {
    %c0_i32 = arith.constant 0 : i32
    %c0_i32_0 = arith.constant 0 : i32
    return %arg0, %c0_i32 : i32, i32
  }
}

</mosaic_0001>

<sc_bundles>
// kernel: kernel.10.cloned.1.call-start
scs
__scs_entry_jumppad:
0x0: {  	(pc) =	sbr.rel $0x88, $3  }
0x1: {  	(tag) =	ssettag $0x0;
	lr =	simm.s32 $0x1  }
0x2: {  	[smem:$0x3F97] =	sst lr;
	_ =	strace $0xD0000000  }
0x3: {  	_ = 	snop  }
0x4: {  	_ = 	snop  }
0x5: {  	_ = 	snop  }
0x6: {  	_ = 	snop  }
0x7: {  	_ = 	snop  }
__scs_overlays_trampoline_lowered:
0x8: {  	[smem:$0x3FA6] =	sst s0  }
0x9: {  	[smem:$0x3FA7] =	sst s1  }
0xa: {  	[smem:$0x3FA8] =	sst s2  }
0xb: {  	[smem:$0x3FA9] =	sst s3  }
0xc: {  	[smem:$0x3FAA] =	sst s4  }
0xd: {  	[smem:$0x3FAB] =	sst s5  }
0xe: {  	[smem:$0x3FAC] =	sst s6  }
0xf: {  	[smem:$0x3FAD] =	sst s7  }
0x10: {  	[smem:$0x3FAE] =	sst s8  }
0x11: {  	[smem:$0x3FAF] =	sst s9;
	s0 =	simm.s32 @!p0 $0x0  }
0x12: {  	s1 =	sld [smem:$0x3F95];
	s0 =	simm.s32 @p0 $0x1  }
0x13: {  	[smem:$0x3FB0] =	sst s0;
	s0 =	simm.s32 @!p1 $0x0  }
0x14: {  	s2 =	sld [smem:$0x3F94];
	s0 =	simm.s32 @p1 $0x1  }
0x15: {  	[smem:$0x3FB1] =	sst s0;
	s0 =	simm.s32 @!p2 $0x0  }
0x16: {  	s3 =	sld [smem:$0x3FDB];
	s0 =	simm.s32 @p2 $0x1  }
0x17: {  	s4 =	simm.s32 $0x1BF5;
	[smem:$0x3FB3] =	sst s0  }
0x18: {  	s0 =	sld [smem:$0x3F96];
	_ =	swait.ge [sflag:s4], $0x0  }
0x19: {  	s7 =	sld [smem:$0x3F97]  }
0x1a: {  	s8 =	sadd.s32 $0xFFFFE003, lr  }
0x1b: {  	s9 =	sadd.s32 $0xFFFFFEF7, lr;
	s5 =	simm.s32 $0xFFFFFFFF;
	p2 =	slt.u32 s8, $0xFFFFF086  }
0x1c: {  	p1 =	slt.u32 s9, $0xF7A;
	s5 =	simm.s32 @!p2 $0x0  }
0x1d: {  	s5 =	simm.s32 @p1 $0x1;
	p0 =	seq.s32 s7, s2  }
0x1e: {  	s7 =	smul.u32 @!p0 $0xF7A, s2;
	p2 =	seq.s32 @!p0 s5, $0x0  }
0x1f: {  	s9 =	smul.u32 $0xF7A, s1;
	s8 =	simm.s32 @!p0 $0x1BF5;
	p2 =	por !p2, p0  }
0x20: {  	[sflag:s8] =	ssyncset.s32 @!p0 $0xFFFFF086;
	s6 =	sadd.s32 @!p0 s3, s7;
	s7 =	simm.s32 @!p0 $0x108  }
0x21: {  	s3 =	sadd.s32 s3, s9;
	s6 =	sadd.s32 @!p0 $0x88, s6;
	s7 =	simm.s32 @p2 $0x1082  }
0x22: {  	[simem:s7], [sflag:s8] =	dma.local @!p0 [hbm:s6], $0xF7A  }
0x23: {  	s9 =	sor.u32 $0xD0000000, s2;
	s6 =	simm.s32 $0x108;
	_ =	swait.ge @!p0 [sflag:s8], $0x0  }
0x24: {  	s3 =	sadd.s32 $0x88, s3;
	s6 =	simm.s32 @!p1 $0x1082;
	[sflag:s4] =	ssyncset.s32 $0xFFFFF086  }
0x25: {  	[simem:s6], [sflag:s4] =	dma.local [hbm:s3], $0xF7A  }
0x26: {  	[smem:$0x3F97] =	sst s1;
	(tag) =	ssettag s2;
	_ =	strace s9  }
0x27: {  	s1 =	sld [smem:$0x3FA7]  }
0x28: {  	s2 =	sld [smem:$0x3FA8]  }
0x29: {  	s4 =	sld [smem:$0x3FAA]  }
0x2a: {  	p0 =	seq.s32 s5, $0x0;
	s5 =	sld [smem:$0x3FAB]  }
0x2b: {  	s6 =	sld [smem:$0x3FAC]  }
0x2c: {  	s7 =	sld [smem:$0x3FAD]  }
0x2d: {  	s3 =	simm.s32 $0x108;
	s8 =	sld [smem:$0x3FAE]  }
0x2e: {  	s3 =	simm.s32 @!p0 $0x1082;
	s9 =	sld [smem:$0x3FAF]  }
0x2f: {  	lr =	sadd.s32 s0, s3;
	s0 =	sld [smem:$0x3FA6]  }
0x30: {  	s3 =	sld [smem:$0x3FA9]  }
0x31: {  	[smem:$0x3FB2] =	sst s10  }
0x32: {  	s10 =	sld [smem:$0x3FB0];
	_ =	sdelay $0x3  }
0x33: {  	p0 =	seq.s32 s10, $0x1;
	s10 =	sld [smem:$0x3FB2];
	_ =	sdelay $0x3  }
0x34: {  	[smem:$0x3FB2] =	sst s10  }
0x35: {  	s10 =	sld [smem:$0x3FB1];
	_ =	sdelay $0x3  }
0x36: {  	p1 =	seq.s32 s10, $0x1;
	s10 =	sld [smem:$0x3FB2];
	_ =	sdelay $0x3  }
0x37: {  	[smem:$0x3FB2] =	sst s10  }
0x38: {  	s10 =	sld [smem:$0x3FB3]  }
0x39: {  	_ = 	snop;
	(pc) =	sbr.ind lr, $3  }
0x3a: {  	_ = 	snop  }
0x3b: {  	_ = 	snop  }
0x3c: {  	p2 =	seq.s32 s10, $0x1;
	s10 =	sld [smem:$0x3FB2]  }
0x3d: {  	_ =	shalt  }
0x3e: {  	_ =	shalt  }
0x3f: {  	_ =	shalt  }
0x40: {  	_ =	shalt  }
0x41: {  	_ =	shalt  }
0x42: {  	_ =	shalt  }
0x43: {  	_ =	shalt  }
0x44: {  	_ =	shalt  }
0x45: {  	_ =	shalt  }
0x46: {  	_ =	shalt  }
0x47: {  	_ =	shalt  }
0x48: {  	_ =	shalt  }
0x49: {  	_ =	shalt  }
0x4a: {  	_ =	shalt  }
0x4b: {  	_ =	shalt  }
0x4c: {  	_ =	shalt  }
0x4d: {  	_ =	shalt  }
0x4e: {  	_ =	shalt  }
0x4f: {  	_ =	shalt  }
0x50: {  	_ =	shalt  }
0x51: {  	_ =	shalt  }
0x52: {  	_ =	shalt  }
0x53: {  	_ =	shalt  }
0x54: {  	_ =	shalt  }
0x55: {  	_ =	shalt  }
0x56: {  	_ =	shalt  }
0x57: {  	_ =	shalt  }
0x58: {  	_ =	shalt  }
0x59: {  	_ =	shalt  }
0x5a: {  	_ =	shalt  }
0x5b: {  	_ =	shalt  }
0x5c: {  	_ =	shalt  }
0x5d: {  	_ =	shalt  }
0x5e: {  	_ =	shalt  }
0x5f: {  	_ =	shalt  }
0x60: {  	_ =	shalt  }
0x61: {  	_ =	shalt  }
0x62: {  	_ =	shalt  }
0x63: {  	_ =	shalt  }
0x64: {  	_ =	shalt  }
0x65: {  	_ =	shalt  }
0x66: {  	_ =	shalt  }
0x67: {  	_ =	shalt  }
0x68: {  	_ =	shalt  }
0x69: {  	_ =	shalt  }
0x6a: {  	_ =	shalt  }
0x6b: {  	_ =	shalt  }
0x6c: {  	_ =	shalt  }
0x6d: {  	_ =	shalt  }
0x6e: {  	_ =	shalt  }
0x6f: {  	_ =	shalt  }
0x70: {  	_ =	shalt  }
0x71: {  	_ =	shalt  }
0x72: {  	_ =	shalt  }
0x73: {  	_ =	shalt  }
0x74: {  	_ =	shalt  }
0x75: {  	_ =	shalt  }
0x76: {  	_ =	shalt  }
0x77: {  	_ =	shalt  }
0x78: {  	_ =	shalt  }
0x79: {  	_ =	shalt  }
0x7a: {  	_ =	shalt  }
0x7b: {  	_ =	shalt  }
0x7c: {  	_ =	shalt  }
0x7d: {  	_ =	shalt  }
0x7e: {  	_ =	shalt  }
0x7f: {  	_ =	shalt  }
0x80: {  	_ =	shalt  }
0x81: {  	_ =	shalt  }
0x82: {  	_ =	shalt  }
0x83: {  	_ =	shalt  }
0x84: {  	_ =	shalt  }
0x85: {  	_ =	shalt  }
0x86: {  	_ =	shalt  }
0x87: {  	_ =	shalt  }
.Lfunc_end0:
.L_simem_size_0:
called_computation.1_lowered:
.L_overlay_start_0:
0x88: {  	s2 =	sld [smem:$0x3FD9]  }
0x89: {  	s3 =	sld [smem:$0x3FFE];
	_ =	sdelay $0x1  }
0x8a: {  	s1 =	srdreg.scid  }
0x8b: {  	s0 =	sand.u32 $0x1, s1  }
0x8c: {  	s17 =	sshll.u32 s0, $0xA;
	s2 =	sadd.s32 s3, s2  }
0x8d: {  	s2 =	sadd.s32 s2, s17  }
0x8e: {  	[smem:$0x3FBE] =	sst s2  }
0x8f: {  	_ = 	snop  }
0x90: {  	s2 =	sld [smem:$0x3FD0];
	(tm) =	ssettm $0x1  }
0x91: {  	s18 =	sld [smem:$0x3FFB];
	_ =	sdelay $0x3  }
0x92: {  	_ =	strace s18  }
0x93: {  	s3 =	sld [smem:$0x3FFC];
	_ =	sdelay $0x3  }
0x94: {  	_ =	strace s3  }
0x95: {  	s3 =	sld [smem:$0x3FFD];
	_ =	sdelay $0x3  }
0x96: {  	_ =	strace s3  }
0x97: {  	_ =	strace $0x8FFFFFFF  }
0x98: {  	s19 =	sld [smem:$0x3FDB];
	_ =	sdelay $0x1  }
0x99: {  	s4 =	simm.s32 $_scs_section_size  }
0x9a: {  	s5 =	simm.s32 $_size__tile_overlayer_lowered;
	s6 =	simm.s32 $_tile_overlayer_lowered  }
0x9b: {  	s22 =	simm.s32 $0x1BFF;
	s21 =	sshll.u32 s6, $0x1;
	s3 =	sadd.s32 s4, s19  }
0x9c: {  	s7 =	simm.s32 $0x0;
	s20 =	sshll.u32 s5, $0x1;
	s5 =	sadd.s32 s21, s3  }
0x9d: {  	[timem:s7], [sflag:s22] =	dma.local [hbm:s5], s20  }
0x9e: {  	_ =	swait.ge [sflag:s22], s20  }
0x9f: {  	s4 =	ssub.s32 $0x0, s20;
	[sflag:s22] =	ssyncset.done $0x0  }
0xa0: {  	[sflag:s22] =	ssyncadd.s32 s4;
	_ =	sdelay $0x1  }
0xa1: {  	s23 =	simm.s32 $0x1B8B  }
0xa2: {  	_ =	swait.ge [sflag:s23], $0x1  }
0xa3: {  	[sflag:s23] =	ssyncset.done $0x0  }
0xa4: {  	s25 =	simm.s32 $0x1B8E;
	s24 =	sld [smem:$0x3FFE];
	[sflag:s23] =	ssyncadd.s32 $0xFFFFFFFF  }
0xa5: {  	s26 =	simm.s32 $execute0_lowered;
	[smem:$0x3FD2] =	sst s25  }
0xa6: {  	s5 =	sshll.u32 s26, $0x1;
	_ =	strace $0x80000049;
	[dreg:$0x1] =	wrdreg $0xFFFFFFFF  }
0xa7: {  	s28 =	simm.s32 $_size_execute0_lowered;
	s3 =	sadd.s32 s3, s5;
	[dreg:$0x0] =	wrdreg $0x0  }
0xa8: {  	s5 =	sshll.u32 s28, $0x1;
	[dreg:$0x2] =	wrdreg s3  }
0xa9: {  	[dreg:$0x3] =	wrdreg s5  }
0xaa: {  	[dreg:$0x4] =	wrdreg $0xC0  }
0xab: {  	_ =	task [dreg:s7], $0x5FFFF  }
0xac: {  	[dreg:$0x1] =	wrdreg $0xFFFFFFFF  }
0xad: {  	[dreg:$0x0] =	wrdreg $0x60  }
0xae: {  	[dreg:$0x2] =	wrdreg s24  }
0xaf: {  	[dreg:$0x3] =	wrdreg s2  }
0xb0: {  	[dreg:$0x4] =	wrdreg $0xB8800  }
0xb1: {  	[dreg:$0x5] =	wrdreg $0x9  }
0xb2: {  	_ =	task.clear_ibuf [dreg:s7], $0x6FFFF;
	_ =	strace $0x90000049  }
0xb3: {  	s29 =	simm.s32 $0x9;
	_ =	strace $0x8000004B  }
0xb4: {  	_ =	swait.ge [sflag:s29], $0x1  }
0xb5: {  	[sflag:s29] =	ssyncadd.s32 $0xFFFFFFFF  }
0xb6: {  	_ =	strace $0x9000004B  }
0xb7: {  	_ =	sfence  }
0xb8: {  	s30 =	sld [smem:$0x0];
	_ =	sdelay $0x2  }
0xb9: {  	s31 =	sshll.u32 s1, $0xD;
	s1 =	sshrl.u32 s1, $0x2  }
0xba: {  	s3 =	sand.u32 $0x4000, s31;
	s1 =	sadd.s32 s1, s30  }
0xbb: {  	s0 =	sor.u32 s3, s0;
	s1 =	sshll.u32 s1, $0x11  }
0xbc: {  	s0 =	sor.u32 s1, s0  }
0xbd: {  	s0 =	sadd.s32 $0x8F2B, s0  }
0xbe: {  	[sflag:s0] =	ssyncadd.remote.s32 $0x1  }
0xbf: {  	_ =	sfence.sel $0xFFFF  }
0xc0: {  	[dreg:$0x0] =	wrdreg $0xFFFFFFFF;
	(pc) =	sbr.abs _section_cstart, $3  }
0xc1: {  	[dreg:$0x1] =	wrdreg $0xFFFFFFFF  }
0xc2: {  	_ =	task.clear_ibuf [dreg:s7], $0x2FFFF;
	_ =	strace $0x9FFFFFFF  }
0xc3: {  	(tm) =	ssettm $0x7FFFFFFF  }
tec
execute0_lowered:
.L_overlay_start_1:
0x0: {  	(tag) =	ssettag $0x1  }
0x1: {  	s0 =	rddreg [dreg:$0x0]  }
0x2: {  	s1 =	rddreg [dreg:$0x1]  }
0x3: {  	s2 =	rddreg [dreg:$0x2];
	s3 =	simm.s32 $0x0;
	s4 =	srdreg.scid  }
0x4: {  	s13 =	stileid.u32;
	s28 =	simm.s32 $0x2;
	s31 =	simm.s32 $0x4  }
0x5: {  	s29 =	simm.s32 $0x6;
	[smem:$0x7FF] =	sst s3;
	s8 =	smul.u32 $0x4E000, s13  }
0x6: {  	s5 =	sadd.s32 $0xBC00, s0;
	s6 =	sadd.s32 $0x32E00, s0;
	s4 =	sand.u32 $0x1, s4  }
0x7: {  	s7 =	sadd.s32 $0x1E00, s0;
	s0 =	sadd.s32 $0x5A000, s0;
	s8 =	sshrl.u32 s8, $0x2  }
0x8: {  	s24 =	smul.u32 $0x13800, s13;
	p0 =	sne.s32 s13, $0xF;
	s16 =	sadd.s32 s8, s2  }
0x9: {  	_ =	strace $0x8000004A;
	s8 =	sadd.s32 $0x1400, s16;
	[dreg:$0x4] =	wrdreg s16  }
0xa: {  	s9 =	ssub.s32 $0x2, s4;
	s17 =	sadd.s32 $0x2800, s16;
	[dreg:$0x5] =	wrdreg s8  }
0xb: {  	s11 =	sshll.u32 s4, $0x4;
	s19 =	sadd.s32 $0x3C00, s16;
	[dreg:$0x6] =	wrdreg s17  }
0xc: {  	s4 =	smul.u32 $0x138800, s4;
	s20 =	sadd.s32 $0x5000, s16;
	[dreg:$0x7] =	wrdreg s19  }
0xd: {  	s15 =	sor.u32 s13, s11;
	s21 =	sadd.s32 $0x6400, s16;
	[dreg:$0x8] =	wrdreg s20  }
0xe: {  	s18 =	smul.u32 $0x2710, s15;
	s15 =	sadd.s32 $0x7800, s16;
	[dreg:$0x9] =	wrdreg s21  }
0xf: {  	s30 =	sadd.s32 s24, s4;
	s24 =	sadd.s32 $0xF000, s16;
	[dreg:$0x14] =	wrdreg s15  }
0x10: {  	s10 =	sshrl.u32 s9, $0x1;
	s17 =	sadd.s32 $0x8C00, s16;
	[dreg:$0x1a] =	wrdreg s24  }
0x11: {  	s9 =	ssub.s32 s9, s10;
	s19 =	sadd.s32 $0xB400, s16;
	[dreg:$0x15] =	wrdreg s17  }
0x12: {  	s22 =	sshrl.u32 s18, $0x3;
	s21 =	sadd.s32 $0xC800, s16;
	[dreg:$0x17] =	wrdreg s19  }
0x13: {  	s4 =	sshrl.u32 s4, $0x3;
	s12 =	sadd.s32 s7, s22;
	[dreg:$0x18] =	wrdreg s21  }
0x14: {  	s23 =	sadd.s32 $0x28, s18;
	s14 =	sadd.s32 s1, s22;
	[dreg:$0xa] =	wrdreg s12  }
0x15: {  	s11 =	sshrl.u32 s23, $0x3;
	s23 =	sadd.s32 $0xDC00, s16;
	[dreg:$0xb] =	wrdreg s14  }
0x16: {  	s20 =	sadd.s32 $0x78, s18;
	s25 =	sadd.s32 s7, s11;
	[dreg:$0x19] =	wrdreg s23  }
0x17: {  	s10 =	sadd.s32 $0xA, s22;
	s11 =	sadd.s32 s1, s11;
	[dreg:$0xc] =	wrdreg s25  }
0x18: {  	s15 =	simm.s32 $0x180;
	s26 =	sadd.s32 s7, s10;
	[dreg:$0xd] =	wrdreg s11  }
0x19: {  	s24 =	simm.s32 $0x28;
	s10 =	sadd.s32 s1, s10;
	[dreg:$0xe] =	wrdreg s26  }
0x1a: {  	s22 =	sadd.s32 $0xA0, s18;
	s12 =	sadd.s32 $0xC8, s18;
	[dreg:$0xf] =	wrdreg s10  }
0x1b: {  	s19 =	simm.s32 $0x280;
	s14 =	smax.u32 s9, $0x1;
	[dreg:$0x11] =	wrdreg s12  }
0x1c: {  	s21 =	simm.s32 $0x1;
	s18 =	sadd.s32 $0xA000, s16;
	[dreg:$0x13] =	wrdreg s14  }
0x1d: {  	s9 =	simm.s32 $0x0;
	[dreg:$0x16] =	wrdreg s18;
	s25 =	sadd.s32 $0x10400, s16  }
0x1e: {  	s11 =	sshrl.u32 s30, $0x3;
	s26 =	sadd.s32 $0x11800, s16;
	[dreg:$0x1b] =	wrdreg s25  }
0x1f: {  	s30 =	sadd.s32 $0x12C00, s16;
	s12 =	sadd.s32 $0x138000, s2;
	[dreg:$0x1c] =	wrdreg s26  }
0x20: {  	s14 =	simm.s32 $0xA;
	s18 =	simm.s32 $0x100;
	[dreg:$0x1d] =	wrdreg s30  }
0x21: {  	s10 =	sadd.s32 s0, s11;
	s0 =	sadd.s32 s0, s4;
	[dreg:$0x1e] =	wrdreg s12  }
0x22: {  	s4 =	simm.s32 $0x3;
	[dreg:$0x10] =	wrdreg s10;
	s0 =	sadd.s32 $0x27000, s0  }
0x23: {  	v0 =	vimm.f32 $0.0e+00;
	v1 =	vimm.s32 $0x0;
	vm0 =	vcmask $0x1F24;
	s11 =	simm.s32 $0x5;
	s10 =	simm.s32 $0x9;
	[dreg:$0x12] =	wrdreg s0  }
.LBB2_1:
0x24: {  	[dreg:$0x1f] =	wrdreg s9;
	s0 =	simm.s32 $0x0;
	s8 =	simm.s32 $0x200  }
.LBB2_2:
0x25: {  	p1 =	sne.s32 s8, $0x4E00;
	[tilespmem:s0+$0xA4A0] =	vst v0  }
0x26: {  	[tilespmem:s0+$0x7C80] =	vst v0  }
0x27: {  	[tilespmem:s0+$0x9080] =	vst v0  }
0x28: {  	[tilespmem:s0+$0xA480] =	vst v0  }
.Ltmp0:
0x29: {  	[tilespmem:s0+$0x7C90] =	vst v0;
	(pc) =	sbr.rel @p1 .LBB2_2-.Ltmp0, $4  }
0x2a: {  	[tilespmem:s0+$0x9090] =	vst v0  }
0x2b: {  	[tilespmem:s0+$0xA490] =	vst v0  }
0x2c: {  	[tilespmem:s0+$0x7CA0] =	vst v0  }
0x2d: {  	[tilespmem:s0+$0x90A0] =	vst v0;
	s0 =	sshra.s32 s8, $0x2;
	s8 =	sadd.s32 $0x200, s8  }
0x2e: {  	[tilespmem:s0+$0xA4A0] =	vst v0  }
0x2f: {  	[tilespmem:s0+$0x7C80] =	vst v0  }
0x30: {  	[tilespmem:s0+$0x9080] =	vst v0  }
0x31: {  	[tilespmem:s0+$0xA480] =	vst v0  }
0x32: {  	[tilespmem:s0+$0x7C90] =	vst v0  }
0x33: {  	[tilespmem:s0+$0x9090] =	vst v0  }
0x34: {  	[tilespmem:s0+$0xA490] =	vst v0  }
0x35: {  	[tilespmem:s0+$0x7CA0] =	vst v0  }
0x36: {  	[tilespmem:s0+$0x90A0] =	vst v0;
	s8 =	simm.s32 $0x7C80  }
0x37: {  	[spmem:s16] =	stream.linear.scatter [tilespmem:s8], [sflag:$0xA], $0x1400, $0x38;
	[tilespmem:$0x12DB0] =	vst v63  }
0x38: {  	_ =	swait.ge [sflag:s14], $0x1400  }
0x39: {  	[sflag:s14] =	ssyncset.done $0x0  }
0x3a: {  	s25 =	rddreg [dreg:$0x5];
	[sflag:s14] =	ssyncadd.s32 $0xFFFFEC00  }
0x3b: {  	[spmem:s25] =	stream.linear.scatter [tilespmem:s8], [sflag:$0xA], $0x1400, $0x38;
	[tilespmem:$0x12DB0] =	vst v63  }
0x3c: {  	_ =	swait.ge [sflag:s14], $0x1400  }
0x3d: {  	[sflag:s14] =	ssyncset.done $0x0  }
0x3e: {  	s26 =	rddreg [dreg:$0x6];
	[sflag:s14] =	ssyncadd.s32 $0xFFFFEC00  }
0x3f: {  	[spmem:s26] =	stream.linear.scatter [tilespmem:s8], [sflag:$0xA], $0x1400, $0x38;
	[tilespmem:$0x12DB0] =	vst v63  }
0x40: {  	_ =	swait.ge [sflag:s14], $0x1400  }
0x41: {  	[sflag:s14] =	ssyncset.done $0x0  }
0x42: {  	s30 =	rddreg [dreg:$0x7];
	[sflag:s14] =	ssyncadd.s32 $0xFFFFEC00  }
0x43: {  	[spmem:s30] =	stream.linear.scatter [tilespmem:s8], [sflag:$0xA], $0x1400, $0x38;
	[tilespmem:$0x12DB0] =	vst v63  }
0x44: {  	_ =	swait.ge [sflag:s14], $0x1400  }
0x45: {  	[sflag:s14] =	ssyncset.done $0x0  }
0x46: {  	s9 =	rddreg [dreg:$0x8];
	[sflag:s14] =	ssyncadd.s32 $0xFFFFEC00  }
0x47: {  	[spmem:s9] =	stream.linear.scatter [tilespmem:s8], [sflag:$0xA], $0x1400, $0x38;
	[tilespmem:$0x12DB0] =	vst v63  }
0x48: {  	_ =	swait.ge [sflag:s14], $0x1400  }
0x49: {  	[sflag:s14] =	ssyncset.done $0x0  }
0x4a: {  	s13 =	rddreg [dreg:$0x9];
	[sflag:s14] =	ssyncadd.s32 $0xFFFFEC00  }
0x4b: {  	[spmem:s13] =	stream.linear.scatter [tilespmem:s8], [sflag:$0xA], $0x1400, $0x38;
	[tilespmem:$0x12DB0] =	vst v63  }
0x4c: {  	_ =	swait.ge [sflag:s14], $0x1400  }
0x4d: {  	[sflag:s14] =	ssyncset.done $0x0  }
0x4e: {  	s16 =	rddreg [dreg:$0x14];
	[sflag:s14] =	ssyncadd.s32 $0xFFFFEC00  }
0x4f: {  	[spmem:s16] =	stream.linear.scatter [tilespmem:s8], [sflag:$0xA], $0x1400, $0x38;
	[tilespmem:$0x12DB0] =	vst v63  }
0x50: {  	_ =	swait.ge [sflag:s14], $0x1400  }
0x51: {  	[sflag:s14] =	ssyncset.done $0x0  }
0x52: {  	s17 =	rddreg [dreg:$0x15];
	[sflag:s14] =	ssyncadd.s32 $0xFFFFEC00  }
0x53: {  	[spmem:s17] =	stream.linear.scatter [tilespmem:s8], [sflag:$0xA], $0x1400, $0x38;
	[tilespmem:$0x12DB0] =	vst v63  }
0x54: {  	_ =	swait.ge [sflag:s14], $0x1400  }
0x55: {  	[sflag:s14] =	ssyncset.done $0x0  }
0x56: {  	s23 =	rddreg [dreg:$0x16];
	[sflag:s14] =	ssyncadd.s32 $0xFFFFEC00  }
0x57: {  	[spmem:s23] =	stream.linear.scatter [tilespmem:s8], [sflag:$0xA], $0x1400, $0x38;
	[tilespmem:$0x12DB0] =	vst v63  }
0x58: {  	_ =	swait.ge [sflag:s14], $0x1400  }
0x59: {  	[sflag:s14] =	ssyncset.done $0x0  }
0x5a: {  	s25 =	rddreg [dreg:$0x17];
	[sflag:s14] =	ssyncadd.s32 $0xFFFFEC00  }
0x5b: {  	[spmem:s25] =	stream.linear.scatter [tilespmem:s8], [sflag:$0xA], $0x1400, $0x38;
	[tilespmem:$0x12DB0] =	vst v63  }
0x5c: {  	_ =	swait.ge [sflag:s14], $0x1400  }
0x5d: {  	[sflag:s14] =	ssyncset.done $0x0  }
0x5e: {  	s26 =	rddreg [dreg:$0x18];
	[sflag:s14] =	ssyncadd.s32 $0xFFFFEC00  }
0x5f: {  	[spmem:s26] =	stream.linear.scatter [tilespmem:s8], [sflag:$0xA], $0x1400, $0x38;
	[tilespmem:$0x12DB0] =	vst v63  }
0x60: {  	_ =	swait.ge [sflag:s14], $0x1400  }
0x61: {  	[sflag:s14] =	ssyncset.done $0x0  }
0x62: {  	s30 =	rddreg [dreg:$0x19];
	[sflag:s14] =	ssyncadd.s32 $0xFFFFEC00  }
0x63: {  	[spmem:s30] =	stream.linear.scatter [tilespmem:s8], [sflag:$0xA], $0x1400, $0x38;
	[tilespmem:$0x12DB0] =	vst v63  }
0x64: {  	_ =	swait.ge [sflag:s14], $0x1400  }
0x65: {  	[sflag:s14] =	ssyncset.done $0x0  }
0x66: {  	s9 =	rddreg [dreg:$0x1a];
	[sflag:s14] =	ssyncadd.s32 $0xFFFFEC00  }
0x67: {  	[spmem:s9] =	stream.linear.scatter [tilespmem:s8], [sflag:$0xA], $0x1400, $0x38;
	[tilespmem:$0x12DB0] =	vst v63  }
0x68: {  	_ =	swait.ge [sflag:s14], $0x1400  }
0x69: {  	[sflag:s14] =	ssyncset.done $0x0  }
0x6a: {  	s13 =	rddreg [dreg:$0x1b];
	[sflag:s14] =	ssyncadd.s32 $0xFFFFEC00  }
0x6b: {  	[spmem:s13] =	stream.linear.scatter [tilespmem:s8], [sflag:$0xA], $0x1400, $0x38;
	[tilespmem:$0x12DB0] =	vst v63  }
0x6c: {  	_ =	swait.ge [sflag:s14], $0x1400  }
0x6d: {  	[sflag:s14] =	ssyncset.done $0x0  }
0x6e: {  	s16 =	rddreg [dreg:$0x1c];
	[sflag:s14] =	ssyncadd.s32 $0xFFFFEC00  }
0x6f: {  	[spmem:s16] =	stream.linear.scatter [tilespmem:s8], [sflag:$0xA], $0x1400, $0x38;
	[tilespmem:$0x12DB0] =	vst v63  }
0x70: {  	_ =	swait.ge [sflag:s14], $0x1400  }
0x71: {  	[sflag:s14] =	ssyncset.done $0x0  }
0x72: {  	s17 =	rddreg [dreg:$0x1d];
	[sflag:s14] =	ssyncadd.s32 $0xFFFFEC00  }
0x73: {  	[spmem:s17] =	stream.linear.scatter [tilespmem:s8], [sflag:$0xA], $0xC00, $0x38;
	[tilespmem:$0x12DB0] =	vst v63  }
0x74: {  	_ =	swait.ge [sflag:s14], $0xC00  }
0x75: {  	[sflag:s14] =	ssyncset.done $0x0  }
0x76: {  	s0 =	simm.s32 @!p0 $0x7C80;
	[sflag:s14] =	ssyncadd.s32 $0xFFFFF400  }
0x77: {  	[spmem:s12] =	stream.linear.scatter @!p0 [tilespmem:s0], [sflag:$0xA], $0x800, $0x38;
	[tilespmem:$0x12DB0] =	vst v63  }
0x78: {  	s0 =	simm.s32 @!p0 $0xA  }
0x79: {  	_ =	swait.ge @!p0 [sflag:s0], $0x800  }
0x7a: {  	[sflag:s0] =	ssyncset.done @!p0 $0x0  }
0x7b: {  	[sflag:s0] =	ssyncadd.s32 @!p0 $0xFFFFF800  }
0x7c: {  	[bflag:$0x0] =	sbarrier.arrive $0xFFFF  }
0x7d: {  	s12 =	simm.s32 $0x0;
	s23 =	rddreg [dreg:$0xa]  }
0x7e: {  	[tilespmem:s12], [sflag:$0x1] =	stream.linear.gather [hbm4b:s23+s12], $0x28, $0x38;
	[tilespmem:$0x12DB0] =	vst v63  }
0x7f: {  	s25 =	rddreg [dreg:$0xb]  }
0x80: {  	[tilespmem:s15], [sflag:$0x1] =	stream.linear.gather [hbm4b:s25+s12], $0x28, $0x38;
	[tilespmem:$0x12DB0] =	vst v63  }
0x81: {  	s30 =	simm.s32 $0x80;
	s26 =	rddreg [dreg:$0xc]  }
0x82: {  	[tilespmem:s30], [sflag:$0x2] =	stream.linear.gather [hbm4b:s26+s12], $0x28, $0x38;
	[tilespmem:$0x12DB0] =	vst v63  }
0x83: {  	s9 =	simm.s32 $0x200;
	s13 =	rddreg [dreg:$0xd]  }
0x84: {  	[tilespmem:s9], [sflag:$0x2] =	stream.linear.gather [hbm4b:s13+s12], $0x28, $0x38;
	[tilespmem:$0x12DB0] =	vst v63  }
0x85: {  	s16 =	rddreg [dreg:$0xe]  }
0x86: {  	[tilespmem:s18], [sflag:$0x3] =	stream.linear.gather [hbm4b:s16+s12], $0x28, $0x38;
	[tilespmem:$0x12DB0] =	vst v63  }
0x87: {  	s17 =	rddreg [dreg:$0xf]  }
0x88: {  	[tilespmem:s19], [sflag:$0x3] =	stream.linear.gather [hbm4b:s17+s12], $0x28, $0x38;
	[tilespmem:$0x12DB0] =	vst v63  }
0x89: {  	_ =	swait.ge [sflag:s21], $0x28  }
0x8a: {  	[sflag:s21] =	ssyncset.done $0x0  }
0x8b: {  	[sflag:s21] =	ssyncadd.s32 $0xFFFFFFD8  }
0x8c: {  	_ =	swait.ge [sflag:s21], $0x28  }
0x8d: {  	[sflag:s21] =	ssyncset.done $0x0  }
0x8e: {  	s23 =	simm.s32 $0x480;
	[sflag:s21] =	ssyncadd.s32 $0xFFFFFFD8  }
0x8f: {  	[tilespmem:s23], [sflag:$0x4] =	stream.indirect.gather [hbm4b:s5+s24], $0x80, s12, s24, $0xb8;
	[tilespmem:$0x12DB0] =	vst v63  }
0x90: {  	s25 =	simm.s32 $0x4080  }
0x91: {  	[tilespmem:s25], [sflag:$0x4] =	stream.indirect.gather [hbm4b:s6+s24], $0x80, s15, s24, $0xb8;
	[tilespmem:$0x12DB0] =	vst v63  }
0x92: {  	_ =	swait.ge [sflag:s28], $0x28  }
0x93: {  	[sflag:s28] =	ssyncset.done $0x0  }
0x94: {  	[sflag:s28] =	ssyncadd.s32 $0xFFFFFFD8  }
0x95: {  	_ =	swait.ge [sflag:s28], $0x28  }
0x96: {  	[sflag:s28] =	ssyncset.done $0x0  }
0x97: {  	s26 =	simm.s32 $0x1880;
	[sflag:s28] =	ssyncadd.s32 $0xFFFFFFD8  }
0x98: {  	[tilespmem:s26], [sflag:$0x5] =	stream.indirect.gather [hbm4b:s5+s24], $0x80, s30, s24, $0xb8;
	[tilespmem:$0x12DB0] =	vst v63  }
0x99: {  	s8 =	simm.s32 $0x0;
	s30 =	simm.s32 $0x5480  }
0x9a: {  	[tilespmem:s30], [sflag:$0x5] =	stream.indirect.gather [hbm4b:s6+s24], $0x80, s9, s24, $0xb8;
	[tilespmem:$0x12DB0] =	vst v63  }
.LBB2_4:
0x9b: {  	_ =	swait.ge [sflag:s31], $0x1400  }
0x9c: {  	[sflag:s31] =	ssyncset.done $0x0  }
0x9d: {  	[sflag:s31] =	ssyncadd.s32 $0xFFFFEC00  }
0x9e: {  	_ =	swait.ge [sflag:s31], $0x1400  }
0x9f: {  	p1 =	seq.s32 s8, $0x0;
	[sflag:s31] =	ssyncset.done $0x0  }
0xa0: {  	s0 =	simm.s32 @!p1 $0x7;
	[sflag:s31] =	ssyncadd.s32 $0xFFFFEC00  }
0xa1: {  	_ =	swait.ge @!p1 [sflag:s0], $0x780  }
0xa2: {  	[sflag:s0] =	ssyncset.done @!p1 $0x0  }
0xa3: {  	[sflag:s0] =	ssyncadd.s32 @!p1 $0xFFFFF880  }
0xa4: {  	v2 =	vld [tilespmem:$0x180]  }
0xa5: {  	v3 =	vld [tilespmem:$0x190]  }
0xa6: {  	v4 =	vld [tilespmem:$0x198]  }
0xa7: {  	s30 =	smul.u32 $0x78, s8;
	_ =	sdelay $0x1  }
0xa8: {  	s26 =	sadd.s32 s30, s20;
	[tilespmem:$0x300] =	vst v2  }
0xa9: {  	s0 =	sshrl.u32 s26, $0x3;
	[tilespmem:$0x310] =	vst v3  }
0xaa: {  	s9 =	sadd.s32 s7, s0;
	[tilespmem:$0x318] =	vst v4  }
0xab: {  	[tilespmem:s12], [sflag:$0x1] =	stream.linear.gather [hbm4b:s9+s12], $0x28, $0x38;
	[tilespmem:$0x12DB0] =	vst v63  }
0xac: {  	s26 =	simm.s32 $0x0;
	s0 =	sadd.s32 s1, s0  }
0xad: {  	[tilespmem:s15], [sflag:$0x1] =	stream.linear.gather [hbm4b:s0+s12], $0x28, $0x38;
	[tilespmem:$0x12DB0] =	vst v63  }
0xae: {  	v10 =	vld [tilespmem:s26+$0x4A0];
	_ =	sdelay $0x1  }
0xaf: {  	v2 =	vld [tilespmem:s26+$0x4080];
	_ =	sdelay $0x2  }
0xb0: {  	v3 =	vbroadcast v10, $0x8;
	_ =	sdelay $0x1  }
0xb1: {  	v2 =	vadd.f32 v2, v3  }
0xb2: {  	s25 =	simm.s32 $0x80  }
0xb3: {  	v6 =	vld [tilespmem:s25+$0x4A0];
	v3 =	vmul.f32 $2.000000030e-01, v2  }
0xb4: {  	s9 =	simm.s32 $0x100;
	v4 =	vld [tilespmem:s25+$0x4080];
	vm1 =	vge.f32 v2, $0.0e+00  }
0xb5: {  	v2 =	vsel vm1, v2, v3;
	v3 =	vld [tilespmem:s9+$0x4A0]  }
0xb6: {  	v2 =	vmul.f32 $1.442695020e+00, v2  }
0xb7: {  	v5 =	vld [tilespmem:s9+$0x4080]  }
0xb8: {  	(erf) = vpow2.f32 v2;
	v2 =	vbroadcast v6, $0x8;
	_ =	sdelay $0x1  }
0xb9: {  	v7 =	vbroadcast v3, $0x8;
	v4 =	vadd.f32 v4, v2;
	_ =	sdelay $0x1  }
0xba: {  	v5 =	vadd.f32 v5, v7;
	v7 =	vmul.f32 $2.000000030e-01, v4  }
0xbb: {  	s16 =	simm.s32 $0x180;
	vm1 =	vge.f32 v4, $0.0e+00  }
0xbc: {  	v2 =	vld [tilespmem:s16+$0x4A0];
	v4 =	vsel vm1, v4, v7  }
0xbd: {  	v13 =	vld [tilespmem:s26+$0x480];
	v4 =	vmul.f32 $1.442695020e+00, v4  }
0xbe: {  	v11 =	vld [tilespmem:s16+$0x4080]  }
0xbf: {  	v9 =	vld [tilespmem:s25+$0x480];
	v8 =	vmul.f32 $2.000000030e-01, v5;
	v14 =	vpop (erf);
	(erf) = vpow2.f32 v4  }
0xc0: {  	v15 =	vld [tilespmem:s26+$0x490];
	vm1 =	vge.f32 v5, $0.0e+00  }
0xc1: {  	s17 =	simm.s32 $0x200;
	v7 =	vld [tilespmem:s9+$0x480];
	v12 =	vbroadcast v2, $0x8;
	v5 =	vsel vm1, v5, v8  }
0xc2: {  	v16 =	vmul.f32 $1.442695020e+00, v5;
	v5 =	vld [tilespmem:s17+$0x4A0];
	v17 =	vperm.xlane v14, v1  }
0xc3: {  	v8 =	vld [tilespmem:s16+$0x480];
	v12 =	vadd.f32 v11, v12  }
0xc4: {  	v4 =	vld [tilespmem:s17+$0x480];
	(erf) = vpow2.f32 v16;
	v16 =	vmul.f32 v17, v10  }
0xc5: {  	v11 =	vld [tilespmem:s17+$0x4080];
	v14 =	vmul.f32 $2.000000030e-01, v12;
	vm1 =	vge.f32 v12, $0.0e+00  }
0xc6: {  	s23 =	simm.s32 $0xA00;
	s0 =	simm.s32 $0xC00;
	v15 =	vmul.f32 v15, v17;
	v10 =	vld [tilespmem:s25+$0x490];
	v13 =	vmul.f32 v13, v17;
	v16 =	vsel vm0, v16, v17  }
.LBB2_5:
0xc7: {  	p2 =	sne.s32 s0, $0x4E00;
	v17 =	vbroadcast v5, $0x8  }
0xc8: {  	s13 =	sshra.s32 s23, $0x2;
	v12 =	vsel vm1, v12, v14;
	v14 =	vpop (erf);
	[tilespmem:s26+$0x7C90] =	vst v15;
	v15 =	vmov v5;
	v18 =	vmov v8;
	s23 =	smov.u32 s0;
	s0 =	sadd.s32 $0x200, s0  }
.Ltmp1:
0xc9: {  	v5 =	vld [tilespmem:s13+$0x4A0];
	v19 =	vmul.f32 $1.442695020e+00, v12;
	v20 =	vperm.xlane v14, v1;
	[tilespmem:s26+$0x7CA0] =	vst v16;
	v8 =	vmov v4;
	(pc) =	sbr.rel @p2 .LBB2_5-.Ltmp1, $4  }
0xca: {  	v4 =	vld [tilespmem:s13+$0x480];
	v12 =	vadd.f32 v11, v17;
	[tilespmem:s26+$0x7C80] =	vst v13;
	s26 =	smov.u32 s25;
	s25 =	smov.u32 s9;
	s9 =	smov.u32 s16  }
0xcb: {  	s16 =	smov.u32 s17;
	s17 =	smov.u32 s13;
	v11 =	vld [tilespmem:s13+$0x4080];
	(erf) = vpow2.f32 v19;
	v16 =	vmul.f32 v20, v6;
	v6 =	vmovc v3;
	v3 =	vmovc v2;
	v2 =	vmov v15  }
0xcc: {  	v14 =	vmul.f32 $2.000000030e-01, v12;
	v15 =	vmul.f32 v10, v20  }
0xcd: {  	v13 =	vmul.f32 v9, v20;
	v9 =	vmovc v7;
	v7 =	vmovc v18;
	vm1 =	vge.f32 v12, $0.0e+00;
	v10 =	vld [tilespmem:s25+$0x490];
	v16 =	vsel vm0, v16, v20  }
0xce: {  	s0 =	sshra.s32 s23, $0x2;
	[tilespmem:s26+$0x7C90] =	vst v15  }
0xcf: {  	v17 =	vbroadcast v5, $0x8;
	v12 =	vsel vm1, v12, v14;
	v15 =	vld [tilespmem:s0+$0x4A0];
	[tilespmem:s26+$0x7CA0] =	vst v16  }
0xd0: {  	v12 =	vmul.f32 $1.442695020e+00, v12;
	v16 =	vld [tilespmem:s0+$0x480];
	[tilespmem:s26+$0x7C80] =	vst v13  }
0xd1: {  	v11 =	vadd.f32 v11, v17;
	v13 =	vld [tilespmem:s0+$0x4080]  }
0xd2: {  	v14 =	vpop (erf);
	(erf) = vpow2.f32 v12  }
0xd3: {  	v14 =	vperm.xlane v14, v1;
	v12 =	vmul.f32 $2.000000030e-01, v11  }
0xd4: {  	vm1 =	vge.f32 v11, $0.0e+00;
	v17 =	vbroadcast v15, $0x8  }
0xd5: {  	v6 =	vmul.f32 v14, v6;
	v10 =	vmul.f32 v10, v14;
	v11 =	vsel vm1, v11, v12;
	v12 =	vld [tilespmem:s9+$0x490]  }
0xd6: {  	v13 =	vadd.f32 v13, v17  }
0xd7: {  	v9 =	vmul.f32 v9, v14;
	v6 =	vsel vm0, v6, v14;
	v14 =	vpop (erf);
	[tilespmem:s25+$0x7C90] =	vst v10;
	v10 =	vmul.f32 $1.442695020e+00, v11  }
0xd8: {  	[tilespmem:s25+$0x7CA0] =	vst v6;
	v11 =	vperm.xlane v14, v1;
	v6 =	vmul.f32 $2.000000030e-01, v13  }
0xd9: {  	[tilespmem:s25+$0x7C80] =	vst v9;
	vm1 =	vge.f32 v13, $0.0e+00  }
0xda: {  	v9 =	vld [tilespmem:s16+$0x490];
	(erf) = vpow2.f32 v10;
	v10 =	vmul.f32 v12, v11;
	v6 =	vsel vm1, v13, v6  }
0xdb: {  	v12 =	vpop (erf);
	v6 =	vmul.f32 $1.442695020e+00, v6  }
0xdc: {  	v3 =	vmul.f32 v11, v3;
	[tilespmem:s9+$0x7C90] =	vst v10;
	v10 =	vperm.xlane v12, v1  }
0xdd: {  	(erf) = vpow2.f32 v6  }
0xde: {  	v7 =	vmul.f32 v7, v11;
	v3 =	vsel vm0, v3, v11;
	v2 =	vmul.f32 v10, v2  }
0xdf: {  	[tilespmem:s9+$0x7CA0] =	vst v3;
	v3 =	vmul.f32 v9, v10  }
0xe0: {  	[tilespmem:s9+$0x7C80] =	vst v7;
	v7 =	vmul.f32 v8, v10;
	v2 =	vsel vm0, v2, v10  }
0xe1: {  	v6 =	vld [tilespmem:s17+$0x490];
	[tilespmem:s16+$0x7C90] =	vst v3  }
0xe2: {  	[tilespmem:s16+$0x7C80] =	vst v7  }
0xe3: {  	[tilespmem:s16+$0x7CA0] =	vst v2;
	v2 =	vpop (erf)  }
0xe4: {  	v3 =	vld [tilespmem:s0+$0x490];
	v2 =	vperm.xlane v2, v1;
	_ =	sdelay $0x1  }
0xe5: {  	v5 =	vmul.f32 v2, v5;
	v6 =	vmul.f32 v6, v2;
	v7 =	vpop (erf)  }
0xe6: {  	v4 =	vmul.f32 v4, v2;
	v7 =	vperm.xlane v7, v1  }
0xe7: {  	[tilespmem:s17+$0x7C90] =	vst v6  }
0xe8: {  	v2 =	vsel vm0, v5, v2;
	[tilespmem:s17+$0x7C80] =	vst v4;
	v3 =	vmul.f32 v3, v7  }
0xe9: {  	[tilespmem:s17+$0x7CA0] =	vst v2;
	v2 =	vmul.f32 v7, v15;
	v4 =	vmul.f32 v16, v7  }
0xea: {  	[tilespmem:s0+$0x7C90] =	vst v3  }
0xeb: {  	v2 =	vsel vm0, v2, v7;
	[tilespmem:s0+$0x7C80] =	vst v4  }
0xec: {  	s23 =	simm.s32 $0x300;
	s17 =	simm.s32 $0x7C80;
	[tilespmem:s0+$0x7CA0] =	vst v2  }
0xed: {  	[spmem:s2] =	stream.indirect.scatter.add.f32 [tilespmem:s17], [sflag:$0x7], $0x30, s23, s24, $0xb8;
	[tilespmem:$0x12DB0] =	vst v63  }
0xee: {  	_ =	swait.ge [sflag:s4], $0x28  }
0xef: {  	[sflag:s4] =	ssyncset.done $0x0  }
0xf0: {  	[sflag:s4] =	ssyncadd.s32 $0xFFFFFFD8  }
0xf1: {  	_ =	swait.ge [sflag:s4], $0x28  }
0xf2: {  	[sflag:s4] =	ssyncset.done $0x0  }
0xf3: {  	s25 =	simm.s32 $0x2C80;
	[sflag:s4] =	ssyncadd.s32 $0xFFFFFFD8  }
0xf4: {  	[tilespmem:s25], [sflag:$0x6] =	stream.indirect.gather [hbm4b:s5+s24], $0x80, s18, s24, $0xb8;
	[tilespmem:$0x12DB0] =	vst v63  }
0xf5: {  	s26 =	simm.s32 $0x6880  }
0xf6: {  	[tilespmem:s26], [sflag:$0x6] =	stream.indirect.gather [hbm4b:s6+s24], $0x80, s19, s24, $0xb8;
	[tilespmem:$0x12DB0] =	vst v63  }
0xf7: {  	_ =	swait.ge [sflag:s11], $0x1400  }
0xf8: {  	[sflag:s11] =	ssyncset.done $0x0  }
0xf9: {  	[sflag:s11] =	ssyncadd.s32 $0xFFFFEC00  }
0xfa: {  	_ =	swait.ge [sflag:s11], $0x1400  }
0xfb: {  	[sflag:s11] =	ssyncset.done $0x0  }
0xfc: {  	s0 =	simm.s32 @!p1 $0x8;
	[sflag:s11] =	ssyncadd.s32 $0xFFFFEC00  }
0xfd: {  	_ =	swait.ge @!p1 [sflag:s0], $0x780  }
0xfe: {  	[sflag:s0] =	ssyncset.done @!p1 $0x0  }
0xff: {  	[sflag:s0] =	ssyncadd.s32 @!p1 $0xFFFFF880  }
0x100: {  	v2 =	vld [tilespmem:$0x200]  }
0x101: {  	v3 =	vld [tilespmem:$0x210]  }
0x102: {  	v4 =	vld [tilespmem:$0x218];
	_ =	sdelay $0x1  }
0x103: {  	p1 =	seq.s32 s8, $0x52  }
0x104: {  	s0 =	sadd.s32 @!p1 s30, s22;
	[tilespmem:$0x380] =	vst v2  }
0x105: {  	s0 =	sshrl.u32 @!p1 s0, $0x3;
	[tilespmem:$0x390] =	vst v3  }
0x106: {  	s13 =	simm.s32 @!p1 $0x0;
	s16 =	simm.s32 @!p1 $0x80;
	s9 =	sadd.s32 @!p1 s7, s0;
	[tilespmem:$0x398] =	vst v4  }
0x107: {  	[tilespmem:s16], [sflag:$0x2] =	stream.linear.gather @!p1 [hbm4b:s9+s13], $0x28, $0x38;
	[tilespmem:$0x12DB0] =	vst v63  }
0x108: {  	s26 =	simm.s32 $0x0;
	s0 =	sadd.s32 @!p1 s1, s0;
	s9 =	simm.s32 @!p1 $0x200  }
0x109: {  	[tilespmem:s9], [sflag:$0x2] =	stream.linear.gather @!p1 [hbm4b:s0+s13], $0x28, $0x38;
	[tilespmem:$0x12DB0] =	vst v63  }
0x10a: {  	v10 =	vld [tilespmem:s26+$0x18A0];
	_ =	sdelay $0x1  }
0x10b: {  	v2 =	vld [tilespmem:s26+$0x5480];
	_ =	sdelay $0x2  }
0x10c: {  	v3 =	vbroadcast v10, $0x8;
	_ =	sdelay $0x1  }
0x10d: {  	v2 =	vadd.f32 v2, v3  }
0x10e: {  	s25 =	simm.s32 $0x80  }
0x10f: {  	v6 =	vld [tilespmem:s25+$0x18A0];
	v3 =	vmul.f32 $2.000000030e-01, v2  }
0x110: {  	s9 =	simm.s32 $0x100;
	v4 =	vld [tilespmem:s25+$0x5480];
	vm1 =	vge.f32 v2, $0.0e+00  }
0x111: {  	v2 =	vsel vm1, v2, v3;
	v3 =	vld [tilespmem:s9+$0x18A0]  }
0x112: {  	v2 =	vmul.f32 $1.442695020e+00, v2  }
0x113: {  	v5 =	vld [tilespmem:s9+$0x5480]  }
0x114: {  	(erf) = vpow2.f32 v2;
	v2 =	vbroadcast v6, $0x8;
	_ =	sdelay $0x1  }
0x115: {  	v7 =	vbroadcast v3, $0x8;
	v4 =	vadd.f32 v4, v2;
	_ =	sdelay $0x1  }
0x116: {  	v5 =	vadd.f32 v5, v7;
	v7 =	vmul.f32 $2.000000030e-01, v4  }
0x117: {  	s16 =	simm.s32 $0x180;
	vm1 =	vge.f32 v4, $0.0e+00  }
0x118: {  	v2 =	vld [tilespmem:s16+$0x18A0];
	v4 =	vsel vm1, v4, v7  }
0x119: {  	v13 =	vld [tilespmem:s26+$0x1880];
	v4 =	vmul.f32 $1.442695020e+00, v4  }
0x11a: {  	v11 =	vld [tilespmem:s16+$0x5480]  }
0x11b: {  	v9 =	vld [tilespmem:s25+$0x1880];
	v8 =	vmul.f32 $2.000000030e-01, v5;
	(erf) = vpow2.f32 v4  }
0x11c: {  	v15 =	vld [tilespmem:s26+$0x1890];
	vm1 =	vge.f32 v5, $0.0e+00  }
0x11d: {  	s17 =	simm.s32 $0x200;
	v7 =	vld [tilespmem:s9+$0x1880];
	v12 =	vbroadcast v2, $0x8;
	v5 =	vsel vm1, v5, v8;
	v14 =	vpop (erf)  }
0x11e: {  	v16 =	vmul.f32 $1.442695020e+00, v5;
	v5 =	vld [tilespmem:s17+$0x18A0];
	v17 =	vperm.xlane v14, v1  }
0x11f: {  	v8 =	vld [tilespmem:s16+$0x1880];
	v12 =	vadd.f32 v11, v12  }
0x120: {  	v4 =	vld [tilespmem:s17+$0x1880];
	(erf) = vpow2.f32 v16;
	v16 =	vmul.f32 v17, v10  }
0x121: {  	v11 =	vld [tilespmem:s17+$0x5480];
	v14 =	vmul.f32 $2.000000030e-01, v12;
	vm1 =	vge.f32 v12, $0.0e+00  }
0x122: {  	s23 =	simm.s32 $0xA00;
	s0 =	simm.s32 $0xC00;
	v15 =	vmul.f32 v15, v17;
	v10 =	vld [tilespmem:s25+$0x1890];
	v13 =	vmul.f32 v13, v17;
	v16 =	vsel vm0, v16, v17  }
.LBB2_7:
0x123: {  	p2 =	sne.s32 s0, $0x4E00;
	v17 =	vbroadcast v5, $0x8  }
0x124: {  	s13 =	sshra.s32 s23, $0x2;
	v12 =	vsel vm1, v12, v14;
	v14 =	vpop (erf);
	[tilespmem:s26+$0x9090] =	vst v15;
	v15 =	vmov v5;
	v18 =	vmov v8;
	s23 =	smov.u32 s0;
	s0 =	sadd.s32 $0x200, s0  }
.Ltmp2:
0x125: {  	v5 =	vld [tilespmem:s13+$0x18A0];
	v19 =	vmul.f32 $1.442695020e+00, v12;
	v20 =	vperm.xlane v14, v1;
	[tilespmem:s26+$0x90A0] =	vst v16;
	v8 =	vmov v4;
	(pc) =	sbr.rel @p2 .LBB2_7-.Ltmp2, $4  }
0x126: {  	v4 =	vld [tilespmem:s13+$0x1880];
	v12 =	vadd.f32 v11, v17;
	[tilespmem:s26+$0x9080] =	vst v13;
	s26 =	smov.u32 s25;
	s25 =	smov.u32 s9;
	s9 =	smov.u32 s16  }
0x127: {  	s16 =	smov.u32 s17;
	s17 =	smov.u32 s13;
	v11 =	vld [tilespmem:s13+$0x5480];
	(erf) = vpow2.f32 v19;
	v16 =	vmul.f32 v20, v6;
	v6 =	vmovc v3;
	v3 =	vmovc v2;
	v2 =	vmov v15  }
0x128: {  	v14 =	vmul.f32 $2.000000030e-01, v12;
	v15 =	vmul.f32 v10, v20  }
0x129: {  	v13 =	vmul.f32 v9, v20;
	v9 =	vmovc v7;
	v7 =	vmovc v18;
	vm1 =	vge.f32 v12, $0.0e+00;
	v10 =	vld [tilespmem:s25+$0x1890];
	v16 =	vsel vm0, v16, v20  }
0x12a: {  	s0 =	sshra.s32 s23, $0x2;
	[tilespmem:s26+$0x9090] =	vst v15  }
0x12b: {  	v12 =	vsel vm1, v12, v14;
	v15 =	vld [tilespmem:s0+$0x18A0];
	[tilespmem:s26+$0x90A0] =	vst v16  }
0x12c: {  	v12 =	vmul.f32 $1.442695020e+00, v12;
	v16 =	vld [tilespmem:s0+$0x1880];
	[tilespmem:s26+$0x9080] =	vst v13  }
0x12d: {  	v17 =	vbroadcast v5, $0x8;
	v48 =	vpop (erf);
	v13 =	vld [tilespmem:s0+$0x5480]  }
0x12e: {  	v14 =	vperm.xlane v48, v1;
	(erf) = vpow2.f32 v12  }
0x12f: {  	v11 =	vadd.f32 v11, v17  }
0x130: {  	v6 =	vmul.f32 v14, v6;
	v50 =	vbroadcast v15, $0x8  }
0x131: {  	v9 =	vmul.f32 v9, v14;
	v49 =	vmul.f32 $2.000000030e-01, v11  }
0x132: {  	v10 =	vmul.f32 v10, v14;
	vm1 =	vge.f32 v11, $0.0e+00;
	v13 =	vadd.f32 v13, v50  }
0x133: {  	v51 =	vld [tilespmem:s9+$0x1890];
	[tilespmem:s25+$0x9080] =	vst v9;
	v11 =	vsel vm1, v11, v49  }
0x134: {  	v6 =	vsel vm0, v6, v14;
	v52 =	vpop (erf);
	[tilespmem:s25+$0x9090] =	vst v10;
	v53 =	vmul.f32 $1.442695020e+00, v11;
	v55 =	vmul.f32 $2.000000030e-01, v13  }
0x135: {  	[tilespmem:s25+$0x90A0] =	vst v6;
	v54 =	vperm.xlane v52, v1;
	vm1 =	vge.f32 v13, $0.0e+00  }
0x136: {  	v9 =	vld [tilespmem:s16+$0x1890];
	(erf) = vpow2.f32 v53;
	v6 =	vsel vm1, v13, v55  }
0x137: {  	v3 =	vmul.f32 v54, v3;
	v57 =	vpop (erf);
	v6 =	vmul.f32 $1.442695020e+00, v6  }
0x138: {  	v56 =	vmul.f32 v51, v54;
	v58 =	vperm.xlane v57, v1  }
0x139: {  	(erf) = vpow2.f32 v6  }
0x13a: {  	v7 =	vmul.f32 v7, v54;
	v3 =	vsel vm0, v3, v54;
	[tilespmem:s9+$0x9090] =	vst v56;
	v2 =	vmul.f32 v58, v2  }
0x13b: {  	[tilespmem:s9+$0x90A0] =	vst v3;
	v3 =	vmul.f32 v9, v58  }
0x13c: {  	[tilespmem:s9+$0x9080] =	vst v7;
	v60 =	vmul.f32 v8, v58;
	v2 =	vsel vm0, v2, v58  }
0x13d: {  	v59 =	vld [tilespmem:s17+$0x1890];
	[tilespmem:s16+$0x9090] =	vst v3  }
0x13e: {  	[tilespmem:s16+$0x9080] =	vst v60  }
0x13f: {  	[tilespmem:s16+$0x90A0] =	vst v2;
	v2 =	vpop (erf)  }
0x140: {  	v3 =	vld [tilespmem:s0+$0x1890];
	v2 =	vperm.xlane v2, v1;
	_ =	sdelay $0x1  }
0x141: {  	v61 =	vmul.f32 v2, v5;
	v6 =	vmul.f32 v59, v2;
	v62 =	vpop (erf)  }
0x142: {  	v4 =	vmul.f32 v4, v2;
	v7 =	vperm.xlane v62, v1  }
0x143: {  	[tilespmem:s17+$0x9090] =	vst v6  }
0x144: {  	v2 =	vsel vm0, v61, v2;
	[tilespmem:s17+$0x9080] =	vst v4;
	v3 =	vmul.f32 v3, v7  }
0x145: {  	[tilespmem:s17+$0x90A0] =	vst v2;
	v2 =	vmul.f32 v7, v15;
	v63 =	vmul.f32 v16, v7  }
0x146: {  	[tilespmem:s0+$0x9090] =	vst v3  }
0x147: {  	v2 =	vsel vm0, v2, v7;
	[tilespmem:s0+$0x9080] =	vst v63  }
0x148: {  	s23 =	simm.s32 $0x9080;
	s17 =	simm.s32 $0x380;
	[tilespmem:s0+$0x90A0] =	vst v2  }
0x149: {  	[spmem:s2] =	stream.indirect.scatter.add.f32 [tilespmem:s23], [sflag:$0x8], $0x30, s17, s24, $0xb8;
	[tilespmem:$0x12DB0] =	vst v63  }
0x14a: {  	_ =	swait.ge [sflag:s21], $0x28  }
0x14b: {  	[sflag:s21] =	ssyncset.done $0x0  }
0x14c: {  	[sflag:s21] =	ssyncadd.s32 $0xFFFFFFD8  }
0x14d: {  	_ =	swait.ge [sflag:s21], $0x28  }
0x14e: {  	[sflag:s21] =	ssyncset.done $0x0  }
0x14f: {  	s25 =	simm.s32 $0x480;
	[sflag:s21] =	ssyncadd.s32 $0xFFFFFFD8  }
0x150: {  	[tilespmem:s25], [sflag:$0x4] =	stream.indirect.gather [hbm4b:s5+s24], $0x80, s3, s24, $0xb8;
	[tilespmem:$0x12DB0] =	vst v63  }
0x151: {  	s26 =	simm.s32 $0x4080  }
0x152: {  	[tilespmem:s26], [sflag:$0x4] =	stream.indirect.gather [hbm4b:s6+s24], $0x80, s15, s24, $0xb8;
	[tilespmem:$0x12DB0] =	vst v63  }
0x153: {  	p2 =	sne.s32 s8, $0x0;
	_ =	swait.ge [sflag:s29], $0x1400  }
.Ltmp3:
0x154: {  	[sflag:s29] =	ssyncset.done $0x0;
	(pc) =	sbr.rel @!p2 .LBB2_9-.Ltmp3, $4  }
0x155: {  	[sflag:s29] =	ssyncadd.s32 $0xFFFFEC00  }
0x156: {  	_ =	swait.ge [sflag:s29], $0x1400  }
0x157: {  	[sflag:s29] =	ssyncset.done $0x0  }
0x158: {  	[sflag:s29] =	ssyncadd.s32 $0xFFFFEC00  }
0x159: {  	_ =	swait.ge [sflag:s10], $0x780  }
0x15a: {  	[sflag:s10] =	ssyncset.done $0x0  }
0x15b: {  	[sflag:s10] =	ssyncadd.s32 $0xFFFFF880  }
0x15c: {  	v2 =	vld [tilespmem:$0x280]  }
0x15d: {  	v3 =	vld [tilespmem:$0x290]  }
0x15e: {  	v4 =	vld [tilespmem:$0x298]  }
.Ltmp4:
0x15f: {  	_ = 	snop;
	(pc) =	sbr.rel @p1 .LBB2_12-.Ltmp4, $4  }
.Ltmp5:
0x160: {  	_ = 	snop;
	(pc) =	sbr.rel @!p1 .LBB2_11-.Ltmp5, $4  }
0x161: {  	[tilespmem:$0x400] =	vst v2  }
0x162: {  	[tilespmem:$0x410] =	vst v3  }
0x163: {  	[tilespmem:$0x418] =	vst v4  }
0x164: {  	_ = 	snop  }
.LBB2_9:
0x165: {  	v2 =	vld [tilespmem:$0x280]  }
0x166: {  	v3 =	vld [tilespmem:$0x290]  }
0x167: {  	v4 =	vld [tilespmem:$0x298];
	_ =	sdelay $0x2  }
0x168: {  	[tilespmem:$0x400] =	vst v2  }
0x169: {  	[tilespmem:$0x410] =	vst v3  }
0x16a: {  	[tilespmem:$0x418] =	vst v4  }
.LBB2_11:
0x16b: {  	s0 =	rddreg [dreg:$0x11]  }
0x16c: {  	s0 =	sadd.s32 s30, s0  }
0x16d: {  	s0 =	sshrl.u32 s0, $0x3  }
0x16e: {  	s9 =	sadd.s32 s7, s0  }
0x16f: {  	[tilespmem:s18], [sflag:$0x3] =	stream.linear.gather [hbm4b:s9+s3], $0x28, $0x38;
	[tilespmem:$0x12DB0] =	vst v63  }
0x170: {  	s0 =	sadd.s32 s1, s0  }
0x171: {  	[tilespmem:s19], [sflag:$0x3] =	stream.linear.gather [hbm4b:s0+s3], $0x28, $0x38;
	[tilespmem:$0x12DB0] =	vst v63  }
.LBB2_12:
0x172: {  	s26 =	simm.s32 $0x0  }
0x173: {  	v10 =	vld [tilespmem:s26+$0x2CA0];
	_ =	sdelay $0x1  }
0x174: {  	v2 =	vld [tilespmem:s26+$0x6880];
	_ =	sdelay $0x2  }
0x175: {  	v3 =	vbroadcast v10, $0x8;
	_ =	sdelay $0x1  }
0x176: {  	v2 =	vadd.f32 v2, v3  }
0x177: {  	s25 =	simm.s32 $0x80  }
0x178: {  	v6 =	vld [tilespmem:s25+$0x2CA0];
	v3 =	vmul.f32 $2.000000030e-01, v2  }
0x179: {  	s9 =	simm.s32 $0x100;
	v4 =	vld [tilespmem:s25+$0x6880];
	vm1 =	vge.f32 v2, $0.0e+00  }
0x17a: {  	v2 =	vsel vm1, v2, v3;
	v3 =	vld [tilespmem:s9+$0x2CA0]  }
0x17b: {  	v2 =	vmul.f32 $1.442695020e+00, v2  }
0x17c: {  	v5 =	vld [tilespmem:s9+$0x6880]  }
0x17d: {  	(erf) = vpow2.f32 v2;
	v2 =	vbroadcast v6, $0x8;
	_ =	sdelay $0x1  }
0x17e: {  	v7 =	vbroadcast v3, $0x8;
	v4 =	vadd.f32 v4, v2;
	_ =	sdelay $0x1  }
0x17f: {  	v5 =	vadd.f32 v5, v7;
	v7 =	vmul.f32 $2.000000030e-01, v4  }
0x180: {  	s16 =	simm.s32 $0x180;
	vm1 =	vge.f32 v4, $0.0e+00  }
0x181: {  	v2 =	vld [tilespmem:s16+$0x2CA0];
	v4 =	vsel vm1, v4, v7  }
0x182: {  	v13 =	vld [tilespmem:s26+$0x2C80];
	v4 =	vmul.f32 $1.442695020e+00, v4  }
0x183: {  	v11 =	vld [tilespmem:s16+$0x6880]  }
0x184: {  	v9 =	vld [tilespmem:s25+$0x2C80];
	v8 =	vmul.f32 $2.000000030e-01, v5;
	v14 =	vpop (erf);
	(erf) = vpow2.f32 v4  }
0x185: {  	v15 =	vld [tilespmem:s26+$0x2C90];
	vm1 =	vge.f32 v5, $0.0e+00  }
0x186: {  	s17 =	simm.s32 $0x200;
	v7 =	vld [tilespmem:s9+$0x2C80];
	v12 =	vbroadcast v2, $0x8;
	v5 =	vsel vm1, v5, v8  }
0x187: {  	v16 =	vmul.f32 $1.442695020e+00, v5;
	v5 =	vld [tilespmem:s17+$0x2CA0];
	v17 =	vperm.xlane v14, v1  }
0x188: {  	v8 =	vld [tilespmem:s16+$0x2C80];
	v12 =	vadd.f32 v11, v12  }
0x189: {  	v4 =	vld [tilespmem:s17+$0x2C80];
	(erf) = vpow2.f32 v16;
	v16 =	vmul.f32 v17, v10  }
0x18a: {  	v11 =	vld [tilespmem:s17+$0x6880];
	v14 =	vmul.f32 $2.000000030e-01, v12;
	vm1 =	vge.f32 v12, $0.0e+00  }
0x18b: {  	s23 =	simm.s32 $0xA00;
	s0 =	simm.s32 $0xC00;
	v15 =	vmul.f32 v15, v17;
	v10 =	vld [tilespmem:s25+$0x2C90];
	v13 =	vmul.f32 v13, v17;
	v16 =	vsel vm0, v16, v17  }
.LBB2_13:
0x18c: {  	p2 =	sne.s32 s0, $0x4E00;
	v17 =	vbroadcast v5, $0x8  }
0x18d: {  	s13 =	sshra.s32 s23, $0x2;
	v12 =	vsel vm1, v12, v14;
	v14 =	vpop (erf);
	[tilespmem:s26+$0xA490] =	vst v15;
	v15 =	vmov v5;
	v18 =	vmov v8;
	s23 =	smov.u32 s0;
	s0 =	sadd.s32 $0x200, s0  }
.Ltmp6:
0x18e: {  	v5 =	vld [tilespmem:s13+$0x2CA0];
	v19 =	vmul.f32 $1.442695020e+00, v12;
	v20 =	vperm.xlane v14, v1;
	[tilespmem:s26+$0xA4A0] =	vst v16;
	v8 =	vmov v4;
	(pc) =	sbr.rel @p2 .LBB2_13-.Ltmp6, $4  }
0x18f: {  	v4 =	vld [tilespmem:s13+$0x2C80];
	v12 =	vadd.f32 v11, v17;
	[tilespmem:s26+$0xA480] =	vst v13;
	s26 =	smov.u32 s25;
	s25 =	smov.u32 s9;
	s9 =	smov.u32 s16  }
0x190: {  	s16 =	smov.u32 s17;
	s17 =	smov.u32 s13;
	v11 =	vld [tilespmem:s13+$0x6880];
	(erf) = vpow2.f32 v19;
	v16 =	vmul.f32 v20, v6;
	v6 =	vmovc v3;
	v3 =	vmovc v2;
	v2 =	vmov v15  }
0x191: {  	v14 =	vmul.f32 $2.000000030e-01, v12;
	v15 =	vmul.f32 v10, v20  }
0x192: {  	v13 =	vmul.f32 v9, v20;
	v9 =	vmovc v7;
	v7 =	vmovc v18;
	vm1 =	vge.f32 v12, $0.0e+00;
	v10 =	vld [tilespmem:s25+$0x2C90];
	v16 =	vsel vm0, v16, v20  }
0x193: {  	s0 =	sshra.s32 s23, $0x2;
	[tilespmem:s26+$0xA490] =	vst v15  }
0x194: {  	v12 =	vsel vm1, v12, v14;
	v15 =	vld [tilespmem:s0+$0x2CA0];
	[tilespmem:s26+$0xA4A0] =	vst v16  }
0x195: {  	v12 =	vmul.f32 $1.442695020e+00, v12;
	v16 =	vld [tilespmem:s0+$0x2C80];
	[tilespmem:s26+$0xA480] =	vst v13  }
0x196: {  	v17 =	vbroadcast v5, $0x8;
	v48 =	vpop (erf);
	v13 =	vld [tilespmem:s0+$0x6880]  }
0x197: {  	v14 =	vperm.xlane v48, v1;
	(erf) = vpow2.f32 v12  }
0x198: {  	v11 =	vadd.f32 v11, v17  }
0x199: {  	v6 =	vmul.f32 v14, v6;
	v50 =	vbroadcast v15, $0x8  }
0x19a: {  	v9 =	vmul.f32 v9, v14;
	v49 =	vmul.f32 $2.000000030e-01, v11  }
0x19b: {  	v10 =	vmul.f32 v10, v14;
	vm1 =	vge.f32 v11, $0.0e+00;
	v13 =	vadd.f32 v13, v50  }
0x19c: {  	v51 =	vld [tilespmem:s9+$0x2C90];
	[tilespmem:s25+$0xA480] =	vst v9;
	v11 =	vsel vm1, v11, v49  }
0x19d: {  	v6 =	vsel vm0, v6, v14;
	v52 =	vpop (erf);
	[tilespmem:s25+$0xA490] =	vst v10;
	v53 =	vmul.f32 $1.442695020e+00, v11;
	v55 =	vmul.f32 $2.000000030e-01, v13  }
0x19e: {  	[tilespmem:s25+$0xA4A0] =	vst v6;
	v54 =	vperm.xlane v52, v1;
	vm1 =	vge.f32 v13, $0.0e+00  }
0x19f: {  	v9 =	vld [tilespmem:s16+$0x2C90];
	(erf) = vpow2.f32 v53;
	v6 =	vsel vm1, v13, v55  }
0x1a0: {  	v3 =	vmul.f32 v54, v3;
	v57 =	vpop (erf);
	v6 =	vmul.f32 $1.442695020e+00, v6  }
0x1a1: {  	v56 =	vmul.f32 v51, v54;
	v58 =	vperm.xlane v57, v1  }
0x1a2: {  	(erf) = vpow2.f32 v6  }
0x1a3: {  	v7 =	vmul.f32 v7, v54;
	v3 =	vsel vm0, v3, v54;
	[tilespmem:s9+$0xA490] =	vst v56;
	v2 =	vmul.f32 v58, v2  }
0x1a4: {  	[tilespmem:s9+$0xA4A0] =	vst v3;
	v3 =	vmul.f32 v9, v58  }
0x1a5: {  	[tilespmem:s9+$0xA480] =	vst v7;
	v60 =	vmul.f32 v8, v58;
	v2 =	vsel vm0, v2, v58  }
0x1a6: {  	v59 =	vld [tilespmem:s17+$0x2C90];
	[tilespmem:s16+$0xA490] =	vst v3  }
0x1a7: {  	[tilespmem:s16+$0xA480] =	vst v60  }
0x1a8: {  	[tilespmem:s16+$0xA4A0] =	vst v2;
	v2 =	vpop (erf)  }
0x1a9: {  	v3 =	vld [tilespmem:s0+$0x2C90];
	v2 =	vperm.xlane v2, v1;
	_ =	sdelay $0x1  }
0x1aa: {  	v61 =	vmul.f32 v2, v5;
	v6 =	vmul.f32 v59, v2;
	v62 =	vpop (erf)  }
0x1ab: {  	v4 =	vmul.f32 v4, v2;
	v7 =	vperm.xlane v62, v1  }
0x1ac: {  	[tilespmem:s17+$0xA490] =	vst v6  }
0x1ad: {  	v2 =	vsel vm0, v61, v2;
	[tilespmem:s17+$0xA480] =	vst v4;
	v3 =	vmul.f32 v3, v7  }
.Ltmp7:
0x1ae: {  	[tilespmem:s17+$0xA4A0] =	vst v2;
	v2 =	vmul.f32 v7, v15;
	v63 =	vmul.f32 v16, v7;
	(pc) =	sbr.rel @p1 .LBB2_16-.Ltmp7, $4  }
0x1af: {  	[tilespmem:s0+$0xA490] =	vst v3  }
0x1b0: {  	v2 =	vsel vm0, v2, v7;
	[tilespmem:s0+$0xA480] =	vst v63  }
0x1b1: {  	s30 =	simm.s32 $0xA480;
	s26 =	simm.s32 $0x400;
	[tilespmem:s0+$0xA4A0] =	vst v2  }
0x1b2: {  	[spmem:s2] =	stream.indirect.scatter.add.f32 [tilespmem:s30], [sflag:$0x9], $0x30, s26, s24, $0xb8;
	[tilespmem:$0x12DB0] =	vst v63  }
0x1b3: {  	_ =	swait.ge [sflag:s28], $0x28  }
0x1b4: {  	[sflag:s28] =	ssyncset.done $0x0  }
0x1b5: {  	[sflag:s28] =	ssyncadd.s32 $0xFFFFFFD8  }
0x1b6: {  	_ =	swait.ge [sflag:s28], $0x28  }
.Ltmp8:
0x1b7: {  	[sflag:s28] =	ssyncset.done $0x0;
	(pc) =	sbr.rel .LBB2_4-.Ltmp8, $4  }
0x1b8: {  	s0 =	simm.s32 $0x80;
	s9 =	simm.s32 $0x1880;
	[sflag:s28] =	ssyncadd.s32 $0xFFFFFFD8  }
0x1b9: {  	[tilespmem:s9], [sflag:$0x5] =	stream.indirect.gather [hbm4b:s5+s24], $0x80, s0, s24, $0xb8;
	[tilespmem:$0x12DB0] =	vst v63  }
0x1ba: {  	s26 =	simm.s32 $0x200;
	s30 =	simm.s32 $0x5480;
	s8 =	sadd.s32 $0x1, s8  }
0x1bb: {  	[tilespmem:s30], [sflag:$0x5] =	stream.indirect.gather [hbm4b:s6+s24], $0x80, s26, s24, $0xb8;
	[tilespmem:$0x12DB0] =	vst v63  }
.LBB2_16:
0x1bc: {  	_ =	swait.ge [sflag:s31], $0x1400  }
0x1bd: {  	[sflag:s31] =	ssyncset.done $0x0  }
0x1be: {  	[sflag:s31] =	ssyncadd.s32 $0xFFFFEC00  }
0x1bf: {  	_ =	swait.ge [sflag:s31], $0x1400  }
0x1c0: {  	[sflag:s31] =	ssyncset.done $0x0  }
0x1c1: {  	s25 =	simm.s32 $0x7;
	[sflag:s31] =	ssyncadd.s32 $0xFFFFEC00  }
0x1c2: {  	_ =	swait.ge [sflag:s25], $0x780  }
0x1c3: {  	[sflag:s25] =	ssyncset.done $0x0  }
0x1c4: {  	[sflag:s25] =	ssyncadd.s32 $0xFFFFF880  }
0x1c5: {  	v2 =	vld [tilespmem:$0x180]  }
0x1c6: {  	v3 =	vld [tilespmem:$0x190]  }
0x1c7: {  	v4 =	vld [tilespmem:$0x198];
	_ =	sdelay $0x2  }
0x1c8: {  	[tilespmem:$0x300] =	vst v2  }
0x1c9: {  	[tilespmem:$0x310] =	vst v3  }
0x1ca: {  	s17 =	simm.s32 $0x0;
	[tilespmem:$0x318] =	vst v4  }
0x1cb: {  	v10 =	vld [tilespmem:s17+$0x4A0];
	_ =	sdelay $0x1  }
0x1cc: {  	v2 =	vld [tilespmem:s17+$0x4080];
	_ =	sdelay $0x2  }
0x1cd: {  	v3 =	vbroadcast v10, $0x8;
	_ =	sdelay $0x1  }
0x1ce: {  	v2 =	vadd.f32 v2, v3  }
0x1cf: {  	s16 =	simm.s32 $0x80  }
0x1d0: {  	v6 =	vld [tilespmem:s16+$0x4A0];
	v3 =	vmul.f32 $2.000000030e-01, v2  }
0x1d1: {  	s8 =	simm.s32 $0x100;
	v4 =	vld [tilespmem:s16+$0x4080];
	vm1 =	vge.f32 v2, $0.0e+00  }
0x1d2: {  	v2 =	vsel vm1, v2, v3;
	v3 =	vld [tilespmem:s8+$0x4A0]  }
0x1d3: {  	v2 =	vmul.f32 $1.442695020e+00, v2  }
0x1d4: {  	v5 =	vld [tilespmem:s8+$0x4080]  }
0x1d5: {  	(erf) = vpow2.f32 v2;
	v2 =	vbroadcast v6, $0x8;
	_ =	sdelay $0x1  }
0x1d6: {  	v7 =	vbroadcast v3, $0x8;
	v4 =	vadd.f32 v4, v2;
	_ =	sdelay $0x1  }
0x1d7: {  	v5 =	vadd.f32 v5, v7;
	v7 =	vmul.f32 $2.000000030e-01, v4  }
0x1d8: {  	s9 =	simm.s32 $0x180;
	vm1 =	vge.f32 v4, $0.0e+00  }
0x1d9: {  	v2 =	vld [tilespmem:s9+$0x4A0];
	v4 =	vsel vm1, v4, v7  }
0x1da: {  	v13 =	vld [tilespmem:s17+$0x480];
	v4 =	vmul.f32 $1.442695020e+00, v4  }
0x1db: {  	v11 =	vld [tilespmem:s9+$0x4080]  }
0x1dc: {  	v9 =	vld [tilespmem:s16+$0x480];
	v8 =	vmul.f32 $2.000000030e-01, v5;
	v14 =	vpop (erf);
	(erf) = vpow2.f32 v4  }
0x1dd: {  	v15 =	vld [tilespmem:s17+$0x490];
	vm1 =	vge.f32 v5, $0.0e+00  }
0x1de: {  	s12 =	simm.s32 $0x200;
	v7 =	vld [tilespmem:s8+$0x480];
	v12 =	vbroadcast v2, $0x8;
	v5 =	vsel vm1, v5, v8  }
0x1df: {  	v16 =	vmul.f32 $1.442695020e+00, v5;
	v5 =	vld [tilespmem:s12+$0x4A0];
	v17 =	vperm.xlane v14, v1  }
0x1e0: {  	v8 =	vld [tilespmem:s9+$0x480];
	v12 =	vadd.f32 v11, v12  }
0x1e1: {  	v4 =	vld [tilespmem:s12+$0x480];
	(erf) = vpow2.f32 v16;
	v16 =	vmul.f32 v17, v10  }
0x1e2: {  	v11 =	vld [tilespmem:s12+$0x4080];
	v14 =	vmul.f32 $2.000000030e-01, v12;
	vm1 =	vge.f32 v12, $0.0e+00  }
0x1e3: {  	s23 =	simm.s32 $0xA00;
	s0 =	simm.s32 $0xC00;
	v15 =	vmul.f32 v15, v17;
	v10 =	vld [tilespmem:s16+$0x490];
	v13 =	vmul.f32 v13, v17;
	v16 =	vsel vm0, v16, v17  }
.LBB2_17:
0x1e4: {  	p1 =	sne.s32 s0, $0x4E00;
	v17 =	vbroadcast v5, $0x8  }
0x1e5: {  	s13 =	sshra.s32 s23, $0x2;
	v12 =	vsel vm1, v12, v14;
	v14 =	vpop (erf);
	[tilespmem:s17+$0x7C90] =	vst v15;
	v15 =	vmov v5;
	v18 =	vmov v8;
	s23 =	smov.u32 s0;
	s0 =	sadd.s32 $0x200, s0  }
.Ltmp9:
0x1e6: {  	v5 =	vld [tilespmem:s13+$0x4A0];
	v19 =	vmul.f32 $1.442695020e+00, v12;
	v20 =	vperm.xlane v14, v1;
	[tilespmem:s17+$0x7CA0] =	vst v16;
	v8 =	vmov v4;
	(pc) =	sbr.rel @p1 .LBB2_17-.Ltmp9, $4  }
0x1e7: {  	v4 =	vld [tilespmem:s13+$0x480];
	v12 =	vadd.f32 v11, v17;
	[tilespmem:s17+$0x7C80] =	vst v13;
	s17 =	smov.u32 s16;
	s16 =	smov.u32 s8;
	s8 =	smov.u32 s9  }
0x1e8: {  	s9 =	smov.u32 s12;
	s12 =	smov.u32 s13;
	v11 =	vld [tilespmem:s13+$0x4080];
	(erf) = vpow2.f32 v19;
	v16 =	vmul.f32 v20, v6;
	v6 =	vmovc v3;
	v3 =	vmovc v2;
	v2 =	vmov v15  }
0x1e9: {  	v14 =	vmul.f32 $2.000000030e-01, v12;
	v15 =	vmul.f32 v10, v20  }
0x1ea: {  	v13 =	vmul.f32 v9, v20;
	v9 =	vmovc v7;
	v7 =	vmovc v18;
	vm1 =	vge.f32 v12, $0.0e+00;
	v10 =	vld [tilespmem:s16+$0x490];
	v16 =	vsel vm0, v16, v20  }
0x1eb: {  	s0 =	sshra.s32 s23, $0x2;
	[tilespmem:s17+$0x7C90] =	vst v15  }
0x1ec: {  	v12 =	vsel vm1, v12, v14;
	v15 =	vld [tilespmem:s0+$0x4A0];
	[tilespmem:s17+$0x7CA0] =	vst v16  }
0x1ed: {  	v12 =	vmul.f32 $1.442695020e+00, v12;
	v16 =	vld [tilespmem:s0+$0x480];
	[tilespmem:s17+$0x7C80] =	vst v13  }
0x1ee: {  	v17 =	vbroadcast v5, $0x8;
	v48 =	vpop (erf);
	v13 =	vld [tilespmem:s0+$0x4080]  }
0x1ef: {  	v14 =	vperm.xlane v48, v1;
	(erf) = vpow2.f32 v12  }
0x1f0: {  	v11 =	vadd.f32 v11, v17  }
0x1f1: {  	v6 =	vmul.f32 v14, v6;
	v50 =	vbroadcast v15, $0x8  }
0x1f2: {  	v9 =	vmul.f32 v9, v14;
	v49 =	vmul.f32 $2.000000030e-01, v11  }
0x1f3: {  	v10 =	vmul.f32 v10, v14;
	vm1 =	vge.f32 v11, $0.0e+00;
	v13 =	vadd.f32 v13, v50  }
0x1f4: {  	v51 =	vld [tilespmem:s8+$0x490];
	[tilespmem:s16+$0x7C80] =	vst v9;
	v11 =	vsel vm1, v11, v49  }
0x1f5: {  	v6 =	vsel vm0, v6, v14;
	v52 =	vpop (erf);
	[tilespmem:s16+$0x7C90] =	vst v10;
	v53 =	vmul.f32 $1.442695020e+00, v11;
	v55 =	vmul.f32 $2.000000030e-01, v13  }
0x1f6: {  	[tilespmem:s16+$0x7CA0] =	vst v6;
	v54 =	vperm.xlane v52, v1;
	vm1 =	vge.f32 v13, $0.0e+00  }
0x1f7: {  	v9 =	vld [tilespmem:s9+$0x490];
	(erf) = vpow2.f32 v53;
	v6 =	vsel vm1, v13, v55  }
0x1f8: {  	v3 =	vmul.f32 v54, v3;
	v57 =	vpop (erf);
	v6 =	vmul.f32 $1.442695020e+00, v6  }
0x1f9: {  	v56 =	vmul.f32 v51, v54;
	v58 =	vperm.xlane v57, v1  }
0x1fa: {  	(erf) = vpow2.f32 v6  }
0x1fb: {  	v7 =	vmul.f32 v7, v54;
	v3 =	vsel vm0, v3, v54;
	[tilespmem:s8+$0x7C90] =	vst v56;
	v2 =	vmul.f32 v58, v2  }
0x1fc: {  	[tilespmem:s8+$0x7CA0] =	vst v3;
	v3 =	vmul.f32 v9, v58  }
0x1fd: {  	[tilespmem:s8+$0x7C80] =	vst v7;
	v60 =	vmul.f32 v8, v58;
	v2 =	vsel vm0, v2, v58  }
0x1fe: {  	v59 =	vld [tilespmem:s12+$0x490];
	[tilespmem:s9+$0x7C90] =	vst v3  }
0x1ff: {  	[tilespmem:s9+$0x7C80] =	vst v60  }
0x200: {  	[tilespmem:s9+$0x7CA0] =	vst v2;
	v2 =	vpop (erf)  }
0x201: {  	v3 =	vld [tilespmem:s0+$0x490];
	v2 =	vperm.xlane v2, v1;
	_ =	sdelay $0x1  }
0x202: {  	v61 =	vmul.f32 v2, v5;
	v6 =	vmul.f32 v59, v2;
	v62 =	vpop (erf)  }
0x203: {  	v4 =	vmul.f32 v4, v2;
	v7 =	vperm.xlane v62, v1  }
0x204: {  	[tilespmem:s12+$0x7C90] =	vst v6  }
0x205: {  	v2 =	vsel vm0, v61, v2;
	[tilespmem:s12+$0x7C80] =	vst v4;
	v3 =	vmul.f32 v3, v7  }
0x206: {  	[tilespmem:s12+$0x7CA0] =	vst v2;
	v2 =	vmul.f32 v7, v15;
	v63 =	vmul.f32 v16, v7  }
0x207: {  	[tilespmem:s0+$0x7C90] =	vst v3  }
0x208: {  	v2 =	vsel vm0, v2, v7;
	[tilespmem:s0+$0x7C80] =	vst v63  }
0x209: {  	s13 =	simm.s32 $0x300;
	s12 =	simm.s32 $0x7C80;
	[tilespmem:s0+$0x7CA0] =	vst v2  }
0x20a: {  	[spmem:s2] =	stream.indirect.scatter.add.f32 [tilespmem:s12], [sflag:$0x7], $0x30, s13, s24, $0xb8;
	[tilespmem:$0x12DB0] =	vst v63  }
0x20b: {  	_ =	swait.ge [sflag:s25], $0x780  }
0x20c: {  	[sflag:s25] =	ssyncset.done $0x0  }
0x20d: {  	s16 =	simm.s32 $0x8;
	[sflag:s25] =	ssyncadd.s32 $0xFFFFF880  }
0x20e: {  	_ =	swait.ge [sflag:s16], $0x780  }
0x20f: {  	[sflag:s16] =	ssyncset.done $0x0  }
0x210: {  	[sflag:s16] =	ssyncadd.s32 $0xFFFFF880  }
0x211: {  	_ =	swait.ge [sflag:s10], $0x780  }
0x212: {  	[sflag:s10] =	ssyncset.done $0x0  }
0x213: {  	[sflag:s10] =	ssyncadd.s32 $0xFFFFF880  }
0x214: {  	s17 =	stileid.u32;
	[bflag:$0x0] =	sbarrier.arrive $0xFFFF  }
0x215: {  	s0 =	sshll.u32 s17, $0x6;
	s16 =	rddreg [dreg:$0x4]  }
0x216: {  	s0 =	sor.u32 $0x1C0A, s0;
	s25 =	rddreg [dreg:$0x10];
	s23 =	sshrl.u32 s16, $0x3  }
0x217: {  	[hbm:s25], [sflag:s0] =	dma.local [spmem:s23], $0x2700  }
0x218: {  	_ =	swait.ge [sflag:s14], $0x2700  }
0x219: {  	[sflag:s14] =	ssyncset.done $0x0;
	s12 =	rddreg [dreg:$0x1e]  }
0x21a: {  	s9 =	rddreg [dreg:$0x12];
	[sflag:s14] =	ssyncadd.s32 $0xFFFFD900;
	s8 =	sshrl.u32 @!p0 s12, $0x3  }
0x21b: {  	[hbm:s9], [sflag:s0] =	dma.local @!p0 [spmem:s8], $0x100  }
0x21c: {  	s0 =	simm.s32 @!p0 $0xA  }
0x21d: {  	_ =	swait.ge @!p0 [sflag:s0], $0x100  }
0x21e: {  	s26 =	rddreg [dreg:$0x1f]  }
0x21f: {  	s30 =	rddreg [dreg:$0x13];
	s9 =	sadd.s32 $0x1, s26  }
0x220: {  	p1 =	sne.s32 s9, s30  }
.Ltmp10:
0x221: {  	_ = 	snop;
	(pc) =	sbr.rel @p1 .LBB2_1-.Ltmp10, $3  }
0x222: {  	_ =	sdelay $0x1  }
0x223: {  	[sflag:s0] =	ssyncset.done @!p0 $0x0  }
0x224: {  	[sflag:s0] =	ssyncadd.s32 @!p0 $0xFFFFFF00  }
0x225: {  	_ =	sfence.sel $0x180000  }
0x226: {  	[bflag:$0x0] =	sbarrier.arrive $0xFFFF  }
0x227: {  	_ =	strace $0x9000004A  }
0x228: {  	s0 =	stileid.u32;
	[bflag:$0x2] =	sbarrier.arrive $0xFFFF  }
0x229: {  	p0 =	sne.s32 s0, $0x0;
	s0 =	rddreg [dreg:$0x3]  }
0x22a: {  	s0 =	sadd.s32 @!p0 $0x100000, s0  }
0x22b: {  	[sflag:s0] =	ssyncadd.tile.s32 @!p0 $0x1;
	_ =	shalt  }
.Lfunc_end2:
_tile_overlayer_lowered:
.L_overlay_start_2:
0x22c: {  	(tag) =	ssettag $0x2  }
0x22d: {  	s0 =	rddreg [dreg:$0x0];
	s2 =	stileid.u32  }
0x22e: {  	s1 =	rddreg [dreg:$0x1];
	p0 =	sne.s32 s2, $0x0  }
0x22f: {  	s3 =	rddreg [dreg:$0x2];
	[bflag:$0x3] =	sbarrier.arrive $0xFFFF;
	s2 =	simm.s32 @!p0 $0x1C0A  }
0x230: {  	[timem:s3], [sflag:s2] =	dma.local @!p0 [hbm:s0], s1  }
0x231: {  	s0 =	simm.s32 @!p0 $0xA  }
0x232: {  	_ =	swait.ge @!p0 [sflag:s0], s1  }
0x233: {  	s1 =	ssub.s32 @!p0 $0x0, s1;
	[sflag:s0] =	ssyncset.done @!p0 $0x0  }
0x234: {  	[sflag:s0] =	ssyncadd.s32 @!p0 s1  }
0x235: {  	[bflag:$0x3] =	sbarrier.arrive $0xFFFF  }
0x236: {  	_ =	shalt  }

// kernel: kernel.7.cloned.1.call-start
scs
__scs_entry_jumppad:
0x0: {  	(pc) =	sbr.rel $0x88, $3  }
0x1: {  	(tag) =	ssettag $0x0;
	lr =	simm.s32 $0x1  }
0x2: {  	[smem:$0x3F97] =	sst lr;
	_ =	strace $0xD0000000  }
0x3: {  	_ = 	snop  }
0x4: {  	_ = 	snop  }
0x5: {  	_ = 	snop  }
0x6: {  	_ = 	snop  }
0x7: {  	_ = 	snop  }
__scs_overlays_trampoline_lowered:
0x8: {  	[smem:$0x3FA6] =	sst s0  }
0x9: {  	[smem:$0x3FA7] =	sst s1  }
0xa: {  	[smem:$0x3FA8] =	sst s2  }
0xb: {  	[smem:$0x3FA9] =	sst s3  }
0xc: {  	[smem:$0x3FAA] =	sst s4  }
0xd: {  	[smem:$0x3FAB] =	sst s5  }
0xe: {  	[smem:$0x3FAC] =	sst s6  }
0xf: {  	[smem:$0x3FAD] =	sst s7  }
0x10: {  	[smem:$0x3FAE] =	sst s8  }
0x11: {  	[smem:$0x3FAF] =	sst s9;
	s0 =	simm.s32 @!p0 $0x0  }
0x12: {  	s1 =	sld [smem:$0x3F95];
	s0 =	simm.s32 @p0 $0x1  }
0x13: {  	[smem:$0x3FB0] =	sst s0;
	s0 =	simm.s32 @!p1 $0x0  }
0x14: {  	s2 =	sld [smem:$0x3F94];
	s0 =	simm.s32 @p1 $0x1  }
0x15: {  	[smem:$0x3FB1] =	sst s0;
	s0 =	simm.s32 @!p2 $0x0  }
0x16: {  	s3 =	sld [smem:$0x3FDB];
	s0 =	simm.s32 @p2 $0x1  }
0x17: {  	s4 =	simm.s32 $0x1BF5;
	[smem:$0x3FB3] =	sst s0  }
0x18: {  	s0 =	sld [smem:$0x3F96];
	_ =	swait.ge [sflag:s4], $0x0  }
0x19: {  	s7 =	sld [smem:$0x3F97]  }
0x1a: {  	s8 =	sadd.s32 $0xFFFFE003, lr  }
0x1b: {  	s9 =	sadd.s32 $0xFFFFFEF7, lr;
	s5 =	simm.s32 $0xFFFFFFFF;
	p2 =	slt.u32 s8, $0xFFFFF086  }
0x1c: {  	p1 =	slt.u32 s9, $0xF7A;
	s5 =	simm.s32 @!p2 $0x0  }
0x1d: {  	s5 =	simm.s32 @p1 $0x1;
	p0 =	seq.s32 s7, s2  }
0x1e: {  	s7 =	smul.u32 @!p0 $0xF7A, s2;
	p2 =	seq.s32 @!p0 s5, $0x0  }
0x1f: {  	s9 =	smul.u32 $0xF7A, s1;
	s8 =	simm.s32 @!p0 $0x1BF5;
	p2 =	por !p2, p0  }
0x20: {  	[sflag:s8] =	ssyncset.s32 @!p0 $0xFFFFF086;
	s6 =	sadd.s32 @!p0 s3, s7;
	s7 =	simm.s32 @!p0 $0x108  }
0x21: {  	s3 =	sadd.s32 s3, s9;
	s6 =	sadd.s32 @!p0 $0x88, s6;
	s7 =	simm.s32 @p2 $0x1082  }
0x22: {  	[simem:s7], [sflag:s8] =	dma.local @!p0 [hbm:s6], $0xF7A  }
0x23: {  	s9 =	sor.u32 $0xD0000000, s2;
	s6 =	simm.s32 $0x108;
	_ =	swait.ge @!p0 [sflag:s8], $0x0  }
0x24: {  	s3 =	sadd.s32 $0x88, s3;
	s6 =	simm.s32 @!p1 $0x1082;
	[sflag:s4] =	ssyncset.s32 $0xFFFFF086  }
0x25: {  	[simem:s6], [sflag:s4] =	dma.local [hbm:s3], $0xF7A  }
0x26: {  	[smem:$0x3F97] =	sst s1;
	(tag) =	ssettag s2;
	_ =	strace s9  }
0x27: {  	s1 =	sld [smem:$0x3FA7]  }
0x28: {  	s2 =	sld [smem:$0x3FA8]  }
0x29: {  	s4 =	sld [smem:$0x3FAA]  }
0x2a: {  	p0 =	seq.s32 s5, $0x0;
	s5 =	sld [smem:$0x3FAB]  }
0x2b: {  	s6 =	sld [smem:$0x3FAC]  }
0x2c: {  	s7 =	sld [smem:$0x3FAD]  }
0x2d: {  	s3 =	simm.s32 $0x108;
	s8 =	sld [smem:$0x3FAE]  }
0x2e: {  	s3 =	simm.s32 @!p0 $0x1082;
	s9 =	sld [smem:$0x3FAF]  }
0x2f: {  	lr =	sadd.s32 s0, s3;
	s0 =	sld [smem:$0x3FA6]  }
0x30: {  	s3 =	sld [smem:$0x3FA9]  }
0x31: {  	[smem:$0x3FB2] =	sst s10  }
0x32: {  	s10 =	sld [smem:$0x3FB0];
	_ =	sdelay $0x3  }
0x33: {  	p0 =	seq.s32 s10, $0x1;
	s10 =	sld [smem:$0x3FB2];
	_ =	sdelay $0x3  }
0x34: {  	[smem:$0x3FB2] =	sst s10  }
0x35: {  	s10 =	sld [smem:$0x3FB1];
	_ =	sdelay $0x3  }
0x36: {  	p1 =	seq.s32 s10, $0x1;
	s10 =	sld [smem:$0x3FB2];
	_ =	sdelay $0x3  }
0x37: {  	[smem:$0x3FB2] =	sst s10  }
0x38: {  	s10 =	sld [smem:$0x3FB3]  }
0x39: {  	_ = 	snop;
	(pc) =	sbr.ind lr, $3  }
0x3a: {  	_ = 	snop  }
0x3b: {  	_ = 	snop  }
0x3c: {  	p2 =	seq.s32 s10, $0x1;
	s10 =	sld [smem:$0x3FB2]  }
0x3d: {  	_ =	shalt  }
0x3e: {  	_ =	shalt  }
0x3f: {  	_ =	shalt  }
0x40: {  	_ =	shalt  }
0x41: {  	_ =	shalt  }
0x42: {  	_ =	shalt  }
0x43: {  	_ =	shalt  }
0x44: {  	_ =	shalt  }
0x45: {  	_ =	shalt  }
0x46: {  	_ =	shalt  }
0x47: {  	_ =	shalt  }
0x48: {  	_ =	shalt  }
0x49: {  	_ =	shalt  }
0x4a: {  	_ =	shalt  }
0x4b: {  	_ =	shalt  }
0x4c: {  	_ =	shalt  }
0x4d: {  	_ =	shalt  }
0x4e: {  	_ =	shalt  }
0x4f: {  	_ =	shalt  }
0x50: {  	_ =	shalt  }
0x51: {  	_ =	shalt  }
0x52: {  	_ =	shalt  }
0x53: {  	_ =	shalt  }
0x54: {  	_ =	shalt  }
0x55: {  	_ =	shalt  }
0x56: {  	_ =	shalt  }
0x57: {  	_ =	shalt  }
0x58: {  	_ =	shalt  }
0x59: {  	_ =	shalt  }
0x5a: {  	_ =	shalt  }
0x5b: {  	_ =	shalt  }
0x5c: {  	_ =	shalt  }
0x5d: {  	_ =	shalt  }
0x5e: {  	_ =	shalt  }
0x5f: {  	_ =	shalt  }
0x60: {  	_ =	shalt  }
0x61: {  	_ =	shalt  }
0x62: {  	_ =	shalt  }
0x63: {  	_ =	shalt  }
0x64: {  	_ =	shalt  }
0x65: {  	_ =	shalt  }
0x66: {  	_ =	shalt  }
0x67: {  	_ =	shalt  }
0x68: {  	_ =	shalt  }
0x69: {  	_ =	shalt  }
0x6a: {  	_ =	shalt  }
0x6b: {  	_ =	shalt  }
0x6c: {  	_ =	shalt  }
0x6d: {  	_ =	shalt  }
0x6e: {  	_ =	shalt  }
0x6f: {  	_ =	shalt  }
0x70: {  	_ =	shalt  }
0x71: {  	_ =	shalt  }
0x72: {  	_ =	shalt  }
0x73: {  	_ =	shalt  }
0x74: {  	_ =	shalt  }
0x75: {  	_ =	shalt  }
0x76: {  	_ =	shalt  }
0x77: {  	_ =	shalt  }
0x78: {  	_ =	shalt  }
0x79: {  	_ =	shalt  }
0x7a: {  	_ =	shalt  }
0x7b: {  	_ =	shalt  }
0x7c: {  	_ =	shalt  }
0x7d: {  	_ =	shalt  }
0x7e: {  	_ =	shalt  }
0x7f: {  	_ =	shalt  }
0x80: {  	_ =	shalt  }
0x81: {  	_ =	shalt  }
0x82: {  	_ =	shalt  }
0x83: {  	_ =	shalt  }
0x84: {  	_ =	shalt  }
0x85: {  	_ =	shalt  }
0x86: {  	_ =	shalt  }
0x87: {  	_ =	shalt  }
.Lfunc_end0:
.L_simem_size_0:
called_computation_lowered:
.L_overlay_start_0:
0x88: {  	s2 =	sld [smem:$0x3FD9]  }
0x89: {  	s3 =	sld [smem:$0x3FFE];
	_ =	sdelay $0x1  }
0x8a: {  	s1 =	srdreg.scid  }
0x8b: {  	s0 =	sand.u32 $0x1, s1  }
0x8c: {  	s17 =	sshll.u32 s0, $0xA;
	s2 =	sadd.s32 s3, s2  }
0x8d: {  	s2 =	sadd.s32 s2, s17  }
0x8e: {  	[smem:$0x3FBE] =	sst s2  }
0x8f: {  	_ = 	snop  }
0x90: {  	s2 =	sld [smem:$0x3FD0];
	(tm) =	ssettm $0x1  }
0x91: {  	s18 =	sld [smem:$0x3FFB];
	_ =	sdelay $0x3  }
0x92: {  	_ =	strace s18  }
0x93: {  	s3 =	sld [smem:$0x3FFC];
	_ =	sdelay $0x3  }
0x94: {  	_ =	strace s3  }
0x95: {  	s3 =	sld [smem:$0x3FFD];
	_ =	sdelay $0x3  }
0x96: {  	_ =	strace s3  }
0x97: {  	_ =	strace $0x8FFFFFFF  }
0x98: {  	s19 =	sld [smem:$0x3FDB];
	_ =	sdelay $0x1  }
0x99: {  	s4 =	simm.s32 $_scs_section_size  }
0x9a: {  	s5 =	simm.s32 $_size__tile_overlayer_lowered;
	s6 =	simm.s32 $_tile_overlayer_lowered  }
0x9b: {  	s22 =	simm.s32 $0x1BFF;
	s21 =	sshll.u32 s6, $0x1;
	s3 =	sadd.s32 s4, s19  }
0x9c: {  	s7 =	simm.s32 $0x0;
	s20 =	sshll.u32 s5, $0x1;
	s5 =	sadd.s32 s21, s3  }
0x9d: {  	[timem:s7], [sflag:s22] =	dma.local [hbm:s5], s20  }
0x9e: {  	_ =	swait.ge [sflag:s22], s20  }
0x9f: {  	s4 =	ssub.s32 $0x0, s20;
	[sflag:s22] =	ssyncset.done $0x0  }
0xa0: {  	[sflag:s22] =	ssyncadd.s32 s4;
	_ =	sdelay $0x1  }
0xa1: {  	s23 =	simm.s32 $0x1B8B  }
0xa2: {  	_ =	swait.ge [sflag:s23], $0x1  }
0xa3: {  	[sflag:s23] =	ssyncset.done $0x0  }
0xa4: {  	s25 =	simm.s32 $0x1B8E;
	s24 =	sld [smem:$0x3FFE];
	[sflag:s23] =	ssyncadd.s32 $0xFFFFFFFF  }
0xa5: {  	s26 =	simm.s32 $execute0_lowered;
	[smem:$0x3FD2] =	sst s25  }
0xa6: {  	s5 =	sshll.u32 s26, $0x1;
	_ =	strace $0x80000046;
	[dreg:$0x1] =	wrdreg $0xFFFFFFFF  }
0xa7: {  	s28 =	simm.s32 $_size_execute0_lowered;
	s3 =	sadd.s32 s3, s5;
	[dreg:$0x0] =	wrdreg $0x0  }
0xa8: {  	s5 =	sshll.u32 s28, $0x1;
	[dreg:$0x2] =	wrdreg s3  }
0xa9: {  	[dreg:$0x3] =	wrdreg s5  }
0xaa: {  	[dreg:$0x4] =	wrdreg $0xC0  }
0xab: {  	_ =	task [dreg:s7], $0x5FFFF  }
0xac: {  	[dreg:$0x1] =	wrdreg $0xFFFFFFFF  }
0xad: {  	[dreg:$0x0] =	wrdreg $0x60  }
0xae: {  	[dreg:$0x2] =	wrdreg s24  }
0xaf: {  	[dreg:$0x3] =	wrdreg s2  }
0xb0: {  	[dreg:$0x4] =	wrdreg $0xB8800  }
0xb1: {  	[dreg:$0x5] =	wrdreg $0x9  }
0xb2: {  	_ =	task.clear_ibuf [dreg:s7], $0x6FFFF;
	_ =	strace $0x90000046  }
0xb3: {  	s29 =	simm.s32 $0x9;
	_ =	strace $0x80000048  }
0xb4: {  	_ =	swait.ge [sflag:s29], $0x1  }
0xb5: {  	[sflag:s29] =	ssyncadd.s32 $0xFFFFFFFF  }
0xb6: {  	_ =	strace $0x90000048  }
0xb7: {  	_ =	sfence  }
0xb8: {  	s30 =	sld [smem:$0x0];
	_ =	sdelay $0x2  }
0xb9: {  	s31 =	sshll.u32 s1, $0xD;
	s1 =	sshrl.u32 s1, $0x2  }
0xba: {  	s3 =	sand.u32 $0x4000, s31;
	s1 =	sadd.s32 s1, s30  }
0xbb: {  	s0 =	sor.u32 s3, s0;
	s1 =	sshll.u32 s1, $0x11  }
0xbc: {  	s0 =	sor.u32 s1, s0  }
0xbd: {  	s0 =	sadd.s32 $0x8F2B, s0  }
0xbe: {  	[sflag:s0] =	ssyncadd.remote.s32 $0x1  }
0xbf: {  	_ =	sfence.sel $0xFFFF  }
0xc0: {  	[dreg:$0x0] =	wrdreg $0xFFFFFFFF;
	(pc) =	sbr.abs _section_cstart, $3  }
0xc1: {  	[dreg:$0x1] =	wrdreg $0xFFFFFFFF  }
0xc2: {  	_ =	task.clear_ibuf [dreg:s7], $0x2FFFF;
	_ =	strace $0x9FFFFFFF  }
0xc3: {  	(tm) =	ssettm $0x7FFFFFFF  }
tec
execute0_lowered:
.L_overlay_start_1:
0x0: {  	(tag) =	ssettag $0x1  }
0x1: {  	s0 =	rddreg [dreg:$0x0]  }
0x2: {  	s1 =	rddreg [dreg:$0x1]  }
0x3: {  	s2 =	rddreg [dreg:$0x2];
	s3 =	simm.s32 $0x0;
	s4 =	srdreg.scid  }
0x4: {  	s13 =	stileid.u32;
	s28 =	simm.s32 $0x2;
	s31 =	simm.s32 $0x4  }
0x5: {  	s29 =	simm.s32 $0x6;
	[smem:$0x7FF] =	sst s3;
	s8 =	smul.u32 $0x4E000, s13  }
0x6: {  	s5 =	sadd.s32 $0xBC00, s0;
	s6 =	sadd.s32 $0x32E00, s0;
	s4 =	sand.u32 $0x1, s4  }
0x7: {  	s7 =	sadd.s32 $0x1E00, s0;
	s0 =	sadd.s32 $0x5A000, s0;
	s8 =	sshrl.u32 s8, $0x2  }
0x8: {  	s24 =	smul.u32 $0x13800, s13;
	p0 =	sne.s32 s13, $0xF;
	s16 =	sadd.s32 s8, s2  }
0x9: {  	_ =	strace $0x80000047;
	s8 =	sadd.s32 $0x1400, s16;
	[dreg:$0x4] =	wrdreg s16  }
0xa: {  	s9 =	ssub.s32 $0x2, s4;
	s17 =	sadd.s32 $0x2800, s16;
	[dreg:$0x5] =	wrdreg s8  }
0xb: {  	s11 =	sshll.u32 s4, $0x4;
	s19 =	sadd.s32 $0x3C00, s16;
	[dreg:$0x6] =	wrdreg s17  }
0xc: {  	s4 =	smul.u32 $0x138800, s4;
	s20 =	sadd.s32 $0x5000, s16;
	[dreg:$0x7] =	wrdreg s19  }
0xd: {  	s15 =	sor.u32 s13, s11;
	s21 =	sadd.s32 $0x6400, s16;
	[dreg:$0x8] =	wrdreg s20  }
0xe: {  	s18 =	smul.u32 $0x2710, s15;
	s15 =	sadd.s32 $0x7800, s16;
	[dreg:$0x9] =	wrdreg s21  }
0xf: {  	s30 =	sadd.s32 s24, s4;
	s24 =	sadd.s32 $0xF000, s16;
	[dreg:$0x14] =	wrdreg s15  }
0x10: {  	s10 =	sshrl.u32 s9, $0x1;
	s17 =	sadd.s32 $0x8C00, s16;
	[dreg:$0x1a] =	wrdreg s24  }
0x11: {  	s9 =	ssub.s32 s9, s10;
	s19 =	sadd.s32 $0xB400, s16;
	[dreg:$0x15] =	wrdreg s17  }
0x12: {  	s22 =	sshrl.u32 s18, $0x3;
	s21 =	sadd.s32 $0xC800, s16;
	[dreg:$0x17] =	wrdreg s19  }
0x13: {  	s4 =	sshrl.u32 s4, $0x3;
	s12 =	sadd.s32 s7, s22;
	[dreg:$0x18] =	wrdreg s21  }
0x14: {  	s23 =	sadd.s32 $0x28, s18;
	s14 =	sadd.s32 s1, s22;
	[dreg:$0xa] =	wrdreg s12  }
0x15: {  	s11 =	sshrl.u32 s23, $0x3;
	s23 =	sadd.s32 $0xDC00, s16;
	[dreg:$0xb] =	wrdreg s14  }
0x16: {  	s20 =	sadd.s32 $0x78, s18;
	s25 =	sadd.s32 s7, s11;
	[dreg:$0x19] =	wrdreg s23  }
0x17: {  	s10 =	sadd.s32 $0xA, s22;
	s11 =	sadd.s32 s1, s11;
	[dreg:$0xc] =	wrdreg s25  }
0x18: {  	s15 =	simm.s32 $0x180;
	s26 =	sadd.s32 s7, s10;
	[dreg:$0xd] =	wrdreg s11  }
0x19: {  	s24 =	simm.s32 $0x28;
	s10 =	sadd.s32 s1, s10;
	[dreg:$0xe] =	wrdreg s26  }
0x1a: {  	s22 =	sadd.s32 $0xA0, s18;
	s12 =	sadd.s32 $0xC8, s18;
	[dreg:$0xf] =	wrdreg s10  }
0x1b: {  	s19 =	simm.s32 $0x280;
	s14 =	smax.u32 s9, $0x1;
	[dreg:$0x11] =	wrdreg s12  }
0x1c: {  	s21 =	simm.s32 $0x1;
	s18 =	sadd.s32 $0xA000, s16;
	[dreg:$0x13] =	wrdreg s14  }
0x1d: {  	s9 =	simm.s32 $0x0;
	[dreg:$0x16] =	wrdreg s18;
	s25 =	sadd.s32 $0x10400, s16  }
0x1e: {  	s11 =	sshrl.u32 s30, $0x3;
	s26 =	sadd.s32 $0x11800, s16;
	[dreg:$0x1b] =	wrdreg s25  }
0x1f: {  	s30 =	sadd.s32 $0x12C00, s16;
	s12 =	sadd.s32 $0x138000, s2;
	[dreg:$0x1c] =	wrdreg s26  }
0x20: {  	s14 =	simm.s32 $0xA;
	s18 =	simm.s32 $0x100;
	[dreg:$0x1d] =	wrdreg s30  }
0x21: {  	v1 =	vlaneseq.u32;
	s10 =	sadd.s32 s0, s11;
	s0 =	sadd.s32 s0, s4;
	[dreg:$0x1e] =	wrdreg s12  }
0x22: {  	v0 =	vimm.f32 $0.0e+00;
	v1 =	vshrl.u32 v1, $0x3;
	s4 =	simm.s32 $0x3;
	[dreg:$0x10] =	wrdreg s10;
	s0 =	sadd.s32 $0x27000, s0  }
0x23: {  	v2 =	vor.u32 $0x2, v1;
	v3 =	vor.u32 $0x4, v1;
	v4 =	vor.u32 $0x6, v1;
	s11 =	simm.s32 $0x5;
	s10 =	simm.s32 $0x9;
	[dreg:$0x12] =	wrdreg s0  }
.LBB2_1:
0x24: {  	[dreg:$0x1f] =	wrdreg s9;
	s0 =	simm.s32 $0x0;
	s8 =	simm.s32 $0x200  }
.LBB2_2:
0x25: {  	p1 =	sne.s32 s8, $0x4E00;
	[tilespmem:s0+$0xA4C0] =	vst v0  }
0x26: {  	[tilespmem:s0+$0x7C80] =	vst v0  }
0x27: {  	[tilespmem:s0+$0x9080] =	vst v0  }
0x28: {  	[tilespmem:s0+$0xA480] =	vst v0  }
0x29: {  	[tilespmem:s0+$0x7C90] =	vst v0  }
0x2a: {  	[tilespmem:s0+$0x9090] =	vst v0  }
0x2b: {  	[tilespmem:s0+$0xA490] =	vst v0  }
0x2c: {  	[tilespmem:s0+$0x7CA0] =	vst v0  }
0x2d: {  	[tilespmem:s0+$0x90A0] =	vst v0  }
0x2e: {  	[tilespmem:s0+$0xA4A0] =	vst v0  }
.Ltmp0:
0x2f: {  	[tilespmem:s0+$0x7CB0] =	vst v0;
	(pc) =	sbr.rel @p1 .LBB2_2-.Ltmp0, $4  }
0x30: {  	[tilespmem:s0+$0x90B0] =	vst v0  }
0x31: {  	[tilespmem:s0+$0xA4B0] =	vst v0  }
0x32: {  	[tilespmem:s0+$0x7CC0] =	vst v0  }
0x33: {  	[tilespmem:s0+$0x90C0] =	vst v0;
	s0 =	sshra.s32 s8, $0x2;
	s8 =	sadd.s32 $0x200, s8  }
0x34: {  	[tilespmem:s0+$0xA4C0] =	vst v0  }
0x35: {  	[tilespmem:s0+$0x7C80] =	vst v0  }
0x36: {  	[tilespmem:s0+$0x9080] =	vst v0  }
0x37: {  	[tilespmem:s0+$0xA480] =	vst v0  }
0x38: {  	[tilespmem:s0+$0x7C90] =	vst v0  }
0x39: {  	[tilespmem:s0+$0x9090] =	vst v0  }
0x3a: {  	[tilespmem:s0+$0xA490] =	vst v0  }
0x3b: {  	[tilespmem:s0+$0x7CA0] =	vst v0  }
0x3c: {  	[tilespmem:s0+$0x90A0] =	vst v0  }
0x3d: {  	[tilespmem:s0+$0xA4A0] =	vst v0  }
0x3e: {  	[tilespmem:s0+$0x7CB0] =	vst v0  }
0x3f: {  	[tilespmem:s0+$0x90B0] =	vst v0  }
0x40: {  	[tilespmem:s0+$0xA4B0] =	vst v0  }
0x41: {  	[tilespmem:s0+$0x7CC0] =	vst v0  }
0x42: {  	[tilespmem:s0+$0x90C0] =	vst v0;
	s8 =	simm.s32 $0x7C80  }
0x43: {  	[spmem:s16] =	stream.linear.scatter [tilespmem:s8], [sflag:$0xA], $0x1400, $0x38;
	[tilespmem:$0x17BD0] =	vst v63  }
0x44: {  	_ =	swait.ge [sflag:s14], $0x1400  }
0x45: {  	[sflag:s14] =	ssyncset.done $0x0  }
0x46: {  	s25 =	rddreg [dreg:$0x5];
	[sflag:s14] =	ssyncadd.s32 $0xFFFFEC00  }
0x47: {  	[spmem:s25] =	stream.linear.scatter [tilespmem:s8], [sflag:$0xA], $0x1400, $0x38;
	[tilespmem:$0x17BD0] =	vst v63  }
0x48: {  	_ =	swait.ge [sflag:s14], $0x1400  }
0x49: {  	[sflag:s14] =	ssyncset.done $0x0  }
0x4a: {  	s26 =	rddreg [dreg:$0x6];
	[sflag:s14] =	ssyncadd.s32 $0xFFFFEC00  }
0x4b: {  	[spmem:s26] =	stream.linear.scatter [tilespmem:s8], [sflag:$0xA], $0x1400, $0x38;
	[tilespmem:$0x17BD0] =	vst v63  }
0x4c: {  	_ =	swait.ge [sflag:s14], $0x1400  }
0x4d: {  	[sflag:s14] =	ssyncset.done $0x0  }
0x4e: {  	s30 =	rddreg [dreg:$0x7];
	[sflag:s14] =	ssyncadd.s32 $0xFFFFEC00  }
0x4f: {  	[spmem:s30] =	stream.linear.scatter [tilespmem:s8], [sflag:$0xA], $0x1400, $0x38;
	[tilespmem:$0x17BD0] =	vst v63  }
0x50: {  	_ =	swait.ge [sflag:s14], $0x1400  }
0x51: {  	[sflag:s14] =	ssyncset.done $0x0  }
0x52: {  	s9 =	rddreg [dreg:$0x8];
	[sflag:s14] =	ssyncadd.s32 $0xFFFFEC00  }
0x53: {  	[spmem:s9] =	stream.linear.scatter [tilespmem:s8], [sflag:$0xA], $0x1400, $0x38;
	[tilespmem:$0x17BD0] =	vst v63  }
0x54: {  	_ =	swait.ge [sflag:s14], $0x1400  }
0x55: {  	[sflag:s14] =	ssyncset.done $0x0  }
0x56: {  	s13 =	rddreg [dreg:$0x9];
	[sflag:s14] =	ssyncadd.s32 $0xFFFFEC00  }
0x57: {  	[spmem:s13] =	stream.linear.scatter [tilespmem:s8], [sflag:$0xA], $0x1400, $0x38;
	[tilespmem:$0x17BD0] =	vst v63  }
0x58: {  	_ =	swait.ge [sflag:s14], $0x1400  }
0x59: {  	[sflag:s14] =	ssyncset.done $0x0  }
0x5a: {  	s16 =	rddreg [dreg:$0x14];
	[sflag:s14] =	ssyncadd.s32 $0xFFFFEC00  }
0x5b: {  	[spmem:s16] =	stream.linear.scatter [tilespmem:s8], [sflag:$0xA], $0x1400, $0x38;
	[tilespmem:$0x17BD0] =	vst v63  }
0x5c: {  	_ =	swait.ge [sflag:s14], $0x1400  }
0x5d: {  	[sflag:s14] =	ssyncset.done $0x0  }
0x5e: {  	s17 =	rddreg [dreg:$0x15];
	[sflag:s14] =	ssyncadd.s32 $0xFFFFEC00  }
0x5f: {  	[spmem:s17] =	stream.linear.scatter [tilespmem:s8], [sflag:$0xA], $0x1400, $0x38;
	[tilespmem:$0x17BD0] =	vst v63  }
0x60: {  	_ =	swait.ge [sflag:s14], $0x1400  }
0x61: {  	[sflag:s14] =	ssyncset.done $0x0  }
0x62: {  	s23 =	rddreg [dreg:$0x16];
	[sflag:s14] =	ssyncadd.s32 $0xFFFFEC00  }
0x63: {  	[spmem:s23] =	stream.linear.scatter [tilespmem:s8], [sflag:$0xA], $0x1400, $0x38;
	[tilespmem:$0x17BD0] =	vst v63  }
0x64: {  	_ =	swait.ge [sflag:s14], $0x1400  }
0x65: {  	[sflag:s14] =	ssyncset.done $0x0  }
0x66: {  	s25 =	rddreg [dreg:$0x17];
	[sflag:s14] =	ssyncadd.s32 $0xFFFFEC00  }
0x67: {  	[spmem:s25] =	stream.linear.scatter [tilespmem:s8], [sflag:$0xA], $0x1400, $0x38;
	[tilespmem:$0x17BD0] =	vst v63  }
0x68: {  	_ =	swait.ge [sflag:s14], $0x1400  }
0x69: {  	[sflag:s14] =	ssyncset.done $0x0  }
0x6a: {  	s26 =	rddreg [dreg:$0x18];
	[sflag:s14] =	ssyncadd.s32 $0xFFFFEC00  }
0x6b: {  	[spmem:s26] =	stream.linear.scatter [tilespmem:s8], [sflag:$0xA], $0x1400, $0x38;
	[tilespmem:$0x17BD0] =	vst v63  }
0x6c: {  	_ =	swait.ge [sflag:s14], $0x1400  }
0x6d: {  	[sflag:s14] =	ssyncset.done $0x0  }
0x6e: {  	s30 =	rddreg [dreg:$0x19];
	[sflag:s14] =	ssyncadd.s32 $0xFFFFEC00  }
0x6f: {  	[spmem:s30] =	stream.linear.scatter [tilespmem:s8], [sflag:$0xA], $0x1400, $0x38;
	[tilespmem:$0x17BD0] =	vst v63  }
0x70: {  	_ =	swait.ge [sflag:s14], $0x1400  }
0x71: {  	[sflag:s14] =	ssyncset.done $0x0  }
0x72: {  	s9 =	rddreg [dreg:$0x1a];
	[sflag:s14] =	ssyncadd.s32 $0xFFFFEC00  }
0x73: {  	[spmem:s9] =	stream.linear.scatter [tilespmem:s8], [sflag:$0xA], $0x1400, $0x38;
	[tilespmem:$0x17BD0] =	vst v63  }
0x74: {  	_ =	swait.ge [sflag:s14], $0x1400  }
0x75: {  	[sflag:s14] =	ssyncset.done $0x0  }
0x76: {  	s13 =	rddreg [dreg:$0x1b];
	[sflag:s14] =	ssyncadd.s32 $0xFFFFEC00  }
0x77: {  	[spmem:s13] =	stream.linear.scatter [tilespmem:s8], [sflag:$0xA], $0x1400, $0x38;
	[tilespmem:$0x17BD0] =	vst v63  }
0x78: {  	_ =	swait.ge [sflag:s14], $0x1400  }
0x79: {  	[sflag:s14] =	ssyncset.done $0x0  }
0x7a: {  	s16 =	rddreg [dreg:$0x1c];
	[sflag:s14] =	ssyncadd.s32 $0xFFFFEC00  }
0x7b: {  	[spmem:s16] =	stream.linear.scatter [tilespmem:s8], [sflag:$0xA], $0x1400, $0x38;
	[tilespmem:$0x17BD0] =	vst v63  }
0x7c: {  	_ =	swait.ge [sflag:s14], $0x1400  }
0x7d: {  	[sflag:s14] =	ssyncset.done $0x0  }
0x7e: {  	s17 =	rddreg [dreg:$0x1d];
	[sflag:s14] =	ssyncadd.s32 $0xFFFFEC00  }
0x7f: {  	[spmem:s17] =	stream.linear.scatter [tilespmem:s8], [sflag:$0xA], $0xC00, $0x38;
	[tilespmem:$0x17BD0] =	vst v63  }
0x80: {  	_ =	swait.ge [sflag:s14], $0xC00  }
0x81: {  	[sflag:s14] =	ssyncset.done $0x0  }
0x82: {  	s0 =	simm.s32 @!p0 $0x7C80;
	[sflag:s14] =	ssyncadd.s32 $0xFFFFF400  }
0x83: {  	[spmem:s12] =	stream.linear.scatter @!p0 [tilespmem:s0], [sflag:$0xA], $0x800, $0x38;
	[tilespmem:$0x17BD0] =	vst v63  }
0x84: {  	s0 =	simm.s32 @!p0 $0xA  }
0x85: {  	_ =	swait.ge @!p0 [sflag:s0], $0x800  }
0x86: {  	[sflag:s0] =	ssyncset.done @!p0 $0x0  }
0x87: {  	[sflag:s0] =	ssyncadd.s32 @!p0 $0xFFFFF800  }
0x88: {  	[bflag:$0x0] =	sbarrier.arrive $0xFFFF  }
0x89: {  	s12 =	simm.s32 $0x0;
	s23 =	rddreg [dreg:$0xa]  }
0x8a: {  	[tilespmem:s12], [sflag:$0x1] =	stream.linear.gather [hbm4b:s23+s12], $0x28, $0x38;
	[tilespmem:$0x17BD0] =	vst v63  }
0x8b: {  	s25 =	rddreg [dreg:$0xb]  }
0x8c: {  	[tilespmem:s15], [sflag:$0x1] =	stream.linear.gather [hbm4b:s25+s12], $0x28, $0x38;
	[tilespmem:$0x17BD0] =	vst v63  }
0x8d: {  	s30 =	simm.s32 $0x80;
	s26 =	rddreg [dreg:$0xc]  }
0x8e: {  	[tilespmem:s30], [sflag:$0x2] =	stream.linear.gather [hbm4b:s26+s12], $0x28, $0x38;
	[tilespmem:$0x17BD0] =	vst v63  }
0x8f: {  	s9 =	simm.s32 $0x200;
	s13 =	rddreg [dreg:$0xd]  }
0x90: {  	[tilespmem:s9], [sflag:$0x2] =	stream.linear.gather [hbm4b:s13+s12], $0x28, $0x38;
	[tilespmem:$0x17BD0] =	vst v63  }
0x91: {  	s16 =	rddreg [dreg:$0xe]  }
0x92: {  	[tilespmem:s18], [sflag:$0x3] =	stream.linear.gather [hbm4b:s16+s12], $0x28, $0x38;
	[tilespmem:$0x17BD0] =	vst v63  }
0x93: {  	s17 =	rddreg [dreg:$0xf]  }
0x94: {  	[tilespmem:s19], [sflag:$0x3] =	stream.linear.gather [hbm4b:s17+s12], $0x28, $0x38;
	[tilespmem:$0x17BD0] =	vst v63  }
0x95: {  	_ =	swait.ge [sflag:s21], $0x28  }
0x96: {  	[sflag:s21] =	ssyncset.done $0x0  }
0x97: {  	[sflag:s21] =	ssyncadd.s32 $0xFFFFFFD8  }
0x98: {  	_ =	swait.ge [sflag:s21], $0x28  }
0x99: {  	[sflag:s21] =	ssyncset.done $0x0  }
0x9a: {  	s23 =	simm.s32 $0x480;
	[sflag:s21] =	ssyncadd.s32 $0xFFFFFFD8  }
0x9b: {  	[tilespmem:s23], [sflag:$0x4] =	stream.indirect.gather [hbm4b:s5+s24], $0x80, s12, s24, $0xb8;
	[tilespmem:$0x17BD0] =	vst v63  }
0x9c: {  	s25 =	simm.s32 $0x4080  }
0x9d: {  	[tilespmem:s25], [sflag:$0x4] =	stream.indirect.gather [hbm4b:s6+s24], $0x80, s15, s24, $0xb8;
	[tilespmem:$0x17BD0] =	vst v63  }
0x9e: {  	_ =	swait.ge [sflag:s28], $0x28  }
0x9f: {  	[sflag:s28] =	ssyncset.done $0x0  }
0xa0: {  	[sflag:s28] =	ssyncadd.s32 $0xFFFFFFD8  }
0xa1: {  	_ =	swait.ge [sflag:s28], $0x28  }
0xa2: {  	[sflag:s28] =	ssyncset.done $0x0  }
0xa3: {  	s26 =	simm.s32 $0x1880;
	[sflag:s28] =	ssyncadd.s32 $0xFFFFFFD8  }
0xa4: {  	[tilespmem:s26], [sflag:$0x5] =	stream.indirect.gather [hbm4b:s5+s24], $0x80, s30, s24, $0xb8;
	[tilespmem:$0x17BD0] =	vst v63  }
0xa5: {  	s8 =	simm.s32 $0x0;
	s30 =	simm.s32 $0x5480  }
0xa6: {  	[tilespmem:s30], [sflag:$0x5] =	stream.indirect.gather [hbm4b:s6+s24], $0x80, s9, s24, $0xb8;
	[tilespmem:$0x17BD0] =	vst v63  }
.LBB2_4:
0xa7: {  	_ =	swait.ge [sflag:s31], $0x1400  }
0xa8: {  	[sflag:s31] =	ssyncset.done $0x0  }
0xa9: {  	[sflag:s31] =	ssyncadd.s32 $0xFFFFEC00  }
0xaa: {  	_ =	swait.ge [sflag:s31], $0x1400  }
0xab: {  	p1 =	seq.s32 s8, $0x0;
	[sflag:s31] =	ssyncset.done $0x0  }
0xac: {  	s0 =	simm.s32 @!p1 $0x7;
	[sflag:s31] =	ssyncadd.s32 $0xFFFFEC00  }
0xad: {  	_ =	swait.ge @!p1 [sflag:s0], $0xC80  }
0xae: {  	[sflag:s0] =	ssyncset.done @!p1 $0x0  }
0xaf: {  	[sflag:s0] =	ssyncadd.s32 @!p1 $0xFFFFF380  }
0xb0: {  	v5 =	vld [tilespmem:$0x180]  }
0xb1: {  	v6 =	vld [tilespmem:$0x190]  }
0xb2: {  	v7 =	vld [tilespmem:$0x198]  }
0xb3: {  	s30 =	smul.u32 $0x78, s8;
	_ =	sdelay $0x1  }
0xb4: {  	s26 =	sadd.s32 s30, s20;
	[tilespmem:$0x300] =	vst v5  }
0xb5: {  	s0 =	sshrl.u32 s26, $0x3;
	[tilespmem:$0x310] =	vst v6  }
0xb6: {  	s9 =	sadd.s32 s7, s0;
	[tilespmem:$0x318] =	vst v7  }
0xb7: {  	[tilespmem:s12], [sflag:$0x1] =	stream.linear.gather [hbm4b:s9+s12], $0x28, $0x38;
	[tilespmem:$0x17BD0] =	vst v63  }
0xb8: {  	s26 =	simm.s32 $0x0;
	s0 =	sadd.s32 s1, s0  }
0xb9: {  	[tilespmem:s15], [sflag:$0x1] =	stream.linear.gather [hbm4b:s0+s12], $0x28, $0x38;
	[tilespmem:$0x17BD0] =	vst v63  }
0xba: {  	v5 =	vld [tilespmem:s26+$0x4C0]  }
0xbb: {  	v6 =	vld [tilespmem:s26+$0x4080];
	_ =	sdelay $0x4  }
0xbc: {  	v5 =	vadd.f32 v6, v5;
	_ =	sdelay $0x1  }
0xbd: {  	s25 =	simm.s32 $0x80;
	v6 =	vmul.f32 $2.000000030e-01, v5  }
0xbe: {  	v7 =	vld [tilespmem:s25+$0x4C0];
	vm0 =	vge.f32 v5, $0.0e+00  }
0xbf: {  	v9 =	vld [tilespmem:s25+$0x4080];
	v5 =	vsel vm0, v5, v6  }
0xc0: {  	v5 =	vmul.f32 $1.442695020e+00, v5  }
0xc1: {  	s17 =	simm.s32 $0x100  }
0xc2: {  	v10 =	vld [tilespmem:s17+$0x4C0];
	(erf) = vpow2.f32 v5  }
0xc3: {  	v11 =	vld [tilespmem:s17+$0x4080]  }
0xc4: {  	v9 =	vadd.f32 v9, v7  }
0xc5: {  	v19 =	vld [tilespmem:s26+$0x4B0]  }
0xc6: {  	s9 =	simm.s32 $0x180;
	v8 =	vld [tilespmem:s25+$0x4B0];
	v12 =	vmul.f32 $2.000000030e-01, v9  }
0xc7: {  	v13 =	vld [tilespmem:s9+$0x4080];
	vm13 =	vge.f32 v9, $0.0e+00  }
0xc8: {  	v14 =	vld [tilespmem:s26+$0x4A0];
	v10 =	vadd.f32 v11, v10;
	v9 =	vsel vm13, v9, v12  }
0xc9: {  	v17 =	vmul.f32 $1.442695020e+00, v9;
	v5 =	vld [tilespmem:s9+$0x4C0]  }
0xca: {  	v15 =	vld [tilespmem:s26+$0x490];
	v11 =	vmul.f32 $2.000000030e-01, v10  }
0xcb: {  	v7 =	vld [tilespmem:s9+$0x4B0];
	vm14 =	vge.f32 v10, $0.0e+00;
	v16 =	vpop (erf);
	(erf) = vpow2.f32 v17  }
0xcc: {  	v6 =	vld [tilespmem:s17+$0x4B0];
	v10 =	vsel vm14, v10, v11  }
0xcd: {  	s16 =	simm.s32 $0x200;
	v12 =	vld [tilespmem:s26+$0x480];
	v10 =	vmul.f32 $1.442695020e+00, v10  }
0xce: {  	v9 =	vld [tilespmem:s16+$0x4C0];
	v11 =	vadd.f32 v13, v5  }
0xcf: {  	v13 =	vld [tilespmem:s16+$0x4080];
	[tilespmem:s26+$0x7CC0] =	vst v16;
	(erf) = vpow2.f32 v10  }
0xd0: {  	v17 =	vmul.f32 $2.000000030e-01, v11;
	v21 =	vperm.xlane v16, v4;
	v5 =	vld [tilespmem:s16+$0x4B0]  }
0xd1: {  	vm15 =	vge.f32 v11, $0.0e+00;
	v18 =	vperm.xlane v16, v3;
	v10 =	vld [tilespmem:s25+$0x4A0]  }
0xd2: {  	s0 =	simm.s32 $0xA00;
	v20 =	vperm.xlane v16, v1;
	v17 =	vsel vm15, v11, v17;
	v11 =	vld [tilespmem:s25+$0x490];
	v19 =	vmul.f32 v19, v21  }
.LBB2_5:
0xd3: {  	s23 =	sshra.s32 s0, $0x2;
	p2 =	sne.s32 s0, $0x4E00;
	s0 =	sadd.s32 $0x200, s0;
	v21 =	vperm.xlane v16, v2;
	v22 =	vmovc v12;
	v12 =	vld [tilespmem:s25+$0x480];
	v23 =	vmovc v8;
	v8 =	vmov v6;
	v6 =	vmov v7  }
.Ltmp1:
0xd4: {  	s13 =	smov.u32 s9;
	s9 =	smov.u32 s16;
	v24 =	vadd.f32 v13, v9;
	v9 =	vld [tilespmem:s23+$0x4C0];
	v16 =	vpop (erf);
	v20 =	vmul.f32 v22, v20;
	v22 =	vmul.f32 v14, v18;
	[tilespmem:s26+$0x7CB0] =	vst v19;
	(pc) =	sbr.rel @p2 .LBB2_5-.Ltmp1, $4  }
0xd5: {  	v17 =	vmul.f32 $1.442695020e+00, v17;
	s16 =	smov.u32 s23;
	v13 =	vld [tilespmem:s23+$0x4080];
	[tilespmem:s25+$0x7CC0] =	vst v16;
	v25 =	vmul.f32 v15, v21;
	v7 =	vmov v5  }
0xd6: {  	v21 =	vperm.xlane v16, v4;
	v5 =	vld [tilespmem:s16+$0x4B0];
	v19 =	vmul.f32 $2.000000030e-01, v24;
	[tilespmem:s26+$0x7C80] =	vst v20;
	v14 =	vmov v10  }
0xd7: {  	v18 =	vperm.xlane v16, v3;
	vm0 =	vge.f32 v24, $0.0e+00;
	(erf) = vpow2.f32 v17;
	v10 =	vld [tilespmem:s17+$0x4A0];
	[tilespmem:s26+$0x7C90] =	vst v25;
	v15 =	vmovc v11  }
0xd8: {  	v20 =	vperm.xlane v16, v1;
	v17 =	vsel vm0, v24, v19;
	v11 =	vld [tilespmem:s17+$0x490];
	v19 =	vmul.f32 v23, v21;
	[tilespmem:s26+$0x7CA0] =	vst v22;
	s26 =	smov.u32 s25;
	s25 =	smov.u32 s17;
	s17 =	smov.u32 s13  }
0xd9: {  	v16 =	vperm.xlane v16, v2  }
0xda: {  	v21 =	vld [tilespmem:s25+$0x480];
	v12 =	vmul.f32 v12, v20;
	v20 =	vpop (erf);
	[tilespmem:s26+$0x7CB0] =	vst v19  }
0xdb: {  	[tilespmem:s25+$0x7CC0] =	vst v20;
	v15 =	vmul.f32 v15, v16  }
0xdc: {  	v16 =	vperm.xlane v20, v4;
	[tilespmem:s26+$0x7C80] =	vst v12  }
0xdd: {  	v14 =	vmul.f32 v14, v18;
	v12 =	vld [tilespmem:s17+$0x4A0];
	[tilespmem:s26+$0x7C90] =	vst v15;
	v15 =	vmul.f32 $1.442695020e+00, v17  }
0xde: {  	v9 =	vadd.f32 v13, v9;
	v8 =	vmul.f32 v8, v16  }
0xdf: {  	v17 =	vld [tilespmem:s17+$0x490];
	[tilespmem:s26+$0x7CA0] =	vst v14;
	(erf) = vpow2.f32 v15  }
0xe0: {  	v18 =	vperm.xlane v20, v1;
	v13 =	vld [tilespmem:s17+$0x480];
	[tilespmem:s25+$0x7CB0] =	vst v8;
	v8 =	vmul.f32 $2.000000030e-01, v9  }
0xe1: {  	vm0 =	vge.f32 v9, $0.0e+00;
	v14 =	vperm.xlane v20, v2  }
0xe2: {  	v16 =	vmul.f32 v21, v18;
	v18 =	vperm.xlane v20, v3;
	v8 =	vsel vm0, v9, v8  }
0xe3: {  	v11 =	vmul.f32 v11, v14;
	v15 =	vpop (erf);
	v8 =	vmul.f32 $1.442695020e+00, v8  }
0xe4: {  	v9 =	vmul.f32 v10, v18;
	[tilespmem:s17+$0x7CC0] =	vst v15;
	v10 =	vperm.xlane v15, v4  }
0xe5: {  	[tilespmem:s25+$0x7C80] =	vst v16;
	(erf) = vpow2.f32 v8  }
0xe6: {  	v16 =	vperm.xlane v15, v1;
	v14 =	vld [tilespmem:s9+$0x4A0];
	[tilespmem:s25+$0x7C90] =	vst v11;
	v6 =	vmul.f32 v6, v10  }
0xe7: {  	v11 =	vld [tilespmem:s9+$0x490];
	[tilespmem:s25+$0x7CA0] =	vst v9;
	v9 =	vperm.xlane v15, v2  }
0xe8: {  	v13 =	vmul.f32 v13, v16;
	v8 =	vld [tilespmem:s9+$0x480];
	[tilespmem:s17+$0x7CB0] =	vst v6;
	v6 =	vperm.xlane v15, v3;
	v10 =	vpop (erf)  }
0xe9: {  	v9 =	vmul.f32 v17, v9;
	[tilespmem:s9+$0x7CC0] =	vst v10  }
0xea: {  	v6 =	vmul.f32 v12, v6;
	v12 =	vperm.xlane v10, v4;
	[tilespmem:s17+$0x7C80] =	vst v13  }
0xeb: {  	v13 =	vld [tilespmem:s16+$0x4A0];
	[tilespmem:s17+$0x7C90] =	vst v9  }
0xec: {  	v15 =	vperm.xlane v10, v1;
	v7 =	vmul.f32 v7, v12;
	v9 =	vld [tilespmem:s16+$0x490];
	[tilespmem:s17+$0x7CA0] =	vst v6  }
0xed: {  	v12 =	vperm.xlane v10, v2;
	v6 =	vld [tilespmem:s16+$0x480]  }
0xee: {  	v10 =	vperm.xlane v10, v3;
	v8 =	vmul.f32 v8, v15;
	v16 =	vpop (erf);
	[tilespmem:s9+$0x7CB0] =	vst v7  }
0xef: {  	v7 =	vmul.f32 v11, v12;
	[tilespmem:s16+$0x7CC0] =	vst v16;
	v11 =	vperm.xlane v16, v4  }
0xf0: {  	v10 =	vmul.f32 v14, v10;
	[tilespmem:s9+$0x7C80] =	vst v8;
	v8 =	vperm.xlane v16, v1  }
0xf1: {  	[tilespmem:s9+$0x7C90] =	vst v7;
	v7 =	vperm.xlane v16, v2;
	v5 =	vmul.f32 v5, v11  }
0xf2: {  	[tilespmem:s9+$0x7CA0] =	vst v10;
	v11 =	vperm.xlane v16, v3;
	v6 =	vmul.f32 v6, v8  }
0xf3: {  	[tilespmem:s16+$0x7CB0] =	vst v5;
	v5 =	vmul.f32 v9, v7  }
0xf4: {  	v7 =	vmul.f32 v13, v11;
	[tilespmem:s16+$0x7C80] =	vst v6  }
0xf5: {  	[tilespmem:s16+$0x7C90] =	vst v5  }
0xf6: {  	s0 =	simm.s32 $0x7C80;
	s23 =	simm.s32 $0x300;
	[tilespmem:s16+$0x7CA0] =	vst v7  }
0xf7: {  	[spmem:s2] =	stream.indirect.scatter.add.f32 [tilespmem:s0], [sflag:$0x7], $0x50, s23, s24, $0xb8;
	[tilespmem:$0x17BD0] =	vst v63  }
0xf8: {  	_ =	swait.ge [sflag:s4], $0x28  }
0xf9: {  	[sflag:s4] =	ssyncset.done $0x0  }
0xfa: {  	[sflag:s4] =	ssyncadd.s32 $0xFFFFFFD8  }
0xfb: {  	_ =	swait.ge [sflag:s4], $0x28  }
0xfc: {  	[sflag:s4] =	ssyncset.done $0x0  }
0xfd: {  	s25 =	simm.s32 $0x2C80;
	[sflag:s4] =	ssyncadd.s32 $0xFFFFFFD8  }
0xfe: {  	[tilespmem:s25], [sflag:$0x6] =	stream.indirect.gather [hbm4b:s5+s24], $0x80, s18, s24, $0xb8;
	[tilespmem:$0x17BD0] =	vst v63  }
0xff: {  	s26 =	simm.s32 $0x6880  }
0x100: {  	[tilespmem:s26], [sflag:$0x6] =	stream.indirect.gather [hbm4b:s6+s24], $0x80, s19, s24, $0xb8;
	[tilespmem:$0x17BD0] =	vst v63  }
0x101: {  	_ =	swait.ge [sflag:s11], $0x1400  }
0x102: {  	[sflag:s11] =	ssyncset.done $0x0  }
0x103: {  	[sflag:s11] =	ssyncadd.s32 $0xFFFFEC00  }
0x104: {  	_ =	swait.ge [sflag:s11], $0x1400  }
0x105: {  	[sflag:s11] =	ssyncset.done $0x0  }
0x106: {  	s0 =	simm.s32 @!p1 $0x8;
	[sflag:s11] =	ssyncadd.s32 $0xFFFFEC00  }
0x107: {  	_ =	swait.ge @!p1 [sflag:s0], $0xC80  }
0x108: {  	[sflag:s0] =	ssyncset.done @!p1 $0x0  }
0x109: {  	[sflag:s0] =	ssyncadd.s32 @!p1 $0xFFFFF380  }
0x10a: {  	v5 =	vld [tilespmem:$0x200]  }
0x10b: {  	v6 =	vld [tilespmem:$0x210]  }
0x10c: {  	v7 =	vld [tilespmem:$0x218];
	_ =	sdelay $0x1  }
0x10d: {  	p1 =	seq.s32 s8, $0x52  }
0x10e: {  	s0 =	sadd.s32 @!p1 s30, s22;
	[tilespmem:$0x380] =	vst v5  }
0x10f: {  	s0 =	sshrl.u32 @!p1 s0, $0x3;
	[tilespmem:$0x390] =	vst v6  }
0x110: {  	s13 =	simm.s32 @!p1 $0x0;
	s16 =	simm.s32 @!p1 $0x80;
	s9 =	sadd.s32 @!p1 s7, s0;
	[tilespmem:$0x398] =	vst v7  }
0x111: {  	[tilespmem:s16], [sflag:$0x2] =	stream.linear.gather @!p1 [hbm4b:s9+s13], $0x28, $0x38;
	[tilespmem:$0x17BD0] =	vst v63  }
0x112: {  	s26 =	simm.s32 $0x0;
	s0 =	sadd.s32 @!p1 s1, s0;
	s9 =	simm.s32 @!p1 $0x200  }
0x113: {  	[tilespmem:s9], [sflag:$0x2] =	stream.linear.gather @!p1 [hbm4b:s0+s13], $0x28, $0x38;
	[tilespmem:$0x17BD0] =	vst v63  }
0x114: {  	v5 =	vld [tilespmem:s26+$0x18C0]  }
0x115: {  	v6 =	vld [tilespmem:s26+$0x5480];
	_ =	sdelay $0x3  }
0x116: {  	s25 =	simm.s32 $0x80  }
0x117: {  	v7 =	vld [tilespmem:s25+$0x18C0];
	v5 =	vadd.f32 v6, v5  }
0x118: {  	v9 =	vld [tilespmem:s25+$0x5480]  }
0x119: {  	v6 =	vmul.f32 $2.000000030e-01, v5  }
0x11a: {  	s17 =	simm.s32 $0x100;
	vm12 =	vge.f32 v5, $0.0e+00  }
0x11b: {  	v10 =	vld [tilespmem:s17+$0x18C0];
	v5 =	vsel vm12, v5, v6  }
0x11c: {  	v11 =	vld [tilespmem:s17+$0x5480];
	v5 =	vmul.f32 $1.442695020e+00, v5  }
0x11d: {  	v9 =	vadd.f32 v9, v7  }
0x11e: {  	v19 =	vld [tilespmem:s26+$0x18B0];
	(erf) = vpow2.f32 v5  }
0x11f: {  	s9 =	simm.s32 $0x180;
	v8 =	vld [tilespmem:s25+$0x18B0];
	v12 =	vmul.f32 $2.000000030e-01, v9  }
0x120: {  	v13 =	vld [tilespmem:s9+$0x5480];
	vm13 =	vge.f32 v9, $0.0e+00  }
0x121: {  	v14 =	vld [tilespmem:s26+$0x18A0];
	v10 =	vadd.f32 v11, v10;
	v9 =	vsel vm13, v9, v12  }
0x122: {  	v17 =	vmul.f32 $1.442695020e+00, v9;
	v5 =	vld [tilespmem:s9+$0x18C0]  }
0x123: {  	v15 =	vld [tilespmem:s26+$0x1890];
	v11 =	vmul.f32 $2.000000030e-01, v10  }
0x124: {  	v7 =	vld [tilespmem:s9+$0x18B0];
	vm14 =	vge.f32 v10, $0.0e+00;
	(erf) = vpow2.f32 v17  }
0x125: {  	v6 =	vld [tilespmem:s17+$0x18B0];
	v10 =	vsel vm14, v10, v11  }
0x126: {  	s16 =	simm.s32 $0x200;
	v12 =	vld [tilespmem:s26+$0x1880];
	v10 =	vmul.f32 $1.442695020e+00, v10  }
0x127: {  	v9 =	vld [tilespmem:s16+$0x18C0];
	v11 =	vadd.f32 v13, v5;
	v16 =	vpop (erf)  }
0x128: {  	v13 =	vld [tilespmem:s16+$0x5480];
	(erf) = vpow2.f32 v10;
	[tilespmem:s26+$0x90C0] =	vst v16  }
0x129: {  	v17 =	vmul.f32 $2.000000030e-01, v11;
	v21 =	vperm.xlane v16, v4;
	v5 =	vld [tilespmem:s16+$0x18B0]  }
0x12a: {  	vm15 =	vge.f32 v11, $0.0e+00;
	v18 =	vperm.xlane v16, v3;
	v10 =	vld [tilespmem:s25+$0x18A0]  }
0x12b: {  	s0 =	simm.s32 $0xA00;
	v17 =	vsel vm15, v11, v17;
	v20 =	vperm.xlane v16, v1;
	v11 =	vld [tilespmem:s25+$0x1890];
	v19 =	vmul.f32 v19, v21  }
.LBB2_7:
0x12c: {  	s13 =	sshra.s32 s0, $0x2;
	p2 =	sne.s32 s0, $0x4E00;
	s0 =	sadd.s32 $0x200, s0;
	v21 =	vperm.xlane v16, v2;
	v22 =	vmovc v12;
	v12 =	vld [tilespmem:s25+$0x1880];
	v23 =	vmovc v8;
	v8 =	vmov v6;
	v6 =	vmov v7  }
.Ltmp2:
0x12d: {  	s23 =	smov.u32 s9;
	s9 =	smov.u32 s16;
	v24 =	vadd.f32 v13, v9;
	v9 =	vld [tilespmem:s13+$0x18C0];
	v16 =	vpop (erf);
	v20 =	vmul.f32 v22, v20;
	v22 =	vmul.f32 v14, v18;
	[tilespmem:s26+$0x90B0] =	vst v19;
	(pc) =	sbr.rel @p2 .LBB2_7-.Ltmp2, $4  }
0x12e: {  	v17 =	vmul.f32 $1.442695020e+00, v17;
	s16 =	smov.u32 s13;
	v13 =	vld [tilespmem:s13+$0x5480];
	[tilespmem:s25+$0x90C0] =	vst v16;
	v25 =	vmul.f32 v15, v21;
	v7 =	vmov v5  }
0x12f: {  	v21 =	vperm.xlane v16, v4;
	v5 =	vld [tilespmem:s16+$0x18B0];
	v19 =	vmul.f32 $2.000000030e-01, v24;
	[tilespmem:s26+$0x9080] =	vst v20;
	v14 =	vmov v10  }
0x130: {  	v18 =	vperm.xlane v16, v3;
	vm0 =	vge.f32 v24, $0.0e+00;
	(erf) = vpow2.f32 v17;
	v10 =	vld [tilespmem:s17+$0x18A0];
	[tilespmem:s26+$0x9090] =	vst v25;
	v15 =	vmovc v11  }
0x131: {  	v20 =	vperm.xlane v16, v1;
	v17 =	vsel vm0, v24, v19;
	v11 =	vld [tilespmem:s17+$0x1890];
	v19 =	vmul.f32 v23, v21;
	[tilespmem:s26+$0x90A0] =	vst v22;
	s26 =	smov.u32 s25;
	s25 =	smov.u32 s17;
	s17 =	smov.u32 s23  }
0x132: {  	v16 =	vperm.xlane v16, v2  }
0x133: {  	v21 =	vld [tilespmem:s25+$0x1880];
	v39 =	vpop (erf);
	v41 =	vmul.f32 $1.442695020e+00, v17;
	v12 =	vmul.f32 v12, v20;
	[tilespmem:s26+$0x90B0] =	vst v19  }
0x134: {  	v40 =	vperm.xlane v39, v4;
	v9 =	vadd.f32 v13, v9;
	[tilespmem:s25+$0x90C0] =	vst v39;
	v15 =	vmul.f32 v15, v16  }
0x135: {  	v14 =	vmul.f32 v14, v18;
	(erf) = vpow2.f32 v41;
	[tilespmem:s26+$0x9080] =	vst v12  }
0x136: {  	v8 =	vmul.f32 v8, v40;
	v48 =	vmul.f32 $2.000000030e-01, v9;
	v12 =	vld [tilespmem:s17+$0x18A0];
	[tilespmem:s26+$0x9090] =	vst v15  }
0x137: {  	v43 =	vperm.xlane v39, v1;
	vm0 =	vge.f32 v9, $0.0e+00;
	v42 =	vld [tilespmem:s17+$0x1890];
	[tilespmem:s26+$0x90A0] =	vst v14  }
0x138: {  	v45 =	vperm.xlane v39, v2;
	v49 =	vperm.xlane v39, v3;
	v44 =	vld [tilespmem:s17+$0x1880];
	[tilespmem:s25+$0x90B0] =	vst v8;
	v8 =	vsel vm0, v9, v48  }
0x139: {  	v47 =	vmul.f32 v21, v43;
	v46 =	vpop (erf);
	v8 =	vmul.f32 $1.442695020e+00, v8  }
0x13a: {  	v11 =	vmul.f32 v11, v45;
	[tilespmem:s17+$0x90C0] =	vst v46;
	v52 =	vperm.xlane v46, v4  }
0x13b: {  	v51 =	vmul.f32 v10, v49;
	[tilespmem:s25+$0x9080] =	vst v47;
	(erf) = vpow2.f32 v8  }
0x13c: {  	v53 =	vperm.xlane v46, v1;
	v50 =	vld [tilespmem:s9+$0x18A0];
	[tilespmem:s25+$0x9090] =	vst v11;
	v6 =	vmul.f32 v6, v52  }
0x13d: {  	v55 =	vperm.xlane v46, v2;
	v11 =	vld [tilespmem:s9+$0x1890];
	[tilespmem:s25+$0x90A0] =	vst v51  }
0x13e: {  	v56 =	vpop (erf);
	v13 =	vmul.f32 v44, v53;
	v54 =	vld [tilespmem:s9+$0x1880];
	[tilespmem:s17+$0x90B0] =	vst v6;
	v6 =	vperm.xlane v46, v3  }
0x13f: {  	v9 =	vmul.f32 v42, v55;
	[tilespmem:s9+$0x90C0] =	vst v56  }
0x140: {  	v57 =	vperm.xlane v56, v4;
	[tilespmem:s17+$0x9080] =	vst v13;
	v6 =	vmul.f32 v12, v6  }
0x141: {  	v13 =	vld [tilespmem:s16+$0x18A0];
	[tilespmem:s17+$0x9090] =	vst v9  }
0x142: {  	v58 =	vperm.xlane v56, v1;
	v7 =	vmul.f32 v7, v57;
	v9 =	vld [tilespmem:s16+$0x1890];
	[tilespmem:s17+$0x90A0] =	vst v6  }
0x143: {  	v59 =	vperm.xlane v56, v2;
	v6 =	vld [tilespmem:s16+$0x1880]  }
0x144: {  	v10 =	vperm.xlane v56, v3;
	v8 =	vmul.f32 v54, v58;
	[tilespmem:s9+$0x90B0] =	vst v7;
	v60 =	vpop (erf)  }
0x145: {  	v7 =	vmul.f32 v11, v59;
	[tilespmem:s16+$0x90C0] =	vst v60;
	v61 =	vperm.xlane v60, v4  }
0x146: {  	v10 =	vmul.f32 v50, v10;
	v62 =	vperm.xlane v60, v1;
	[tilespmem:s9+$0x9080] =	vst v8  }
0x147: {  	[tilespmem:s9+$0x9090] =	vst v7;
	v7 =	vperm.xlane v60, v2;
	v5 =	vmul.f32 v5, v61  }
0x148: {  	v63 =	vperm.xlane v60, v3;
	[tilespmem:s9+$0x90A0] =	vst v10;
	v6 =	vmul.f32 v6, v62  }
0x149: {  	[tilespmem:s16+$0x90B0] =	vst v5;
	v5 =	vmul.f32 v9, v7  }
0x14a: {  	v7 =	vmul.f32 v13, v63;
	[tilespmem:s16+$0x9080] =	vst v6  }
0x14b: {  	[tilespmem:s16+$0x9090] =	vst v5  }
0x14c: {  	s0 =	simm.s32 $0x380;
	s23 =	simm.s32 $0x9080;
	[tilespmem:s16+$0x90A0] =	vst v7  }
0x14d: {  	[spmem:s2] =	stream.indirect.scatter.add.f32 [tilespmem:s23], [sflag:$0x8], $0x50, s0, s24, $0xb8;
	[tilespmem:$0x17BD0] =	vst v63  }
0x14e: {  	_ =	swait.ge [sflag:s21], $0x28  }
0x14f: {  	[sflag:s21] =	ssyncset.done $0x0  }
0x150: {  	[sflag:s21] =	ssyncadd.s32 $0xFFFFFFD8  }
0x151: {  	_ =	swait.ge [sflag:s21], $0x28  }
0x152: {  	[sflag:s21] =	ssyncset.done $0x0  }
0x153: {  	s25 =	simm.s32 $0x480;
	[sflag:s21] =	ssyncadd.s32 $0xFFFFFFD8  }
0x154: {  	[tilespmem:s25], [sflag:$0x4] =	stream.indirect.gather [hbm4b:s5+s24], $0x80, s3, s24, $0xb8;
	[tilespmem:$0x17BD0] =	vst v63  }
0x155: {  	s26 =	simm.s32 $0x4080  }
0x156: {  	[tilespmem:s26], [sflag:$0x4] =	stream.indirect.gather [hbm4b:s6+s24], $0x80, s15, s24, $0xb8;
	[tilespmem:$0x17BD0] =	vst v63  }
0x157: {  	p2 =	sne.s32 s8, $0x0;
	_ =	swait.ge [sflag:s29], $0x1400  }
.Ltmp3:
0x158: {  	[sflag:s29] =	ssyncset.done $0x0;
	(pc) =	sbr.rel @!p2 .LBB2_9-.Ltmp3, $4  }
0x159: {  	[sflag:s29] =	ssyncadd.s32 $0xFFFFEC00  }
0x15a: {  	_ =	swait.ge [sflag:s29], $0x1400  }
0x15b: {  	[sflag:s29] =	ssyncset.done $0x0  }
0x15c: {  	[sflag:s29] =	ssyncadd.s32 $0xFFFFEC00  }
0x15d: {  	_ =	swait.ge [sflag:s10], $0xC80  }
0x15e: {  	[sflag:s10] =	ssyncset.done $0x0  }
0x15f: {  	[sflag:s10] =	ssyncadd.s32 $0xFFFFF380  }
0x160: {  	v5 =	vld [tilespmem:$0x280]  }
0x161: {  	v6 =	vld [tilespmem:$0x290]  }
0x162: {  	v7 =	vld [tilespmem:$0x298]  }
.Ltmp4:
0x163: {  	_ = 	snop;
	(pc) =	sbr.rel @p1 .LBB2_12-.Ltmp4, $4  }
.Ltmp5:
0x164: {  	_ = 	snop;
	(pc) =	sbr.rel @!p1 .LBB2_11-.Ltmp5, $4  }
0x165: {  	[tilespmem:$0x400] =	vst v5  }
0x166: {  	[tilespmem:$0x410] =	vst v6  }
0x167: {  	[tilespmem:$0x418] =	vst v7  }
0x168: {  	_ = 	snop  }
.LBB2_9:
0x169: {  	v5 =	vld [tilespmem:$0x280]  }
0x16a: {  	v6 =	vld [tilespmem:$0x290]  }
0x16b: {  	v7 =	vld [tilespmem:$0x298];
	_ =	sdelay $0x2  }
0x16c: {  	[tilespmem:$0x400] =	vst v5  }
0x16d: {  	[tilespmem:$0x410] =	vst v6  }
0x16e: {  	[tilespmem:$0x418] =	vst v7  }
.LBB2_11:
0x16f: {  	s0 =	rddreg [dreg:$0x11]  }
0x170: {  	s0 =	sadd.s32 s30, s0  }
0x171: {  	s0 =	sshrl.u32 s0, $0x3  }
0x172: {  	s9 =	sadd.s32 s7, s0  }
0x173: {  	[tilespmem:s18], [sflag:$0x3] =	stream.linear.gather [hbm4b:s9+s3], $0x28, $0x38;
	[tilespmem:$0x17BD0] =	vst v63  }
0x174: {  	s0 =	sadd.s32 s1, s0  }
0x175: {  	[tilespmem:s19], [sflag:$0x3] =	stream.linear.gather [hbm4b:s0+s3], $0x28, $0x38;
	[tilespmem:$0x17BD0] =	vst v63  }
.LBB2_12:
0x176: {  	s26 =	simm.s32 $0x0  }
0x177: {  	v5 =	vld [tilespmem:s26+$0x2CC0]  }
0x178: {  	v6 =	vld [tilespmem:s26+$0x6880];
	_ =	sdelay $0x4  }
0x179: {  	v5 =	vadd.f32 v6, v5;
	_ =	sdelay $0x1  }
0x17a: {  	s25 =	simm.s32 $0x80;
	v6 =	vmul.f32 $2.000000030e-01, v5  }
0x17b: {  	v7 =	vld [tilespmem:s25+$0x2CC0];
	vm0 =	vge.f32 v5, $0.0e+00  }
0x17c: {  	v9 =	vld [tilespmem:s25+$0x6880];
	v5 =	vsel vm0, v5, v6  }
0x17d: {  	v5 =	vmul.f32 $1.442695020e+00, v5  }
0x17e: {  	s17 =	simm.s32 $0x100  }
0x17f: {  	v10 =	vld [tilespmem:s17+$0x2CC0];
	(erf) = vpow2.f32 v5  }
0x180: {  	v11 =	vld [tilespmem:s17+$0x6880]  }
0x181: {  	v9 =	vadd.f32 v9, v7  }
0x182: {  	v19 =	vld [tilespmem:s26+$0x2CB0]  }
0x183: {  	s9 =	simm.s32 $0x180;
	v8 =	vld [tilespmem:s25+$0x2CB0];
	v12 =	vmul.f32 $2.000000030e-01, v9  }
0x184: {  	v13 =	vld [tilespmem:s9+$0x6880];
	vm13 =	vge.f32 v9, $0.0e+00  }
0x185: {  	v14 =	vld [tilespmem:s26+$0x2CA0];
	v10 =	vadd.f32 v11, v10;
	v9 =	vsel vm13, v9, v12  }
0x186: {  	v17 =	vmul.f32 $1.442695020e+00, v9;
	v5 =	vld [tilespmem:s9+$0x2CC0]  }
0x187: {  	v15 =	vld [tilespmem:s26+$0x2C90];
	v11 =	vmul.f32 $2.000000030e-01, v10  }
0x188: {  	v7 =	vld [tilespmem:s9+$0x2CB0];
	vm14 =	vge.f32 v10, $0.0e+00;
	v16 =	vpop (erf);
	(erf) = vpow2.f32 v17  }
0x189: {  	v6 =	vld [tilespmem:s17+$0x2CB0];
	v10 =	vsel vm14, v10, v11  }
0x18a: {  	s16 =	simm.s32 $0x200;
	v12 =	vld [tilespmem:s26+$0x2C80];
	v10 =	vmul.f32 $1.442695020e+00, v10  }
0x18b: {  	v9 =	vld [tilespmem:s16+$0x2CC0];
	v11 =	vadd.f32 v13, v5  }
0x18c: {  	v13 =	vld [tilespmem:s16+$0x6880];
	[tilespmem:s26+$0xA4C0] =	vst v16;
	(erf) = vpow2.f32 v10  }
0x18d: {  	v17 =	vmul.f32 $2.000000030e-01, v11;
	v21 =	vperm.xlane v16, v4;
	v5 =	vld [tilespmem:s16+$0x2CB0]  }
0x18e: {  	vm15 =	vge.f32 v11, $0.0e+00;
	v18 =	vperm.xlane v16, v3;
	v10 =	vld [tilespmem:s25+$0x2CA0]  }
0x18f: {  	s0 =	simm.s32 $0xA00;
	v20 =	vperm.xlane v16, v1;
	v17 =	vsel vm15, v11, v17;
	v11 =	vld [tilespmem:s25+$0x2C90];
	v19 =	vmul.f32 v19, v21  }
.LBB2_13:
0x190: {  	s13 =	sshra.s32 s0, $0x2;
	p2 =	sne.s32 s0, $0x4E00;
	s0 =	sadd.s32 $0x200, s0;
	v21 =	vperm.xlane v16, v2;
	v22 =	vmovc v12;
	v12 =	vld [tilespmem:s25+$0x2C80];
	v23 =	vmovc v8;
	v8 =	vmov v6;
	v6 =	vmov v7  }
.Ltmp6:
0x191: {  	s23 =	smov.u32 s9;
	s9 =	smov.u32 s16;
	v24 =	vadd.f32 v13, v9;
	v9 =	vld [tilespmem:s13+$0x2CC0];
	v16 =	vpop (erf);
	v20 =	vmul.f32 v22, v20;
	v22 =	vmul.f32 v14, v18;
	[tilespmem:s26+$0xA4B0] =	vst v19;
	(pc) =	sbr.rel @p2 .LBB2_13-.Ltmp6, $4  }
0x192: {  	v17 =	vmul.f32 $1.442695020e+00, v17;
	s16 =	smov.u32 s13;
	v13 =	vld [tilespmem:s13+$0x6880];
	[tilespmem:s25+$0xA4C0] =	vst v16;
	v25 =	vmul.f32 v15, v21;
	v7 =	vmov v5  }
0x193: {  	v21 =	vperm.xlane v16, v4;
	v5 =	vld [tilespmem:s16+$0x2CB0];
	v19 =	vmul.f32 $2.000000030e-01, v24;
	[tilespmem:s26+$0xA480] =	vst v20;
	v14 =	vmov v10  }
0x194: {  	v18 =	vperm.xlane v16, v3;
	vm0 =	vge.f32 v24, $0.0e+00;
	(erf) = vpow2.f32 v17;
	v10 =	vld [tilespmem:s17+$0x2CA0];
	[tilespmem:s26+$0xA490] =	vst v25;
	v15 =	vmovc v11  }
0x195: {  	v20 =	vperm.xlane v16, v1;
	v17 =	vsel vm0, v24, v19;
	v11 =	vld [tilespmem:s17+$0x2C90];
	v19 =	vmul.f32 v23, v21;
	[tilespmem:s26+$0xA4A0] =	vst v22;
	s26 =	smov.u32 s25;
	s25 =	smov.u32 s17;
	s17 =	smov.u32 s23  }
0x196: {  	v16 =	vperm.xlane v16, v2  }
0x197: {  	v21 =	vld [tilespmem:s25+$0x2C80];
	v39 =	vpop (erf);
	v41 =	vmul.f32 $1.442695020e+00, v17;
	v12 =	vmul.f32 v12, v20;
	[tilespmem:s26+$0xA4B0] =	vst v19  }
0x198: {  	v40 =	vperm.xlane v39, v4;
	v9 =	vadd.f32 v13, v9;
	[tilespmem:s25+$0xA4C0] =	vst v39;
	v15 =	vmul.f32 v15, v16  }
0x199: {  	v14 =	vmul.f32 v14, v18;
	(erf) = vpow2.f32 v41;
	[tilespmem:s26+$0xA480] =	vst v12  }
0x19a: {  	v8 =	vmul.f32 v8, v40;
	v48 =	vmul.f32 $2.000000030e-01, v9;
	v12 =	vld [tilespmem:s17+$0x2CA0];
	[tilespmem:s26+$0xA490] =	vst v15  }
0x19b: {  	v43 =	vperm.xlane v39, v1;
	vm0 =	vge.f32 v9, $0.0e+00;
	v42 =	vld [tilespmem:s17+$0x2C90];
	[tilespmem:s26+$0xA4A0] =	vst v14  }
0x19c: {  	v45 =	vperm.xlane v39, v2;
	v49 =	vperm.xlane v39, v3;
	v44 =	vld [tilespmem:s17+$0x2C80];
	[tilespmem:s25+$0xA4B0] =	vst v8;
	v8 =	vsel vm0, v9, v48  }
0x19d: {  	v47 =	vmul.f32 v21, v43;
	v46 =	vpop (erf);
	v8 =	vmul.f32 $1.442695020e+00, v8  }
0x19e: {  	v11 =	vmul.f32 v11, v45;
	[tilespmem:s17+$0xA4C0] =	vst v46;
	v52 =	vperm.xlane v46, v4  }
0x19f: {  	v51 =	vmul.f32 v10, v49;
	[tilespmem:s25+$0xA480] =	vst v47;
	(erf) = vpow2.f32 v8  }
0x1a0: {  	v53 =	vperm.xlane v46, v1;
	v50 =	vld [tilespmem:s9+$0x2CA0];
	[tilespmem:s25+$0xA490] =	vst v11;
	v6 =	vmul.f32 v6, v52  }
0x1a1: {  	v55 =	vperm.xlane v46, v2;
	v11 =	vld [tilespmem:s9+$0x2C90];
	[tilespmem:s25+$0xA4A0] =	vst v51  }
0x1a2: {  	v56 =	vpop (erf);
	v13 =	vmul.f32 v44, v53;
	v54 =	vld [tilespmem:s9+$0x2C80];
	[tilespmem:s17+$0xA4B0] =	vst v6;
	v6 =	vperm.xlane v46, v3  }
0x1a3: {  	v9 =	vmul.f32 v42, v55;
	[tilespmem:s9+$0xA4C0] =	vst v56  }
0x1a4: {  	v57 =	vperm.xlane v56, v4;
	[tilespmem:s17+$0xA480] =	vst v13;
	v6 =	vmul.f32 v12, v6  }
0x1a5: {  	v13 =	vld [tilespmem:s16+$0x2CA0];
	[tilespmem:s17+$0xA490] =	vst v9  }
0x1a6: {  	v58 =	vperm.xlane v56, v1;
	v7 =	vmul.f32 v7, v57;
	v9 =	vld [tilespmem:s16+$0x2C90];
	[tilespmem:s17+$0xA4A0] =	vst v6  }
0x1a7: {  	v59 =	vperm.xlane v56, v2;
	v6 =	vld [tilespmem:s16+$0x2C80]  }
0x1a8: {  	v10 =	vperm.xlane v56, v3;
	v8 =	vmul.f32 v54, v58;
	[tilespmem:s9+$0xA4B0] =	vst v7;
	v60 =	vpop (erf)  }
0x1a9: {  	v7 =	vmul.f32 v11, v59;
	[tilespmem:s16+$0xA4C0] =	vst v60;
	v61 =	vperm.xlane v60, v4  }
0x1aa: {  	v10 =	vmul.f32 v50, v10;
	v62 =	vperm.xlane v60, v1;
	[tilespmem:s9+$0xA480] =	vst v8  }
0x1ab: {  	[tilespmem:s9+$0xA490] =	vst v7;
	v7 =	vperm.xlane v60, v2;
	v5 =	vmul.f32 v5, v61  }
0x1ac: {  	v63 =	vperm.xlane v60, v3;
	[tilespmem:s9+$0xA4A0] =	vst v10;
	v6 =	vmul.f32 v6, v62  }
.Ltmp7:
0x1ad: {  	[tilespmem:s16+$0xA4B0] =	vst v5;
	v5 =	vmul.f32 v9, v7;
	(pc) =	sbr.rel @p1 .LBB2_16-.Ltmp7, $4  }
0x1ae: {  	v7 =	vmul.f32 v13, v63;
	[tilespmem:s16+$0xA480] =	vst v6  }
0x1af: {  	[tilespmem:s16+$0xA490] =	vst v5  }
0x1b0: {  	s0 =	simm.s32 $0x400;
	s30 =	simm.s32 $0xA480;
	[tilespmem:s16+$0xA4A0] =	vst v7  }
0x1b1: {  	[spmem:s2] =	stream.indirect.scatter.add.f32 [tilespmem:s30], [sflag:$0x9], $0x50, s0, s24, $0xb8;
	[tilespmem:$0x17BD0] =	vst v63  }
0x1b2: {  	_ =	swait.ge [sflag:s28], $0x28  }
0x1b3: {  	[sflag:s28] =	ssyncset.done $0x0  }
0x1b4: {  	[sflag:s28] =	ssyncadd.s32 $0xFFFFFFD8  }
0x1b5: {  	_ =	swait.ge [sflag:s28], $0x28  }
.Ltmp8:
0x1b6: {  	[sflag:s28] =	ssyncset.done $0x0;
	(pc) =	sbr.rel .LBB2_4-.Ltmp8, $4  }
0x1b7: {  	s0 =	simm.s32 $0x80;
	s9 =	simm.s32 $0x1880;
	[sflag:s28] =	ssyncadd.s32 $0xFFFFFFD8  }
0x1b8: {  	[tilespmem:s9], [sflag:$0x5] =	stream.indirect.gather [hbm4b:s5+s24], $0x80, s0, s24, $0xb8;
	[tilespmem:$0x17BD0] =	vst v63  }
0x1b9: {  	s26 =	simm.s32 $0x200;
	s30 =	simm.s32 $0x5480;
	s8 =	sadd.s32 $0x1, s8  }
0x1ba: {  	[tilespmem:s30], [sflag:$0x5] =	stream.indirect.gather [hbm4b:s6+s24], $0x80, s26, s24, $0xb8;
	[tilespmem:$0x17BD0] =	vst v63  }
.LBB2_16:
0x1bb: {  	_ =	swait.ge [sflag:s31], $0x1400  }
0x1bc: {  	[sflag:s31] =	ssyncset.done $0x0  }
0x1bd: {  	[sflag:s31] =	ssyncadd.s32 $0xFFFFEC00  }
0x1be: {  	_ =	swait.ge [sflag:s31], $0x1400  }
0x1bf: {  	[sflag:s31] =	ssyncset.done $0x0  }
0x1c0: {  	s25 =	simm.s32 $0x7;
	[sflag:s31] =	ssyncadd.s32 $0xFFFFEC00  }
0x1c1: {  	_ =	swait.ge [sflag:s25], $0xC80  }
0x1c2: {  	[sflag:s25] =	ssyncset.done $0x0  }
0x1c3: {  	[sflag:s25] =	ssyncadd.s32 $0xFFFFF380  }
0x1c4: {  	v5 =	vld [tilespmem:$0x180]  }
0x1c5: {  	v6 =	vld [tilespmem:$0x190]  }
0x1c6: {  	v7 =	vld [tilespmem:$0x198];
	_ =	sdelay $0x2  }
0x1c7: {  	[tilespmem:$0x300] =	vst v5  }
0x1c8: {  	[tilespmem:$0x310] =	vst v6  }
0x1c9: {  	s17 =	simm.s32 $0x0;
	[tilespmem:$0x318] =	vst v7  }
0x1ca: {  	v5 =	vld [tilespmem:s17+$0x4C0]  }
0x1cb: {  	v6 =	vld [tilespmem:s17+$0x4080];
	_ =	sdelay $0x4  }
0x1cc: {  	v5 =	vadd.f32 v6, v5;
	_ =	sdelay $0x1  }
0x1cd: {  	s16 =	simm.s32 $0x80;
	v6 =	vmul.f32 $2.000000030e-01, v5  }
0x1ce: {  	v7 =	vld [tilespmem:s16+$0x4C0];
	vm0 =	vge.f32 v5, $0.0e+00  }
0x1cf: {  	v9 =	vld [tilespmem:s16+$0x4080];
	v5 =	vsel vm0, v5, v6  }
0x1d0: {  	v5 =	vmul.f32 $1.442695020e+00, v5  }
0x1d1: {  	s12 =	simm.s32 $0x100  }
0x1d2: {  	v10 =	vld [tilespmem:s12+$0x4C0];
	(erf) = vpow2.f32 v5  }
0x1d3: {  	v11 =	vld [tilespmem:s12+$0x4080]  }
0x1d4: {  	v9 =	vadd.f32 v9, v7  }
0x1d5: {  	v19 =	vld [tilespmem:s17+$0x4B0]  }
0x1d6: {  	s8 =	simm.s32 $0x180;
	v8 =	vld [tilespmem:s16+$0x4B0];
	v12 =	vmul.f32 $2.000000030e-01, v9  }
0x1d7: {  	v13 =	vld [tilespmem:s8+$0x4080];
	vm13 =	vge.f32 v9, $0.0e+00  }
0x1d8: {  	v14 =	vld [tilespmem:s17+$0x4A0];
	v10 =	vadd.f32 v11, v10;
	v9 =	vsel vm13, v9, v12  }
0x1d9: {  	v17 =	vmul.f32 $1.442695020e+00, v9;
	v5 =	vld [tilespmem:s8+$0x4C0]  }
0x1da: {  	v15 =	vld [tilespmem:s17+$0x490];
	v11 =	vmul.f32 $2.000000030e-01, v10  }
0x1db: {  	v7 =	vld [tilespmem:s8+$0x4B0];
	vm14 =	vge.f32 v10, $0.0e+00;
	v16 =	vpop (erf);
	(erf) = vpow2.f32 v17  }
0x1dc: {  	v6 =	vld [tilespmem:s12+$0x4B0];
	v10 =	vsel vm14, v10, v11  }
0x1dd: {  	s9 =	simm.s32 $0x200;
	v12 =	vld [tilespmem:s17+$0x480];
	v10 =	vmul.f32 $1.442695020e+00, v10  }
0x1de: {  	v9 =	vld [tilespmem:s9+$0x4C0];
	v11 =	vadd.f32 v13, v5  }
0x1df: {  	v13 =	vld [tilespmem:s9+$0x4080];
	[tilespmem:s17+$0x7CC0] =	vst v16;
	(erf) = vpow2.f32 v10  }
0x1e0: {  	v17 =	vmul.f32 $2.000000030e-01, v11;
	v21 =	vperm.xlane v16, v4;
	v5 =	vld [tilespmem:s9+$0x4B0]  }
0x1e1: {  	vm15 =	vge.f32 v11, $0.0e+00;
	v18 =	vperm.xlane v16, v3;
	v10 =	vld [tilespmem:s16+$0x4A0]  }
0x1e2: {  	s0 =	simm.s32 $0xA00;
	v20 =	vperm.xlane v16, v1;
	v17 =	vsel vm15, v11, v17;
	v11 =	vld [tilespmem:s16+$0x490];
	v19 =	vmul.f32 v19, v21  }
.LBB2_17:
0x1e3: {  	s13 =	sshra.s32 s0, $0x2;
	p1 =	sne.s32 s0, $0x4E00;
	s0 =	sadd.s32 $0x200, s0;
	v21 =	vperm.xlane v16, v2;
	v22 =	vmovc v12;
	v12 =	vld [tilespmem:s16+$0x480];
	v23 =	vmovc v8;
	v8 =	vmov v6;
	v6 =	vmov v7  }
.Ltmp9:
0x1e4: {  	s23 =	smov.u32 s8;
	s8 =	smov.u32 s9;
	v24 =	vadd.f32 v13, v9;
	v9 =	vld [tilespmem:s13+$0x4C0];
	v16 =	vpop (erf);
	v20 =	vmul.f32 v22, v20;
	v22 =	vmul.f32 v14, v18;
	[tilespmem:s17+$0x7CB0] =	vst v19;
	(pc) =	sbr.rel @p1 .LBB2_17-.Ltmp9, $4  }
0x1e5: {  	v17 =	vmul.f32 $1.442695020e+00, v17;
	s9 =	smov.u32 s13;
	v13 =	vld [tilespmem:s13+$0x4080];
	[tilespmem:s16+$0x7CC0] =	vst v16;
	v25 =	vmul.f32 v15, v21;
	v7 =	vmov v5  }
0x1e6: {  	v21 =	vperm.xlane v16, v4;
	v5 =	vld [tilespmem:s9+$0x4B0];
	v19 =	vmul.f32 $2.000000030e-01, v24;
	[tilespmem:s17+$0x7C80] =	vst v20;
	v14 =	vmov v10  }
0x1e7: {  	v18 =	vperm.xlane v16, v3;
	vm0 =	vge.f32 v24, $0.0e+00;
	(erf) = vpow2.f32 v17;
	v10 =	vld [tilespmem:s12+$0x4A0];
	[tilespmem:s17+$0x7C90] =	vst v25;
	v15 =	vmovc v11  }
0x1e8: {  	v20 =	vperm.xlane v16, v1;
	v17 =	vsel vm0, v24, v19;
	v11 =	vld [tilespmem:s12+$0x490];
	v19 =	vmul.f32 v23, v21;
	[tilespmem:s17+$0x7CA0] =	vst v22;
	s17 =	smov.u32 s16;
	s16 =	smov.u32 s12;
	s12 =	smov.u32 s23  }
0x1e9: {  	v16 =	vperm.xlane v16, v2  }
0x1ea: {  	v21 =	vld [tilespmem:s16+$0x480];
	v39 =	vpop (erf);
	v41 =	vmul.f32 $1.442695020e+00, v17;
	v12 =	vmul.f32 v12, v20;
	[tilespmem:s17+$0x7CB0] =	vst v19  }
0x1eb: {  	v40 =	vperm.xlane v39, v4;
	v9 =	vadd.f32 v13, v9;
	[tilespmem:s16+$0x7CC0] =	vst v39;
	v15 =	vmul.f32 v15, v16  }
0x1ec: {  	v14 =	vmul.f32 v14, v18;
	(erf) = vpow2.f32 v41;
	[tilespmem:s17+$0x7C80] =	vst v12  }
0x1ed: {  	v8 =	vmul.f32 v8, v40;
	v48 =	vmul.f32 $2.000000030e-01, v9;
	v12 =	vld [tilespmem:s12+$0x4A0];
	[tilespmem:s17+$0x7C90] =	vst v15  }
0x1ee: {  	v43 =	vperm.xlane v39, v1;
	vm0 =	vge.f32 v9, $0.0e+00;
	v42 =	vld [tilespmem:s12+$0x490];
	[tilespmem:s17+$0x7CA0] =	vst v14  }
0x1ef: {  	v45 =	vperm.xlane v39, v2;
	v49 =	vperm.xlane v39, v3;
	v44 =	vld [tilespmem:s12+$0x480];
	[tilespmem:s16+$0x7CB0] =	vst v8;
	v8 =	vsel vm0, v9, v48  }
0x1f0: {  	v47 =	vmul.f32 v21, v43;
	v46 =	vpop (erf);
	v8 =	vmul.f32 $1.442695020e+00, v8  }
0x1f1: {  	v11 =	vmul.f32 v11, v45;
	[tilespmem:s12+$0x7CC0] =	vst v46;
	v52 =	vperm.xlane v46, v4  }
0x1f2: {  	v51 =	vmul.f32 v10, v49;
	[tilespmem:s16+$0x7C80] =	vst v47;
	(erf) = vpow2.f32 v8  }
0x1f3: {  	v53 =	vperm.xlane v46, v1;
	v50 =	vld [tilespmem:s8+$0x4A0];
	[tilespmem:s16+$0x7C90] =	vst v11;
	v6 =	vmul.f32 v6, v52  }
0x1f4: {  	v55 =	vperm.xlane v46, v2;
	v11 =	vld [tilespmem:s8+$0x490];
	[tilespmem:s16+$0x7CA0] =	vst v51  }
0x1f5: {  	v56 =	vpop (erf);
	v13 =	vmul.f32 v44, v53;
	v54 =	vld [tilespmem:s8+$0x480];
	[tilespmem:s12+$0x7CB0] =	vst v6;
	v6 =	vperm.xlane v46, v3  }
0x1f6: {  	v9 =	vmul.f32 v42, v55;
	[tilespmem:s8+$0x7CC0] =	vst v56  }
0x1f7: {  	v57 =	vperm.xlane v56, v4;
	[tilespmem:s12+$0x7C80] =	vst v13;
	v6 =	vmul.f32 v12, v6  }
0x1f8: {  	v13 =	vld [tilespmem:s9+$0x4A0];
	[tilespmem:s12+$0x7C90] =	vst v9  }
0x1f9: {  	v58 =	vperm.xlane v56, v1;
	v7 =	vmul.f32 v7, v57;
	v9 =	vld [tilespmem:s9+$0x490];
	[tilespmem:s12+$0x7CA0] =	vst v6  }
0x1fa: {  	v59 =	vperm.xlane v56, v2;
	v6 =	vld [tilespmem:s9+$0x480]  }
0x1fb: {  	v10 =	vperm.xlane v56, v3;
	v8 =	vmul.f32 v54, v58;
	[tilespmem:s8+$0x7CB0] =	vst v7;
	v60 =	vpop (erf)  }
0x1fc: {  	v7 =	vmul.f32 v11, v59;
	[tilespmem:s9+$0x7CC0] =	vst v60;
	v61 =	vperm.xlane v60, v4  }
0x1fd: {  	v10 =	vmul.f32 v50, v10;
	v62 =	vperm.xlane v60, v1;
	[tilespmem:s8+$0x7C80] =	vst v8  }
0x1fe: {  	[tilespmem:s8+$0x7C90] =	vst v7;
	v7 =	vperm.xlane v60, v2;
	v5 =	vmul.f32 v5, v61  }
0x1ff: {  	v63 =	vperm.xlane v60, v3;
	[tilespmem:s8+$0x7CA0] =	vst v10;
	v6 =	vmul.f32 v6, v62  }
0x200: {  	[tilespmem:s9+$0x7CB0] =	vst v5;
	v5 =	vmul.f32 v9, v7  }
0x201: {  	v7 =	vmul.f32 v13, v63;
	[tilespmem:s9+$0x7C80] =	vst v6  }
0x202: {  	[tilespmem:s9+$0x7C90] =	vst v5  }
0x203: {  	s0 =	simm.s32 $0x7C80;
	s13 =	simm.s32 $0x300;
	[tilespmem:s9+$0x7CA0] =	vst v7  }
0x204: {  	[spmem:s2] =	stream.indirect.scatter.add.f32 [tilespmem:s0], [sflag:$0x7], $0x50, s13, s24, $0xb8;
	[tilespmem:$0x17BD0] =	vst v63  }
0x205: {  	_ =	swait.ge [sflag:s25], $0xC80  }
0x206: {  	[sflag:s25] =	ssyncset.done $0x0  }
0x207: {  	s16 =	simm.s32 $0x8;
	[sflag:s25] =	ssyncadd.s32 $0xFFFFF380  }
0x208: {  	_ =	swait.ge [sflag:s16], $0xC80  }
0x209: {  	[sflag:s16] =	ssyncset.done $0x0  }
0x20a: {  	[sflag:s16] =	ssyncadd.s32 $0xFFFFF380  }
0x20b: {  	_ =	swait.ge [sflag:s10], $0xC80  }
0x20c: {  	[sflag:s10] =	ssyncset.done $0x0  }
0x20d: {  	[sflag:s10] =	ssyncadd.s32 $0xFFFFF380  }
0x20e: {  	s17 =	stileid.u32;
	[bflag:$0x0] =	sbarrier.arrive $0xFFFF  }
0x20f: {  	s0 =	sshll.u32 s17, $0x6;
	s16 =	rddreg [dreg:$0x4]  }
0x210: {  	s0 =	sor.u32 $0x1C0A, s0;
	s25 =	rddreg [dreg:$0x10];
	s23 =	sshrl.u32 s16, $0x3  }
0x211: {  	[hbm:s25], [sflag:s0] =	dma.local [spmem:s23], $0x2700  }
0x212: {  	_ =	swait.ge [sflag:s14], $0x2700  }
0x213: {  	[sflag:s14] =	ssyncset.done $0x0;
	s12 =	rddreg [dreg:$0x1e]  }
0x214: {  	s9 =	rddreg [dreg:$0x12];
	[sflag:s14] =	ssyncadd.s32 $0xFFFFD900;
	s8 =	sshrl.u32 @!p0 s12, $0x3  }
0x215: {  	[hbm:s9], [sflag:s0] =	dma.local @!p0 [spmem:s8], $0x100  }
0x216: {  	s0 =	simm.s32 @!p0 $0xA  }
0x217: {  	_ =	swait.ge @!p0 [sflag:s0], $0x100  }
0x218: {  	s26 =	rddreg [dreg:$0x1f]  }
0x219: {  	s30 =	rddreg [dreg:$0x13];
	s9 =	sadd.s32 $0x1, s26  }
0x21a: {  	p1 =	sne.s32 s9, s30  }
.Ltmp10:
0x21b: {  	_ = 	snop;
	(pc) =	sbr.rel @p1 .LBB2_1-.Ltmp10, $3  }
0x21c: {  	_ =	sdelay $0x1  }
0x21d: {  	[sflag:s0] =	ssyncset.done @!p0 $0x0  }
0x21e: {  	[sflag:s0] =	ssyncadd.s32 @!p0 $0xFFFFFF00  }
0x21f: {  	_ =	sfence.sel $0x180000  }
0x220: {  	[bflag:$0x0] =	sbarrier.arrive $0xFFFF  }
0x221: {  	_ =	strace $0x90000047  }
0x222: {  	s0 =	stileid.u32;
	[bflag:$0x2] =	sbarrier.arrive $0xFFFF  }
0x223: {  	p0 =	sne.s32 s0, $0x0;
	s0 =	rddreg [dreg:$0x3]  }
0x224: {  	s0 =	sadd.s32 @!p0 $0x100000, s0  }
0x225: {  	[sflag:s0] =	ssyncadd.tile.s32 @!p0 $0x1;
	_ =	shalt  }
.Lfunc_end2:
_tile_overlayer_lowered:
.L_overlay_start_2:
0x226: {  	(tag) =	ssettag $0x2  }
0x227: {  	s0 =	rddreg [dreg:$0x0];
	s2 =	stileid.u32  }
0x228: {  	s1 =	rddreg [dreg:$0x1];
	p0 =	sne.s32 s2, $0x0  }
0x229: {  	s3 =	rddreg [dreg:$0x2];
	[bflag:$0x3] =	sbarrier.arrive $0xFFFF;
	s2 =	simm.s32 @!p0 $0x1C0A  }
0x22a: {  	[timem:s3], [sflag:s2] =	dma.local @!p0 [hbm:s0], s1  }
0x22b: {  	s0 =	simm.s32 @!p0 $0xA  }
0x22c: {  	_ =	swait.ge @!p0 [sflag:s0], s1  }
0x22d: {  	s1 =	ssub.s32 @!p0 $0x0, s1;
	[sflag:s0] =	ssyncset.done @!p0 $0x0  }
0x22e: {  	[sflag:s0] =	ssyncadd.s32 @!p0 s1  }
0x22f: {  	[bflag:$0x3] =	sbarrier.arrive $0xFFFF  }
0x230: {  	_ =	shalt  }

</sc_bundles>
